<compile_context>
chip_gen: v7x
topology: tpu7x:2x2x1
jax: 0.10.2.dev20260603
libtpu: 0.0.44.dev20260713+nightly
codegen_flags: <defaults>
</compile_context>

<pallas_src>
import functools

import jax
import jax.numpy as jnp
from jax import lax
from jax.experimental import pallas as pl
from jax.experimental.pallas import tpu as pltpu
from jax.experimental.pallas import tpu_sc as plsc

N = 10000
F_IN = 128
HEADS = 8
C = 64
HC = HEADS * C
R = 500
D = 400
Nt = 10240
E_RAW = 320000
E_TOT = E_RAW + N
E_PAD = 331776
NC, NS, LN = 2, 16, 16
EB = 128
BLK_ALL = E_PAD // NS // EB
BLK_HALF = BLK_ALL // 2
RPT = Nt // NS

_f32 = jnp.float32
_i32 = jnp.int32



_SC_MESH = plsc.VectorSubcoreMesh(core_axis_name="c", subcore_axis_name="s")


_GDN = lax.GatherDimensionNumbers(offset_dims=(), collapsed_slice_dims=(0,),
                                  start_index_map=(0,))


def _take16(vec, idx):
    return lax.gather(vec, idx[:, None], _GDN, slice_sizes=(1,),
                      mode=lax.GatherScatterMode.PROMISE_IN_BOUNDS)


@functools.partial(
    pl.kernel,
    out_type=(jax.ShapeDtypeStruct((E_PAD, 16), _f32),
              jax.ShapeDtypeStruct((Nt, 16), _f32)),
    mesh=_SC_MESH,
    compiler_params=pltpu.CompilerParams(use_tc_tiling_on_sc=False),
    scratch_types=[
        pltpu.VMEM((EB,), _i32),
        pltpu.VMEM((EB,), _i32),
        pltpu.VMEM((EB, 16), _f32),
        pltpu.VMEM((EB, 16), _f32),
        pltpu.VMEM((EB, 16), _f32),
        pltpu.VMEM_SHARED((Nt, 16), _f32),
        pltpu.SemaphoreType.DMA,
        pltpu.SemaphoreType.DMA,
    ],
)
def _sc_edge_stats(als_hbm, ald_hbm, src_hbm, dst_hbm, z16_hbm, ex_out, den_out,
                   sidx, didx, srow, drow, exb, den_sh, sem1, sem2):
    cid = lax.axis_index("c")
    sid = lax.axis_index("s")

    @pl.when(sid == 0)
    def _():
        pltpu.sync_copy(z16_hbm, den_sh)
    plsc.subcore_barrier()

    write_ex = jnp.logical_or(jnp.logical_and(cid == 0, sid < 8),
                              jnp.logical_and(cid == 1, sid >= 8))
    tile_base = sid * (E_PAD // NS)

    def body(b, carry):
        base = tile_base + b * EB
        pltpu.sync_copy(src_hbm.at[pl.ds(base, EB)], sidx)
        pltpu.sync_copy(dst_hbm.at[pl.ds(base, EB)], didx)
        cp1 = pltpu.async_copy(als_hbm.at[sidx], srow, sem1)
        cp2 = pltpu.async_copy(ald_hbm.at[didx], drow, sem2)
        cp1.wait()
        cp2.wait()

        def inner(k, c2):
            e = srow[k] + drow[k]
            e = jnp.where(e >= 0.0, e, 0.2 * e)
            exb[k] = jnp.exp(e)
            return c2
        lax.fori_loop(0, EB, inner, 0, unroll=4)

        pltpu.sync_copy(exb, den_sh.at[didx], add=True)

        @pl.when(write_ex)
        def _():
            pltpu.sync_copy(exb, ex_out.at[pl.ds(base, EB)])
        return carry
    lax.fori_loop(0, BLK_ALL, body, 0)

    plsc.subcore_barrier()
    row0 = cid * (Nt // 2) + sid * (Nt // 2 // NS)
    pltpu.sync_copy(den_sh.at[pl.ds(row0, Nt // 2 // NS)],
                    den_out.at[pl.ds(row0, Nt // 2 // NS)])


@functools.partial(
    pl.kernel,
    out_type=jax.ShapeDtypeStruct((4, Nt, 128), _f32),
    mesh=_SC_MESH,
    compiler_params=pltpu.CompilerParams(use_tc_tiling_on_sc=False),
    scratch_types=[
        pltpu.VMEM((EB,), _i32),
        pltpu.VMEM((EB,), _i32),
        pltpu.VMEM((EB, 128), _f32),
        pltpu.VMEM((EB, 16), _f32),
        pltpu.VMEM((EB, 16), _f32),
        pltpu.VMEM_SHARED((Nt, 128), _f32),
        pltpu.SemaphoreType.DMA,
        pltpu.SemaphoreType.DMA,
    ],
)
def _sc_gat_agg(h4_hbm, ex_hbm, den_hbm, src_hbm, dst_hbm, z128_hbm, out_hbm,
                sidx, didx, rows, exb, denb, out_sh, sem1, sem2):
    cid = lax.axis_index("c")
    sid = lax.axis_index("s")
    tile_base = sid * (E_PAD // NS)

    for fc in range(4):
        @pl.when(cid == fc % 2)
        def _(fc=fc):
            @pl.when(sid == 0)
            def _():
                pltpu.sync_copy(z128_hbm, out_sh)
            plsc.subcore_barrier()
            tbl = h4_hbm.at[fc]
            idx0 = jnp.full((LN,), 2 * fc, _i32)
            idx1 = jnp.full((LN,), 2 * fc + 1, _i32)

            def body(b, carry):
                base = tile_base + b * EB
                pltpu.sync_copy(src_hbm.at[pl.ds(base, EB)], sidx)
                pltpu.sync_copy(dst_hbm.at[pl.ds(base, EB)], didx)
                cp1 = pltpu.async_copy(tbl.at[sidx], rows, sem1)
                cp2 = pltpu.async_copy(den_hbm.at[didx], denb, sem2)
                pltpu.sync_copy(ex_hbm.at[pl.ds(base, EB)], exb)
                cp1.wait()
                cp2.wait()

                def inner(k, c2):
                    coef = exb[k] / (denb[k] + 1e-16)
                    c0 = _take16(coef, idx0)
                    c1 = _take16(coef, idx1)
                    for j in range(4):
                        rows[k, pl.ds(16 * j, 16)] = rows[k, pl.ds(16 * j, 16)] * c0
                    for j in range(4, 8):
                        rows[k, pl.ds(16 * j, 16)] = rows[k, pl.ds(16 * j, 16)] * c1
                    return c2
                lax.fori_loop(0, EB, inner, 0, unroll=2)

                pltpu.sync_copy(rows, out_sh.at[didx], add=True)
                return carry
            lax.fori_loop(0, BLK_ALL, body, 0)

            plsc.subcore_barrier()
            row0 = sid * RPT
            pltpu.sync_copy(out_sh.at[pl.ds(row0, RPT)],
                            out_hbm.at[fc].at[pl.ds(row0, RPT)])
            plsc.subcore_barrier()


def _make_sc_gcn_agg(nch, split_edges):
    n_out = 2 if split_edges else nch

    @functools.partial(
        pl.kernel,
        out_type=jax.ShapeDtypeStruct((n_out, Nt, 128), _f32),
        mesh=_SC_MESH,
        compiler_params=pltpu.CompilerParams(use_tc_tiling_on_sc=False),
        scratch_types=[
            pltpu.VMEM((EB,), _i32),
            pltpu.VMEM((EB,), _i32),
            pltpu.VMEM((EB, 128), _f32),
            pltpu.VMEM((EB, 16), _f32),
            pltpu.VMEM((EB, 16), _f32),
            pltpu.VMEM_SHARED((Nt, 128), _f32),
            pltpu.SemaphoreType.DMA,
            pltpu.SemaphoreType.DMA,
        ],
    )
    def k(xw_hbm, dis_hbm, src_hbm, dst_hbm, z128_hbm, out_hbm,
          sidx, didx, rows, dsb, ddb, out_sh, sem1, sem2):
        cid = lax.axis_index("c")
        sid = lax.axis_index("s")

        def run_chunk(fc, oc, tile_base, nblk):
            @pl.when(sid == 0)
            def _():
                pltpu.sync_copy(z128_hbm, out_sh)
            plsc.subcore_barrier()
            tbl = xw_hbm.at[fc]

            def body(b, carry):
                base = tile_base + b * EB
                pltpu.sync_copy(src_hbm.at[pl.ds(base, EB)], sidx)
                pltpu.sync_copy(dst_hbm.at[pl.ds(base, EB)], didx)
                cp1 = pltpu.async_copy(tbl.at[sidx], rows, sem1)
                cp2 = pltpu.async_copy(dis_hbm.at[sidx], dsb, sem2)
                cp1.wait()
                cp2.wait()
                cp3 = pltpu.async_copy(dis_hbm.at[didx], ddb, sem2)
                cp3.wait()

                def inner(k2, c2):
                    nv = dsb[k2] * ddb[k2]
                    for j in range(8):
                        rows[k2, pl.ds(16 * j, 16)] = rows[k2, pl.ds(16 * j, 16)] * nv
                    return c2
                lax.fori_loop(0, EB, inner, 0, unroll=2)

                pltpu.sync_copy(rows, out_sh.at[didx], add=True)
                return carry
            lax.fori_loop(0, nblk, body, 0)

            plsc.subcore_barrier()
            row0 = sid * RPT
            pltpu.sync_copy(out_sh.at[pl.ds(row0, RPT)],
                            out_hbm.at[oc].at[pl.ds(row0, RPT)])
            plsc.subcore_barrier()

        if split_edges:
            for c in range(2):
                @pl.when(cid == c)
                def _(c=c):
                    run_chunk(0, c, c * (E_PAD // 2) + sid * (E_PAD // 2 // NS),
                              BLK_HALF)
        else:
            for fc in range(nch):
                @pl.when(cid == fc % 2)
                def _(fc=fc):
                    run_chunk(fc, fc, sid * (E_PAD // NS), BLK_ALL)
    return k


_sc_gcn1_agg = _make_sc_gcn_agg(2, False)
_sc_gcn2_agg = _make_sc_gcn_agg(1, True)



_GRID_R = 8
_BR = Nt // _GRID_R


def _tc1_body(x_ref, w_ref, a2_ref, h4_ref, als_ref, ald_ref):
    h = jnp.dot(x_ref[...], w_ref[...], preferred_element_type=_f32)
    al2 = jnp.dot(h, a2_ref[...], preferred_element_type=_f32)
    als_ref[...] = al2[:, :16]
    ald_ref[...] = al2[:, 16:]
    for c in range(4):
        h4_ref[c] = h[:, 128 * c:128 * (c + 1)]


def _tc1(xp, W_gat, A2):
    return pl.pallas_call(
        _tc1_body,
        grid=(_GRID_R,),
        in_specs=[
            pl.BlockSpec((_BR, F_IN), lambda r: (r, 0)),
            pl.BlockSpec((F_IN, HC), lambda r: (0, 0)),
            pl.BlockSpec((HC, 32), lambda r: (0, 0)),
        ],
        out_specs=[
            pl.BlockSpec((4, _BR, 128), lambda r: (0, r, 0)),
            pl.BlockSpec((_BR, 16), lambda r: (r, 0)),
            pl.BlockSpec((_BR, 16), lambda r: (r, 0)),
        ],
        out_shape=[
            jax.ShapeDtypeStruct((4, Nt, 128), _f32),
            jax.ShapeDtypeStruct((Nt, 16), _f32),
            jax.ShapeDtypeStruct((Nt, 16), _f32),
        ],
    )(xp, W_gat, A2)


def _elu(v):
    return jnp.where(v > 0.0, v, jnp.exp(jnp.minimum(v, 0.0)) - 1.0)


def _tc2_body(p4_ref, b_ref, w_ref, den_ref, xw2_ref, dis_ref):
    g = jnp.concatenate([p4_ref[c] for c in range(4)], axis=-1)
    h1 = _elu(g + b_ref[...])
    xw = jnp.dot(h1, w_ref[...], preferred_element_type=_f32)
    for c in range(2):
        xw2_ref[c] = xw[:, 128 * c:128 * (c + 1)]
    deg = den_ref[:, 8:9]
    dis = jnp.where(deg > 0.0, lax.rsqrt(jnp.maximum(deg, 1e-12)), 0.0)
    dis_ref[...] = jnp.broadcast_to(dis, dis_ref.shape)


def _tc2(p4, b_gat, W_gcn1, den):
    return pl.pallas_call(
        _tc2_body,
        grid=(_GRID_R,),
        in_specs=[
            pl.BlockSpec((4, _BR, 128), lambda r: (0, r, 0)),
            pl.BlockSpec((1, HC), lambda r: (0, 0)),
            pl.BlockSpec((HC, 256), lambda r: (0, 0)),
            pl.BlockSpec((_BR, 16), lambda r: (r, 0)),
        ],
        out_specs=[
            pl.BlockSpec((2, _BR, 128), lambda r: (0, r, 0)),
            pl.BlockSpec((_BR, 16), lambda r: (r, 0)),
        ],
        out_shape=[
            jax.ShapeDtypeStruct((2, Nt, 128), _f32),
            jax.ShapeDtypeStruct((Nt, 16), _f32),
        ],
    )(p4, b_gat, W_gcn1, den)


def _tc3_body(p2_ref, b_ref, w_ref, xw_ref):
    g = jnp.concatenate([p2_ref[c] for c in range(2)], axis=-1)
    h2 = _elu(g + b_ref[...])
    xw_ref[...] = jnp.dot(h2, w_ref[...], preferred_element_type=_f32)


def _tc3(p2, b_gcn1, W_gcn2):
    return pl.pallas_call(
        _tc3_body,
        grid=(_GRID_R,),
        in_specs=[
            pl.BlockSpec((2, _BR, 128), lambda r: (0, r, 0)),
            pl.BlockSpec((1, 256), lambda r: (0, 0)),
            pl.BlockSpec((256, 128), lambda r: (0, 0)),
        ],
        out_specs=pl.BlockSpec((_BR, 128), lambda r: (r, 0)),
        out_shape=jax.ShapeDtypeStruct((Nt, 128), _f32),
    )(p2, b_gcn1, W_gcn2)


def _tc4_body(p2_ref, b_ref, w1t_ref, w1b_ref, pq_ref):
    h3 = _elu(p2_ref[0] + p2_ref[1] + b_ref[...])
    o = jnp.maximum(h3, 0.0)
    p = jnp.dot(o, w1t_ref[...], preferred_element_type=_f32)
    q = jnp.dot(o, w1b_ref[...], preferred_element_type=_f32)
    pq_ref[...] = jnp.concatenate([p, q], axis=-1)


def _tc4(p2, b_gcn2, W1t, W1b):
    return pl.pallas_call(
        _tc4_body,
        grid=(_GRID_R,),
        in_specs=[
            pl.BlockSpec((2, _BR, 128), lambda r: (0, r, 0)),
            pl.BlockSpec((1, 128), lambda r: (0, 0)),
            pl.BlockSpec((128, 64), lambda r: (0, 0)),
            pl.BlockSpec((128, 64), lambda r: (0, 0)),
        ],
        out_specs=pl.BlockSpec((_BR, 128), lambda r: (r, 0)),
        out_shape=jax.ShapeDtypeStruct((Nt, 128), _f32),
    )(p2, b_gcn2, W1t, W1b)


_RP = 512
_BI = 64


def _tc5_body(a_ref, b_ref, b1_ref, w2_ref, b2_ref, w3_ref, out_ref):
    s = a_ref[...][:, None, :] + b_ref[...][None, :, :] + b1_ref[...][None, :, :]
    m1 = jnp.where(s > 0.0, s, 0.01 * s).reshape(_BI * D, 64)
    m2 = jnp.dot(m1, w2_ref[...], preferred_element_type=_f32) + b2_ref[...]
    m2 = jnp.where(m2 > 0.0, m2, 0.01 * m2)
    z = jnp.dot(m2, w3_ref[...], preferred_element_type=_f32)
    out_ref[...] = jax.nn.sigmoid(z)


def _tc5(A, B, b1, W2, b2, W3):
    return pl.pallas_call(
        _tc5_body,
        grid=(_RP // _BI,),
        in_specs=[
            pl.BlockSpec((_BI, 64), lambda i: (i, 0)),
            pl.BlockSpec((D, 64), lambda i: (0, 0)),
            pl.BlockSpec((1, 64), lambda i: (0, 0)),
            pl.BlockSpec((64, 128), lambda i: (0, 0)),
            pl.BlockSpec((1, 128), lambda i: (0, 0)),
            pl.BlockSpec((128, 1), lambda i: (0, 0)),
        ],
        out_specs=pl.BlockSpec((_BI * D, 1), lambda i: (i, 0)),
        out_shape=jax.ShapeDtypeStruct((_RP * D, 1), _f32),
    )(A, B, b1, W2, b2, W3)



def kernel(x, edge_index, rel_matrix, train_model, W_gat, a_src, a_dst, b_gat,
           W_gcn1, b_gcn1, W_gcn2, b_gcn2, W_mlp1, b_mlp1, W_mlp2, b_mlp2,
           W_mlp3):
    loop = jnp.arange(N, dtype=_i32)
    padv = jnp.full((E_PAD - E_TOT,), N, dtype=_i32)
    src = jnp.concatenate([edge_index[0].astype(_i32), loop, padv])
    dst = jnp.concatenate([edge_index[1].astype(_i32), loop, padv])
    xp = jnp.zeros((Nt, F_IN), _f32).at[:N].set(x)

    rows512 = jnp.arange(HC)
    head = jnp.repeat(jnp.arange(HEADS), C)
    A_s = jnp.zeros((HC, 16), _f32).at[rows512, head].set(a_src.reshape(-1))
    A_d = jnp.zeros((HC, 16), _f32).at[rows512, head].set(a_dst.reshape(-1))
    A2 = jnp.concatenate([A_s, A_d], axis=1)

    z16 = jnp.zeros((Nt, 16), _f32)
    z128 = jnp.zeros((Nt, 128), _f32)

    h4, als, ald = _tc1(xp, W_gat, A2)
    ex, den = _sc_edge_stats(als, ald, src, dst, z16)
    gat4 = _sc_gat_agg(h4, ex, den, src, dst, z128)
    xw2ch, dis = _tc2(gat4, b_gat.reshape(1, HC), W_gcn1, den)

    g1 = _sc_gcn1_agg(xw2ch, dis, src, dst, z128)
    xw2 = _tc3(g1, b_gcn1.reshape(1, 256), W_gcn2)

    g2 = _sc_gcn2_agg(xw2.reshape(1, Nt, 128), dis, src, dst, z128)
    pq = _tc4(g2, b_gcn2.reshape(1, 128), W_mlp1[:128], W_mlp1[128:])

    A = pq[:_RP, :64]
    B = pq[R:R + D, 64:]
    pred_pad = _tc5(A, B, b_mlp1.reshape(1, 64), W_mlp2,
                    b_mlp2.reshape(1, 128), W_mlp3)
    pred = pred_pad[:R * D]
    labels = rel_matrix.reshape(-1, 1)
    return (pred, labels)

# --- scband reference (transcript-rebuilt; emitter-appended) ---
"""Pipeline reference for scband-gcgalda-3959959847088 (READ-ONLY COPY).

The authoritative reference and input builder live on the scoring server;
editing this copy changes nothing except your own understanding.
"""

import jax, jax.numpy as jnp
import numpy as np

N = 10000
E = 320000
F_IN = 128
HEADS = 8
C = 64
R = 500
D = 400

def _glorot(key, shape):
    s = np.sqrt(2.0 / (shape[0] + shape[-1]))
    return jax.random.normal(key, shape, dtype=jnp.float32) * s

def setup_inputs(seed: int = 0):
    key = jax.random.key(seed)
    ks = jax.random.split(key, 20)
    inp = {}
    inp["x"] = jax.random.normal(ks[0], (N, F_IN), dtype=jnp.float32)
    inp["edge_index"] = jax.random.randint(ks[1], (2, E), 0, N, dtype=jnp.int32)
    inp["rel_matrix"] = (jax.random.uniform(ks[2], (R, D)) < 0.05).astype(jnp.float32)
    inp["train_model"] = 0
    inp["W_gat"] = _glorot(ks[3], (F_IN, HEADS * C))
    inp["a_src"] = _glorot(ks[4], (HEADS, C))
    inp["a_dst"] = _glorot(ks[5], (HEADS, C))
    inp["b_gat"] = jnp.zeros((HEADS * C,), dtype=jnp.float32)
    inp["W_gcn1"] = _glorot(ks[6], (HEADS * C, 256))
    inp["b_gcn1"] = jnp.zeros((256,), dtype=jnp.float32)
    inp["W_gcn2"] = _glorot(ks[7], (256, 128))
    inp["b_gcn2"] = jnp.zeros((128,), dtype=jnp.float32)
    inp["W_mlp1"] = _glorot(ks[8], (256, 64))
    inp["b_mlp1"] = jnp.zeros((64,), dtype=jnp.float32)
    inp["W_mlp2"] = _glorot(ks[9], (64, 128))
    inp["b_mlp2"] = jnp.zeros((128,), dtype=jnp.float32)
    inp["W_mlp3"] = _glorot(ks[10], (128, 1))
    return inp

def _gat_conv(x, src, dst, W, a_s, a_d, b):
    h = (x @ W).reshape(N, HEADS, C)
    al_s = (h * a_s[None, :, :]).sum(-1)
    al_d = (h * a_d[None, :, :]).sum(-1)
    e = jax.nn.leaky_relu(al_s[src] + al_d[dst], 0.2)
    emax = jax.ops.segment_max(e, dst, num_segments=N)
    emax = jnp.where(jnp.isfinite(emax), emax, 0.0)
    ex = jnp.exp(e - emax[dst])
    den = jax.ops.segment_sum(ex, dst, num_segments=N)
    coef = ex / (den[dst] + 1e-16)
    out = jax.ops.segment_sum(h[src] * coef[:, :, None], dst, num_segments=N)
    return out.reshape(N, HEADS * C) + b

def _gcn_conv(x, src, dst, W, b):
    deg = jax.ops.segment_sum(jnp.ones_like(dst, dtype=jnp.float32), dst, num_segments=N)
    dis = jnp.where(deg > 0, jax.lax.rsqrt(jnp.maximum(deg, 1e-12)), 0.0)
    norm = dis[src] * dis[dst]
    xw = x @ W
    return jax.ops.segment_sum(xw[src] * norm[:, None], dst, num_segments=N) + b

def reference(x, edge_index, rel_matrix, train_model, W_gat, a_src, a_dst, b_gat, W_gcn1, b_gcn1, W_gcn2, b_gcn2, W_mlp1, b_mlp1, W_mlp2, b_mlp2, W_mlp3):
    loop = jnp.arange(N, dtype=edge_index.dtype)
    src = jnp.concatenate([edge_index[0], loop])
    dst = jnp.concatenate([edge_index[1], loop])
    h = jax.nn.elu(_gat_conv(x, src, dst, W_gat, a_src, a_dst, b_gat))
    h = jax.nn.elu(_gcn_conv(h, src, dst, W_gcn1, b_gcn1))
    h = jax.nn.elu(_gcn_conv(h, src, dst, W_gcn2, b_gcn2))
    outputs = jax.nn.relu(h)
    ii = jnp.repeat(jnp.arange(R), D)
    jj = jnp.tile(jnp.arange(D), R)
    feats = jnp.concatenate([outputs[ii], outputs[R + jj]], axis=1)
    labels = rel_matrix.reshape(-1, 1)
    m = jax.nn.leaky_relu(feats @ W_mlp1 + b_mlp1, 0.01)
    m = jax.nn.leaky_relu(m @ W_mlp2 + b_mlp2, 0.01)
    pred = jax.nn.sigmoid(m @ W_mlp3)
    return (pred, labels)

if __name__ == "__main__":
    import jax
    _d = setup_inputs()
    print(jax.jit(kernel)(*tuple(_d.values())))

</pallas_src>

<mosaic_0001>
#map = affine_map<(d0, d1) -> (0, 0, 0)>
#map1 = affine_map<(d0, d1) -> (0, 0)>
#map2 = affine_map<(d0, d1) -> (0)>
module attributes {stable_mosaic.version = 14 : i64} {
  func.func @k(%arg0: i32, %arg1: i32, %arg2: memref<1x10240x128xf32, #tpu.memory_space<hbm>>, %arg3: memref<10240x16xf32, #tpu.memory_space<hbm>>, %arg4: memref<331776xi32, #tpu.memory_space<hbm>>, %arg5: memref<331776xi32, #tpu.memory_space<hbm>>, %arg6: memref<10240x128xf32, #tpu.memory_space<hbm>>, %arg7: memref<2x10240x128xf32, #tpu.memory_space<hbm>>, %arg8: memref<128xi32, #tpu.memory_space<vmem>>, %arg9: memref<128xi32, #tpu.memory_space<vmem>>, %arg10: memref<128x128xf32, #tpu.memory_space<vmem>>, %arg11: memref<128x16xf32, #tpu.memory_space<vmem>>, %arg12: memref<128x16xf32, #tpu.memory_space<vmem>>, %arg13: memref<10240x128xf32, #tpu.memory_space<vmem_shared>>, %arg14: memref<!tpu.dma_semaphore, #tpu.memory_space<semaphore_mem>>, %arg15: memref<!tpu.dma_semaphore, #tpu.memory_space<semaphore_mem>>) attributes {dimension_semantics = [#tpu.dimension_semantics<core_parallel>, #tpu.dimension_semantics<subcore_parallel>], iteration_bounds = array<i64: 2, 16>, scalar_prefetch = 0 : i64, scratch_operands = 8 : i64, tpu.core_type = #tpu.core_type<sc_vector_subcore>, window_params = [{transform_indices = #map}, {transform_indices = #map1}, {transform_indices = #map2}, {transform_indices = #map2}, {transform_indices = #map1}, {transform_indices = #map}]} {
    %eq3A = arith.constant 0 : i32
    %eq3A_0 = arith.cmpi eq, %arg0, %eq3A : i32
    %convert_element_type3A = arith.extui %eq3A_0 : i1 to i32
    %cond3A = arith.constant 0 : i32
    %cond3A_1 = arith.cmpi ne, %convert_element_type3A, %cond3A : i32
    scf.if %cond3A_1 {
      %mul3A = arith.constant 10368 : i32
      %mul3A_7 = arith.muli %arg1, %mul3A : i32
      %add3A = arith.constant 0 : i32
      %add3A_8 = arith.addi %add3A, %mul3A_7 : i32
      %eq3A_9 = arith.constant 0 : i32
      %eq3A_10 = arith.cmpi eq, %arg1, %eq3A_9 : i32
      %convert_element_type3A_11 = arith.extui %eq3A_10 : i1 to i32
      %cond3A_12 = arith.constant 0 : i32
      %cond3A_13 = arith.cmpi ne, %convert_element_type3A_11, %cond3A_12 : i32
      scf.if %cond3A_13 {
        "tpu.region"() ({
          %run_scoped3A_24 = tpu.sem_alloc : memref<!tpu.dma_semaphore, #tpu.memory_space<semaphore_mem>>
          tpu.enqueue_dma source(%arg6 : memref<10240x128xf32, #tpu.memory_space<hbm>>) target(%arg13 : memref<10240x128xf32, #tpu.memory_space<vmem_shared>>) target_semaphore(%run_scoped3A_24 : memref<!tpu.dma_semaphore, #tpu.memory_space<semaphore_mem>>)
          tpu.wait_dma2 semaphore(%run_scoped3A_24 : memref<!tpu.dma_semaphore, #tpu.memory_space<semaphore_mem>>) src(%arg6 : memref<10240x128xf32, #tpu.memory_space<hbm>>) dst(%arg13 : memref<10240x128xf32, #tpu.memory_space<vmem_shared>>)
          tpu.yield
        }) : () -> ()
      } else {
      }
      %barrier3A = arith.constant 0 : index
      tpu.barrier barrier_id(%barrier3A)
      %scan3A = arith.constant 0 : i32
      %scan3A_14 = arith.constant 0 : i32
      %scan3A_15 = arith.constant 0 : i32
      %scan3A_16 = arith.constant 81 : i32
      %scan3A_17 = arith.addi %scan3A_15, %scan3A_16 : i32
      %scan3A_18 = arith.constant 1 : i32
      scf.for %scan3A_24 = %scan3A_15 to %scan3A_17 step %scan3A_18  : i32 {
        %mul3A_25 = arith.constant 128 : i32
        %mul3A_26 = arith.muli %scan3A_24, %mul3A_25 : i32
        %add3A_27 = arith.addi %add3A_8, %mul3A_26 : i32
        "tpu.region"() ({
          %run_scoped3A_58 = tpu.sem_alloc : memref<!tpu.dma_semaphore, #tpu.memory_space<semaphore_mem>>
          %dma_start3A_59 = tpu.memref_slice %arg4[%add3A_27] : memref<331776xi32, #tpu.memory_space<hbm>> -> memref<128xi32, #tpu.memory_space<hbm>>
          %dma_start3A_60 = tpu.memref_slice %arg4[%add3A_27] : memref<331776xi32, #tpu.memory_space<hbm>> -> memref<128xi32, #tpu.memory_space<hbm>>
          tpu.enqueue_dma source(%dma_start3A_60 : memref<128xi32, #tpu.memory_space<hbm>>) target(%arg8 : memref<128xi32, #tpu.memory_space<vmem>>) target_semaphore(%run_scoped3A_58 : memref<!tpu.dma_semaphore, #tpu.memory_space<semaphore_mem>>)
          %dma_wait3A_61 = tpu.memref_slice %arg4[%add3A_27] : memref<331776xi32, #tpu.memory_space<hbm>> -> memref<128xi32, #tpu.memory_space<hbm>>
          %dma_wait3A_62 = tpu.memref_slice %arg4[%add3A_27] : memref<331776xi32, #tpu.memory_space<hbm>> -> memref<128xi32, #tpu.memory_space<hbm>>
          tpu.wait_dma2 semaphore(%run_scoped3A_58 : memref<!tpu.dma_semaphore, #tpu.memory_space<semaphore_mem>>) src(%dma_wait3A_62 : memref<128xi32, #tpu.memory_space<hbm>>) dst(%arg8 : memref<128xi32, #tpu.memory_space<vmem>>)
          tpu.yield
        }) : () -> ()
        "tpu.region"() ({
          %run_scoped3A_58 = tpu.sem_alloc : memref<!tpu.dma_semaphore, #tpu.memory_space<semaphore_mem>>
          %dma_start3A_59 = tpu.memref_slice %arg5[%add3A_27] : memref<331776xi32, #tpu.memory_space<hbm>> -> memref<128xi32, #tpu.memory_space<hbm>>
          %dma_start3A_60 = tpu.memref_slice %arg5[%add3A_27] : memref<331776xi32, #tpu.memory_space<hbm>> -> memref<128xi32, #tpu.memory_space<hbm>>
          tpu.enqueue_dma source(%dma_start3A_60 : memref<128xi32, #tpu.memory_space<hbm>>) target(%arg9 : memref<128xi32, #tpu.memory_space<vmem>>) target_semaphore(%run_scoped3A_58 : memref<!tpu.dma_semaphore, #tpu.memory_space<semaphore_mem>>)
          %dma_wait3A_61 = tpu.memref_slice %arg5[%add3A_27] : memref<331776xi32, #tpu.memory_space<hbm>> -> memref<128xi32, #tpu.memory_space<hbm>>
          %dma_wait3A_62 = tpu.memref_slice %arg5[%add3A_27] : memref<331776xi32, #tpu.memory_space<hbm>> -> memref<128xi32, #tpu.memory_space<hbm>>
          tpu.wait_dma2 semaphore(%run_scoped3A_58 : memref<!tpu.dma_semaphore, #tpu.memory_space<semaphore_mem>>) src(%dma_wait3A_62 : memref<128xi32, #tpu.memory_space<hbm>>) dst(%arg9 : memref<128xi32, #tpu.memory_space<vmem>>)
          tpu.yield
        }) : () -> ()
        %dma_start3A = arith.constant 0 : i32
        %dma_start3A_28 = arith.constant 0 : i32
        %dma_start3A_29 = tpu.memref_slice %arg2[%scan3A_14, %dma_start3A, %dma_start3A_28] : memref<1x10240x128xf32, #tpu.memory_space<hbm>> -> memref<1x10240x128xf32, #tpu.memory_space<hbm>>
        %dma_start3A_30 = tpu.memref_squeeze %dma_start3A_29 : memref<1x10240x128xf32, #tpu.memory_space<hbm>> -> memref<10240x128xf32, #tpu.memory_space<hbm>>
        %dma_start3A_31 = arith.constant 0 : i32
        %dma_start3A_32 = arith.constant 0 : i32
        %dma_start3A_33 = tpu.memref_slice %dma_start3A_30[%dma_start3A_31, %dma_start3A_32] : memref<10240x128xf32, #tpu.memory_space<hbm>> -> memref<10240x128xf32, #tpu.memory_space<hbm>>
        tpu.enqueue_indirect_dma source(%dma_start3A_33 : memref<10240x128xf32, #tpu.memory_space<hbm>>) target(%arg10 : memref<128x128xf32, #tpu.memory_space<vmem>>) offsets(%arg8 : memref<128xi32, #tpu.memory_space<vmem>>) semaphore(%arg14 : memref<!tpu.dma_semaphore, #tpu.memory_space<semaphore_mem>>)
        %dma_start3A_34 = arith.constant 0 : i32
        %dma_start3A_35 = arith.constant 0 : i32
        %dma_start3A_36 = tpu.memref_slice %arg3[%dma_start3A_34, %dma_start3A_35] : memref<10240x16xf32, #tpu.memory_space<hbm>> -> memref<10240x16xf32, #tpu.memory_space<hbm>>
        tpu.enqueue_indirect_dma source(%dma_start3A_36 : memref<10240x16xf32, #tpu.memory_space<hbm>>) target(%arg11 : memref<128x16xf32, #tpu.memory_space<vmem>>) offsets(%arg8 : memref<128xi32, #tpu.memory_space<vmem>>) semaphore(%arg15 : memref<!tpu.dma_semaphore, #tpu.memory_space<semaphore_mem>>)
        %dma_wait3A = arith.constant 0 : i32
        %dma_wait3A_37 = arith.constant 0 : i32
        %dma_wait3A_38 = tpu.memref_slice %arg2[%scan3A_14, %dma_wait3A, %dma_wait3A_37] : memref<1x10240x128xf32, #tpu.memory_space<hbm>> -> memref<1x10240x128xf32, #tpu.memory_space<hbm>>
        %dma_wait3A_39 = tpu.memref_squeeze %dma_wait3A_38 : memref<1x10240x128xf32, #tpu.memory_space<hbm>> -> memref<10240x128xf32, #tpu.memory_space<hbm>>
        %dma_wait3A_40 = arith.constant 0 : i32
        %dma_wait3A_41 = arith.constant 0 : i32
        %dma_wait3A_42 = tpu.memref_slice %dma_wait3A_39[%dma_wait3A_40, %dma_wait3A_41] : memref<10240x128xf32, #tpu.memory_space<hbm>> -> memref<10240x128xf32, #tpu.memory_space<hbm>>
        tpu.wait_indirect_dma semaphore(%arg14 : memref<!tpu.dma_semaphore, #tpu.memory_space<semaphore_mem>>) src(%dma_wait3A_42 : memref<10240x128xf32, #tpu.memory_space<hbm>>) dst(%arg10 : memref<128x128xf32, #tpu.memory_space<vmem>>)
        %dma_wait3A_43 = arith.constant 0 : i32
        %dma_wait3A_44 = arith.constant 0 : i32
        %dma_wait3A_45 = tpu.memref_slice %arg3[%dma_wait3A_43, %dma_wait3A_44] : memref<10240x16xf32, #tpu.memory_space<hbm>> -> memref<10240x16xf32, #tpu.memory_space<hbm>>
        tpu.wait_indirect_dma semaphore(%arg15 : memref<!tpu.dma_semaphore, #tpu.memory_space<semaphore_mem>>) src(%dma_wait3A_45 : memref<10240x16xf32, #tpu.memory_space<hbm>>) dst(%arg11 : memref<128x16xf32, #tpu.memory_space<vmem>>)
        %dma_start3A_46 = arith.constant 0 : i32
        %dma_start3A_47 = arith.constant 0 : i32
        %dma_start3A_48 = tpu.memref_slice %arg3[%dma_start3A_46, %dma_start3A_47] : memref<10240x16xf32, #tpu.memory_space<hbm>> -> memref<10240x16xf32, #tpu.memory_space<hbm>>
        tpu.enqueue_indirect_dma source(%dma_start3A_48 : memref<10240x16xf32, #tpu.memory_space<hbm>>) target(%arg12 : memref<128x16xf32, #tpu.memory_space<vmem>>) offsets(%arg9 : memref<128xi32, #tpu.memory_space<vmem>>) semaphore(%arg15 : memref<!tpu.dma_semaphore, #tpu.memory_space<semaphore_mem>>)
        %dma_wait3A_49 = arith.constant 0 : i32
        %dma_wait3A_50 = arith.constant 0 : i32
        %dma_wait3A_51 = tpu.memref_slice %arg3[%dma_wait3A_49, %dma_wait3A_50] : memref<10240x16xf32, #tpu.memory_space<hbm>> -> memref<10240x16xf32, #tpu.memory_space<hbm>>
        tpu.wait_indirect_dma semaphore(%arg15 : memref<!tpu.dma_semaphore, #tpu.memory_space<semaphore_mem>>) src(%dma_wait3A_51 : memref<10240x16xf32, #tpu.memory_space<hbm>>) dst(%arg12 : memref<128x16xf32, #tpu.memory_space<vmem>>)
        %scan3A_52 = arith.constant 0 : i32
        %scan3A_53 = arith.constant 0 : i32
        %scan3A_54 = arith.constant 128 : i32
        %scan3A_55 = arith.addi %scan3A_53, %scan3A_54 : i32
        %scan3A_56 = arith.constant 2 : i32
        scf.for %scan3A_58 = %scan3A_53 to %scan3A_55 step %scan3A_56  : i32 {
          %get3A = arith.index_cast %scan3A_58 : i32 to index
          %get3A_59 = arith.constant 0 : index
          %get3A_60 = tpu.vector_load %arg11[%get3A, %get3A_59] {strides = array<i32>} : memref<128x16xf32, #tpu.memory_space<vmem>>, vector<1x16xf32>,
          %get3A_61 = vector.shape_cast %get3A_60 : vector<1x16xf32> to vector<16xf32>
          %get3A_62 = arith.index_cast %scan3A_58 : i32 to index
          %get3A_63 = arith.constant 0 : index
          %get3A_64 = tpu.vector_load %arg12[%get3A_62, %get3A_63] {strides = array<i32>} : memref<128x16xf32, #tpu.memory_space<vmem>>, vector<1x16xf32>,
          %get3A_65 = vector.shape_cast %get3A_64 : vector<1x16xf32> to vector<16xf32>
          %mul3A_66 = arith.mulf %get3A_61, %get3A_65 : vector<16xf32>
          %get3A_67 = arith.index_cast %scan3A_58 : i32 to index
          %get3A_68 = arith.constant 0 : index
          %get3A_69 = tpu.vector_load %arg10[%get3A_67, %get3A_68] {strides = array<i32>} : memref<128x128xf32, #tpu.memory_space<vmem>>, vector<1x16xf32>,
          %get3A_70 = vector.shape_cast %get3A_69 : vector<1x16xf32> to vector<16xf32>
          %mul3A_71 = arith.mulf %get3A_70, %mul3A_66 : vector<16xf32>
          %swap3A = arith.index_cast %scan3A_58 : i32 to index
          %swap3A_72 = arith.constant 0 : index
          %swap3A_73 = tpu.vector_load %arg10[%swap3A, %swap3A_72] {strides = array<i32>} : memref<128x128xf32, #tpu.memory_space<vmem>>, vector<1x16xf32>,
          %swap3A_74 = vector.shape_cast %swap3A_73 : vector<1x16xf32> to vector<16xf32>
          %swap3A_75 = vector.shape_cast %mul3A_71 : vector<16xf32> to vector<1x16xf32>
          tpu.vector_store %arg10[%swap3A, %swap3A_72], %swap3A_75 {strides = array<i32>} : memref<128x128xf32, #tpu.memory_space<vmem>>, vector<1x16xf32>,
          %get3A_76 = arith.index_cast %scan3A_58 : i32 to index
          %get3A_77 = arith.constant 16 : index
          %get3A_78 = tpu.vector_load %arg10[%get3A_76, %get3A_77] {strides = array<i32>} : memref<128x128xf32, #tpu.memory_space<vmem>>, vector<1x16xf32>,
          %get3A_79 = vector.shape_cast %get3A_78 : vector<1x16xf32> to vector<16xf32>
          %mul3A_80 = arith.mulf %get3A_79, %mul3A_66 : vector<16xf32>
          %swap3A_81 = arith.index_cast %scan3A_58 : i32 to index
          %swap3A_82 = arith.constant 16 : index
          %swap3A_83 = tpu.vector_load %arg10[%swap3A_81, %swap3A_82] {strides = array<i32>} : memref<128x128xf32, #tpu.memory_space<vmem>>, vector<1x16xf32>,
          %swap3A_84 = vector.shape_cast %swap3A_83 : vector<1x16xf32> to vector<16xf32>
          %swap3A_85 = vector.shape_cast %mul3A_80 : vector<16xf32> to vector<1x16xf32>
          tpu.vector_store %arg10[%swap3A_81, %swap3A_82], %swap3A_85 {strides = array<i32>} : memref<128x128xf32, #tpu.memory_space<vmem>>, vector<1x16xf32>,
          %get3A_86 = arith.index_cast %scan3A_58 : i32 to index
          %get3A_87 = arith.constant 32 : index
          %get3A_88 = tpu.vector_load %arg10[%get3A_86, %get3A_87] {strides = array<i32>} : memref<128x128xf32, #tpu.memory_space<vmem>>, vector<1x16xf32>,
          %get3A_89 = vector.shape_cast %get3A_88 : vector<1x16xf32> to vector<16xf32>
          %mul3A_90 = arith.mulf %get3A_89, %mul3A_66 : vector<16xf32>
          %swap3A_91 = arith.index_cast %scan3A_58 : i32 to index
          %swap3A_92 = arith.constant 32 : index
          %swap3A_93 = tpu.vector_load %arg10[%swap3A_91, %swap3A_92] {strides = array<i32>} : memref<128x128xf32, #tpu.memory_space<vmem>>, vector<1x16xf32>,
          %swap3A_94 = vector.shape_cast %swap3A_93 : vector<1x16xf32> to vector<16xf32>
          %swap3A_95 = vector.shape_cast %mul3A_90 : vector<16xf32> to vector<1x16xf32>
          tpu.vector_store %arg10[%swap3A_91, %swap3A_92], %swap3A_95 {strides = array<i32>} : memref<128x128xf32, #tpu.memory_space<vmem>>, vector<1x16xf32>,
          %get3A_96 = arith.index_cast %scan3A_58 : i32 to index
          %get3A_97 = arith.constant 48 : index
          %get3A_98 = tpu.vector_load %arg10[%get3A_96, %get3A_97] {strides = array<i32>} : memref<128x128xf32, #tpu.memory_space<vmem>>, vector<1x16xf32>,
          %get3A_99 = vector.shape_cast %get3A_98 : vector<1x16xf32> to vector<16xf32>
          %mul3A_100 = arith.mulf %get3A_99, %mul3A_66 : vector<16xf32>
          %swap3A_101 = arith.index_cast %scan3A_58 : i32 to index
          %swap3A_102 = arith.constant 48 : index
          %swap3A_103 = tpu.vector_load %arg10[%swap3A_101, %swap3A_102] {strides = array<i32>} : memref<128x128xf32, #tpu.memory_space<vmem>>, vector<1x16xf32>,
          %swap3A_104 = vector.shape_cast %swap3A_103 : vector<1x16xf32> to vector<16xf32>
          %swap3A_105 = vector.shape_cast %mul3A_100 : vector<16xf32> to vector<1x16xf32>
          tpu.vector_store %arg10[%swap3A_101, %swap3A_102], %swap3A_105 {strides = array<i32>} : memref<128x128xf32, #tpu.memory_space<vmem>>, vector<1x16xf32>,
          %get3A_106 = arith.index_cast %scan3A_58 : i32 to index
          %get3A_107 = arith.constant 64 : index
          %get3A_108 = tpu.vector_load %arg10[%get3A_106, %get3A_107] {strides = array<i32>} : memref<128x128xf32, #tpu.memory_space<vmem>>, vector<1x16xf32>,
          %get3A_109 = vector.shape_cast %get3A_108 : vector<1x16xf32> to vector<16xf32>
          %mul3A_110 = arith.mulf %get3A_109, %mul3A_66 : vector<16xf32>
          %swap3A_111 = arith.index_cast %scan3A_58 : i32 to index
          %swap3A_112 = arith.constant 64 : index
          %swap3A_113 = tpu.vector_load %arg10[%swap3A_111, %swap3A_112] {strides = array<i32>} : memref<128x128xf32, #tpu.memory_space<vmem>>, vector<1x16xf32>,
          %swap3A_114 = vector.shape_cast %swap3A_113 : vector<1x16xf32> to vector<16xf32>
          %swap3A_115 = vector.shape_cast %mul3A_110 : vector<16xf32> to vector<1x16xf32>
          tpu.vector_store %arg10[%swap3A_111, %swap3A_112], %swap3A_115 {strides = array<i32>} : memref<128x128xf32, #tpu.memory_space<vmem>>, vector<1x16xf32>,
          %get3A_116 = arith.index_cast %scan3A_58 : i32 to index
          %get3A_117 = arith.constant 80 : index
          %get3A_118 = tpu.vector_load %arg10[%get3A_116, %get3A_117] {strides = array<i32>} : memref<128x128xf32, #tpu.memory_space<vmem>>, vector<1x16xf32>,
          %get3A_119 = vector.shape_cast %get3A_118 : vector<1x16xf32> to vector<16xf32>
          %mul3A_120 = arith.mulf %get3A_119, %mul3A_66 : vector<16xf32>
          %swap3A_121 = arith.index_cast %scan3A_58 : i32 to index
          %swap3A_122 = arith.constant 80 : index
          %swap3A_123 = tpu.vector_load %arg10[%swap3A_121, %swap3A_122] {strides = array<i32>} : memref<128x128xf32, #tpu.memory_space<vmem>>, vector<1x16xf32>,
          %swap3A_124 = vector.shape_cast %swap3A_123 : vector<1x16xf32> to vector<16xf32>
          %swap3A_125 = vector.shape_cast %mul3A_120 : vector<16xf32> to vector<1x16xf32>
          tpu.vector_store %arg10[%swap3A_121, %swap3A_122], %swap3A_125 {strides = array<i32>} : memref<128x128xf32, #tpu.memory_space<vmem>>, vector<1x16xf32>,
          %get3A_126 = arith.index_cast %scan3A_58 : i32 to index
          %get3A_127 = arith.constant 96 : index
          %get3A_128 = tpu.vector_load %arg10[%get3A_126, %get3A_127] {strides = array<i32>} : memref<128x128xf32, #tpu.memory_space<vmem>>, vector<1x16xf32>,
          %get3A_129 = vector.shape_cast %get3A_128 : vector<1x16xf32> to vector<16xf32>
          %mul3A_130 = arith.mulf %get3A_129, %mul3A_66 : vector<16xf32>
          %swap3A_131 = arith.index_cast %scan3A_58 : i32 to index
          %swap3A_132 = arith.constant 96 : index
          %swap3A_133 = tpu.vector_load %arg10[%swap3A_131, %swap3A_132] {strides = array<i32>} : memref<128x128xf32, #tpu.memory_space<vmem>>, vector<1x16xf32>,
          %swap3A_134 = vector.shape_cast %swap3A_133 : vector<1x16xf32> to vector<16xf32>
          %swap3A_135 = vector.shape_cast %mul3A_130 : vector<16xf32> to vector<1x16xf32>
          tpu.vector_store %arg10[%swap3A_131, %swap3A_132], %swap3A_135 {strides = array<i32>} : memref<128x128xf32, #tpu.memory_space<vmem>>, vector<1x16xf32>,
          %get3A_136 = arith.index_cast %scan3A_58 : i32 to index
          %get3A_137 = arith.constant 112 : index
          %get3A_138 = tpu.vector_load %arg10[%get3A_136, %get3A_137] {strides = array<i32>} : memref<128x128xf32, #tpu.memory_space<vmem>>, vector<1x16xf32>,
          %get3A_139 = vector.shape_cast %get3A_138 : vector<1x16xf32> to vector<16xf32>
          %mul3A_140 = arith.mulf %get3A_139, %mul3A_66 : vector<16xf32>
          %swap3A_141 = arith.index_cast %scan3A_58 : i32 to index
          %swap3A_142 = arith.constant 112 : index
          %swap3A_143 = tpu.vector_load %arg10[%swap3A_141, %swap3A_142] {strides = array<i32>} : memref<128x128xf32, #tpu.memory_space<vmem>>, vector<1x16xf32>,
          %swap3A_144 = vector.shape_cast %swap3A_143 : vector<1x16xf32> to vector<16xf32>
          %swap3A_145 = vector.shape_cast %mul3A_140 : vector<16xf32> to vector<1x16xf32>
          tpu.vector_store %arg10[%swap3A_141, %swap3A_142], %swap3A_145 {strides = array<i32>} : memref<128x128xf32, #tpu.memory_space<vmem>>, vector<1x16xf32>,
          %scan3A_146 = arith.constant 1 : i32
          %scan3A_147 = arith.addi %scan3A_58, %scan3A_146 : i32
          %get3A_148 = arith.index_cast %scan3A_147 : i32 to index
          %get3A_149 = arith.constant 0 : index
          %get3A_150 = tpu.vector_load %arg11[%get3A_148, %get3A_149] {strides = array<i32>} : memref<128x16xf32, #tpu.memory_space<vmem>>, vector<1x16xf32>,
          %get3A_151 = vector.shape_cast %get3A_150 : vector<1x16xf32> to vector<16xf32>
          %get3A_152 = arith.index_cast %scan3A_147 : i32 to index
          %get3A_153 = arith.constant 0 : index
          %get3A_154 = tpu.vector_load %arg12[%get3A_152, %get3A_153] {strides = array<i32>} : memref<128x16xf32, #tpu.memory_space<vmem>>, vector<1x16xf32>,
          %get3A_155 = vector.shape_cast %get3A_154 : vector<1x16xf32> to vector<16xf32>
          %mul3A_156 = arith.mulf %get3A_151, %get3A_155 : vector<16xf32>
          %get3A_157 = arith.index_cast %scan3A_147 : i32 to index
          %get3A_158 = arith.constant 0 : index
          %get3A_159 = tpu.vector_load %arg10[%get3A_157, %get3A_158] {strides = array<i32>} : memref<128x128xf32, #tpu.memory_space<vmem>>, vector<1x16xf32>,
          %get3A_160 = vector.shape_cast %get3A_159 : vector<1x16xf32> to vector<16xf32>
          %mul3A_161 = arith.mulf %get3A_160, %mul3A_156 : vector<16xf32>
          %swap3A_162 = arith.index_cast %scan3A_147 : i32 to index
          %swap3A_163 = arith.constant 0 : index
          %swap3A_164 = tpu.vector_load %arg10[%swap3A_162, %swap3A_163] {strides = array<i32>} : memref<128x128xf32, #tpu.memory_space<vmem>>, vector<1x16xf32>,
          %swap3A_165 = vector.shape_cast %swap3A_164 : vector<1x16xf32> to vector<16xf32>
          %swap3A_166 = vector.shape_cast %mul3A_161 : vector<16xf32> to vector<1x16xf32>
          tpu.vector_store %arg10[%swap3A_162, %swap3A_163], %swap3A_166 {strides = array<i32>} : memref<128x128xf32, #tpu.memory_space<vmem>>, vector<1x16xf32>,
          %get3A_167 = arith.index_cast %scan3A_147 : i32 to index
          %get3A_168 = arith.constant 16 : index
          %get3A_169 = tpu.vector_load %arg10[%get3A_167, %get3A_168] {strides = array<i32>} : memref<128x128xf32, #tpu.memory_space<vmem>>, vector<1x16xf32>,
          %get3A_170 = vector.shape_cast %get3A_169 : vector<1x16xf32> to vector<16xf32>
          %mul3A_171 = arith.mulf %get3A_170, %mul3A_156 : vector<16xf32>
          %swap3A_172 = arith.index_cast %scan3A_147 : i32 to index
          %swap3A_173 = arith.constant 16 : index
          %swap3A_174 = tpu.vector_load %arg10[%swap3A_172, %swap3A_173] {strides = array<i32>} : memref<128x128xf32, #tpu.memory_space<vmem>>, vector<1x16xf32>,
          %swap3A_175 = vector.shape_cast %swap3A_174 : vector<1x16xf32> to vector<16xf32>
          %swap3A_176 = vector.shape_cast %mul3A_171 : vector<16xf32> to vector<1x16xf32>
          tpu.vector_store %arg10[%swap3A_172, %swap3A_173], %swap3A_176 {strides = array<i32>} : memref<128x128xf32, #tpu.memory_space<vmem>>, vector<1x16xf32>,
          %get3A_177 = arith.index_cast %scan3A_147 : i32 to index
          %get3A_178 = arith.constant 32 : index
          %get3A_179 = tpu.vector_load %arg10[%get3A_177, %get3A_178] {strides = array<i32>} : memref<128x128xf32, #tpu.memory_space<vmem>>, vector<1x16xf32>,
          %get3A_180 = vector.shape_cast %get3A_179 : vector<1x16xf32> to vector<16xf32>
          %mul3A_181 = arith.mulf %get3A_180, %mul3A_156 : vector<16xf32>
          %swap3A_182 = arith.index_cast %scan3A_147 : i32 to index
          %swap3A_183 = arith.constant 32 : index
          %swap3A_184 = tpu.vector_load %arg10[%swap3A_182, %swap3A_183] {strides = array<i32>} : memref<128x128xf32, #tpu.memory_space<vmem>>, vector<1x16xf32>,
          %swap3A_185 = vector.shape_cast %swap3A_184 : vector<1x16xf32> to vector<16xf32>
          %swap3A_186 = vector.shape_cast %mul3A_181 : vector<16xf32> to vector<1x16xf32>
          tpu.vector_store %arg10[%swap3A_182, %swap3A_183], %swap3A_186 {strides = array<i32>} : memref<128x128xf32, #tpu.memory_space<vmem>>, vector<1x16xf32>,
          %get3A_187 = arith.index_cast %scan3A_147 : i32 to index
          %get3A_188 = arith.constant 48 : index
          %get3A_189 = tpu.vector_load %arg10[%get3A_187, %get3A_188] {strides = array<i32>} : memref<128x128xf32, #tpu.memory_space<vmem>>, vector<1x16xf32>,
          %get3A_190 = vector.shape_cast %get3A_189 : vector<1x16xf32> to vector<16xf32>
          %mul3A_191 = arith.mulf %get3A_190, %mul3A_156 : vector<16xf32>
          %swap3A_192 = arith.index_cast %scan3A_147 : i32 to index
          %swap3A_193 = arith.constant 48 : index
          %swap3A_194 = tpu.vector_load %arg10[%swap3A_192, %swap3A_193] {strides = array<i32>} : memref<128x128xf32, #tpu.memory_space<vmem>>, vector<1x16xf32>,
          %swap3A_195 = vector.shape_cast %swap3A_194 : vector<1x16xf32> to vector<16xf32>
          %swap3A_196 = vector.shape_cast %mul3A_191 : vector<16xf32> to vector<1x16xf32>
          tpu.vector_store %arg10[%swap3A_192, %swap3A_193], %swap3A_196 {strides = array<i32>} : memref<128x128xf32, #tpu.memory_space<vmem>>, vector<1x16xf32>,
          %get3A_197 = arith.index_cast %scan3A_147 : i32 to index
          %get3A_198 = arith.constant 64 : index
          %get3A_199 = tpu.vector_load %arg10[%get3A_197, %get3A_198] {strides = array<i32>} : memref<128x128xf32, #tpu.memory_space<vmem>>, vector<1x16xf32>,
          %get3A_200 = vector.shape_cast %get3A_199 : vector<1x16xf32> to vector<16xf32>
          %mul3A_201 = arith.mulf %get3A_200, %mul3A_156 : vector<16xf32>
          %swap3A_202 = arith.index_cast %scan3A_147 : i32 to index
          %swap3A_203 = arith.constant 64 : index
          %swap3A_204 = tpu.vector_load %arg10[%swap3A_202, %swap3A_203] {strides = array<i32>} : memref<128x128xf32, #tpu.memory_space<vmem>>, vector<1x16xf32>,
          %swap3A_205 = vector.shape_cast %swap3A_204 : vector<1x16xf32> to vector<16xf32>
          %swap3A_206 = vector.shape_cast %mul3A_201 : vector<16xf32> to vector<1x16xf32>
          tpu.vector_store %arg10[%swap3A_202, %swap3A_203], %swap3A_206 {strides = array<i32>} : memref<128x128xf32, #tpu.memory_space<vmem>>, vector<1x16xf32>,
          %get3A_207 = arith.index_cast %scan3A_147 : i32 to index
          %get3A_208 = arith.constant 80 : index
          %get3A_209 = tpu.vector_load %arg10[%get3A_207, %get3A_208] {strides = array<i32>} : memref<128x128xf32, #tpu.memory_space<vmem>>, vector<1x16xf32>,
          %get3A_210 = vector.shape_cast %get3A_209 : vector<1x16xf32> to vector<16xf32>
          %mul3A_211 = arith.mulf %get3A_210, %mul3A_156 : vector<16xf32>
          %swap3A_212 = arith.index_cast %scan3A_147 : i32 to index
          %swap3A_213 = arith.constant 80 : index
          %swap3A_214 = tpu.vector_load %arg10[%swap3A_212, %swap3A_213] {strides = array<i32>} : memref<128x128xf32, #tpu.memory_space<vmem>>, vector<1x16xf32>,
          %swap3A_215 = vector.shape_cast %swap3A_214 : vector<1x16xf32> to vector<16xf32>
          %swap3A_216 = vector.shape_cast %mul3A_211 : vector<16xf32> to vector<1x16xf32>
          tpu.vector_store %arg10[%swap3A_212, %swap3A_213], %swap3A_216 {strides = array<i32>} : memref<128x128xf32, #tpu.memory_space<vmem>>, vector<1x16xf32>,
          %get3A_217 = arith.index_cast %scan3A_147 : i32 to index
          %get3A_218 = arith.constant 96 : index
          %get3A_219 = tpu.vector_load %arg10[%get3A_217, %get3A_218] {strides = array<i32>} : memref<128x128xf32, #tpu.memory_space<vmem>>, vector<1x16xf32>,
          %get3A_220 = vector.shape_cast %get3A_219 : vector<1x16xf32> to vector<16xf32>
          %mul3A_221 = arith.mulf %get3A_220, %mul3A_156 : vector<16xf32>
          %swap3A_222 = arith.index_cast %scan3A_147 : i32 to index
          %swap3A_223 = arith.constant 96 : index
          %swap3A_224 = tpu.vector_load %arg10[%swap3A_222, %swap3A_223] {strides = array<i32>} : memref<128x128xf32, #tpu.memory_space<vmem>>, vector<1x16xf32>,
          %swap3A_225 = vector.shape_cast %swap3A_224 : vector<1x16xf32> to vector<16xf32>
          %swap3A_226 = vector.shape_cast %mul3A_221 : vector<16xf32> to vector<1x16xf32>
          tpu.vector_store %arg10[%swap3A_222, %swap3A_223], %swap3A_226 {strides = array<i32>} : memref<128x128xf32, #tpu.memory_space<vmem>>, vector<1x16xf32>,
          %get3A_227 = arith.index_cast %scan3A_147 : i32 to index
          %get3A_228 = arith.constant 112 : index
          %get3A_229 = tpu.vector_load %arg10[%get3A_227, %get3A_228] {strides = array<i32>} : memref<128x128xf32, #tpu.memory_space<vmem>>, vector<1x16xf32>,
          %get3A_230 = vector.shape_cast %get3A_229 : vector<1x16xf32> to vector<16xf32>
          %mul3A_231 = arith.mulf %get3A_230, %mul3A_156 : vector<16xf32>
          %swap3A_232 = arith.index_cast %scan3A_147 : i32 to index
          %swap3A_233 = arith.constant 112 : index
          %swap3A_234 = tpu.vector_load %arg10[%swap3A_232, %swap3A_233] {strides = array<i32>} : memref<128x128xf32, #tpu.memory_space<vmem>>, vector<1x16xf32>,
          %swap3A_235 = vector.shape_cast %swap3A_234 : vector<1x16xf32> to vector<16xf32>
          %swap3A_236 = vector.shape_cast %mul3A_231 : vector<16xf32> to vector<1x16xf32>
          tpu.vector_store %arg10[%swap3A_232, %swap3A_233], %swap3A_236 {strides = array<i32>} : memref<128x128xf32, #tpu.memory_space<vmem>>, vector<1x16xf32>,
        }
        %scan3A_57 = arith.constant 128 : i32
        "tpu.region"() ({
          %run_scoped3A_58 = tpu.sem_alloc : memref<!tpu.dma_semaphore, #tpu.memory_space<semaphore_mem>>
          %dma_start3A_59 = arith.constant 0 : i32
          %dma_start3A_60 = arith.constant 0 : i32
          %dma_start3A_61 = tpu.memref_slice %arg13[%dma_start3A_59, %dma_start3A_60] : memref<10240x128xf32, #tpu.memory_space<vmem_shared>> -> memref<10240x128xf32, #tpu.memory_space<vmem_shared>>
          tpu.enqueue_indirect_dma source(%arg10 : memref<128x128xf32, #tpu.memory_space<vmem>>) target(%dma_start3A_61 : memref<10240x128xf32, #tpu.memory_space<vmem_shared>>) offsets(%arg9 : memref<128xi32, #tpu.memory_space<vmem>>) semaphore(%run_scoped3A_58 : memref<!tpu.dma_semaphore, #tpu.memory_space<semaphore_mem>>) {add = true}
          %dma_wait3A_62 = arith.constant 0 : i32
          %dma_wait3A_63 = arith.constant 0 : i32
          %dma_wait3A_64 = tpu.memref_slice %arg13[%dma_wait3A_62, %dma_wait3A_63] : memref<10240x128xf32, #tpu.memory_space<vmem_shared>> -> memref<10240x128xf32, #tpu.memory_space<vmem_shared>>
          tpu.wait_indirect_dma semaphore(%run_scoped3A_58 : memref<!tpu.dma_semaphore, #tpu.memory_space<semaphore_mem>>) src(%arg10 : memref<128x128xf32, #tpu.memory_space<vmem>>) dst(%dma_wait3A_64 : memref<10240x128xf32, #tpu.memory_space<vmem_shared>>)
          tpu.yield
        }) : () -> ()
      }
      %scan3A_19 = arith.constant 81 : i32
      %barrier3A_20 = arith.constant 0 : index
      tpu.barrier barrier_id(%barrier3A_20)
      %mul3A_21 = arith.constant 640 : i32
      %mul3A_22 = arith.muli %arg1, %mul3A_21 : i32
      %run_scoped3A = arith.constant 0 : i32
      "tpu.region"() ({
        %run_scoped3A_24 = tpu.sem_alloc : memref<!tpu.dma_semaphore, #tpu.memory_space<semaphore_mem>>
        %dma_start3A = arith.constant 0 : i32
        %dma_start3A_25 = arith.constant 0 : i32
        %dma_start3A_26 = tpu.memref_slice %arg7[%run_scoped3A, %dma_start3A, %dma_start3A_25] : memref<2x10240x128xf32, #tpu.memory_space<hbm>> -> memref<1x10240x128xf32, #tpu.memory_space<hbm>>
        %dma_start3A_27 = tpu.memref_squeeze %dma_start3A_26 : memref<1x10240x128xf32, #tpu.memory_space<hbm>> -> memref<10240x128xf32, #tpu.memory_space<hbm>>
        %dma_start3A_28 = arith.constant 0 : i32
        %dma_start3A_29 = tpu.memref_slice %dma_start3A_27[%mul3A_22, %dma_start3A_28] : memref<10240x128xf32, #tpu.memory_space<hbm>> -> memref<640x128xf32, #tpu.memory_space<hbm>>
        %dma_start3A_30 = arith.constant 0 : i32
        %dma_start3A_31 = tpu.memref_slice %arg13[%mul3A_22, %dma_start3A_30] : memref<10240x128xf32, #tpu.memory_space<vmem_shared>> -> memref<640x128xf32, #tpu.memory_space<vmem_shared>>
        tpu.enqueue_dma source(%dma_start3A_31 : memref<640x128xf32, #tpu.memory_space<vmem_shared>>) target(%dma_start3A_29 : memref<640x128xf32, #tpu.memory_space<hbm>>) target_semaphore(%run_scoped3A_24 : memref<!tpu.dma_semaphore, #tpu.memory_space<semaphore_mem>>)
        %dma_wait3A = arith.constant 0 : i32
        %dma_wait3A_32 = arith.constant 0 : i32
        %dma_wait3A_33 = tpu.memref_slice %arg7[%run_scoped3A, %dma_wait3A, %dma_wait3A_32] : memref<2x10240x128xf32, #tpu.memory_space<hbm>> -> memref<1x10240x128xf32, #tpu.memory_space<hbm>>
        %dma_wait3A_34 = tpu.memref_squeeze %dma_wait3A_33 : memref<1x10240x128xf32, #tpu.memory_space<hbm>> -> memref<10240x128xf32, #tpu.memory_space<hbm>>
        %dma_wait3A_35 = arith.constant 0 : i32
        %dma_wait3A_36 = tpu.memref_slice %dma_wait3A_34[%mul3A_22, %dma_wait3A_35] : memref<10240x128xf32, #tpu.memory_space<hbm>> -> memref<640x128xf32, #tpu.memory_space<hbm>>
        %dma_wait3A_37 = arith.constant 0 : i32
        %dma_wait3A_38 = tpu.memref_slice %arg13[%mul3A_22, %dma_wait3A_37] : memref<10240x128xf32, #tpu.memory_space<vmem_shared>> -> memref<640x128xf32, #tpu.memory_space<vmem_shared>>
        tpu.wait_dma2 semaphore(%run_scoped3A_24 : memref<!tpu.dma_semaphore, #tpu.memory_space<semaphore_mem>>) src(%dma_wait3A_38 : memref<640x128xf32, #tpu.memory_space<vmem_shared>>) dst(%dma_wait3A_36 : memref<640x128xf32, #tpu.memory_space<hbm>>)
        tpu.yield
      }) : () -> ()
      %barrier3A_23 = arith.constant 0 : index
      tpu.barrier barrier_id(%barrier3A_23)
    } else {
    }
    %eq3A_2 = arith.constant 1 : i32
    %eq3A_3 = arith.cmpi eq, %arg0, %eq3A_2 : i32
    %convert_element_type3A_4 = arith.extui %eq3A_3 : i1 to i32
    %cond3A_5 = arith.constant 0 : i32
    %cond3A_6 = arith.cmpi ne, %convert_element_type3A_4, %cond3A_5 : i32
    scf.if %cond3A_6 {
      %mul3A = arith.constant 10368 : i32
      %mul3A_7 = arith.muli %arg1, %mul3A : i32
      %add3A = arith.constant 165888 : i32
      %add3A_8 = arith.addi %add3A, %mul3A_7 : i32
      %eq3A_9 = arith.constant 0 : i32
      %eq3A_10 = arith.cmpi eq, %arg1, %eq3A_9 : i32
      %convert_element_type3A_11 = arith.extui %eq3A_10 : i1 to i32
      %cond3A_12 = arith.constant 0 : i32
      %cond3A_13 = arith.cmpi ne, %convert_element_type3A_11, %cond3A_12 : i32
      scf.if %cond3A_13 {
        "tpu.region"() ({
          %run_scoped3A_24 = tpu.sem_alloc : memref<!tpu.dma_semaphore, #tpu.memory_space<semaphore_mem>>
          tpu.enqueue_dma source(%arg6 : memref<10240x128xf32, #tpu.memory_space<hbm>>) target(%arg13 : memref<10240x128xf32, #tpu.memory_space<vmem_shared>>) target_semaphore(%run_scoped3A_24 : memref<!tpu.dma_semaphore, #tpu.memory_space<semaphore_mem>>)
          tpu.wait_dma2 semaphore(%run_scoped3A_24 : memref<!tpu.dma_semaphore, #tpu.memory_space<semaphore_mem>>) src(%arg6 : memref<10240x128xf32, #tpu.memory_space<hbm>>) dst(%arg13 : memref<10240x128xf32, #tpu.memory_space<vmem_shared>>)
          tpu.yield
        }) : () -> ()
      } else {
      }
      %barrier3A = arith.constant 0 : index
      tpu.barrier barrier_id(%barrier3A)
      %scan3A = arith.constant 0 : i32
      %scan3A_14 = arith.constant 0 : i32
      %scan3A_15 = arith.constant 0 : i32
      %scan3A_16 = arith.constant 81 : i32
      %scan3A_17 = arith.addi %scan3A_15, %scan3A_16 : i32
      %scan3A_18 = arith.constant 1 : i32
      scf.for %scan3A_24 = %scan3A_15 to %scan3A_17 step %scan3A_18  : i32 {
        %mul3A_25 = arith.constant 128 : i32
        %mul3A_26 = arith.muli %scan3A_24, %mul3A_25 : i32
        %add3A_27 = arith.addi %add3A_8, %mul3A_26 : i32
        "tpu.region"() ({
          %run_scoped3A_58 = tpu.sem_alloc : memref<!tpu.dma_semaphore, #tpu.memory_space<semaphore_mem>>
          %dma_start3A_59 = tpu.memref_slice %arg4[%add3A_27] : memref<331776xi32, #tpu.memory_space<hbm>> -> memref<128xi32, #tpu.memory_space<hbm>>
          %dma_start3A_60 = tpu.memref_slice %arg4[%add3A_27] : memref<331776xi32, #tpu.memory_space<hbm>> -> memref<128xi32, #tpu.memory_space<hbm>>
          tpu.enqueue_dma source(%dma_start3A_60 : memref<128xi32, #tpu.memory_space<hbm>>) target(%arg8 : memref<128xi32, #tpu.memory_space<vmem>>) target_semaphore(%run_scoped3A_58 : memref<!tpu.dma_semaphore, #tpu.memory_space<semaphore_mem>>)
          %dma_wait3A_61 = tpu.memref_slice %arg4[%add3A_27] : memref<331776xi32, #tpu.memory_space<hbm>> -> memref<128xi32, #tpu.memory_space<hbm>>
          %dma_wait3A_62 = tpu.memref_slice %arg4[%add3A_27] : memref<331776xi32, #tpu.memory_space<hbm>> -> memref<128xi32, #tpu.memory_space<hbm>>
          tpu.wait_dma2 semaphore(%run_scoped3A_58 : memref<!tpu.dma_semaphore, #tpu.memory_space<semaphore_mem>>) src(%dma_wait3A_62 : memref<128xi32, #tpu.memory_space<hbm>>) dst(%arg8 : memref<128xi32, #tpu.memory_space<vmem>>)
          tpu.yield
        }) : () -> ()
        "tpu.region"() ({
          %run_scoped3A_58 = tpu.sem_alloc : memref<!tpu.dma_semaphore, #tpu.memory_space<semaphore_mem>>
          %dma_start3A_59 = tpu.memref_slice %arg5[%add3A_27] : memref<331776xi32, #tpu.memory_space<hbm>> -> memref<128xi32, #tpu.memory_space<hbm>>
          %dma_start3A_60 = tpu.memref_slice %arg5[%add3A_27] : memref<331776xi32, #tpu.memory_space<hbm>> -> memref<128xi32, #tpu.memory_space<hbm>>
          tpu.enqueue_dma source(%dma_start3A_60 : memref<128xi32, #tpu.memory_space<hbm>>) target(%arg9 : memref<128xi32, #tpu.memory_space<vmem>>) target_semaphore(%run_scoped3A_58 : memref<!tpu.dma_semaphore, #tpu.memory_space<semaphore_mem>>)
          %dma_wait3A_61 = tpu.memref_slice %arg5[%add3A_27] : memref<331776xi32, #tpu.memory_space<hbm>> -> memref<128xi32, #tpu.memory_space<hbm>>
          %dma_wait3A_62 = tpu.memref_slice %arg5[%add3A_27] : memref<331776xi32, #tpu.memory_space<hbm>> -> memref<128xi32, #tpu.memory_space<hbm>>
          tpu.wait_dma2 semaphore(%run_scoped3A_58 : memref<!tpu.dma_semaphore, #tpu.memory_space<semaphore_mem>>) src(%dma_wait3A_62 : memref<128xi32, #tpu.memory_space<hbm>>) dst(%arg9 : memref<128xi32, #tpu.memory_space<vmem>>)
          tpu.yield
        }) : () -> ()
        %dma_start3A = arith.constant 0 : i32
        %dma_start3A_28 = arith.constant 0 : i32
        %dma_start3A_29 = tpu.memref_slice %arg2[%scan3A_14, %dma_start3A, %dma_start3A_28] : memref<1x10240x128xf32, #tpu.memory_space<hbm>> -> memref<1x10240x128xf32, #tpu.memory_space<hbm>>
        %dma_start3A_30 = tpu.memref_squeeze %dma_start3A_29 : memref<1x10240x128xf32, #tpu.memory_space<hbm>> -> memref<10240x128xf32, #tpu.memory_space<hbm>>
        %dma_start3A_31 = arith.constant 0 : i32
        %dma_start3A_32 = arith.constant 0 : i32
        %dma_start3A_33 = tpu.memref_slice %dma_start3A_30[%dma_start3A_31, %dma_start3A_32] : memref<10240x128xf32, #tpu.memory_space<hbm>> -> memref<10240x128xf32, #tpu.memory_space<hbm>>
        tpu.enqueue_indirect_dma source(%dma_start3A_33 : memref<10240x128xf32, #tpu.memory_space<hbm>>) target(%arg10 : memref<128x128xf32, #tpu.memory_space<vmem>>) offsets(%arg8 : memref<128xi32, #tpu.memory_space<vmem>>) semaphore(%arg14 : memref<!tpu.dma_semaphore, #tpu.memory_space<semaphore_mem>>)
        %dma_start3A_34 = arith.constant 0 : i32
        %dma_start3A_35 = arith.constant 0 : i32
        %dma_start3A_36 = tpu.memref_slice %arg3[%dma_start3A_34, %dma_start3A_35] : memref<10240x16xf32, #tpu.memory_space<hbm>> -> memref<10240x16xf32, #tpu.memory_space<hbm>>
        tpu.enqueue_indirect_dma source(%dma_start3A_36 : memref<10240x16xf32, #tpu.memory_space<hbm>>) target(%arg11 : memref<128x16xf32, #tpu.memory_space<vmem>>) offsets(%arg8 : memref<128xi32, #tpu.memory_space<vmem>>) semaphore(%arg15 : memref<!tpu.dma_semaphore, #tpu.memory_space<semaphore_mem>>)
        %dma_wait3A = arith.constant 0 : i32
        %dma_wait3A_37 = arith.constant 0 : i32
        %dma_wait3A_38 = tpu.memref_slice %arg2[%scan3A_14, %dma_wait3A, %dma_wait3A_37] : memref<1x10240x128xf32, #tpu.memory_space<hbm>> -> memref<1x10240x128xf32, #tpu.memory_space<hbm>>
        %dma_wait3A_39 = tpu.memref_squeeze %dma_wait3A_38 : memref<1x10240x128xf32, #tpu.memory_space<hbm>> -> memref<10240x128xf32, #tpu.memory_space<hbm>>
        %dma_wait3A_40 = arith.constant 0 : i32
        %dma_wait3A_41 = arith.constant 0 : i32
        %dma_wait3A_42 = tpu.memref_slice %dma_wait3A_39[%dma_wait3A_40, %dma_wait3A_41] : memref<10240x128xf32, #tpu.memory_space<hbm>> -> memref<10240x128xf32, #tpu.memory_space<hbm>>
        tpu.wait_indirect_dma semaphore(%arg14 : memref<!tpu.dma_semaphore, #tpu.memory_space<semaphore_mem>>) src(%dma_wait3A_42 : memref<10240x128xf32, #tpu.memory_space<hbm>>) dst(%arg10 : memref<128x128xf32, #tpu.memory_space<vmem>>)
        %dma_wait3A_43 = arith.constant 0 : i32
        %dma_wait3A_44 = arith.constant 0 : i32
        %dma_wait3A_45 = tpu.memref_slice %arg3[%dma_wait3A_43, %dma_wait3A_44] : memref<10240x16xf32, #tpu.memory_space<hbm>> -> memref<10240x16xf32, #tpu.memory_space<hbm>>
        tpu.wait_indirect_dma semaphore(%arg15 : memref<!tpu.dma_semaphore, #tpu.memory_space<semaphore_mem>>) src(%dma_wait3A_45 : memref<10240x16xf32, #tpu.memory_space<hbm>>) dst(%arg11 : memref<128x16xf32, #tpu.memory_space<vmem>>)
        %dma_start3A_46 = arith.constant 0 : i32
        %dma_start3A_47 = arith.constant 0 : i32
        %dma_start3A_48 = tpu.memref_slice %arg3[%dma_start3A_46, %dma_start3A_47] : memref<10240x16xf32, #tpu.memory_space<hbm>> -> memref<10240x16xf32, #tpu.memory_space<hbm>>
        tpu.enqueue_indirect_dma source(%dma_start3A_48 : memref<10240x16xf32, #tpu.memory_space<hbm>>) target(%arg12 : memref<128x16xf32, #tpu.memory_space<vmem>>) offsets(%arg9 : memref<128xi32, #tpu.memory_space<vmem>>) semaphore(%arg15 : memref<!tpu.dma_semaphore, #tpu.memory_space<semaphore_mem>>)
        %dma_wait3A_49 = arith.constant 0 : i32
        %dma_wait3A_50 = arith.constant 0 : i32
        %dma_wait3A_51 = tpu.memref_slice %arg3[%dma_wait3A_49, %dma_wait3A_50] : memref<10240x16xf32, #tpu.memory_space<hbm>> -> memref<10240x16xf32, #tpu.memory_space<hbm>>
        tpu.wait_indirect_dma semaphore(%arg15 : memref<!tpu.dma_semaphore, #tpu.memory_space<semaphore_mem>>) src(%dma_wait3A_51 : memref<10240x16xf32, #tpu.memory_space<hbm>>) dst(%arg12 : memref<128x16xf32, #tpu.memory_space<vmem>>)
        %scan3A_52 = arith.constant 0 : i32
        %scan3A_53 = arith.constant 0 : i32
        %scan3A_54 = arith.constant 128 : i32
        %scan3A_55 = arith.addi %scan3A_53, %scan3A_54 : i32
        %scan3A_56 = arith.constant 2 : i32
        scf.for %scan3A_58 = %scan3A_53 to %scan3A_55 step %scan3A_56  : i32 {
          %get3A = arith.index_cast %scan3A_58 : i32 to index
          %get3A_59 = arith.constant 0 : index
          %get3A_60 = tpu.vector_load %arg11[%get3A, %get3A_59] {strides = array<i32>} : memref<128x16xf32, #tpu.memory_space<vmem>>, vector<1x16xf32>,
          %get3A_61 = vector.shape_cast %get3A_60 : vector<1x16xf32> to vector<16xf32>
          %get3A_62 = arith.index_cast %scan3A_58 : i32 to index
          %get3A_63 = arith.constant 0 : index
          %get3A_64 = tpu.vector_load %arg12[%get3A_62, %get3A_63] {strides = array<i32>} : memref<128x16xf32, #tpu.memory_space<vmem>>, vector<1x16xf32>,
          %get3A_65 = vector.shape_cast %get3A_64 : vector<1x16xf32> to vector<16xf32>
          %mul3A_66 = arith.mulf %get3A_61, %get3A_65 : vector<16xf32>
          %get3A_67 = arith.index_cast %scan3A_58 : i32 to index
          %get3A_68 = arith.constant 0 : index
          %get3A_69 = tpu.vector_load %arg10[%get3A_67, %get3A_68] {strides = array<i32>} : memref<128x128xf32, #tpu.memory_space<vmem>>, vector<1x16xf32>,
          %get3A_70 = vector.shape_cast %get3A_69 : vector<1x16xf32> to vector<16xf32>
          %mul3A_71 = arith.mulf %get3A_70, %mul3A_66 : vector<16xf32>
          %swap3A = arith.index_cast %scan3A_58 : i32 to index
          %swap3A_72 = arith.constant 0 : index
          %swap3A_73 = tpu.vector_load %arg10[%swap3A, %swap3A_72] {strides = array<i32>} : memref<128x128xf32, #tpu.memory_space<vmem>>, vector<1x16xf32>,
          %swap3A_74 = vector.shape_cast %swap3A_73 : vector<1x16xf32> to vector<16xf32>
          %swap3A_75 = vector.shape_cast %mul3A_71 : vector<16xf32> to vector<1x16xf32>
          tpu.vector_store %arg10[%swap3A, %swap3A_72], %swap3A_75 {strides = array<i32>} : memref<128x128xf32, #tpu.memory_space<vmem>>, vector<1x16xf32>,
          %get3A_76 = arith.index_cast %scan3A_58 : i32 to index
          %get3A_77 = arith.constant 16 : index
          %get3A_78 = tpu.vector_load %arg10[%get3A_76, %get3A_77] {strides = array<i32>} : memref<128x128xf32, #tpu.memory_space<vmem>>, vector<1x16xf32>,
          %get3A_79 = vector.shape_cast %get3A_78 : vector<1x16xf32> to vector<16xf32>
          %mul3A_80 = arith.mulf %get3A_79, %mul3A_66 : vector<16xf32>
          %swap3A_81 = arith.index_cast %scan3A_58 : i32 to index
          %swap3A_82 = arith.constant 16 : index
          %swap3A_83 = tpu.vector_load %arg10[%swap3A_81, %swap3A_82] {strides = array<i32>} : memref<128x128xf32, #tpu.memory_space<vmem>>, vector<1x16xf32>,
          %swap3A_84 = vector.shape_cast %swap3A_83 : vector<1x16xf32> to vector<16xf32>
          %swap3A_85 = vector.shape_cast %mul3A_80 : vector<16xf32> to vector<1x16xf32>
          tpu.vector_store %arg10[%swap3A_81, %swap3A_82], %swap3A_85 {strides = array<i32>} : memref<128x128xf32, #tpu.memory_space<vmem>>, vector<1x16xf32>,
          %get3A_86 = arith.index_cast %scan3A_58 : i32 to index
          %get3A_87 = arith.constant 32 : index
          %get3A_88 = tpu.vector_load %arg10[%get3A_86, %get3A_87] {strides = array<i32>} : memref<128x128xf32, #tpu.memory_space<vmem>>, vector<1x16xf32>,
          %get3A_89 = vector.shape_cast %get3A_88 : vector<1x16xf32> to vector<16xf32>
          %mul3A_90 = arith.mulf %get3A_89, %mul3A_66 : vector<16xf32>
          %swap3A_91 = arith.index_cast %scan3A_58 : i32 to index
          %swap3A_92 = arith.constant 32 : index
          %swap3A_93 = tpu.vector_load %arg10[%swap3A_91, %swap3A_92] {strides = array<i32>} : memref<128x128xf32, #tpu.memory_space<vmem>>, vector<1x16xf32>,
          %swap3A_94 = vector.shape_cast %swap3A_93 : vector<1x16xf32> to vector<16xf32>
          %swap3A_95 = vector.shape_cast %mul3A_90 : vector<16xf32> to vector<1x16xf32>
          tpu.vector_store %arg10[%swap3A_91, %swap3A_92], %swap3A_95 {strides = array<i32>} : memref<128x128xf32, #tpu.memory_space<vmem>>, vector<1x16xf32>,
          %get3A_96 = arith.index_cast %scan3A_58 : i32 to index
          %get3A_97 = arith.constant 48 : index
          %get3A_98 = tpu.vector_load %arg10[%get3A_96, %get3A_97] {strides = array<i32>} : memref<128x128xf32, #tpu.memory_space<vmem>>, vector<1x16xf32>,
          %get3A_99 = vector.shape_cast %get3A_98 : vector<1x16xf32> to vector<16xf32>
          %mul3A_100 = arith.mulf %get3A_99, %mul3A_66 : vector<16xf32>
          %swap3A_101 = arith.index_cast %scan3A_58 : i32 to index
          %swap3A_102 = arith.constant 48 : index
          %swap3A_103 = tpu.vector_load %arg10[%swap3A_101, %swap3A_102] {strides = array<i32>} : memref<128x128xf32, #tpu.memory_space<vmem>>, vector<1x16xf32>,
          %swap3A_104 = vector.shape_cast %swap3A_103 : vector<1x16xf32> to vector<16xf32>
          %swap3A_105 = vector.shape_cast %mul3A_100 : vector<16xf32> to vector<1x16xf32>
          tpu.vector_store %arg10[%swap3A_101, %swap3A_102], %swap3A_105 {strides = array<i32>} : memref<128x128xf32, #tpu.memory_space<vmem>>, vector<1x16xf32>,
          %get3A_106 = arith.index_cast %scan3A_58 : i32 to index
          %get3A_107 = arith.constant 64 : index
          %get3A_108 = tpu.vector_load %arg10[%get3A_106, %get3A_107] {strides = array<i32>} : memref<128x128xf32, #tpu.memory_space<vmem>>, vector<1x16xf32>,
          %get3A_109 = vector.shape_cast %get3A_108 : vector<1x16xf32> to vector<16xf32>
          %mul3A_110 = arith.mulf %get3A_109, %mul3A_66 : vector<16xf32>
          %swap3A_111 = arith.index_cast %scan3A_58 : i32 to index
          %swap3A_112 = arith.constant 64 : index
          %swap3A_113 = tpu.vector_load %arg10[%swap3A_111, %swap3A_112] {strides = array<i32>} : memref<128x128xf32, #tpu.memory_space<vmem>>, vector<1x16xf32>,
          %swap3A_114 = vector.shape_cast %swap3A_113 : vector<1x16xf32> to vector<16xf32>
          %swap3A_115 = vector.shape_cast %mul3A_110 : vector<16xf32> to vector<1x16xf32>
          tpu.vector_store %arg10[%swap3A_111, %swap3A_112], %swap3A_115 {strides = array<i32>} : memref<128x128xf32, #tpu.memory_space<vmem>>, vector<1x16xf32>,
          %get3A_116 = arith.index_cast %scan3A_58 : i32 to index
          %get3A_117 = arith.constant 80 : index
          %get3A_118 = tpu.vector_load %arg10[%get3A_116, %get3A_117] {strides = array<i32>} : memref<128x128xf32, #tpu.memory_space<vmem>>, vector<1x16xf32>,
          %get3A_119 = vector.shape_cast %get3A_118 : vector<1x16xf32> to vector<16xf32>
          %mul3A_120 = arith.mulf %get3A_119, %mul3A_66 : vector<16xf32>
          %swap3A_121 = arith.index_cast %scan3A_58 : i32 to index
          %swap3A_122 = arith.constant 80 : index
          %swap3A_123 = tpu.vector_load %arg10[%swap3A_121, %swap3A_122] {strides = array<i32>} : memref<128x128xf32, #tpu.memory_space<vmem>>, vector<1x16xf32>,
          %swap3A_124 = vector.shape_cast %swap3A_123 : vector<1x16xf32> to vector<16xf32>
          %swap3A_125 = vector.shape_cast %mul3A_120 : vector<16xf32> to vector<1x16xf32>
          tpu.vector_store %arg10[%swap3A_121, %swap3A_122], %swap3A_125 {strides = array<i32>} : memref<128x128xf32, #tpu.memory_space<vmem>>, vector<1x16xf32>,
          %get3A_126 = arith.index_cast %scan3A_58 : i32 to index
          %get3A_127 = arith.constant 96 : index
          %get3A_128 = tpu.vector_load %arg10[%get3A_126, %get3A_127] {strides = array<i32>} : memref<128x128xf32, #tpu.memory_space<vmem>>, vector<1x16xf32>,
          %get3A_129 = vector.shape_cast %get3A_128 : vector<1x16xf32> to vector<16xf32>
          %mul3A_130 = arith.mulf %get3A_129, %mul3A_66 : vector<16xf32>
          %swap3A_131 = arith.index_cast %scan3A_58 : i32 to index
          %swap3A_132 = arith.constant 96 : index
          %swap3A_133 = tpu.vector_load %arg10[%swap3A_131, %swap3A_132] {strides = array<i32>} : memref<128x128xf32, #tpu.memory_space<vmem>>, vector<1x16xf32>,
          %swap3A_134 = vector.shape_cast %swap3A_133 : vector<1x16xf32> to vector<16xf32>
          %swap3A_135 = vector.shape_cast %mul3A_130 : vector<16xf32> to vector<1x16xf32>
          tpu.vector_store %arg10[%swap3A_131, %swap3A_132], %swap3A_135 {strides = array<i32>} : memref<128x128xf32, #tpu.memory_space<vmem>>, vector<1x16xf32>,
          %get3A_136 = arith.index_cast %scan3A_58 : i32 to index
          %get3A_137 = arith.constant 112 : index
          %get3A_138 = tpu.vector_load %arg10[%get3A_136, %get3A_137] {strides = array<i32>} : memref<128x128xf32, #tpu.memory_space<vmem>>, vector<1x16xf32>,
          %get3A_139 = vector.shape_cast %get3A_138 : vector<1x16xf32> to vector<16xf32>
          %mul3A_140 = arith.mulf %get3A_139, %mul3A_66 : vector<16xf32>
          %swap3A_141 = arith.index_cast %scan3A_58 : i32 to index
          %swap3A_142 = arith.constant 112 : index
          %swap3A_143 = tpu.vector_load %arg10[%swap3A_141, %swap3A_142] {strides = array<i32>} : memref<128x128xf32, #tpu.memory_space<vmem>>, vector<1x16xf32>,
          %swap3A_144 = vector.shape_cast %swap3A_143 : vector<1x16xf32> to vector<16xf32>
          %swap3A_145 = vector.shape_cast %mul3A_140 : vector<16xf32> to vector<1x16xf32>
          tpu.vector_store %arg10[%swap3A_141, %swap3A_142], %swap3A_145 {strides = array<i32>} : memref<128x128xf32, #tpu.memory_space<vmem>>, vector<1x16xf32>,
          %scan3A_146 = arith.constant 1 : i32
          %scan3A_147 = arith.addi %scan3A_58, %scan3A_146 : i32
          %get3A_148 = arith.index_cast %scan3A_147 : i32 to index
          %get3A_149 = arith.constant 0 : index
          %get3A_150 = tpu.vector_load %arg11[%get3A_148, %get3A_149] {strides = array<i32>} : memref<128x16xf32, #tpu.memory_space<vmem>>, vector<1x16xf32>,
          %get3A_151 = vector.shape_cast %get3A_150 : vector<1x16xf32> to vector<16xf32>
          %get3A_152 = arith.index_cast %scan3A_147 : i32 to index
          %get3A_153 = arith.constant 0 : index
          %get3A_154 = tpu.vector_load %arg12[%get3A_152, %get3A_153] {strides = array<i32>} : memref<128x16xf32, #tpu.memory_space<vmem>>, vector<1x16xf32>,
          %get3A_155 = vector.shape_cast %get3A_154 : vector<1x16xf32> to vector<16xf32>
          %mul3A_156 = arith.mulf %get3A_151, %get3A_155 : vector<16xf32>
          %get3A_157 = arith.index_cast %scan3A_147 : i32 to index
          %get3A_158 = arith.constant 0 : index
          %get3A_159 = tpu.vector_load %arg10[%get3A_157, %get3A_158] {strides = array<i32>} : memref<128x128xf32, #tpu.memory_space<vmem>>, vector<1x16xf32>,
          %get3A_160 = vector.shape_cast %get3A_159 : vector<1x16xf32> to vector<16xf32>
          %mul3A_161 = arith.mulf %get3A_160, %mul3A_156 : vector<16xf32>
          %swap3A_162 = arith.index_cast %scan3A_147 : i32 to index
          %swap3A_163 = arith.constant 0 : index
          %swap3A_164 = tpu.vector_load %arg10[%swap3A_162, %swap3A_163] {strides = array<i32>} : memref<128x128xf32, #tpu.memory_space<vmem>>, vector<1x16xf32>,
          %swap3A_165 = vector.shape_cast %swap3A_164 : vector<1x16xf32> to vector<16xf32>
          %swap3A_166 = vector.shape_cast %mul3A_161 : vector<16xf32> to vector<1x16xf32>
          tpu.vector_store %arg10[%swap3A_162, %swap3A_163], %swap3A_166 {strides = array<i32>} : memref<128x128xf32, #tpu.memory_space<vmem>>, vector<1x16xf32>,
          %get3A_167 = arith.index_cast %scan3A_147 : i32 to index
          %get3A_168 = arith.constant 16 : index
          %get3A_169 = tpu.vector_load %arg10[%get3A_167, %get3A_168] {strides = array<i32>} : memref<128x128xf32, #tpu.memory_space<vmem>>, vector<1x16xf32>,
          %get3A_170 = vector.shape_cast %get3A_169 : vector<1x16xf32> to vector<16xf32>
          %mul3A_171 = arith.mulf %get3A_170, %mul3A_156 : vector<16xf32>
          %swap3A_172 = arith.index_cast %scan3A_147 : i32 to index
          %swap3A_173 = arith.constant 16 : index
          %swap3A_174 = tpu.vector_load %arg10[%swap3A_172, %swap3A_173] {strides = array<i32>} : memref<128x128xf32, #tpu.memory_space<vmem>>, vector<1x16xf32>,
          %swap3A_175 = vector.shape_cast %swap3A_174 : vector<1x16xf32> to vector<16xf32>
          %swap3A_176 = vector.shape_cast %mul3A_171 : vector<16xf32> to vector<1x16xf32>
          tpu.vector_store %arg10[%swap3A_172, %swap3A_173], %swap3A_176 {strides = array<i32>} : memref<128x128xf32, #tpu.memory_space<vmem>>, vector<1x16xf32>,
          %get3A_177 = arith.index_cast %scan3A_147 : i32 to index
          %get3A_178 = arith.constant 32 : index
          %get3A_179 = tpu.vector_load %arg10[%get3A_177, %get3A_178] {strides = array<i32>} : memref<128x128xf32, #tpu.memory_space<vmem>>, vector<1x16xf32>,
          %get3A_180 = vector.shape_cast %get3A_179 : vector<1x16xf32> to vector<16xf32>
          %mul3A_181 = arith.mulf %get3A_180, %mul3A_156 : vector<16xf32>
          %swap3A_182 = arith.index_cast %scan3A_147 : i32 to index
          %swap3A_183 = arith.constant 32 : index
          %swap3A_184 = tpu.vector_load %arg10[%swap3A_182, %swap3A_183] {strides = array<i32>} : memref<128x128xf32, #tpu.memory_space<vmem>>, vector<1x16xf32>,
          %swap3A_185 = vector.shape_cast %swap3A_184 : vector<1x16xf32> to vector<16xf32>
          %swap3A_186 = vector.shape_cast %mul3A_181 : vector<16xf32> to vector<1x16xf32>
          tpu.vector_store %arg10[%swap3A_182, %swap3A_183], %swap3A_186 {strides = array<i32>} : memref<128x128xf32, #tpu.memory_space<vmem>>, vector<1x16xf32>,
          %get3A_187 = arith.index_cast %scan3A_147 : i32 to index
          %get3A_188 = arith.constant 48 : index
          %get3A_189 = tpu.vector_load %arg10[%get3A_187, %get3A_188] {strides = array<i32>} : memref<128x128xf32, #tpu.memory_space<vmem>>, vector<1x16xf32>,
          %get3A_190 = vector.shape_cast %get3A_189 : vector<1x16xf32> to vector<16xf32>
          %mul3A_191 = arith.mulf %get3A_190, %mul3A_156 : vector<16xf32>
          %swap3A_192 = arith.index_cast %scan3A_147 : i32 to index
          %swap3A_193 = arith.constant 48 : index
          %swap3A_194 = tpu.vector_load %arg10[%swap3A_192, %swap3A_193] {strides = array<i32>} : memref<128x128xf32, #tpu.memory_space<vmem>>, vector<1x16xf32>,
          %swap3A_195 = vector.shape_cast %swap3A_194 : vector<1x16xf32> to vector<16xf32>
          %swap3A_196 = vector.shape_cast %mul3A_191 : vector<16xf32> to vector<1x16xf32>
          tpu.vector_store %arg10[%swap3A_192, %swap3A_193], %swap3A_196 {strides = array<i32>} : memref<128x128xf32, #tpu.memory_space<vmem>>, vector<1x16xf32>,
          %get3A_197 = arith.index_cast %scan3A_147 : i32 to index
          %get3A_198 = arith.constant 64 : index
          %get3A_199 = tpu.vector_load %arg10[%get3A_197, %get3A_198] {strides = array<i32>} : memref<128x128xf32, #tpu.memory_space<vmem>>, vector<1x16xf32>,
          %get3A_200 = vector.shape_cast %get3A_199 : vector<1x16xf32> to vector<16xf32>
          %mul3A_201 = arith.mulf %get3A_200, %mul3A_156 : vector<16xf32>
          %swap3A_202 = arith.index_cast %scan3A_147 : i32 to index
          %swap3A_203 = arith.constant 64 : index
          %swap3A_204 = tpu.vector_load %arg10[%swap3A_202, %swap3A_203] {strides = array<i32>} : memref<128x128xf32, #tpu.memory_space<vmem>>, vector<1x16xf32>,
          %swap3A_205 = vector.shape_cast %swap3A_204 : vector<1x16xf32> to vector<16xf32>
          %swap3A_206 = vector.shape_cast %mul3A_201 : vector<16xf32> to vector<1x16xf32>
          tpu.vector_store %arg10[%swap3A_202, %swap3A_203], %swap3A_206 {strides = array<i32>} : memref<128x128xf32, #tpu.memory_space<vmem>>, vector<1x16xf32>,
          %get3A_207 = arith.index_cast %scan3A_147 : i32 to index
          %get3A_208 = arith.constant 80 : index
          %get3A_209 = tpu.vector_load %arg10[%get3A_207, %get3A_208] {strides = array<i32>} : memref<128x128xf32, #tpu.memory_space<vmem>>, vector<1x16xf32>,
          %get3A_210 = vector.shape_cast %get3A_209 : vector<1x16xf32> to vector<16xf32>
          %mul3A_211 = arith.mulf %get3A_210, %mul3A_156 : vector<16xf32>
          %swap3A_212 = arith.index_cast %scan3A_147 : i32 to index
          %swap3A_213 = arith.constant 80 : index
          %swap3A_214 = tpu.vector_load %arg10[%swap3A_212, %swap3A_213] {strides = array<i32>} : memref<128x128xf32, #tpu.memory_space<vmem>>, vector<1x16xf32>,
          %swap3A_215 = vector.shape_cast %swap3A_214 : vector<1x16xf32> to vector<16xf32>
          %swap3A_216 = vector.shape_cast %mul3A_211 : vector<16xf32> to vector<1x16xf32>
          tpu.vector_store %arg10[%swap3A_212, %swap3A_213], %swap3A_216 {strides = array<i32>} : memref<128x128xf32, #tpu.memory_space<vmem>>, vector<1x16xf32>,
          %get3A_217 = arith.index_cast %scan3A_147 : i32 to index
          %get3A_218 = arith.constant 96 : index
          %get3A_219 = tpu.vector_load %arg10[%get3A_217, %get3A_218] {strides = array<i32>} : memref<128x128xf32, #tpu.memory_space<vmem>>, vector<1x16xf32>,
          %get3A_220 = vector.shape_cast %get3A_219 : vector<1x16xf32> to vector<16xf32>
          %mul3A_221 = arith.mulf %get3A_220, %mul3A_156 : vector<16xf32>
          %swap3A_222 = arith.index_cast %scan3A_147 : i32 to index
          %swap3A_223 = arith.constant 96 : index
          %swap3A_224 = tpu.vector_load %arg10[%swap3A_222, %swap3A_223] {strides = array<i32>} : memref<128x128xf32, #tpu.memory_space<vmem>>, vector<1x16xf32>,
          %swap3A_225 = vector.shape_cast %swap3A_224 : vector<1x16xf32> to vector<16xf32>
          %swap3A_226 = vector.shape_cast %mul3A_221 : vector<16xf32> to vector<1x16xf32>
          tpu.vector_store %arg10[%swap3A_222, %swap3A_223], %swap3A_226 {strides = array<i32>} : memref<128x128xf32, #tpu.memory_space<vmem>>, vector<1x16xf32>,
          %get3A_227 = arith.index_cast %scan3A_147 : i32 to index
          %get3A_228 = arith.constant 112 : index
          %get3A_229 = tpu.vector_load %arg10[%get3A_227, %get3A_228] {strides = array<i32>} : memref<128x128xf32, #tpu.memory_space<vmem>>, vector<1x16xf32>,
          %get3A_230 = vector.shape_cast %get3A_229 : vector<1x16xf32> to vector<16xf32>
          %mul3A_231 = arith.mulf %get3A_230, %mul3A_156 : vector<16xf32>
          %swap3A_232 = arith.index_cast %scan3A_147 : i32 to index
          %swap3A_233 = arith.constant 112 : index
          %swap3A_234 = tpu.vector_load %arg10[%swap3A_232, %swap3A_233] {strides = array<i32>} : memref<128x128xf32, #tpu.memory_space<vmem>>, vector<1x16xf32>,
          %swap3A_235 = vector.shape_cast %swap3A_234 : vector<1x16xf32> to vector<16xf32>
          %swap3A_236 = vector.shape_cast %mul3A_231 : vector<16xf32> to vector<1x16xf32>
          tpu.vector_store %arg10[%swap3A_232, %swap3A_233], %swap3A_236 {strides = array<i32>} : memref<128x128xf32, #tpu.memory_space<vmem>>, vector<1x16xf32>,
        }
        %scan3A_57 = arith.constant 128 : i32
        "tpu.region"() ({
          %run_scoped3A_58 = tpu.sem_alloc : memref<!tpu.dma_semaphore, #tpu.memory_space<semaphore_mem>>
          %dma_start3A_59 = arith.constant 0 : i32
          %dma_start3A_60 = arith.constant 0 : i32
          %dma_start3A_61 = tpu.memref_slice %arg13[%dma_start3A_59, %dma_start3A_60] : memref<10240x128xf32, #tpu.memory_space<vmem_shared>> -> memref<10240x128xf32, #tpu.memory_space<vmem_shared>>
          tpu.enqueue_indirect_dma source(%arg10 : memref<128x128xf32, #tpu.memory_space<vmem>>) target(%dma_start3A_61 : memref<10240x128xf32, #tpu.memory_space<vmem_shared>>) offsets(%arg9 : memref<128xi32, #tpu.memory_space<vmem>>) semaphore(%run_scoped3A_58 : memref<!tpu.dma_semaphore, #tpu.memory_space<semaphore_mem>>) {add = true}
          %dma_wait3A_62 = arith.constant 0 : i32
          %dma_wait3A_63 = arith.constant 0 : i32
          %dma_wait3A_64 = tpu.memref_slice %arg13[%dma_wait3A_62, %dma_wait3A_63] : memref<10240x128xf32, #tpu.memory_space<vmem_shared>> -> memref<10240x128xf32, #tpu.memory_space<vmem_shared>>
          tpu.wait_indirect_dma semaphore(%run_scoped3A_58 : memref<!tpu.dma_semaphore, #tpu.memory_space<semaphore_mem>>) src(%arg10 : memref<128x128xf32, #tpu.memory_space<vmem>>) dst(%dma_wait3A_64 : memref<10240x128xf32, #tpu.memory_space<vmem_shared>>)
          tpu.yield
        }) : () -> ()
      }
      %scan3A_19 = arith.constant 81 : i32
      %barrier3A_20 = arith.constant 0 : index
      tpu.barrier barrier_id(%barrier3A_20)
      %mul3A_21 = arith.constant 640 : i32
      %mul3A_22 = arith.muli %arg1, %mul3A_21 : i32
      %run_scoped3A = arith.constant 1 : i32
      "tpu.region"() ({
        %run_scoped3A_24 = tpu.sem_alloc : memref<!tpu.dma_semaphore, #tpu.memory_space<semaphore_mem>>
        %dma_start3A = arith.constant 0 : i32
        %dma_start3A_25 = arith.constant 0 : i32
        %dma_start3A_26 = tpu.memref_slice %arg7[%run_scoped3A, %dma_start3A, %dma_start3A_25] : memref<2x10240x128xf32, #tpu.memory_space<hbm>> -> memref<1x10240x128xf32, #tpu.memory_space<hbm>>
        %dma_start3A_27 = tpu.memref_squeeze %dma_start3A_26 : memref<1x10240x128xf32, #tpu.memory_space<hbm>> -> memref<10240x128xf32, #tpu.memory_space<hbm>>
        %dma_start3A_28 = arith.constant 0 : i32
        %dma_start3A_29 = tpu.memref_slice %dma_start3A_27[%mul3A_22, %dma_start3A_28] : memref<10240x128xf32, #tpu.memory_space<hbm>> -> memref<640x128xf32, #tpu.memory_space<hbm>>
        %dma_start3A_30 = arith.constant 0 : i32
        %dma_start3A_31 = tpu.memref_slice %arg13[%mul3A_22, %dma_start3A_30] : memref<10240x128xf32, #tpu.memory_space<vmem_shared>> -> memref<640x128xf32, #tpu.memory_space<vmem_shared>>
        tpu.enqueue_dma source(%dma_start3A_31 : memref<640x128xf32, #tpu.memory_space<vmem_shared>>) target(%dma_start3A_29 : memref<640x128xf32, #tpu.memory_space<hbm>>) target_semaphore(%run_scoped3A_24 : memref<!tpu.dma_semaphore, #tpu.memory_space<semaphore_mem>>)
        %dma_wait3A = arith.constant 0 : i32
        %dma_wait3A_32 = arith.constant 0 : i32
        %dma_wait3A_33 = tpu.memref_slice %arg7[%run_scoped3A, %dma_wait3A, %dma_wait3A_32] : memref<2x10240x128xf32, #tpu.memory_space<hbm>> -> memref<1x10240x128xf32, #tpu.memory_space<hbm>>
        %dma_wait3A_34 = tpu.memref_squeeze %dma_wait3A_33 : memref<1x10240x128xf32, #tpu.memory_space<hbm>> -> memref<10240x128xf32, #tpu.memory_space<hbm>>
        %dma_wait3A_35 = arith.constant 0 : i32
        %dma_wait3A_36 = tpu.memref_slice %dma_wait3A_34[%mul3A_22, %dma_wait3A_35] : memref<10240x128xf32, #tpu.memory_space<hbm>> -> memref<640x128xf32, #tpu.memory_space<hbm>>
        %dma_wait3A_37 = arith.constant 0 : i32
        %dma_wait3A_38 = tpu.memref_slice %arg13[%mul3A_22, %dma_wait3A_37] : memref<10240x128xf32, #tpu.memory_space<vmem_shared>> -> memref<640x128xf32, #tpu.memory_space<vmem_shared>>
        tpu.wait_dma2 semaphore(%run_scoped3A_24 : memref<!tpu.dma_semaphore, #tpu.memory_space<semaphore_mem>>) src(%dma_wait3A_38 : memref<640x128xf32, #tpu.memory_space<vmem_shared>>) dst(%dma_wait3A_36 : memref<640x128xf32, #tpu.memory_space<hbm>>)
        tpu.yield
      }) : () -> ()
      %barrier3A_23 = arith.constant 0 : index
      tpu.barrier barrier_id(%barrier3A_23)
    } else {
    }
    return
  }
}

#map = affine_map<(d0, d1) -> (0, 0)>
#map1 = affine_map<(d0, d1) -> (0)>
module attributes {stable_mosaic.version = 14 : i64} {
  func.func @_sc_edge_stats(%arg0: i32, %arg1: i32, %arg2: memref<10240x16xf32, #tpu.memory_space<hbm>>, %arg3: memref<10240x16xf32, #tpu.memory_space<hbm>>, %arg4: memref<331776xi32, #tpu.memory_space<hbm>>, %arg5: memref<331776xi32, #tpu.memory_space<hbm>>, %arg6: memref<10240x16xf32, #tpu.memory_space<hbm>>, %arg7: memref<331776x16xf32, #tpu.memory_space<hbm>>, %arg8: memref<10240x16xf32, #tpu.memory_space<hbm>>, %arg9: memref<128xi32, #tpu.memory_space<vmem>>, %arg10: memref<128xi32, #tpu.memory_space<vmem>>, %arg11: memref<128x16xf32, #tpu.memory_space<vmem>>, %arg12: memref<128x16xf32, #tpu.memory_space<vmem>>, %arg13: memref<128x16xf32, #tpu.memory_space<vmem>>, %arg14: memref<10240x16xf32, #tpu.memory_space<vmem_shared>>, %arg15: memref<!tpu.dma_semaphore, #tpu.memory_space<semaphore_mem>>, %arg16: memref<!tpu.dma_semaphore, #tpu.memory_space<semaphore_mem>>) attributes {dimension_semantics = [#tpu.dimension_semantics<core_parallel>, #tpu.dimension_semantics<subcore_parallel>], iteration_bounds = array<i64: 2, 16>, scalar_prefetch = 0 : i64, scratch_operands = 8 : i64, tpu.core_type = #tpu.core_type<sc_vector_subcore>, window_params = [{transform_indices = #map}, {transform_indices = #map}, {transform_indices = #map1}, {transform_indices = #map1}, {transform_indices = #map}, {transform_indices = #map}, {transform_indices = #map}]} {
    %eq3A = arith.constant 0 : i32
    %eq3A_0 = arith.cmpi eq, %arg1, %eq3A : i32
    %convert_element_type3A = arith.extui %eq3A_0 : i1 to i32
    %cond3A = arith.constant 0 : i32
    %cond3A_1 = arith.cmpi ne, %convert_element_type3A, %cond3A : i32
    scf.if %cond3A_1 {
      "tpu.region"() ({
        %run_scoped3A = tpu.sem_alloc : memref<!tpu.dma_semaphore, #tpu.memory_space<semaphore_mem>>
        tpu.enqueue_dma source(%arg6 : memref<10240x16xf32, #tpu.memory_space<hbm>>) target(%arg14 : memref<10240x16xf32, #tpu.memory_space<vmem_shared>>) target_semaphore(%run_scoped3A : memref<!tpu.dma_semaphore, #tpu.memory_space<semaphore_mem>>)
        tpu.wait_dma2 semaphore(%run_scoped3A : memref<!tpu.dma_semaphore, #tpu.memory_space<semaphore_mem>>) src(%arg6 : memref<10240x16xf32, #tpu.memory_space<hbm>>) dst(%arg14 : memref<10240x16xf32, #tpu.memory_space<vmem_shared>>)
        tpu.yield
      }) : () -> ()
    } else {
    }
    %barrier3A = arith.constant 0 : index
    tpu.barrier barrier_id(%barrier3A)
    %eq3A_2 = arith.constant 0 : i32
    %eq3A_3 = arith.cmpi eq, %arg0, %eq3A_2 : i32
    %lt3A = arith.constant 8 : i32
    %lt3A_4 = arith.cmpi slt, %arg1, %lt3A : i32
    %and3A = arith.andi %eq3A_3, %lt3A_4 : i1
    %eq3A_5 = arith.constant 1 : i32
    %eq3A_6 = arith.cmpi eq, %arg0, %eq3A_5 : i32
    %ge3A = arith.constant 8 : i32
    %ge3A_7 = arith.cmpi sge, %arg1, %ge3A : i32
    %and3A_8 = arith.andi %eq3A_6, %ge3A_7 : i1
    %or3A = arith.ori %and3A, %and3A_8 : i1
    %mul3A = arith.constant 20736 : i32
    %mul3A_9 = arith.muli %arg1, %mul3A : i32
    %scan3A = arith.constant 0 : i32
    %scan3A_10 = arith.constant 0 : i32
    %scan3A_11 = arith.constant 162 : i32
    %scan3A_12 = arith.addi %scan3A_10, %scan3A_11 : i32
    %scan3A_13 = arith.constant 1 : i32
    scf.for %scan3A_20 = %scan3A_10 to %scan3A_12 step %scan3A_13  : i32 {
      %mul3A_21 = arith.constant 128 : i32
      %mul3A_22 = arith.muli %scan3A_20, %mul3A_21 : i32
      %add3A_23 = arith.addi %mul3A_9, %mul3A_22 : i32
      "tpu.region"() ({
        %run_scoped3A = tpu.sem_alloc : memref<!tpu.dma_semaphore, #tpu.memory_space<semaphore_mem>>
        %dma_start3A_43 = tpu.memref_slice %arg4[%add3A_23] : memref<331776xi32, #tpu.memory_space<hbm>> -> memref<128xi32, #tpu.memory_space<hbm>>
        %dma_start3A_44 = tpu.memref_slice %arg4[%add3A_23] : memref<331776xi32, #tpu.memory_space<hbm>> -> memref<128xi32, #tpu.memory_space<hbm>>
        tpu.enqueue_dma source(%dma_start3A_44 : memref<128xi32, #tpu.memory_space<hbm>>) target(%arg9 : memref<128xi32, #tpu.memory_space<vmem>>) target_semaphore(%run_scoped3A : memref<!tpu.dma_semaphore, #tpu.memory_space<semaphore_mem>>)
        %dma_wait3A_45 = tpu.memref_slice %arg4[%add3A_23] : memref<331776xi32, #tpu.memory_space<hbm>> -> memref<128xi32, #tpu.memory_space<hbm>>
        %dma_wait3A_46 = tpu.memref_slice %arg4[%add3A_23] : memref<331776xi32, #tpu.memory_space<hbm>> -> memref<128xi32, #tpu.memory_space<hbm>>
        tpu.wait_dma2 semaphore(%run_scoped3A : memref<!tpu.dma_semaphore, #tpu.memory_space<semaphore_mem>>) src(%dma_wait3A_46 : memref<128xi32, #tpu.memory_space<hbm>>) dst(%arg9 : memref<128xi32, #tpu.memory_space<vmem>>)
        tpu.yield
      }) : () -> ()
      "tpu.region"() ({
        %run_scoped3A = tpu.sem_alloc : memref<!tpu.dma_semaphore, #tpu.memory_space<semaphore_mem>>
        %dma_start3A_43 = tpu.memref_slice %arg5[%add3A_23] : memref<331776xi32, #tpu.memory_space<hbm>> -> memref<128xi32, #tpu.memory_space<hbm>>
        %dma_start3A_44 = tpu.memref_slice %arg5[%add3A_23] : memref<331776xi32, #tpu.memory_space<hbm>> -> memref<128xi32, #tpu.memory_space<hbm>>
        tpu.enqueue_dma source(%dma_start3A_44 : memref<128xi32, #tpu.memory_space<hbm>>) target(%arg10 : memref<128xi32, #tpu.memory_space<vmem>>) target_semaphore(%run_scoped3A : memref<!tpu.dma_semaphore, #tpu.memory_space<semaphore_mem>>)
        %dma_wait3A_45 = tpu.memref_slice %arg5[%add3A_23] : memref<331776xi32, #tpu.memory_space<hbm>> -> memref<128xi32, #tpu.memory_space<hbm>>
        %dma_wait3A_46 = tpu.memref_slice %arg5[%add3A_23] : memref<331776xi32, #tpu.memory_space<hbm>> -> memref<128xi32, #tpu.memory_space<hbm>>
        tpu.wait_dma2 semaphore(%run_scoped3A : memref<!tpu.dma_semaphore, #tpu.memory_space<semaphore_mem>>) src(%dma_wait3A_46 : memref<128xi32, #tpu.memory_space<hbm>>) dst(%arg10 : memref<128xi32, #tpu.memory_space<vmem>>)
        tpu.yield
      }) : () -> ()
      %dma_start3A = arith.constant 0 : i32
      %dma_start3A_24 = arith.constant 0 : i32
      %dma_start3A_25 = tpu.memref_slice %arg2[%dma_start3A, %dma_start3A_24] : memref<10240x16xf32, #tpu.memory_space<hbm>> -> memref<10240x16xf32, #tpu.memory_space<hbm>>
      tpu.enqueue_indirect_dma source(%dma_start3A_25 : memref<10240x16xf32, #tpu.memory_space<hbm>>) target(%arg11 : memref<128x16xf32, #tpu.memory_space<vmem>>) offsets(%arg9 : memref<128xi32, #tpu.memory_space<vmem>>) semaphore(%arg15 : memref<!tpu.dma_semaphore, #tpu.memory_space<semaphore_mem>>)
      %dma_start3A_26 = arith.constant 0 : i32
      %dma_start3A_27 = arith.constant 0 : i32
      %dma_start3A_28 = tpu.memref_slice %arg3[%dma_start3A_26, %dma_start3A_27] : memref<10240x16xf32, #tpu.memory_space<hbm>> -> memref<10240x16xf32, #tpu.memory_space<hbm>>
      tpu.enqueue_indirect_dma source(%dma_start3A_28 : memref<10240x16xf32, #tpu.memory_space<hbm>>) target(%arg12 : memref<128x16xf32, #tpu.memory_space<vmem>>) offsets(%arg10 : memref<128xi32, #tpu.memory_space<vmem>>) semaphore(%arg16 : memref<!tpu.dma_semaphore, #tpu.memory_space<semaphore_mem>>)
      %dma_wait3A = arith.constant 0 : i32
      %dma_wait3A_29 = arith.constant 0 : i32
      %dma_wait3A_30 = tpu.memref_slice %arg2[%dma_wait3A, %dma_wait3A_29] : memref<10240x16xf32, #tpu.memory_space<hbm>> -> memref<10240x16xf32, #tpu.memory_space<hbm>>
      tpu.wait_indirect_dma semaphore(%arg15 : memref<!tpu.dma_semaphore, #tpu.memory_space<semaphore_mem>>) src(%dma_wait3A_30 : memref<10240x16xf32, #tpu.memory_space<hbm>>) dst(%arg11 : memref<128x16xf32, #tpu.memory_space<vmem>>)
      %dma_wait3A_31 = arith.constant 0 : i32
      %dma_wait3A_32 = arith.constant 0 : i32
      %dma_wait3A_33 = tpu.memref_slice %arg3[%dma_wait3A_31, %dma_wait3A_32] : memref<10240x16xf32, #tpu.memory_space<hbm>> -> memref<10240x16xf32, #tpu.memory_space<hbm>>
      tpu.wait_indirect_dma semaphore(%arg16 : memref<!tpu.dma_semaphore, #tpu.memory_space<semaphore_mem>>) src(%dma_wait3A_33 : memref<10240x16xf32, #tpu.memory_space<hbm>>) dst(%arg12 : memref<128x16xf32, #tpu.memory_space<vmem>>)
      %scan3A_34 = arith.constant 0 : i32
      %scan3A_35 = arith.constant 0 : i32
      %scan3A_36 = arith.constant 128 : i32
      %scan3A_37 = arith.addi %scan3A_35, %scan3A_36 : i32
      %scan3A_38 = arith.constant 4 : i32
      scf.for %scan3A_43 = %scan3A_35 to %scan3A_37 step %scan3A_38  : i32 {
        %get3A = arith.index_cast %scan3A_43 : i32 to index
        %get3A_44 = arith.constant 0 : index
        %get3A_45 = tpu.vector_load %arg11[%get3A, %get3A_44] {strides = array<i32>} : memref<128x16xf32, #tpu.memory_space<vmem>>, vector<1x16xf32>,
        %get3A_46 = vector.shape_cast %get3A_45 : vector<1x16xf32> to vector<16xf32>
        %get3A_47 = arith.index_cast %scan3A_43 : i32 to index
        %get3A_48 = arith.constant 0 : index
        %get3A_49 = tpu.vector_load %arg12[%get3A_47, %get3A_48] {strides = array<i32>} : memref<128x16xf32, #tpu.memory_space<vmem>>, vector<1x16xf32>,
        %get3A_50 = vector.shape_cast %get3A_49 : vector<1x16xf32> to vector<16xf32>
        %add3A_51 = arith.addf %get3A_46, %get3A_50 : vector<16xf32>
        %ge3A_52 = arith.constant 0.000000e+00 : f32
        %ge3A_53 = vector.broadcast %ge3A_52 : f32 to vector<16xf32>
        %ge3A_54 = arith.cmpf oge, %add3A_51, %ge3A_53 : vector<16xf32>
        %mul3A_55 = arith.constant 2.000000e-01 : f32
        %mul3A_56 = vector.broadcast %mul3A_55 : f32 to vector<16xf32>
        %mul3A_57 = arith.mulf %mul3A_56, %add3A_51 : vector<16xf32>
        %select_n3A = arith.select %ge3A_54, %add3A_51, %mul3A_57 : vector<16xi1>, vector<16xf32>
        %exp3A = math.exp %select_n3A : vector<16xf32>
        %swap3A = arith.index_cast %scan3A_43 : i32 to index
        %swap3A_58 = arith.constant 0 : index
        %swap3A_59 = tpu.vector_load %arg13[%swap3A, %swap3A_58] {strides = array<i32>} : memref<128x16xf32, #tpu.memory_space<vmem>>, vector<1x16xf32>,
        %swap3A_60 = vector.shape_cast %swap3A_59 : vector<1x16xf32> to vector<16xf32>
        %swap3A_61 = vector.shape_cast %exp3A : vector<16xf32> to vector<1x16xf32>
        tpu.vector_store %arg13[%swap3A, %swap3A_58], %swap3A_61 {strides = array<i32>} : memref<128x16xf32, #tpu.memory_space<vmem>>, vector<1x16xf32>,
        %scan3A_62 = arith.constant 1 : i32
        %scan3A_63 = arith.addi %scan3A_43, %scan3A_62 : i32
        %get3A_64 = arith.index_cast %scan3A_63 : i32 to index
        %get3A_65 = arith.constant 0 : index
        %get3A_66 = tpu.vector_load %arg11[%get3A_64, %get3A_65] {strides = array<i32>} : memref<128x16xf32, #tpu.memory_space<vmem>>, vector<1x16xf32>,
        %get3A_67 = vector.shape_cast %get3A_66 : vector<1x16xf32> to vector<16xf32>
        %get3A_68 = arith.index_cast %scan3A_63 : i32 to index
        %get3A_69 = arith.constant 0 : index
        %get3A_70 = tpu.vector_load %arg12[%get3A_68, %get3A_69] {strides = array<i32>} : memref<128x16xf32, #tpu.memory_space<vmem>>, vector<1x16xf32>,
        %get3A_71 = vector.shape_cast %get3A_70 : vector<1x16xf32> to vector<16xf32>
        %add3A_72 = arith.addf %get3A_67, %get3A_71 : vector<16xf32>
        %ge3A_73 = arith.constant 0.000000e+00 : f32
        %ge3A_74 = vector.broadcast %ge3A_73 : f32 to vector<16xf32>
        %ge3A_75 = arith.cmpf oge, %add3A_72, %ge3A_74 : vector<16xf32>
        %mul3A_76 = arith.constant 2.000000e-01 : f32
        %mul3A_77 = vector.broadcast %mul3A_76 : f32 to vector<16xf32>
        %mul3A_78 = arith.mulf %mul3A_77, %add3A_72 : vector<16xf32>
        %select_n3A_79 = arith.select %ge3A_75, %add3A_72, %mul3A_78 : vector<16xi1>, vector<16xf32>
        %exp3A_80 = math.exp %select_n3A_79 : vector<16xf32>
        %swap3A_81 = arith.index_cast %scan3A_63 : i32 to index
        %swap3A_82 = arith.constant 0 : index
        %swap3A_83 = tpu.vector_load %arg13[%swap3A_81, %swap3A_82] {strides = array<i32>} : memref<128x16xf32, #tpu.memory_space<vmem>>, vector<1x16xf32>,
        %swap3A_84 = vector.shape_cast %swap3A_83 : vector<1x16xf32> to vector<16xf32>
        %swap3A_85 = vector.shape_cast %exp3A_80 : vector<16xf32> to vector<1x16xf32>
        tpu.vector_store %arg13[%swap3A_81, %swap3A_82], %swap3A_85 {strides = array<i32>} : memref<128x16xf32, #tpu.memory_space<vmem>>, vector<1x16xf32>,
        %scan3A_86 = arith.constant 2 : i32
        %scan3A_87 = arith.addi %scan3A_43, %scan3A_86 : i32
        %get3A_88 = arith.index_cast %scan3A_87 : i32 to index
        %get3A_89 = arith.constant 0 : index
        %get3A_90 = tpu.vector_load %arg11[%get3A_88, %get3A_89] {strides = array<i32>} : memref<128x16xf32, #tpu.memory_space<vmem>>, vector<1x16xf32>,
        %get3A_91 = vector.shape_cast %get3A_90 : vector<1x16xf32> to vector<16xf32>
        %get3A_92 = arith.index_cast %scan3A_87 : i32 to index
        %get3A_93 = arith.constant 0 : index
        %get3A_94 = tpu.vector_load %arg12[%get3A_92, %get3A_93] {strides = array<i32>} : memref<128x16xf32, #tpu.memory_space<vmem>>, vector<1x16xf32>,
        %get3A_95 = vector.shape_cast %get3A_94 : vector<1x16xf32> to vector<16xf32>
        %add3A_96 = arith.addf %get3A_91, %get3A_95 : vector<16xf32>
        %ge3A_97 = arith.constant 0.000000e+00 : f32
        %ge3A_98 = vector.broadcast %ge3A_97 : f32 to vector<16xf32>
        %ge3A_99 = arith.cmpf oge, %add3A_96, %ge3A_98 : vector<16xf32>
        %mul3A_100 = arith.constant 2.000000e-01 : f32
        %mul3A_101 = vector.broadcast %mul3A_100 : f32 to vector<16xf32>
        %mul3A_102 = arith.mulf %mul3A_101, %add3A_96 : vector<16xf32>
        %select_n3A_103 = arith.select %ge3A_99, %add3A_96, %mul3A_102 : vector<16xi1>, vector<16xf32>
        %exp3A_104 = math.exp %select_n3A_103 : vector<16xf32>
        %swap3A_105 = arith.index_cast %scan3A_87 : i32 to index
        %swap3A_106 = arith.constant 0 : index
        %swap3A_107 = tpu.vector_load %arg13[%swap3A_105, %swap3A_106] {strides = array<i32>} : memref<128x16xf32, #tpu.memory_space<vmem>>, vector<1x16xf32>,
        %swap3A_108 = vector.shape_cast %swap3A_107 : vector<1x16xf32> to vector<16xf32>
        %swap3A_109 = vector.shape_cast %exp3A_104 : vector<16xf32> to vector<1x16xf32>
        tpu.vector_store %arg13[%swap3A_105, %swap3A_106], %swap3A_109 {strides = array<i32>} : memref<128x16xf32, #tpu.memory_space<vmem>>, vector<1x16xf32>,
        %scan3A_110 = arith.constant 3 : i32
        %scan3A_111 = arith.addi %scan3A_43, %scan3A_110 : i32
        %get3A_112 = arith.index_cast %scan3A_111 : i32 to index
        %get3A_113 = arith.constant 0 : index
        %get3A_114 = tpu.vector_load %arg11[%get3A_112, %get3A_113] {strides = array<i32>} : memref<128x16xf32, #tpu.memory_space<vmem>>, vector<1x16xf32>,
        %get3A_115 = vector.shape_cast %get3A_114 : vector<1x16xf32> to vector<16xf32>
        %get3A_116 = arith.index_cast %scan3A_111 : i32 to index
        %get3A_117 = arith.constant 0 : index
        %get3A_118 = tpu.vector_load %arg12[%get3A_116, %get3A_117] {strides = array<i32>} : memref<128x16xf32, #tpu.memory_space<vmem>>, vector<1x16xf32>,
        %get3A_119 = vector.shape_cast %get3A_118 : vector<1x16xf32> to vector<16xf32>
        %add3A_120 = arith.addf %get3A_115, %get3A_119 : vector<16xf32>
        %ge3A_121 = arith.constant 0.000000e+00 : f32
        %ge3A_122 = vector.broadcast %ge3A_121 : f32 to vector<16xf32>
        %ge3A_123 = arith.cmpf oge, %add3A_120, %ge3A_122 : vector<16xf32>
        %mul3A_124 = arith.constant 2.000000e-01 : f32
        %mul3A_125 = vector.broadcast %mul3A_124 : f32 to vector<16xf32>
        %mul3A_126 = arith.mulf %mul3A_125, %add3A_120 : vector<16xf32>
        %select_n3A_127 = arith.select %ge3A_123, %add3A_120, %mul3A_126 : vector<16xi1>, vector<16xf32>
        %exp3A_128 = math.exp %select_n3A_127 : vector<16xf32>
        %swap3A_129 = arith.index_cast %scan3A_111 : i32 to index
        %swap3A_130 = arith.constant 0 : index
        %swap3A_131 = tpu.vector_load %arg13[%swap3A_129, %swap3A_130] {strides = array<i32>} : memref<128x16xf32, #tpu.memory_space<vmem>>, vector<1x16xf32>,
        %swap3A_132 = vector.shape_cast %swap3A_131 : vector<1x16xf32> to vector<16xf32>
        %swap3A_133 = vector.shape_cast %exp3A_128 : vector<16xf32> to vector<1x16xf32>
        tpu.vector_store %arg13[%swap3A_129, %swap3A_130], %swap3A_133 {strides = array<i32>} : memref<128x16xf32, #tpu.memory_space<vmem>>, vector<1x16xf32>,
      }
      %scan3A_39 = arith.constant 128 : i32
      "tpu.region"() ({
        %run_scoped3A = tpu.sem_alloc : memref<!tpu.dma_semaphore, #tpu.memory_space<semaphore_mem>>
        %dma_start3A_43 = arith.constant 0 : i32
        %dma_start3A_44 = arith.constant 0 : i32
        %dma_start3A_45 = tpu.memref_slice %arg14[%dma_start3A_43, %dma_start3A_44] : memref<10240x16xf32, #tpu.memory_space<vmem_shared>> -> memref<10240x16xf32, #tpu.memory_space<vmem_shared>>
        tpu.enqueue_indirect_dma source(%arg13 : memref<128x16xf32, #tpu.memory_space<vmem>>) target(%dma_start3A_45 : memref<10240x16xf32, #tpu.memory_space<vmem_shared>>) offsets(%arg10 : memref<128xi32, #tpu.memory_space<vmem>>) semaphore(%run_scoped3A : memref<!tpu.dma_semaphore, #tpu.memory_space<semaphore_mem>>) {add = true}
        %dma_wait3A_46 = arith.constant 0 : i32
        %dma_wait3A_47 = arith.constant 0 : i32
        %dma_wait3A_48 = tpu.memref_slice %arg14[%dma_wait3A_46, %dma_wait3A_47] : memref<10240x16xf32, #tpu.memory_space<vmem_shared>> -> memref<10240x16xf32, #tpu.memory_space<vmem_shared>>
        tpu.wait_indirect_dma semaphore(%run_scoped3A : memref<!tpu.dma_semaphore, #tpu.memory_space<semaphore_mem>>) src(%arg13 : memref<128x16xf32, #tpu.memory_space<vmem>>) dst(%dma_wait3A_48 : memref<10240x16xf32, #tpu.memory_space<vmem_shared>>)
        tpu.yield
      }) : () -> ()
      %convert_element_type3A_40 = arith.extui %or3A : i1 to i32
      %cond3A_41 = arith.constant 0 : i32
      %cond3A_42 = arith.cmpi ne, %convert_element_type3A_40, %cond3A_41 : i32
      scf.if %cond3A_42 {
        "tpu.region"() ({
          %run_scoped3A = tpu.sem_alloc : memref<!tpu.dma_semaphore, #tpu.memory_space<semaphore_mem>>
          %dma_start3A_43 = arith.constant 0 : i32
          %dma_start3A_44 = tpu.memref_slice %arg7[%add3A_23, %dma_start3A_43] : memref<331776x16xf32, #tpu.memory_space<hbm>> -> memref<128x16xf32, #tpu.memory_space<hbm>>
          %dma_start3A_45 = arith.constant 0 : i32
          %dma_start3A_46 = tpu.memref_slice %arg7[%add3A_23, %dma_start3A_45] : memref<331776x16xf32, #tpu.memory_space<hbm>> -> memref<128x16xf32, #tpu.memory_space<hbm>>
          tpu.enqueue_dma source(%arg13 : memref<128x16xf32, #tpu.memory_space<vmem>>) target(%dma_start3A_46 : memref<128x16xf32, #tpu.memory_space<hbm>>) target_semaphore(%run_scoped3A : memref<!tpu.dma_semaphore, #tpu.memory_space<semaphore_mem>>)
          %dma_wait3A_47 = arith.constant 0 : i32
          %dma_wait3A_48 = tpu.memref_slice %arg7[%add3A_23, %dma_wait3A_47] : memref<331776x16xf32, #tpu.memory_space<hbm>> -> memref<128x16xf32, #tpu.memory_space<hbm>>
          %dma_wait3A_49 = arith.constant 0 : i32
          %dma_wait3A_50 = tpu.memref_slice %arg7[%add3A_23, %dma_wait3A_49] : memref<331776x16xf32, #tpu.memory_space<hbm>> -> memref<128x16xf32, #tpu.memory_space<hbm>>
          tpu.wait_dma2 semaphore(%run_scoped3A : memref<!tpu.dma_semaphore, #tpu.memory_space<semaphore_mem>>) src(%arg13 : memref<128x16xf32, #tpu.memory_space<vmem>>) dst(%dma_wait3A_50 : memref<128x16xf32, #tpu.memory_space<hbm>>)
          tpu.yield
        }) : () -> ()
      } else {
      }
    }
    %scan3A_14 = arith.constant 162 : i32
    %barrier3A_15 = arith.constant 0 : index
    tpu.barrier barrier_id(%barrier3A_15)
    %mul3A_16 = arith.constant 5120 : i32
    %mul3A_17 = arith.muli %arg0, %mul3A_16 : i32
    %mul3A_18 = arith.constant 320 : i32
    %mul3A_19 = arith.muli %arg1, %mul3A_18 : i32
    %add3A = arith.addi %mul3A_17, %mul3A_19 : i32
    "tpu.region"() ({
      %run_scoped3A = tpu.sem_alloc : memref<!tpu.dma_semaphore, #tpu.memory_space<semaphore_mem>>
      %dma_start3A = arith.constant 0 : i32
      %dma_start3A_20 = tpu.memref_slice %arg8[%add3A, %dma_start3A] : memref<10240x16xf32, #tpu.memory_space<hbm>> -> memref<320x16xf32, #tpu.memory_space<hbm>>
      %dma_start3A_21 = arith.constant 0 : i32
      %dma_start3A_22 = tpu.memref_slice %arg14[%add3A, %dma_start3A_21] : memref<10240x16xf32, #tpu.memory_space<vmem_shared>> -> memref<320x16xf32, #tpu.memory_space<vmem_shared>>
      tpu.enqueue_dma source(%dma_start3A_22 : memref<320x16xf32, #tpu.memory_space<vmem_shared>>) target(%dma_start3A_20 : memref<320x16xf32, #tpu.memory_space<hbm>>) target_semaphore(%run_scoped3A : memref<!tpu.dma_semaphore, #tpu.memory_space<semaphore_mem>>)
      %dma_wait3A = arith.constant 0 : i32
      %dma_wait3A_23 = tpu.memref_slice %arg8[%add3A, %dma_wait3A] : memref<10240x16xf32, #tpu.memory_space<hbm>> -> memref<320x16xf32, #tpu.memory_space<hbm>>
      %dma_wait3A_24 = arith.constant 0 : i32
      %dma_wait3A_25 = tpu.memref_slice %arg14[%add3A, %dma_wait3A_24] : memref<10240x16xf32, #tpu.memory_space<vmem_shared>> -> memref<320x16xf32, #tpu.memory_space<vmem_shared>>
      tpu.wait_dma2 semaphore(%run_scoped3A : memref<!tpu.dma_semaphore, #tpu.memory_space<semaphore_mem>>) src(%dma_wait3A_25 : memref<320x16xf32, #tpu.memory_space<vmem_shared>>) dst(%dma_wait3A_23 : memref<320x16xf32, #tpu.memory_space<hbm>>)
      tpu.yield
    }) : () -> ()
    return
  }
}

#map = affine_map<(d0, d1) -> (0, 0, 0)>
#map1 = affine_map<(d0, d1) -> (0, 0)>
#map2 = affine_map<(d0, d1) -> (0)>
module attributes {stable_mosaic.version = 14 : i64} {
  func.func @_sc_gat_agg(%arg0: i32, %arg1: i32, %arg2: memref<4x10240x128xf32, #tpu.memory_space<hbm>>, %arg3: memref<331776x16xf32, #tpu.memory_space<hbm>>, %arg4: memref<10240x16xf32, #tpu.memory_space<hbm>>, %arg5: memref<331776xi32, #tpu.memory_space<hbm>>, %arg6: memref<331776xi32, #tpu.memory_space<hbm>>, %arg7: memref<10240x128xf32, #tpu.memory_space<hbm>>, %arg8: memref<4x10240x128xf32, #tpu.memory_space<hbm>>, %arg9: memref<128xi32, #tpu.memory_space<vmem>>, %arg10: memref<128xi32, #tpu.memory_space<vmem>>, %arg11: memref<128x128xf32, #tpu.memory_space<vmem>>, %arg12: memref<128x16xf32, #tpu.memory_space<vmem>>, %arg13: memref<128x16xf32, #tpu.memory_space<vmem>>, %arg14: memref<10240x128xf32, #tpu.memory_space<vmem_shared>>, %arg15: memref<!tpu.dma_semaphore, #tpu.memory_space<semaphore_mem>>, %arg16: memref<!tpu.dma_semaphore, #tpu.memory_space<semaphore_mem>>) attributes {dimension_semantics = [#tpu.dimension_semantics<core_parallel>, #tpu.dimension_semantics<subcore_parallel>], iteration_bounds = array<i64: 2, 16>, scalar_prefetch = 0 : i64, scratch_operands = 8 : i64, tpu.core_type = #tpu.core_type<sc_vector_subcore>, window_params = [{transform_indices = #map}, {transform_indices = #map1}, {transform_indices = #map1}, {transform_indices = #map2}, {transform_indices = #map2}, {transform_indices = #map1}, {transform_indices = #map}]} {
    %mul3A = arith.constant 20736 : i32
    %mul3A_0 = arith.muli %arg1, %mul3A : i32
    %eq3A = arith.constant 0 : i32
    %eq3A_1 = arith.cmpi eq, %arg0, %eq3A : i32
    %convert_element_type3A = arith.extui %eq3A_1 : i1 to i32
    %cond3A = arith.constant 0 : i32
    %cond3A_2 = arith.cmpi ne, %convert_element_type3A, %cond3A : i32
    scf.if %cond3A_2 {
      %eq3A_18 = arith.constant 0 : i32
      %eq3A_19 = arith.cmpi eq, %arg1, %eq3A_18 : i32
      %convert_element_type3A_20 = arith.extui %eq3A_19 : i1 to i32
      %cond3A_21 = arith.constant 0 : i32
      %cond3A_22 = arith.cmpi ne, %convert_element_type3A_20, %cond3A_21 : i32
      scf.if %cond3A_22 {
        "tpu.region"() ({
          %run_scoped3A_36 = tpu.sem_alloc : memref<!tpu.dma_semaphore, #tpu.memory_space<semaphore_mem>>
          tpu.enqueue_dma source(%arg7 : memref<10240x128xf32, #tpu.memory_space<hbm>>) target(%arg14 : memref<10240x128xf32, #tpu.memory_space<vmem_shared>>) target_semaphore(%run_scoped3A_36 : memref<!tpu.dma_semaphore, #tpu.memory_space<semaphore_mem>>)
          tpu.wait_dma2 semaphore(%run_scoped3A_36 : memref<!tpu.dma_semaphore, #tpu.memory_space<semaphore_mem>>) src(%arg7 : memref<10240x128xf32, #tpu.memory_space<hbm>>) dst(%arg14 : memref<10240x128xf32, #tpu.memory_space<vmem_shared>>)
          tpu.yield
        }) : () -> ()
      } else {
      }
      %barrier3A = arith.constant 0 : index
      tpu.barrier barrier_id(%barrier3A)
      %broadcast_in_dim3A = arith.constant 0 : i32
      %broadcast_in_dim3A_23 = vector.broadcast %broadcast_in_dim3A : i32 to vector<16xi32>
      %broadcast_in_dim3A_24 = arith.constant 1 : i32
      %broadcast_in_dim3A_25 = vector.broadcast %broadcast_in_dim3A_24 : i32 to vector<16xi32>
      %scan3A = arith.constant 0 : i32
      %scan3A_26 = arith.constant 0 : i32
      %scan3A_27 = arith.constant 0 : i32
      %scan3A_28 = arith.constant 162 : i32
      %scan3A_29 = arith.addi %scan3A_27, %scan3A_28 : i32
      %scan3A_30 = arith.constant 1 : i32
      scf.for %scan3A_36 = %scan3A_27 to %scan3A_29 step %scan3A_30  : i32 {
        %mul3A_37 = arith.constant 128 : i32
        %mul3A_38 = arith.muli %scan3A_36, %mul3A_37 : i32
        %add3A = arith.addi %mul3A_0, %mul3A_38 : i32
        "tpu.region"() ({
          %run_scoped3A_63 = tpu.sem_alloc : memref<!tpu.dma_semaphore, #tpu.memory_space<semaphore_mem>>
          %dma_start3A_64 = tpu.memref_slice %arg5[%add3A] : memref<331776xi32, #tpu.memory_space<hbm>> -> memref<128xi32, #tpu.memory_space<hbm>>
          %dma_start3A_65 = tpu.memref_slice %arg5[%add3A] : memref<331776xi32, #tpu.memory_space<hbm>> -> memref<128xi32, #tpu.memory_space<hbm>>
          tpu.enqueue_dma source(%dma_start3A_65 : memref<128xi32, #tpu.memory_space<hbm>>) target(%arg9 : memref<128xi32, #tpu.memory_space<vmem>>) target_semaphore(%run_scoped3A_63 : memref<!tpu.dma_semaphore, #tpu.memory_space<semaphore_mem>>)
          %dma_wait3A_66 = tpu.memref_slice %arg5[%add3A] : memref<331776xi32, #tpu.memory_space<hbm>> -> memref<128xi32, #tpu.memory_space<hbm>>
          %dma_wait3A_67 = tpu.memref_slice %arg5[%add3A] : memref<331776xi32, #tpu.memory_space<hbm>> -> memref<128xi32, #tpu.memory_space<hbm>>
          tpu.wait_dma2 semaphore(%run_scoped3A_63 : memref<!tpu.dma_semaphore, #tpu.memory_space<semaphore_mem>>) src(%dma_wait3A_67 : memref<128xi32, #tpu.memory_space<hbm>>) dst(%arg9 : memref<128xi32, #tpu.memory_space<vmem>>)
          tpu.yield
        }) : () -> ()
        "tpu.region"() ({
          %run_scoped3A_63 = tpu.sem_alloc : memref<!tpu.dma_semaphore, #tpu.memory_space<semaphore_mem>>
          %dma_start3A_64 = tpu.memref_slice %arg6[%add3A] : memref<331776xi32, #tpu.memory_space<hbm>> -> memref<128xi32, #tpu.memory_space<hbm>>
          %dma_start3A_65 = tpu.memref_slice %arg6[%add3A] : memref<331776xi32, #tpu.memory_space<hbm>> -> memref<128xi32, #tpu.memory_space<hbm>>
          tpu.enqueue_dma source(%dma_start3A_65 : memref<128xi32, #tpu.memory_space<hbm>>) target(%arg10 : memref<128xi32, #tpu.memory_space<vmem>>) target_semaphore(%run_scoped3A_63 : memref<!tpu.dma_semaphore, #tpu.memory_space<semaphore_mem>>)
          %dma_wait3A_66 = tpu.memref_slice %arg6[%add3A] : memref<331776xi32, #tpu.memory_space<hbm>> -> memref<128xi32, #tpu.memory_space<hbm>>
          %dma_wait3A_67 = tpu.memref_slice %arg6[%add3A] : memref<331776xi32, #tpu.memory_space<hbm>> -> memref<128xi32, #tpu.memory_space<hbm>>
          tpu.wait_dma2 semaphore(%run_scoped3A_63 : memref<!tpu.dma_semaphore, #tpu.memory_space<semaphore_mem>>) src(%dma_wait3A_67 : memref<128xi32, #tpu.memory_space<hbm>>) dst(%arg10 : memref<128xi32, #tpu.memory_space<vmem>>)
          tpu.yield
        }) : () -> ()
        %dma_start3A = arith.constant 0 : i32
        %dma_start3A_39 = arith.constant 0 : i32
        %dma_start3A_40 = tpu.memref_slice %arg2[%scan3A_26, %dma_start3A, %dma_start3A_39] : memref<4x10240x128xf32, #tpu.memory_space<hbm>> -> memref<1x10240x128xf32, #tpu.memory_space<hbm>>
        %dma_start3A_41 = tpu.memref_squeeze %dma_start3A_40 : memref<1x10240x128xf32, #tpu.memory_space<hbm>> -> memref<10240x128xf32, #tpu.memory_space<hbm>>
        %dma_start3A_42 = arith.constant 0 : i32
        %dma_start3A_43 = arith.constant 0 : i32
        %dma_start3A_44 = tpu.memref_slice %dma_start3A_41[%dma_start3A_42, %dma_start3A_43] : memref<10240x128xf32, #tpu.memory_space<hbm>> -> memref<10240x128xf32, #tpu.memory_space<hbm>>
        tpu.enqueue_indirect_dma source(%dma_start3A_44 : memref<10240x128xf32, #tpu.memory_space<hbm>>) target(%arg11 : memref<128x128xf32, #tpu.memory_space<vmem>>) offsets(%arg9 : memref<128xi32, #tpu.memory_space<vmem>>) semaphore(%arg15 : memref<!tpu.dma_semaphore, #tpu.memory_space<semaphore_mem>>)
        %dma_start3A_45 = arith.constant 0 : i32
        %dma_start3A_46 = arith.constant 0 : i32
        %dma_start3A_47 = tpu.memref_slice %arg4[%dma_start3A_45, %dma_start3A_46] : memref<10240x16xf32, #tpu.memory_space<hbm>> -> memref<10240x16xf32, #tpu.memory_space<hbm>>
        tpu.enqueue_indirect_dma source(%dma_start3A_47 : memref<10240x16xf32, #tpu.memory_space<hbm>>) target(%arg13 : memref<128x16xf32, #tpu.memory_space<vmem>>) offsets(%arg10 : memref<128xi32, #tpu.memory_space<vmem>>) semaphore(%arg16 : memref<!tpu.dma_semaphore, #tpu.memory_space<semaphore_mem>>)
        "tpu.region"() ({
          %run_scoped3A_63 = tpu.sem_alloc : memref<!tpu.dma_semaphore, #tpu.memory_space<semaphore_mem>>
          %dma_start3A_64 = arith.constant 0 : i32
          %dma_start3A_65 = tpu.memref_slice %arg3[%add3A, %dma_start3A_64] : memref<331776x16xf32, #tpu.memory_space<hbm>> -> memref<128x16xf32, #tpu.memory_space<hbm>>
          %dma_start3A_66 = arith.constant 0 : i32
          %dma_start3A_67 = tpu.memref_slice %arg3[%add3A, %dma_start3A_66] : memref<331776x16xf32, #tpu.memory_space<hbm>> -> memref<128x16xf32, #tpu.memory_space<hbm>>
          tpu.enqueue_dma source(%dma_start3A_67 : memref<128x16xf32, #tpu.memory_space<hbm>>) target(%arg12 : memref<128x16xf32, #tpu.memory_space<vmem>>) target_semaphore(%run_scoped3A_63 : memref<!tpu.dma_semaphore, #tpu.memory_space<semaphore_mem>>)
          %dma_wait3A_68 = arith.constant 0 : i32
          %dma_wait3A_69 = tpu.memref_slice %arg3[%add3A, %dma_wait3A_68] : memref<331776x16xf32, #tpu.memory_space<hbm>> -> memref<128x16xf32, #tpu.memory_space<hbm>>
          %dma_wait3A_70 = arith.constant 0 : i32
          %dma_wait3A_71 = tpu.memref_slice %arg3[%add3A, %dma_wait3A_70] : memref<331776x16xf32, #tpu.memory_space<hbm>> -> memref<128x16xf32, #tpu.memory_space<hbm>>
          tpu.wait_dma2 semaphore(%run_scoped3A_63 : memref<!tpu.dma_semaphore, #tpu.memory_space<semaphore_mem>>) src(%dma_wait3A_71 : memref<128x16xf32, #tpu.memory_space<hbm>>) dst(%arg12 : memref<128x16xf32, #tpu.memory_space<vmem>>)
          tpu.yield
        }) : () -> ()
        %dma_wait3A = arith.constant 0 : i32
        %dma_wait3A_48 = arith.constant 0 : i32
        %dma_wait3A_49 = tpu.memref_slice %arg2[%scan3A_26, %dma_wait3A, %dma_wait3A_48] : memref<4x10240x128xf32, #tpu.memory_space<hbm>> -> memref<1x10240x128xf32, #tpu.memory_space<hbm>>
        %dma_wait3A_50 = tpu.memref_squeeze %dma_wait3A_49 : memref<1x10240x128xf32, #tpu.memory_space<hbm>> -> memref<10240x128xf32, #tpu.memory_space<hbm>>
        %dma_wait3A_51 = arith.constant 0 : i32
        %dma_wait3A_52 = arith.constant 0 : i32
        %dma_wait3A_53 = tpu.memref_slice %dma_wait3A_50[%dma_wait3A_51, %dma_wait3A_52] : memref<10240x128xf32, #tpu.memory_space<hbm>> -> memref<10240x128xf32, #tpu.memory_space<hbm>>
        tpu.wait_indirect_dma semaphore(%arg15 : memref<!tpu.dma_semaphore, #tpu.memory_space<semaphore_mem>>) src(%dma_wait3A_53 : memref<10240x128xf32, #tpu.memory_space<hbm>>) dst(%arg11 : memref<128x128xf32, #tpu.memory_space<vmem>>)
        %dma_wait3A_54 = arith.constant 0 : i32
        %dma_wait3A_55 = arith.constant 0 : i32
        %dma_wait3A_56 = tpu.memref_slice %arg4[%dma_wait3A_54, %dma_wait3A_55] : memref<10240x16xf32, #tpu.memory_space<hbm>> -> memref<10240x16xf32, #tpu.memory_space<hbm>>
        tpu.wait_indirect_dma semaphore(%arg16 : memref<!tpu.dma_semaphore, #tpu.memory_space<semaphore_mem>>) src(%dma_wait3A_56 : memref<10240x16xf32, #tpu.memory_space<hbm>>) dst(%arg13 : memref<128x16xf32, #tpu.memory_space<vmem>>)
        %scan3A_57 = arith.constant 0 : i32
        %scan3A_58 = arith.constant 0 : i32
        %scan3A_59 = arith.constant 128 : i32
        %scan3A_60 = arith.addi %scan3A_58, %scan3A_59 : i32
        %scan3A_61 = arith.constant 2 : i32
        scf.for %scan3A_63 = %scan3A_58 to %scan3A_60 step %scan3A_61  : i32 {
          %get3A = arith.index_cast %scan3A_63 : i32 to index
          %get3A_64 = arith.constant 0 : index
          %get3A_65 = tpu.vector_load %arg12[%get3A, %get3A_64] {strides = array<i32>} : memref<128x16xf32, #tpu.memory_space<vmem>>, vector<1x16xf32>,
          %get3A_66 = vector.shape_cast %get3A_65 : vector<1x16xf32> to vector<16xf32>
          %get3A_67 = arith.index_cast %scan3A_63 : i32 to index
          %get3A_68 = arith.constant 0 : index
          %get3A_69 = tpu.vector_load %arg13[%get3A_67, %get3A_68] {strides = array<i32>} : memref<128x16xf32, #tpu.memory_space<vmem>>, vector<1x16xf32>,
          %get3A_70 = vector.shape_cast %get3A_69 : vector<1x16xf32> to vector<16xf32>
          %add3A_71 = arith.constant 1.000000e-16 : f32
          %add3A_72 = vector.broadcast %add3A_71 : f32 to vector<16xf32>
          %add3A_73 = arith.addf %get3A_70, %add3A_72 : vector<16xf32>
          %div3A = arith.divf %get3A_66, %add3A_73 : vector<16xf32>
          %broadcast_in_dim3A_74 = vector.shape_cast %broadcast_in_dim3A_23 : vector<16xi32> to vector<16x1xi32>
          %gather3A = vector.shape_cast %broadcast_in_dim3A_74 : vector<16x1xi32> to vector<16xi32>
          %gather3A_75 = tpu.dynamic_gather %div3A[%gather3A] in [0] : vector<16xf32>, vector<16xi32> -> vector<16xf32>
          %broadcast_in_dim3A_76 = vector.shape_cast %broadcast_in_dim3A_25 : vector<16xi32> to vector<16x1xi32>
          %gather3A_77 = vector.shape_cast %broadcast_in_dim3A_76 : vector<16x1xi32> to vector<16xi32>
          %gather3A_78 = tpu.dynamic_gather %div3A[%gather3A_77] in [0] : vector<16xf32>, vector<16xi32> -> vector<16xf32>
          %get3A_79 = arith.index_cast %scan3A_63 : i32 to index
          %get3A_80 = arith.constant 0 : index
          %get3A_81 = tpu.vector_load %arg11[%get3A_79, %get3A_80] {strides = array<i32>} : memref<128x128xf32, #tpu.memory_space<vmem>>, vector<1x16xf32>,
          %get3A_82 = vector.shape_cast %get3A_81 : vector<1x16xf32> to vector<16xf32>
          %mul3A_83 = arith.mulf %get3A_82, %gather3A_75 : vector<16xf32>
          %swap3A = arith.index_cast %scan3A_63 : i32 to index
          %swap3A_84 = arith.constant 0 : index
          %swap3A_85 = tpu.vector_load %arg11[%swap3A, %swap3A_84] {strides = array<i32>} : memref<128x128xf32, #tpu.memory_space<vmem>>, vector<1x16xf32>,
          %swap3A_86 = vector.shape_cast %swap3A_85 : vector<1x16xf32> to vector<16xf32>
          %swap3A_87 = vector.shape_cast %mul3A_83 : vector<16xf32> to vector<1x16xf32>
          tpu.vector_store %arg11[%swap3A, %swap3A_84], %swap3A_87 {strides = array<i32>} : memref<128x128xf32, #tpu.memory_space<vmem>>, vector<1x16xf32>,
          %get3A_88 = arith.index_cast %scan3A_63 : i32 to index
          %get3A_89 = arith.constant 16 : index
          %get3A_90 = tpu.vector_load %arg11[%get3A_88, %get3A_89] {strides = array<i32>} : memref<128x128xf32, #tpu.memory_space<vmem>>, vector<1x16xf32>,
          %get3A_91 = vector.shape_cast %get3A_90 : vector<1x16xf32> to vector<16xf32>
          %mul3A_92 = arith.mulf %get3A_91, %gather3A_75 : vector<16xf32>
          %swap3A_93 = arith.index_cast %scan3A_63 : i32 to index
          %swap3A_94 = arith.constant 16 : index
          %swap3A_95 = tpu.vector_load %arg11[%swap3A_93, %swap3A_94] {strides = array<i32>} : memref<128x128xf32, #tpu.memory_space<vmem>>, vector<1x16xf32>,
          %swap3A_96 = vector.shape_cast %swap3A_95 : vector<1x16xf32> to vector<16xf32>
          %swap3A_97 = vector.shape_cast %mul3A_92 : vector<16xf32> to vector<1x16xf32>
          tpu.vector_store %arg11[%swap3A_93, %swap3A_94], %swap3A_97 {strides = array<i32>} : memref<128x128xf32, #tpu.memory_space<vmem>>, vector<1x16xf32>,
          %get3A_98 = arith.index_cast %scan3A_63 : i32 to index
          %get3A_99 = arith.constant 32 : index
          %get3A_100 = tpu.vector_load %arg11[%get3A_98, %get3A_99] {strides = array<i32>} : memref<128x128xf32, #tpu.memory_space<vmem>>, vector<1x16xf32>,
          %get3A_101 = vector.shape_cast %get3A_100 : vector<1x16xf32> to vector<16xf32>
          %mul3A_102 = arith.mulf %get3A_101, %gather3A_75 : vector<16xf32>
          %swap3A_103 = arith.index_cast %scan3A_63 : i32 to index
          %swap3A_104 = arith.constant 32 : index
          %swap3A_105 = tpu.vector_load %arg11[%swap3A_103, %swap3A_104] {strides = array<i32>} : memref<128x128xf32, #tpu.memory_space<vmem>>, vector<1x16xf32>,
          %swap3A_106 = vector.shape_cast %swap3A_105 : vector<1x16xf32> to vector<16xf32>
          %swap3A_107 = vector.shape_cast %mul3A_102 : vector<16xf32> to vector<1x16xf32>
          tpu.vector_store %arg11[%swap3A_103, %swap3A_104], %swap3A_107 {strides = array<i32>} : memref<128x128xf32, #tpu.memory_space<vmem>>, vector<1x16xf32>,
          %get3A_108 = arith.index_cast %scan3A_63 : i32 to index
          %get3A_109 = arith.constant 48 : index
          %get3A_110 = tpu.vector_load %arg11[%get3A_108, %get3A_109] {strides = array<i32>} : memref<128x128xf32, #tpu.memory_space<vmem>>, vector<1x16xf32>,
          %get3A_111 = vector.shape_cast %get3A_110 : vector<1x16xf32> to vector<16xf32>
          %mul3A_112 = arith.mulf %get3A_111, %gather3A_75 : vector<16xf32>
          %swap3A_113 = arith.index_cast %scan3A_63 : i32 to index
          %swap3A_114 = arith.constant 48 : index
          %swap3A_115 = tpu.vector_load %arg11[%swap3A_113, %swap3A_114] {strides = array<i32>} : memref<128x128xf32, #tpu.memory_space<vmem>>, vector<1x16xf32>,
          %swap3A_116 = vector.shape_cast %swap3A_115 : vector<1x16xf32> to vector<16xf32>
          %swap3A_117 = vector.shape_cast %mul3A_112 : vector<16xf32> to vector<1x16xf32>
          tpu.vector_store %arg11[%swap3A_113, %swap3A_114], %swap3A_117 {strides = array<i32>} : memref<128x128xf32, #tpu.memory_space<vmem>>, vector<1x16xf32>,
          %get3A_118 = arith.index_cast %scan3A_63 : i32 to index
          %get3A_119 = arith.constant 64 : index
          %get3A_120 = tpu.vector_load %arg11[%get3A_118, %get3A_119] {strides = array<i32>} : memref<128x128xf32, #tpu.memory_space<vmem>>, vector<1x16xf32>,
          %get3A_121 = vector.shape_cast %get3A_120 : vector<1x16xf32> to vector<16xf32>
          %mul3A_122 = arith.mulf %get3A_121, %gather3A_78 : vector<16xf32>
          %swap3A_123 = arith.index_cast %scan3A_63 : i32 to index
          %swap3A_124 = arith.constant 64 : index
          %swap3A_125 = tpu.vector_load %arg11[%swap3A_123, %swap3A_124] {strides = array<i32>} : memref<128x128xf32, #tpu.memory_space<vmem>>, vector<1x16xf32>,
          %swap3A_126 = vector.shape_cast %swap3A_125 : vector<1x16xf32> to vector<16xf32>
          %swap3A_127 = vector.shape_cast %mul3A_122 : vector<16xf32> to vector<1x16xf32>
          tpu.vector_store %arg11[%swap3A_123, %swap3A_124], %swap3A_127 {strides = array<i32>} : memref<128x128xf32, #tpu.memory_space<vmem>>, vector<1x16xf32>,
          %get3A_128 = arith.index_cast %scan3A_63 : i32 to index
          %get3A_129 = arith.constant 80 : index
          %get3A_130 = tpu.vector_load %arg11[%get3A_128, %get3A_129] {strides = array<i32>} : memref<128x128xf32, #tpu.memory_space<vmem>>, vector<1x16xf32>,
          %get3A_131 = vector.shape_cast %get3A_130 : vector<1x16xf32> to vector<16xf32>
          %mul3A_132 = arith.mulf %get3A_131, %gather3A_78 : vector<16xf32>
          %swap3A_133 = arith.index_cast %scan3A_63 : i32 to index
          %swap3A_134 = arith.constant 80 : index
          %swap3A_135 = tpu.vector_load %arg11[%swap3A_133, %swap3A_134] {strides = array<i32>} : memref<128x128xf32, #tpu.memory_space<vmem>>, vector<1x16xf32>,
          %swap3A_136 = vector.shape_cast %swap3A_135 : vector<1x16xf32> to vector<16xf32>
          %swap3A_137 = vector.shape_cast %mul3A_132 : vector<16xf32> to vector<1x16xf32>
          tpu.vector_store %arg11[%swap3A_133, %swap3A_134], %swap3A_137 {strides = array<i32>} : memref<128x128xf32, #tpu.memory_space<vmem>>, vector<1x16xf32>,
          %get3A_138 = arith.index_cast %scan3A_63 : i32 to index
          %get3A_139 = arith.constant 96 : index
          %get3A_140 = tpu.vector_load %arg11[%get3A_138, %get3A_139] {strides = array<i32>} : memref<128x128xf32, #tpu.memory_space<vmem>>, vector<1x16xf32>,
          %get3A_141 = vector.shape_cast %get3A_140 : vector<1x16xf32> to vector<16xf32>
          %mul3A_142 = arith.mulf %get3A_141, %gather3A_78 : vector<16xf32>
          %swap3A_143 = arith.index_cast %scan3A_63 : i32 to index
          %swap3A_144 = arith.constant 96 : index
          %swap3A_145 = tpu.vector_load %arg11[%swap3A_143, %swap3A_144] {strides = array<i32>} : memref<128x128xf32, #tpu.memory_space<vmem>>, vector<1x16xf32>,
          %swap3A_146 = vector.shape_cast %swap3A_145 : vector<1x16xf32> to vector<16xf32>
          %swap3A_147 = vector.shape_cast %mul3A_142 : vector<16xf32> to vector<1x16xf32>
          tpu.vector_store %arg11[%swap3A_143, %swap3A_144], %swap3A_147 {strides = array<i32>} : memref<128x128xf32, #tpu.memory_space<vmem>>, vector<1x16xf32>,
          %get3A_148 = arith.index_cast %scan3A_63 : i32 to index
          %get3A_149 = arith.constant 112 : index
          %get3A_150 = tpu.vector_load %arg11[%get3A_148, %get3A_149] {strides = array<i32>} : memref<128x128xf32, #tpu.memory_space<vmem>>, vector<1x16xf32>,
          %get3A_151 = vector.shape_cast %get3A_150 : vector<1x16xf32> to vector<16xf32>
          %mul3A_152 = arith.mulf %get3A_151, %gather3A_78 : vector<16xf32>
          %swap3A_153 = arith.index_cast %scan3A_63 : i32 to index
          %swap3A_154 = arith.constant 112 : index
          %swap3A_155 = tpu.vector_load %arg11[%swap3A_153, %swap3A_154] {strides = array<i32>} : memref<128x128xf32, #tpu.memory_space<vmem>>, vector<1x16xf32>,
          %swap3A_156 = vector.shape_cast %swap3A_155 : vector<1x16xf32> to vector<16xf32>
          %swap3A_157 = vector.shape_cast %mul3A_152 : vector<16xf32> to vector<1x16xf32>
          tpu.vector_store %arg11[%swap3A_153, %swap3A_154], %swap3A_157 {strides = array<i32>} : memref<128x128xf32, #tpu.memory_space<vmem>>, vector<1x16xf32>,
          %scan3A_158 = arith.constant 1 : i32
          %scan3A_159 = arith.addi %scan3A_63, %scan3A_158 : i32
          %get3A_160 = arith.index_cast %scan3A_159 : i32 to index
          %get3A_161 = arith.constant 0 : index
          %get3A_162 = tpu.vector_load %arg12[%get3A_160, %get3A_161] {strides = array<i32>} : memref<128x16xf32, #tpu.memory_space<vmem>>, vector<1x16xf32>,
          %get3A_163 = vector.shape_cast %get3A_162 : vector<1x16xf32> to vector<16xf32>
          %get3A_164 = arith.index_cast %scan3A_159 : i32 to index
          %get3A_165 = arith.constant 0 : index
          %get3A_166 = tpu.vector_load %arg13[%get3A_164, %get3A_165] {strides = array<i32>} : memref<128x16xf32, #tpu.memory_space<vmem>>, vector<1x16xf32>,
          %get3A_167 = vector.shape_cast %get3A_166 : vector<1x16xf32> to vector<16xf32>
          %add3A_168 = arith.constant 1.000000e-16 : f32
          %add3A_169 = vector.broadcast %add3A_168 : f32 to vector<16xf32>
          %add3A_170 = arith.addf %get3A_167, %add3A_169 : vector<16xf32>
          %div3A_171 = arith.divf %get3A_163, %add3A_170 : vector<16xf32>
          %broadcast_in_dim3A_172 = vector.shape_cast %broadcast_in_dim3A_23 : vector<16xi32> to vector<16x1xi32>
          %gather3A_173 = vector.shape_cast %broadcast_in_dim3A_172 : vector<16x1xi32> to vector<16xi32>
          %gather3A_174 = tpu.dynamic_gather %div3A_171[%gather3A_173] in [0] : vector<16xf32>, vector<16xi32> -> vector<16xf32>
          %broadcast_in_dim3A_175 = vector.shape_cast %broadcast_in_dim3A_25 : vector<16xi32> to vector<16x1xi32>
          %gather3A_176 = vector.shape_cast %broadcast_in_dim3A_175 : vector<16x1xi32> to vector<16xi32>
          %gather3A_177 = tpu.dynamic_gather %div3A_171[%gather3A_176] in [0] : vector<16xf32>, vector<16xi32> -> vector<16xf32>
          %get3A_178 = arith.index_cast %scan3A_159 : i32 to index
          %get3A_179 = arith.constant 0 : index
          %get3A_180 = tpu.vector_load %arg11[%get3A_178, %get3A_179] {strides = array<i32>} : memref<128x128xf32, #tpu.memory_space<vmem>>, vector<1x16xf32>,
          %get3A_181 = vector.shape_cast %get3A_180 : vector<1x16xf32> to vector<16xf32>
          %mul3A_182 = arith.mulf %get3A_181, %gather3A_174 : vector<16xf32>
          %swap3A_183 = arith.index_cast %scan3A_159 : i32 to index
          %swap3A_184 = arith.constant 0 : index
          %swap3A_185 = tpu.vector_load %arg11[%swap3A_183, %swap3A_184] {strides = array<i32>} : memref<128x128xf32, #tpu.memory_space<vmem>>, vector<1x16xf32>,
          %swap3A_186 = vector.shape_cast %swap3A_185 : vector<1x16xf32> to vector<16xf32>
          %swap3A_187 = vector.shape_cast %mul3A_182 : vector<16xf32> to vector<1x16xf32>
          tpu.vector_store %arg11[%swap3A_183, %swap3A_184], %swap3A_187 {strides = array<i32>} : memref<128x128xf32, #tpu.memory_space<vmem>>, vector<1x16xf32>,
          %get3A_188 = arith.index_cast %scan3A_159 : i32 to index
          %get3A_189 = arith.constant 16 : index
          %get3A_190 = tpu.vector_load %arg11[%get3A_188, %get3A_189] {strides = array<i32>} : memref<128x128xf32, #tpu.memory_space<vmem>>, vector<1x16xf32>,
          %get3A_191 = vector.shape_cast %get3A_190 : vector<1x16xf32> to vector<16xf32>
          %mul3A_192 = arith.mulf %get3A_191, %gather3A_174 : vector<16xf32>
          %swap3A_193 = arith.index_cast %scan3A_159 : i32 to index
          %swap3A_194 = arith.constant 16 : index
          %swap3A_195 = tpu.vector_load %arg11[%swap3A_193, %swap3A_194] {strides = array<i32>} : memref<128x128xf32, #tpu.memory_space<vmem>>, vector<1x16xf32>,
          %swap3A_196 = vector.shape_cast %swap3A_195 : vector<1x16xf32> to vector<16xf32>
          %swap3A_197 = vector.shape_cast %mul3A_192 : vector<16xf32> to vector<1x16xf32>
          tpu.vector_store %arg11[%swap3A_193, %swap3A_194], %swap3A_197 {strides = array<i32>} : memref<128x128xf32, #tpu.memory_space<vmem>>, vector<1x16xf32>,
          %get3A_198 = arith.index_cast %scan3A_159 : i32 to index
          %get3A_199 = arith.constant 32 : index
          %get3A_200 = tpu.vector_load %arg11[%get3A_198, %get3A_199] {strides = array<i32>} : memref<128x128xf32, #tpu.memory_space<vmem>>, vector<1x16xf32>,
          %get3A_201 = vector.shape_cast %get3A_200 : vector<1x16xf32> to vector<16xf32>
          %mul3A_202 = arith.mulf %get3A_201, %gather3A_174 : vector<16xf32>
          %swap3A_203 = arith.index_cast %scan3A_159 : i32 to index
          %swap3A_204 = arith.constant 32 : index
          %swap3A_205 = tpu.vector_load %arg11[%swap3A_203, %swap3A_204] {strides = array<i32>} : memref<128x128xf32, #tpu.memory_space<vmem>>, vector<1x16xf32>,
          %swap3A_206 = vector.shape_cast %swap3A_205 : vector<1x16xf32> to vector<16xf32>
          %swap3A_207 = vector.shape_cast %mul3A_202 : vector<16xf32> to vector<1x16xf32>
          tpu.vector_store %arg11[%swap3A_203, %swap3A_204], %swap3A_207 {strides = array<i32>} : memref<128x128xf32, #tpu.memory_space<vmem>>, vector<1x16xf32>,
          %get3A_208 = arith.index_cast %scan3A_159 : i32 to index
          %get3A_209 = arith.constant 48 : index
          %get3A_210 = tpu.vector_load %arg11[%get3A_208, %get3A_209] {strides = array<i32>} : memref<128x128xf32, #tpu.memory_space<vmem>>, vector<1x16xf32>,
          %get3A_211 = vector.shape_cast %get3A_210 : vector<1x16xf32> to vector<16xf32>
          %mul3A_212 = arith.mulf %get3A_211, %gather3A_174 : vector<16xf32>
          %swap3A_213 = arith.index_cast %scan3A_159 : i32 to index
          %swap3A_214 = arith.constant 48 : index
          %swap3A_215 = tpu.vector_load %arg11[%swap3A_213, %swap3A_214] {strides = array<i32>} : memref<128x128xf32, #tpu.memory_space<vmem>>, vector<1x16xf32>,
          %swap3A_216 = vector.shape_cast %swap3A_215 : vector<1x16xf32> to vector<16xf32>
          %swap3A_217 = vector.shape_cast %mul3A_212 : vector<16xf32> to vector<1x16xf32>
          tpu.vector_store %arg11[%swap3A_213, %swap3A_214], %swap3A_217 {strides = array<i32>} : memref<128x128xf32, #tpu.memory_space<vmem>>, vector<1x16xf32>,
          %get3A_218 = arith.index_cast %scan3A_159 : i32 to index
          %get3A_219 = arith.constant 64 : index
          %get3A_220 = tpu.vector_load %arg11[%get3A_218, %get3A_219] {strides = array<i32>} : memref<128x128xf32, #tpu.memory_space<vmem>>, vector<1x16xf32>,
          %get3A_221 = vector.shape_cast %get3A_220 : vector<1x16xf32> to vector<16xf32>
          %mul3A_222 = arith.mulf %get3A_221, %gather3A_177 : vector<16xf32>
          %swap3A_223 = arith.index_cast %scan3A_159 : i32 to index
          %swap3A_224 = arith.constant 64 : index
          %swap3A_225 = tpu.vector_load %arg11[%swap3A_223, %swap3A_224] {strides = array<i32>} : memref<128x128xf32, #tpu.memory_space<vmem>>, vector<1x16xf32>,
          %swap3A_226 = vector.shape_cast %swap3A_225 : vector<1x16xf32> to vector<16xf32>
          %swap3A_227 = vector.shape_cast %mul3A_222 : vector<16xf32> to vector<1x16xf32>
          tpu.vector_store %arg11[%swap3A_223, %swap3A_224], %swap3A_227 {strides = array<i32>} : memref<128x128xf32, #tpu.memory_space<vmem>>, vector<1x16xf32>,
          %get3A_228 = arith.index_cast %scan3A_159 : i32 to index
          %get3A_229 = arith.constant 80 : index
          %get3A_230 = tpu.vector_load %arg11[%get3A_228, %get3A_229] {strides = array<i32>} : memref<128x128xf32, #tpu.memory_space<vmem>>, vector<1x16xf32>,
          %get3A_231 = vector.shape_cast %get3A_230 : vector<1x16xf32> to vector<16xf32>
          %mul3A_232 = arith.mulf %get3A_231, %gather3A_177 : vector<16xf32>
          %swap3A_233 = arith.index_cast %scan3A_159 : i32 to index
          %swap3A_234 = arith.constant 80 : index
          %swap3A_235 = tpu.vector_load %arg11[%swap3A_233, %swap3A_234] {strides = array<i32>} : memref<128x128xf32, #tpu.memory_space<vmem>>, vector<1x16xf32>,
          %swap3A_236 = vector.shape_cast %swap3A_235 : vector<1x16xf32> to vector<16xf32>
          %swap3A_237 = vector.shape_cast %mul3A_232 : vector<16xf32> to vector<1x16xf32>
          tpu.vector_store %arg11[%swap3A_233, %swap3A_234], %swap3A_237 {strides = array<i32>} : memref<128x128xf32, #tpu.memory_space<vmem>>, vector<1x16xf32>,
          %get3A_238 = arith.index_cast %scan3A_159 : i32 to index
          %get3A_239 = arith.constant 96 : index
          %get3A_240 = tpu.vector_load %arg11[%get3A_238, %get3A_239] {strides = array<i32>} : memref<128x128xf32, #tpu.memory_space<vmem>>, vector<1x16xf32>,
          %get3A_241 = vector.shape_cast %get3A_240 : vector<1x16xf32> to vector<16xf32>
          %mul3A_242 = arith.mulf %get3A_241, %gather3A_177 : vector<16xf32>
          %swap3A_243 = arith.index_cast %scan3A_159 : i32 to index
          %swap3A_244 = arith.constant 96 : index
          %swap3A_245 = tpu.vector_load %arg11[%swap3A_243, %swap3A_244] {strides = array<i32>} : memref<128x128xf32, #tpu.memory_space<vmem>>, vector<1x16xf32>,
          %swap3A_246 = vector.shape_cast %swap3A_245 : vector<1x16xf32> to vector<16xf32>
          %swap3A_247 = vector.shape_cast %mul3A_242 : vector<16xf32> to vector<1x16xf32>
          tpu.vector_store %arg11[%swap3A_243, %swap3A_244], %swap3A_247 {strides = array<i32>} : memref<128x128xf32, #tpu.memory_space<vmem>>, vector<1x16xf32>,
          %get3A_248 = arith.index_cast %scan3A_159 : i32 to index
          %get3A_249 = arith.constant 112 : index
          %get3A_250 = tpu.vector_load %arg11[%get3A_248, %get3A_249] {strides = array<i32>} : memref<128x128xf32, #tpu.memory_space<vmem>>, vector<1x16xf32>,
          %get3A_251 = vector.shape_cast %get3A_250 : vector<1x16xf32> to vector<16xf32>
          %mul3A_252 = arith.mulf %get3A_251, %gather3A_177 : vector<16xf32>
          %swap3A_253 = arith.index_cast %scan3A_159 : i32 to index
          %swap3A_254 = arith.constant 112 : index
          %swap3A_255 = tpu.vector_load %arg11[%swap3A_253, %swap3A_254] {strides = array<i32>} : memref<128x128xf32, #tpu.memory_space<vmem>>, vector<1x16xf32>,
          %swap3A_256 = vector.shape_cast %swap3A_255 : vector<1x16xf32> to vector<16xf32>
          %swap3A_257 = vector.shape_cast %mul3A_252 : vector<16xf32> to vector<1x16xf32>
          tpu.vector_store %arg11[%swap3A_253, %swap3A_254], %swap3A_257 {strides = array<i32>} : memref<128x128xf32, #tpu.memory_space<vmem>>, vector<1x16xf32>,
        }
        %scan3A_62 = arith.constant 128 : i32
        "tpu.region"() ({
          %run_scoped3A_63 = tpu.sem_alloc : memref<!tpu.dma_semaphore, #tpu.memory_space<semaphore_mem>>
          %dma_start3A_64 = arith.constant 0 : i32
          %dma_start3A_65 = arith.constant 0 : i32
          %dma_start3A_66 = tpu.memref_slice %arg14[%dma_start3A_64, %dma_start3A_65] : memref<10240x128xf32, #tpu.memory_space<vmem_shared>> -> memref<10240x128xf32, #tpu.memory_space<vmem_shared>>
          tpu.enqueue_indirect_dma source(%arg11 : memref<128x128xf32, #tpu.memory_space<vmem>>) target(%dma_start3A_66 : memref<10240x128xf32, #tpu.memory_space<vmem_shared>>) offsets(%arg10 : memref<128xi32, #tpu.memory_space<vmem>>) semaphore(%run_scoped3A_63 : memref<!tpu.dma_semaphore, #tpu.memory_space<semaphore_mem>>) {add = true}
          %dma_wait3A_67 = arith.constant 0 : i32
          %dma_wait3A_68 = arith.constant 0 : i32
          %dma_wait3A_69 = tpu.memref_slice %arg14[%dma_wait3A_67, %dma_wait3A_68] : memref<10240x128xf32, #tpu.memory_space<vmem_shared>> -> memref<10240x128xf32, #tpu.memory_space<vmem_shared>>
          tpu.wait_indirect_dma semaphore(%run_scoped3A_63 : memref<!tpu.dma_semaphore, #tpu.memory_space<semaphore_mem>>) src(%arg11 : memref<128x128xf32, #tpu.memory_space<vmem>>) dst(%dma_wait3A_69 : memref<10240x128xf32, #tpu.memory_space<vmem_shared>>)
          tpu.yield
        }) : () -> ()
      }
      %scan3A_31 = arith.constant 162 : i32
      %barrier3A_32 = arith.constant 0 : index
      tpu.barrier barrier_id(%barrier3A_32)
      %mul3A_33 = arith.constant 640 : i32
      %mul3A_34 = arith.muli %arg1, %mul3A_33 : i32
      %run_scoped3A = arith.constant 0 : i32
      "tpu.region"() ({
        %run_scoped3A_36 = tpu.sem_alloc : memref<!tpu.dma_semaphore, #tpu.memory_space<semaphore_mem>>
        %dma_start3A = arith.constant 0 : i32
        %dma_start3A_37 = arith.constant 0 : i32
        %dma_start3A_38 = tpu.memref_slice %arg8[%run_scoped3A, %dma_start3A, %dma_start3A_37] : memref<4x10240x128xf32, #tpu.memory_space<hbm>> -> memref<1x10240x128xf32, #tpu.memory_space<hbm>>
        %dma_start3A_39 = tpu.memref_squeeze %dma_start3A_38 : memref<1x10240x128xf32, #tpu.memory_space<hbm>> -> memref<10240x128xf32, #tpu.memory_space<hbm>>
        %dma_start3A_40 = arith.constant 0 : i32
        %dma_start3A_41 = tpu.memref_slice %dma_start3A_39[%mul3A_34, %dma_start3A_40] : memref<10240x128xf32, #tpu.memory_space<hbm>> -> memref<640x128xf32, #tpu.memory_space<hbm>>
        %dma_start3A_42 = arith.constant 0 : i32
        %dma_start3A_43 = tpu.memref_slice %arg14[%mul3A_34, %dma_start3A_42] : memref<10240x128xf32, #tpu.memory_space<vmem_shared>> -> memref<640x128xf32, #tpu.memory_space<vmem_shared>>
        tpu.enqueue_dma source(%dma_start3A_43 : memref<640x128xf32, #tpu.memory_space<vmem_shared>>) target(%dma_start3A_41 : memref<640x128xf32, #tpu.memory_space<hbm>>) target_semaphore(%run_scoped3A_36 : memref<!tpu.dma_semaphore, #tpu.memory_space<semaphore_mem>>)
        %dma_wait3A = arith.constant 0 : i32
        %dma_wait3A_44 = arith.constant 0 : i32
        %dma_wait3A_45 = tpu.memref_slice %arg8[%run_scoped3A, %dma_wait3A, %dma_wait3A_44] : memref<4x10240x128xf32, #tpu.memory_space<hbm>> -> memref<1x10240x128xf32, #tpu.memory_space<hbm>>
        %dma_wait3A_46 = tpu.memref_squeeze %dma_wait3A_45 : memref<1x10240x128xf32, #tpu.memory_space<hbm>> -> memref<10240x128xf32, #tpu.memory_space<hbm>>
        %dma_wait3A_47 = arith.constant 0 : i32
        %dma_wait3A_48 = tpu.memref_slice %dma_wait3A_46[%mul3A_34, %dma_wait3A_47] : memref<10240x128xf32, #tpu.memory_space<hbm>> -> memref<640x128xf32, #tpu.memory_space<hbm>>
        %dma_wait3A_49 = arith.constant 0 : i32
        %dma_wait3A_50 = tpu.memref_slice %arg14[%mul3A_34, %dma_wait3A_49] : memref<10240x128xf32, #tpu.memory_space<vmem_shared>> -> memref<640x128xf32, #tpu.memory_space<vmem_shared>>
        tpu.wait_dma2 semaphore(%run_scoped3A_36 : memref<!tpu.dma_semaphore, #tpu.memory_space<semaphore_mem>>) src(%dma_wait3A_50 : memref<640x128xf32, #tpu.memory_space<vmem_shared>>) dst(%dma_wait3A_48 : memref<640x128xf32, #tpu.memory_space<hbm>>)
        tpu.yield
      }) : () -> ()
      %barrier3A_35 = arith.constant 0 : index
      tpu.barrier barrier_id(%barrier3A_35)
    } else {
    }
    %eq3A_3 = arith.constant 1 : i32
    %eq3A_4 = arith.cmpi eq, %arg0, %eq3A_3 : i32
    %convert_element_type3A_5 = arith.extui %eq3A_4 : i1 to i32
    %cond3A_6 = arith.constant 0 : i32
    %cond3A_7 = arith.cmpi ne, %convert_element_type3A_5, %cond3A_6 : i32
    scf.if %cond3A_7 {
      %eq3A_18 = arith.constant 0 : i32
      %eq3A_19 = arith.cmpi eq, %arg1, %eq3A_18 : i32
      %convert_element_type3A_20 = arith.extui %eq3A_19 : i1 to i32
      %cond3A_21 = arith.constant 0 : i32
      %cond3A_22 = arith.cmpi ne, %convert_element_type3A_20, %cond3A_21 : i32
      scf.if %cond3A_22 {
        "tpu.region"() ({
          %run_scoped3A_36 = tpu.sem_alloc : memref<!tpu.dma_semaphore, #tpu.memory_space<semaphore_mem>>
          tpu.enqueue_dma source(%arg7 : memref<10240x128xf32, #tpu.memory_space<hbm>>) target(%arg14 : memref<10240x128xf32, #tpu.memory_space<vmem_shared>>) target_semaphore(%run_scoped3A_36 : memref<!tpu.dma_semaphore, #tpu.memory_space<semaphore_mem>>)
          tpu.wait_dma2 semaphore(%run_scoped3A_36 : memref<!tpu.dma_semaphore, #tpu.memory_space<semaphore_mem>>) src(%arg7 : memref<10240x128xf32, #tpu.memory_space<hbm>>) dst(%arg14 : memref<10240x128xf32, #tpu.memory_space<vmem_shared>>)
          tpu.yield
        }) : () -> ()
      } else {
      }
      %barrier3A = arith.constant 0 : index
      tpu.barrier barrier_id(%barrier3A)
      %broadcast_in_dim3A = arith.constant 2 : i32
      %broadcast_in_dim3A_23 = vector.broadcast %broadcast_in_dim3A : i32 to vector<16xi32>
      %broadcast_in_dim3A_24 = arith.constant 3 : i32
      %broadcast_in_dim3A_25 = vector.broadcast %broadcast_in_dim3A_24 : i32 to vector<16xi32>
      %scan3A = arith.constant 0 : i32
      %scan3A_26 = arith.constant 1 : i32
      %scan3A_27 = arith.constant 0 : i32
      %scan3A_28 = arith.constant 162 : i32
      %scan3A_29 = arith.addi %scan3A_27, %scan3A_28 : i32
      %scan3A_30 = arith.constant 1 : i32
      scf.for %scan3A_36 = %scan3A_27 to %scan3A_29 step %scan3A_30  : i32 {
        %mul3A_37 = arith.constant 128 : i32
        %mul3A_38 = arith.muli %scan3A_36, %mul3A_37 : i32
        %add3A = arith.addi %mul3A_0, %mul3A_38 : i32
        "tpu.region"() ({
          %run_scoped3A_63 = tpu.sem_alloc : memref<!tpu.dma_semaphore, #tpu.memory_space<semaphore_mem>>
          %dma_start3A_64 = tpu.memref_slice %arg5[%add3A] : memref<331776xi32, #tpu.memory_space<hbm>> -> memref<128xi32, #tpu.memory_space<hbm>>
          %dma_start3A_65 = tpu.memref_slice %arg5[%add3A] : memref<331776xi32, #tpu.memory_space<hbm>> -> memref<128xi32, #tpu.memory_space<hbm>>
          tpu.enqueue_dma source(%dma_start3A_65 : memref<128xi32, #tpu.memory_space<hbm>>) target(%arg9 : memref<128xi32, #tpu.memory_space<vmem>>) target_semaphore(%run_scoped3A_63 : memref<!tpu.dma_semaphore, #tpu.memory_space<semaphore_mem>>)
          %dma_wait3A_66 = tpu.memref_slice %arg5[%add3A] : memref<331776xi32, #tpu.memory_space<hbm>> -> memref<128xi32, #tpu.memory_space<hbm>>
          %dma_wait3A_67 = tpu.memref_slice %arg5[%add3A] : memref<331776xi32, #tpu.memory_space<hbm>> -> memref<128xi32, #tpu.memory_space<hbm>>
          tpu.wait_dma2 semaphore(%run_scoped3A_63 : memref<!tpu.dma_semaphore, #tpu.memory_space<semaphore_mem>>) src(%dma_wait3A_67 : memref<128xi32, #tpu.memory_space<hbm>>) dst(%arg9 : memref<128xi32, #tpu.memory_space<vmem>>)
          tpu.yield
        }) : () -> ()
        "tpu.region"() ({
          %run_scoped3A_63 = tpu.sem_alloc : memref<!tpu.dma_semaphore, #tpu.memory_space<semaphore_mem>>
          %dma_start3A_64 = tpu.memref_slice %arg6[%add3A] : memref<331776xi32, #tpu.memory_space<hbm>> -> memref<128xi32, #tpu.memory_space<hbm>>
          %dma_start3A_65 = tpu.memref_slice %arg6[%add3A] : memref<331776xi32, #tpu.memory_space<hbm>> -> memref<128xi32, #tpu.memory_space<hbm>>
          tpu.enqueue_dma source(%dma_start3A_65 : memref<128xi32, #tpu.memory_space<hbm>>) target(%arg10 : memref<128xi32, #tpu.memory_space<vmem>>) target_semaphore(%run_scoped3A_63 : memref<!tpu.dma_semaphore, #tpu.memory_space<semaphore_mem>>)
          %dma_wait3A_66 = tpu.memref_slice %arg6[%add3A] : memref<331776xi32, #tpu.memory_space<hbm>> -> memref<128xi32, #tpu.memory_space<hbm>>
          %dma_wait3A_67 = tpu.memref_slice %arg6[%add3A] : memref<331776xi32, #tpu.memory_space<hbm>> -> memref<128xi32, #tpu.memory_space<hbm>>
          tpu.wait_dma2 semaphore(%run_scoped3A_63 : memref<!tpu.dma_semaphore, #tpu.memory_space<semaphore_mem>>) src(%dma_wait3A_67 : memref<128xi32, #tpu.memory_space<hbm>>) dst(%arg10 : memref<128xi32, #tpu.memory_space<vmem>>)
          tpu.yield
        }) : () -> ()
        %dma_start3A = arith.constant 0 : i32
        %dma_start3A_39 = arith.constant 0 : i32
        %dma_start3A_40 = tpu.memref_slice %arg2[%scan3A_26, %dma_start3A, %dma_start3A_39] : memref<4x10240x128xf32, #tpu.memory_space<hbm>> -> memref<1x10240x128xf32, #tpu.memory_space<hbm>>
        %dma_start3A_41 = tpu.memref_squeeze %dma_start3A_40 : memref<1x10240x128xf32, #tpu.memory_space<hbm>> -> memref<10240x128xf32, #tpu.memory_space<hbm>>
        %dma_start3A_42 = arith.constant 0 : i32
        %dma_start3A_43 = arith.constant 0 : i32
        %dma_start3A_44 = tpu.memref_slice %dma_start3A_41[%dma_start3A_42, %dma_start3A_43] : memref<10240x128xf32, #tpu.memory_space<hbm>> -> memref<10240x128xf32, #tpu.memory_space<hbm>>
        tpu.enqueue_indirect_dma source(%dma_start3A_44 : memref<10240x128xf32, #tpu.memory_space<hbm>>) target(%arg11 : memref<128x128xf32, #tpu.memory_space<vmem>>) offsets(%arg9 : memref<128xi32, #tpu.memory_space<vmem>>) semaphore(%arg15 : memref<!tpu.dma_semaphore, #tpu.memory_space<semaphore_mem>>)
        %dma_start3A_45 = arith.constant 0 : i32
        %dma_start3A_46 = arith.constant 0 : i32
        %dma_start3A_47 = tpu.memref_slice %arg4[%dma_start3A_45, %dma_start3A_46] : memref<10240x16xf32, #tpu.memory_space<hbm>> -> memref<10240x16xf32, #tpu.memory_space<hbm>>
        tpu.enqueue_indirect_dma source(%dma_start3A_47 : memref<10240x16xf32, #tpu.memory_space<hbm>>) target(%arg13 : memref<128x16xf32, #tpu.memory_space<vmem>>) offsets(%arg10 : memref<128xi32, #tpu.memory_space<vmem>>) semaphore(%arg16 : memref<!tpu.dma_semaphore, #tpu.memory_space<semaphore_mem>>)
        "tpu.region"() ({
          %run_scoped3A_63 = tpu.sem_alloc : memref<!tpu.dma_semaphore, #tpu.memory_space<semaphore_mem>>
          %dma_start3A_64 = arith.constant 0 : i32
          %dma_start3A_65 = tpu.memref_slice %arg3[%add3A, %dma_start3A_64] : memref<331776x16xf32, #tpu.memory_space<hbm>> -> memref<128x16xf32, #tpu.memory_space<hbm>>
          %dma_start3A_66 = arith.constant 0 : i32
          %dma_start3A_67 = tpu.memref_slice %arg3[%add3A, %dma_start3A_66] : memref<331776x16xf32, #tpu.memory_space<hbm>> -> memref<128x16xf32, #tpu.memory_space<hbm>>
          tpu.enqueue_dma source(%dma_start3A_67 : memref<128x16xf32, #tpu.memory_space<hbm>>) target(%arg12 : memref<128x16xf32, #tpu.memory_space<vmem>>) target_semaphore(%run_scoped3A_63 : memref<!tpu.dma_semaphore, #tpu.memory_space<semaphore_mem>>)
          %dma_wait3A_68 = arith.constant 0 : i32
          %dma_wait3A_69 = tpu.memref_slice %arg3[%add3A, %dma_wait3A_68] : memref<331776x16xf32, #tpu.memory_space<hbm>> -> memref<128x16xf32, #tpu.memory_space<hbm>>
          %dma_wait3A_70 = arith.constant 0 : i32
          %dma_wait3A_71 = tpu.memref_slice %arg3[%add3A, %dma_wait3A_70] : memref<331776x16xf32, #tpu.memory_space<hbm>> -> memref<128x16xf32, #tpu.memory_space<hbm>>
          tpu.wait_dma2 semaphore(%run_scoped3A_63 : memref<!tpu.dma_semaphore, #tpu.memory_space<semaphore_mem>>) src(%dma_wait3A_71 : memref<128x16xf32, #tpu.memory_space<hbm>>) dst(%arg12 : memref<128x16xf32, #tpu.memory_space<vmem>>)
          tpu.yield
        }) : () -> ()
        %dma_wait3A = arith.constant 0 : i32
        %dma_wait3A_48 = arith.constant 0 : i32
        %dma_wait3A_49 = tpu.memref_slice %arg2[%scan3A_26, %dma_wait3A, %dma_wait3A_48] : memref<4x10240x128xf32, #tpu.memory_space<hbm>> -> memref<1x10240x128xf32, #tpu.memory_space<hbm>>
        %dma_wait3A_50 = tpu.memref_squeeze %dma_wait3A_49 : memref<1x10240x128xf32, #tpu.memory_space<hbm>> -> memref<10240x128xf32, #tpu.memory_space<hbm>>
        %dma_wait3A_51 = arith.constant 0 : i32
        %dma_wait3A_52 = arith.constant 0 : i32
        %dma_wait3A_53 = tpu.memref_slice %dma_wait3A_50[%dma_wait3A_51, %dma_wait3A_52] : memref<10240x128xf32, #tpu.memory_space<hbm>> -> memref<10240x128xf32, #tpu.memory_space<hbm>>
        tpu.wait_indirect_dma semaphore(%arg15 : memref<!tpu.dma_semaphore, #tpu.memory_space<semaphore_mem>>) src(%dma_wait3A_53 : memref<10240x128xf32, #tpu.memory_space<hbm>>) dst(%arg11 : memref<128x128xf32, #tpu.memory_space<vmem>>)
        %dma_wait3A_54 = arith.constant 0 : i32
        %dma_wait3A_55 = arith.constant 0 : i32
        %dma_wait3A_56 = tpu.memref_slice %arg4[%dma_wait3A_54, %dma_wait3A_55] : memref<10240x16xf32, #tpu.memory_space<hbm>> -> memref<10240x16xf32, #tpu.memory_space<hbm>>
        tpu.wait_indirect_dma semaphore(%arg16 : memref<!tpu.dma_semaphore, #tpu.memory_space<semaphore_mem>>) src(%dma_wait3A_56 : memref<10240x16xf32, #tpu.memory_space<hbm>>) dst(%arg13 : memref<128x16xf32, #tpu.memory_space<vmem>>)
        %scan3A_57 = arith.constant 0 : i32
        %scan3A_58 = arith.constant 0 : i32
        %scan3A_59 = arith.constant 128 : i32
        %scan3A_60 = arith.addi %scan3A_58, %scan3A_59 : i32
        %scan3A_61 = arith.constant 2 : i32
        scf.for %scan3A_63 = %scan3A_58 to %scan3A_60 step %scan3A_61  : i32 {
          %get3A = arith.index_cast %scan3A_63 : i32 to index
          %get3A_64 = arith.constant 0 : index
          %get3A_65 = tpu.vector_load %arg12[%get3A, %get3A_64] {strides = array<i32>} : memref<128x16xf32, #tpu.memory_space<vmem>>, vector<1x16xf32>,
          %get3A_66 = vector.shape_cast %get3A_65 : vector<1x16xf32> to vector<16xf32>
          %get3A_67 = arith.index_cast %scan3A_63 : i32 to index
          %get3A_68 = arith.constant 0 : index
          %get3A_69 = tpu.vector_load %arg13[%get3A_67, %get3A_68] {strides = array<i32>} : memref<128x16xf32, #tpu.memory_space<vmem>>, vector<1x16xf32>,
          %get3A_70 = vector.shape_cast %get3A_69 : vector<1x16xf32> to vector<16xf32>
          %add3A_71 = arith.constant 1.000000e-16 : f32
          %add3A_72 = vector.broadcast %add3A_71 : f32 to vector<16xf32>
          %add3A_73 = arith.addf %get3A_70, %add3A_72 : vector<16xf32>
          %div3A = arith.divf %get3A_66, %add3A_73 : vector<16xf32>
          %broadcast_in_dim3A_74 = vector.shape_cast %broadcast_in_dim3A_23 : vector<16xi32> to vector<16x1xi32>
          %gather3A = vector.shape_cast %broadcast_in_dim3A_74 : vector<16x1xi32> to vector<16xi32>
          %gather3A_75 = tpu.dynamic_gather %div3A[%gather3A] in [0] : vector<16xf32>, vector<16xi32> -> vector<16xf32>
          %broadcast_in_dim3A_76 = vector.shape_cast %broadcast_in_dim3A_25 : vector<16xi32> to vector<16x1xi32>
          %gather3A_77 = vector.shape_cast %broadcast_in_dim3A_76 : vector<16x1xi32> to vector<16xi32>
          %gather3A_78 = tpu.dynamic_gather %div3A[%gather3A_77] in [0] : vector<16xf32>, vector<16xi32> -> vector<16xf32>
          %get3A_79 = arith.index_cast %scan3A_63 : i32 to index
          %get3A_80 = arith.constant 0 : index
          %get3A_81 = tpu.vector_load %arg11[%get3A_79, %get3A_80] {strides = array<i32>} : memref<128x128xf32, #tpu.memory_space<vmem>>, vector<1x16xf32>,
          %get3A_82 = vector.shape_cast %get3A_81 : vector<1x16xf32> to vector<16xf32>
          %mul3A_83 = arith.mulf %get3A_82, %gather3A_75 : vector<16xf32>
          %swap3A = arith.index_cast %scan3A_63 : i32 to index
          %swap3A_84 = arith.constant 0 : index
          %swap3A_85 = tpu.vector_load %arg11[%swap3A, %swap3A_84] {strides = array<i32>} : memref<128x128xf32, #tpu.memory_space<vmem>>, vector<1x16xf32>,
          %swap3A_86 = vector.shape_cast %swap3A_85 : vector<1x16xf32> to vector<16xf32>
          %swap3A_87 = vector.shape_cast %mul3A_83 : vector<16xf32> to vector<1x16xf32>
          tpu.vector_store %arg11[%swap3A, %swap3A_84], %swap3A_87 {strides = array<i32>} : memref<128x128xf32, #tpu.memory_space<vmem>>, vector<1x16xf32>,
          %get3A_88 = arith.index_cast %scan3A_63 : i32 to index
          %get3A_89 = arith.constant 16 : index
          %get3A_90 = tpu.vector_load %arg11[%get3A_88, %get3A_89] {strides = array<i32>} : memref<128x128xf32, #tpu.memory_space<vmem>>, vector<1x16xf32>,
          %get3A_91 = vector.shape_cast %get3A_90 : vector<1x16xf32> to vector<16xf32>
          %mul3A_92 = arith.mulf %get3A_91, %gather3A_75 : vector<16xf32>
          %swap3A_93 = arith.index_cast %scan3A_63 : i32 to index
          %swap3A_94 = arith.constant 16 : index
          %swap3A_95 = tpu.vector_load %arg11[%swap3A_93, %swap3A_94] {strides = array<i32>} : memref<128x128xf32, #tpu.memory_space<vmem>>, vector<1x16xf32>,
          %swap3A_96 = vector.shape_cast %swap3A_95 : vector<1x16xf32> to vector<16xf32>
          %swap3A_97 = vector.shape_cast %mul3A_92 : vector<16xf32> to vector<1x16xf32>
          tpu.vector_store %arg11[%swap3A_93, %swap3A_94], %swap3A_97 {strides = array<i32>} : memref<128x128xf32, #tpu.memory_space<vmem>>, vector<1x16xf32>,
          %get3A_98 = arith.index_cast %scan3A_63 : i32 to index
          %get3A_99 = arith.constant 32 : index
          %get3A_100 = tpu.vector_load %arg11[%get3A_98, %get3A_99] {strides = array<i32>} : memref<128x128xf32, #tpu.memory_space<vmem>>, vector<1x16xf32>,
          %get3A_101 = vector.shape_cast %get3A_100 : vector<1x16xf32> to vector<16xf32>
          %mul3A_102 = arith.mulf %get3A_101, %gather3A_75 : vector<16xf32>
          %swap3A_103 = arith.index_cast %scan3A_63 : i32 to index
          %swap3A_104 = arith.constant 32 : index
          %swap3A_105 = tpu.vector_load %arg11[%swap3A_103, %swap3A_104] {strides = array<i32>} : memref<128x128xf32, #tpu.memory_space<vmem>>, vector<1x16xf32>,
          %swap3A_106 = vector.shape_cast %swap3A_105 : vector<1x16xf32> to vector<16xf32>
          %swap3A_107 = vector.shape_cast %mul3A_102 : vector<16xf32> to vector<1x16xf32>
          tpu.vector_store %arg11[%swap3A_103, %swap3A_104], %swap3A_107 {strides = array<i32>} : memref<128x128xf32, #tpu.memory_space<vmem>>, vector<1x16xf32>,
          %get3A_108 = arith.index_cast %scan3A_63 : i32 to index
          %get3A_109 = arith.constant 48 : index
          %get3A_110 = tpu.vector_load %arg11[%get3A_108, %get3A_109] {strides = array<i32>} : memref<128x128xf32, #tpu.memory_space<vmem>>, vector<1x16xf32>,
          %get3A_111 = vector.shape_cast %get3A_110 : vector<1x16xf32> to vector<16xf32>
          %mul3A_112 = arith.mulf %get3A_111, %gather3A_75 : vector<16xf32>
          %swap3A_113 = arith.index_cast %scan3A_63 : i32 to index
          %swap3A_114 = arith.constant 48 : index
          %swap3A_115 = tpu.vector_load %arg11[%swap3A_113, %swap3A_114] {strides = array<i32>} : memref<128x128xf32, #tpu.memory_space<vmem>>, vector<1x16xf32>,
          %swap3A_116 = vector.shape_cast %swap3A_115 : vector<1x16xf32> to vector<16xf32>
          %swap3A_117 = vector.shape_cast %mul3A_112 : vector<16xf32> to vector<1x16xf32>
          tpu.vector_store %arg11[%swap3A_113, %swap3A_114], %swap3A_117 {strides = array<i32>} : memref<128x128xf32, #tpu.memory_space<vmem>>, vector<1x16xf32>,
          %get3A_118 = arith.index_cast %scan3A_63 : i32 to index
          %get3A_119 = arith.constant 64 : index
          %get3A_120 = tpu.vector_load %arg11[%get3A_118, %get3A_119] {strides = array<i32>} : memref<128x128xf32, #tpu.memory_space<vmem>>, vector<1x16xf32>,
          %get3A_121 = vector.shape_cast %get3A_120 : vector<1x16xf32> to vector<16xf32>
          %mul3A_122 = arith.mulf %get3A_121, %gather3A_78 : vector<16xf32>
          %swap3A_123 = arith.index_cast %scan3A_63 : i32 to index
          %swap3A_124 = arith.constant 64 : index
          %swap3A_125 = tpu.vector_load %arg11[%swap3A_123, %swap3A_124] {strides = array<i32>} : memref<128x128xf32, #tpu.memory_space<vmem>>, vector<1x16xf32>,
          %swap3A_126 = vector.shape_cast %swap3A_125 : vector<1x16xf32> to vector<16xf32>
          %swap3A_127 = vector.shape_cast %mul3A_122 : vector<16xf32> to vector<1x16xf32>
          tpu.vector_store %arg11[%swap3A_123, %swap3A_124], %swap3A_127 {strides = array<i32>} : memref<128x128xf32, #tpu.memory_space<vmem>>, vector<1x16xf32>,
          %get3A_128 = arith.index_cast %scan3A_63 : i32 to index
          %get3A_129 = arith.constant 80 : index
          %get3A_130 = tpu.vector_load %arg11[%get3A_128, %get3A_129] {strides = array<i32>} : memref<128x128xf32, #tpu.memory_space<vmem>>, vector<1x16xf32>,
          %get3A_131 = vector.shape_cast %get3A_130 : vector<1x16xf32> to vector<16xf32>
          %mul3A_132 = arith.mulf %get3A_131, %gather3A_78 : vector<16xf32>
          %swap3A_133 = arith.index_cast %scan3A_63 : i32 to index
          %swap3A_134 = arith.constant 80 : index
          %swap3A_135 = tpu.vector_load %arg11[%swap3A_133, %swap3A_134] {strides = array<i32>} : memref<128x128xf32, #tpu.memory_space<vmem>>, vector<1x16xf32>,
          %swap3A_136 = vector.shape_cast %swap3A_135 : vector<1x16xf32> to vector<16xf32>
          %swap3A_137 = vector.shape_cast %mul3A_132 : vector<16xf32> to vector<1x16xf32>
          tpu.vector_store %arg11[%swap3A_133, %swap3A_134], %swap3A_137 {strides = array<i32>} : memref<128x128xf32, #tpu.memory_space<vmem>>, vector<1x16xf32>,
          %get3A_138 = arith.index_cast %scan3A_63 : i32 to index
          %get3A_139 = arith.constant 96 : index
          %get3A_140 = tpu.vector_load %arg11[%get3A_138, %get3A_139] {strides = array<i32>} : memref<128x128xf32, #tpu.memory_space<vmem>>, vector<1x16xf32>,
          %get3A_141 = vector.shape_cast %get3A_140 : vector<1x16xf32> to vector<16xf32>
          %mul3A_142 = arith.mulf %get3A_141, %gather3A_78 : vector<16xf32>
          %swap3A_143 = arith.index_cast %scan3A_63 : i32 to index
          %swap3A_144 = arith.constant 96 : index
          %swap3A_145 = tpu.vector_load %arg11[%swap3A_143, %swap3A_144] {strides = array<i32>} : memref<128x128xf32, #tpu.memory_space<vmem>>, vector<1x16xf32>,
          %swap3A_146 = vector.shape_cast %swap3A_145 : vector<1x16xf32> to vector<16xf32>
          %swap3A_147 = vector.shape_cast %mul3A_142 : vector<16xf32> to vector<1x16xf32>
          tpu.vector_store %arg11[%swap3A_143, %swap3A_144], %swap3A_147 {strides = array<i32>} : memref<128x128xf32, #tpu.memory_space<vmem>>, vector<1x16xf32>,
          %get3A_148 = arith.index_cast %scan3A_63 : i32 to index
          %get3A_149 = arith.constant 112 : index
          %get3A_150 = tpu.vector_load %arg11[%get3A_148, %get3A_149] {strides = array<i32>} : memref<128x128xf32, #tpu.memory_space<vmem>>, vector<1x16xf32>,
          %get3A_151 = vector.shape_cast %get3A_150 : vector<1x16xf32> to vector<16xf32>
          %mul3A_152 = arith.mulf %get3A_151, %gather3A_78 : vector<16xf32>
          %swap3A_153 = arith.index_cast %scan3A_63 : i32 to index
          %swap3A_154 = arith.constant 112 : index
          %swap3A_155 = tpu.vector_load %arg11[%swap3A_153, %swap3A_154] {strides = array<i32>} : memref<128x128xf32, #tpu.memory_space<vmem>>, vector<1x16xf32>,
          %swap3A_156 = vector.shape_cast %swap3A_155 : vector<1x16xf32> to vector<16xf32>
          %swap3A_157 = vector.shape_cast %mul3A_152 : vector<16xf32> to vector<1x16xf32>
          tpu.vector_store %arg11[%swap3A_153, %swap3A_154], %swap3A_157 {strides = array<i32>} : memref<128x128xf32, #tpu.memory_space<vmem>>, vector<1x16xf32>,
          %scan3A_158 = arith.constant 1 : i32
          %scan3A_159 = arith.addi %scan3A_63, %scan3A_158 : i32
          %get3A_160 = arith.index_cast %scan3A_159 : i32 to index
          %get3A_161 = arith.constant 0 : index
          %get3A_162 = tpu.vector_load %arg12[%get3A_160, %get3A_161] {strides = array<i32>} : memref<128x16xf32, #tpu.memory_space<vmem>>, vector<1x16xf32>,
          %get3A_163 = vector.shape_cast %get3A_162 : vector<1x16xf32> to vector<16xf32>
          %get3A_164 = arith.index_cast %scan3A_159 : i32 to index
          %get3A_165 = arith.constant 0 : index
          %get3A_166 = tpu.vector_load %arg13[%get3A_164, %get3A_165] {strides = array<i32>} : memref<128x16xf32, #tpu.memory_space<vmem>>, vector<1x16xf32>,
          %get3A_167 = vector.shape_cast %get3A_166 : vector<1x16xf32> to vector<16xf32>
          %add3A_168 = arith.constant 1.000000e-16 : f32
          %add3A_169 = vector.broadcast %add3A_168 : f32 to vector<16xf32>
          %add3A_170 = arith.addf %get3A_167, %add3A_169 : vector<16xf32>
          %div3A_171 = arith.divf %get3A_163, %add3A_170 : vector<16xf32>
          %broadcast_in_dim3A_172 = vector.shape_cast %broadcast_in_dim3A_23 : vector<16xi32> to vector<16x1xi32>
          %gather3A_173 = vector.shape_cast %broadcast_in_dim3A_172 : vector<16x1xi32> to vector<16xi32>
          %gather3A_174 = tpu.dynamic_gather %div3A_171[%gather3A_173] in [0] : vector<16xf32>, vector<16xi32> -> vector<16xf32>
          %broadcast_in_dim3A_175 = vector.shape_cast %broadcast_in_dim3A_25 : vector<16xi32> to vector<16x1xi32>
          %gather3A_176 = vector.shape_cast %broadcast_in_dim3A_175 : vector<16x1xi32> to vector<16xi32>
          %gather3A_177 = tpu.dynamic_gather %div3A_171[%gather3A_176] in [0] : vector<16xf32>, vector<16xi32> -> vector<16xf32>
          %get3A_178 = arith.index_cast %scan3A_159 : i32 to index
          %get3A_179 = arith.constant 0 : index
          %get3A_180 = tpu.vector_load %arg11[%get3A_178, %get3A_179] {strides = array<i32>} : memref<128x128xf32, #tpu.memory_space<vmem>>, vector<1x16xf32>,
          %get3A_181 = vector.shape_cast %get3A_180 : vector<1x16xf32> to vector<16xf32>
          %mul3A_182 = arith.mulf %get3A_181, %gather3A_174 : vector<16xf32>
          %swap3A_183 = arith.index_cast %scan3A_159 : i32 to index
          %swap3A_184 = arith.constant 0 : index
          %swap3A_185 = tpu.vector_load %arg11[%swap3A_183, %swap3A_184] {strides = array<i32>} : memref<128x128xf32, #tpu.memory_space<vmem>>, vector<1x16xf32>,
          %swap3A_186 = vector.shape_cast %swap3A_185 : vector<1x16xf32> to vector<16xf32>
          %swap3A_187 = vector.shape_cast %mul3A_182 : vector<16xf32> to vector<1x16xf32>
          tpu.vector_store %arg11[%swap3A_183, %swap3A_184], %swap3A_187 {strides = array<i32>} : memref<128x128xf32, #tpu.memory_space<vmem>>, vector<1x16xf32>,
          %get3A_188 = arith.index_cast %scan3A_159 : i32 to index
          %get3A_189 = arith.constant 16 : index
          %get3A_190 = tpu.vector_load %arg11[%get3A_188, %get3A_189] {strides = array<i32>} : memref<128x128xf32, #tpu.memory_space<vmem>>, vector<1x16xf32>,
          %get3A_191 = vector.shape_cast %get3A_190 : vector<1x16xf32> to vector<16xf32>
          %mul3A_192 = arith.mulf %get3A_191, %gather3A_174 : vector<16xf32>
          %swap3A_193 = arith.index_cast %scan3A_159 : i32 to index
          %swap3A_194 = arith.constant 16 : index
          %swap3A_195 = tpu.vector_load %arg11[%swap3A_193, %swap3A_194] {strides = array<i32>} : memref<128x128xf32, #tpu.memory_space<vmem>>, vector<1x16xf32>,
          %swap3A_196 = vector.shape_cast %swap3A_195 : vector<1x16xf32> to vector<16xf32>
          %swap3A_197 = vector.shape_cast %mul3A_192 : vector<16xf32> to vector<1x16xf32>
          tpu.vector_store %arg11[%swap3A_193, %swap3A_194], %swap3A_197 {strides = array<i32>} : memref<128x128xf32, #tpu.memory_space<vmem>>, vector<1x16xf32>,
          %get3A_198 = arith.index_cast %scan3A_159 : i32 to index
          %get3A_199 = arith.constant 32 : index
          %get3A_200 = tpu.vector_load %arg11[%get3A_198, %get3A_199] {strides = array<i32>} : memref<128x128xf32, #tpu.memory_space<vmem>>, vector<1x16xf32>,
          %get3A_201 = vector.shape_cast %get3A_200 : vector<1x16xf32> to vector<16xf32>
          %mul3A_202 = arith.mulf %get3A_201, %gather3A_174 : vector<16xf32>
          %swap3A_203 = arith.index_cast %scan3A_159 : i32 to index
          %swap3A_204 = arith.constant 32 : index
          %swap3A_205 = tpu.vector_load %arg11[%swap3A_203, %swap3A_204] {strides = array<i32>} : memref<128x128xf32, #tpu.memory_space<vmem>>, vector<1x16xf32>,
          %swap3A_206 = vector.shape_cast %swap3A_205 : vector<1x16xf32> to vector<16xf32>
          %swap3A_207 = vector.shape_cast %mul3A_202 : vector<16xf32> to vector<1x16xf32>
          tpu.vector_store %arg11[%swap3A_203, %swap3A_204], %swap3A_207 {strides = array<i32>} : memref<128x128xf32, #tpu.memory_space<vmem>>, vector<1x16xf32>,
          %get3A_208 = arith.index_cast %scan3A_159 : i32 to index
          %get3A_209 = arith.constant 48 : index
          %get3A_210 = tpu.vector_load %arg11[%get3A_208, %get3A_209] {strides = array<i32>} : memref<128x128xf32, #tpu.memory_space<vmem>>, vector<1x16xf32>,
          %get3A_211 = vector.shape_cast %get3A_210 : vector<1x16xf32> to vector<16xf32>
          %mul3A_212 = arith.mulf %get3A_211, %gather3A_174 : vector<16xf32>
          %swap3A_213 = arith.index_cast %scan3A_159 : i32 to index
          %swap3A_214 = arith.constant 48 : index
          %swap3A_215 = tpu.vector_load %arg11[%swap3A_213, %swap3A_214] {strides = array<i32>} : memref<128x128xf32, #tpu.memory_space<vmem>>, vector<1x16xf32>,
          %swap3A_216 = vector.shape_cast %swap3A_215 : vector<1x16xf32> to vector<16xf32>
          %swap3A_217 = vector.shape_cast %mul3A_212 : vector<16xf32> to vector<1x16xf32>
          tpu.vector_store %arg11[%swap3A_213, %swap3A_214], %swap3A_217 {strides = array<i32>} : memref<128x128xf32, #tpu.memory_space<vmem>>, vector<1x16xf32>,
          %get3A_218 = arith.index_cast %scan3A_159 : i32 to index
          %get3A_219 = arith.constant 64 : index
          %get3A_220 = tpu.vector_load %arg11[%get3A_218, %get3A_219] {strides = array<i32>} : memref<128x128xf32, #tpu.memory_space<vmem>>, vector<1x16xf32>,
          %get3A_221 = vector.shape_cast %get3A_220 : vector<1x16xf32> to vector<16xf32>
          %mul3A_222 = arith.mulf %get3A_221, %gather3A_177 : vector<16xf32>
          %swap3A_223 = arith.index_cast %scan3A_159 : i32 to index
          %swap3A_224 = arith.constant 64 : index
          %swap3A_225 = tpu.vector_load %arg11[%swap3A_223, %swap3A_224] {strides = array<i32>} : memref<128x128xf32, #tpu.memory_space<vmem>>, vector<1x16xf32>,
          %swap3A_226 = vector.shape_cast %swap3A_225 : vector<1x16xf32> to vector<16xf32>
          %swap3A_227 = vector.shape_cast %mul3A_222 : vector<16xf32> to vector<1x16xf32>
          tpu.vector_store %arg11[%swap3A_223, %swap3A_224], %swap3A_227 {strides = array<i32>} : memref<128x128xf32, #tpu.memory_space<vmem>>, vector<1x16xf32>,
          %get3A_228 = arith.index_cast %scan3A_159 : i32 to index
          %get3A_229 = arith.constant 80 : index
          %get3A_230 = tpu.vector_load %arg11[%get3A_228, %get3A_229] {strides = array<i32>} : memref<128x128xf32, #tpu.memory_space<vmem>>, vector<1x16xf32>,
          %get3A_231 = vector.shape_cast %get3A_230 : vector<1x16xf32> to vector<16xf32>
          %mul3A_232 = arith.mulf %get3A_231, %gather3A_177 : vector<16xf32>
          %swap3A_233 = arith.index_cast %scan3A_159 : i32 to index
          %swap3A_234 = arith.constant 80 : index
          %swap3A_235 = tpu.vector_load %arg11[%swap3A_233, %swap3A_234] {strides = array<i32>} : memref<128x128xf32, #tpu.memory_space<vmem>>, vector<1x16xf32>,
          %swap3A_236 = vector.shape_cast %swap3A_235 : vector<1x16xf32> to vector<16xf32>
          %swap3A_237 = vector.shape_cast %mul3A_232 : vector<16xf32> to vector<1x16xf32>
          tpu.vector_store %arg11[%swap3A_233, %swap3A_234], %swap3A_237 {strides = array<i32>} : memref<128x128xf32, #tpu.memory_space<vmem>>, vector<1x16xf32>,
          %get3A_238 = arith.index_cast %scan3A_159 : i32 to index
          %get3A_239 = arith.constant 96 : index
          %get3A_240 = tpu.vector_load %arg11[%get3A_238, %get3A_239] {strides = array<i32>} : memref<128x128xf32, #tpu.memory_space<vmem>>, vector<1x16xf32>,
          %get3A_241 = vector.shape_cast %get3A_240 : vector<1x16xf32> to vector<16xf32>
          %mul3A_242 = arith.mulf %get3A_241, %gather3A_177 : vector<16xf32>
          %swap3A_243 = arith.index_cast %scan3A_159 : i32 to index
          %swap3A_244 = arith.constant 96 : index
          %swap3A_245 = tpu.vector_load %arg11[%swap3A_243, %swap3A_244] {strides = array<i32>} : memref<128x128xf32, #tpu.memory_space<vmem>>, vector<1x16xf32>,
          %swap3A_246 = vector.shape_cast %swap3A_245 : vector<1x16xf32> to vector<16xf32>
          %swap3A_247 = vector.shape_cast %mul3A_242 : vector<16xf32> to vector<1x16xf32>
          tpu.vector_store %arg11[%swap3A_243, %swap3A_244], %swap3A_247 {strides = array<i32>} : memref<128x128xf32, #tpu.memory_space<vmem>>, vector<1x16xf32>,
          %get3A_248 = arith.index_cast %scan3A_159 : i32 to index
          %get3A_249 = arith.constant 112 : index
          %get3A_250 = tpu.vector_load %arg11[%get3A_248, %get3A_249] {strides = array<i32>} : memref<128x128xf32, #tpu.memory_space<vmem>>, vector<1x16xf32>,
          %get3A_251 = vector.shape_cast %get3A_250 : vector<1x16xf32> to vector<16xf32>
          %mul3A_252 = arith.mulf %get3A_251, %gather3A_177 : vector<16xf32>
          %swap3A_253 = arith.index_cast %scan3A_159 : i32 to index
          %swap3A_254 = arith.constant 112 : index
          %swap3A_255 = tpu.vector_load %arg11[%swap3A_253, %swap3A_254] {strides = array<i32>} : memref<128x128xf32, #tpu.memory_space<vmem>>, vector<1x16xf32>,
          %swap3A_256 = vector.shape_cast %swap3A_255 : vector<1x16xf32> to vector<16xf32>
          %swap3A_257 = vector.shape_cast %mul3A_252 : vector<16xf32> to vector<1x16xf32>
          tpu.vector_store %arg11[%swap3A_253, %swap3A_254], %swap3A_257 {strides = array<i32>} : memref<128x128xf32, #tpu.memory_space<vmem>>, vector<1x16xf32>,
        }
        %scan3A_62 = arith.constant 128 : i32
        "tpu.region"() ({
          %run_scoped3A_63 = tpu.sem_alloc : memref<!tpu.dma_semaphore, #tpu.memory_space<semaphore_mem>>
          %dma_start3A_64 = arith.constant 0 : i32
          %dma_start3A_65 = arith.constant 0 : i32
          %dma_start3A_66 = tpu.memref_slice %arg14[%dma_start3A_64, %dma_start3A_65] : memref<10240x128xf32, #tpu.memory_space<vmem_shared>> -> memref<10240x128xf32, #tpu.memory_space<vmem_shared>>
          tpu.enqueue_indirect_dma source(%arg11 : memref<128x128xf32, #tpu.memory_space<vmem>>) target(%dma_start3A_66 : memref<10240x128xf32, #tpu.memory_space<vmem_shared>>) offsets(%arg10 : memref<128xi32, #tpu.memory_space<vmem>>) semaphore(%run_scoped3A_63 : memref<!tpu.dma_semaphore, #tpu.memory_space<semaphore_mem>>) {add = true}
          %dma_wait3A_67 = arith.constant 0 : i32
          %dma_wait3A_68 = arith.constant 0 : i32
          %dma_wait3A_69 = tpu.memref_slice %arg14[%dma_wait3A_67, %dma_wait3A_68] : memref<10240x128xf32, #tpu.memory_space<vmem_shared>> -> memref<10240x128xf32, #tpu.memory_space<vmem_shared>>
          tpu.wait_indirect_dma semaphore(%run_scoped3A_63 : memref<!tpu.dma_semaphore, #tpu.memory_space<semaphore_mem>>) src(%arg11 : memref<128x128xf32, #tpu.memory_space<vmem>>) dst(%dma_wait3A_69 : memref<10240x128xf32, #tpu.memory_space<vmem_shared>>)
          tpu.yield
        }) : () -> ()
      }
      %scan3A_31 = arith.constant 162 : i32
      %barrier3A_32 = arith.constant 0 : index
      tpu.barrier barrier_id(%barrier3A_32)
      %mul3A_33 = arith.constant 640 : i32
      %mul3A_34 = arith.muli %arg1, %mul3A_33 : i32
      %run_scoped3A = arith.constant 1 : i32
      "tpu.region"() ({
        %run_scoped3A_36 = tpu.sem_alloc : memref<!tpu.dma_semaphore, #tpu.memory_space<semaphore_mem>>
        %dma_start3A = arith.constant 0 : i32
        %dma_start3A_37 = arith.constant 0 : i32
        %dma_start3A_38 = tpu.memref_slice %arg8[%run_scoped3A, %dma_start3A, %dma_start3A_37] : memref<4x10240x128xf32, #tpu.memory_space<hbm>> -> memref<1x10240x128xf32, #tpu.memory_space<hbm>>
        %dma_start3A_39 = tpu.memref_squeeze %dma_start3A_38 : memref<1x10240x128xf32, #tpu.memory_space<hbm>> -> memref<10240x128xf32, #tpu.memory_space<hbm>>
        %dma_start3A_40 = arith.constant 0 : i32
        %dma_start3A_41 = tpu.memref_slice %dma_start3A_39[%mul3A_34, %dma_start3A_40] : memref<10240x128xf32, #tpu.memory_space<hbm>> -> memref<640x128xf32, #tpu.memory_space<hbm>>
        %dma_start3A_42 = arith.constant 0 : i32
        %dma_start3A_43 = tpu.memref_slice %arg14[%mul3A_34, %dma_start3A_42] : memref<10240x128xf32, #tpu.memory_space<vmem_shared>> -> memref<640x128xf32, #tpu.memory_space<vmem_shared>>
        tpu.enqueue_dma source(%dma_start3A_43 : memref<640x128xf32, #tpu.memory_space<vmem_shared>>) target(%dma_start3A_41 : memref<640x128xf32, #tpu.memory_space<hbm>>) target_semaphore(%run_scoped3A_36 : memref<!tpu.dma_semaphore, #tpu.memory_space<semaphore_mem>>)
        %dma_wait3A = arith.constant 0 : i32
        %dma_wait3A_44 = arith.constant 0 : i32
        %dma_wait3A_45 = tpu.memref_slice %arg8[%run_scoped3A, %dma_wait3A, %dma_wait3A_44] : memref<4x10240x128xf32, #tpu.memory_space<hbm>> -> memref<1x10240x128xf32, #tpu.memory_space<hbm>>
        %dma_wait3A_46 = tpu.memref_squeeze %dma_wait3A_45 : memref<1x10240x128xf32, #tpu.memory_space<hbm>> -> memref<10240x128xf32, #tpu.memory_space<hbm>>
        %dma_wait3A_47 = arith.constant 0 : i32
        %dma_wait3A_48 = tpu.memref_slice %dma_wait3A_46[%mul3A_34, %dma_wait3A_47] : memref<10240x128xf32, #tpu.memory_space<hbm>> -> memref<640x128xf32, #tpu.memory_space<hbm>>
        %dma_wait3A_49 = arith.constant 0 : i32
        %dma_wait3A_50 = tpu.memref_slice %arg14[%mul3A_34, %dma_wait3A_49] : memref<10240x128xf32, #tpu.memory_space<vmem_shared>> -> memref<640x128xf32, #tpu.memory_space<vmem_shared>>
        tpu.wait_dma2 semaphore(%run_scoped3A_36 : memref<!tpu.dma_semaphore, #tpu.memory_space<semaphore_mem>>) src(%dma_wait3A_50 : memref<640x128xf32, #tpu.memory_space<vmem_shared>>) dst(%dma_wait3A_48 : memref<640x128xf32, #tpu.memory_space<hbm>>)
        tpu.yield
      }) : () -> ()
      %barrier3A_35 = arith.constant 0 : index
      tpu.barrier barrier_id(%barrier3A_35)
    } else {
    }
    %eq3A_8 = arith.constant 0 : i32
    %eq3A_9 = arith.cmpi eq, %arg0, %eq3A_8 : i32
    %convert_element_type3A_10 = arith.extui %eq3A_9 : i1 to i32
    %cond3A_11 = arith.constant 0 : i32
    %cond3A_12 = arith.cmpi ne, %convert_element_type3A_10, %cond3A_11 : i32
    scf.if %cond3A_12 {
      %eq3A_18 = arith.constant 0 : i32
      %eq3A_19 = arith.cmpi eq, %arg1, %eq3A_18 : i32
      %convert_element_type3A_20 = arith.extui %eq3A_19 : i1 to i32
      %cond3A_21 = arith.constant 0 : i32
      %cond3A_22 = arith.cmpi ne, %convert_element_type3A_20, %cond3A_21 : i32
      scf.if %cond3A_22 {
        "tpu.region"() ({
          %run_scoped3A_36 = tpu.sem_alloc : memref<!tpu.dma_semaphore, #tpu.memory_space<semaphore_mem>>
          tpu.enqueue_dma source(%arg7 : memref<10240x128xf32, #tpu.memory_space<hbm>>) target(%arg14 : memref<10240x128xf32, #tpu.memory_space<vmem_shared>>) target_semaphore(%run_scoped3A_36 : memref<!tpu.dma_semaphore, #tpu.memory_space<semaphore_mem>>)
          tpu.wait_dma2 semaphore(%run_scoped3A_36 : memref<!tpu.dma_semaphore, #tpu.memory_space<semaphore_mem>>) src(%arg7 : memref<10240x128xf32, #tpu.memory_space<hbm>>) dst(%arg14 : memref<10240x128xf32, #tpu.memory_space<vmem_shared>>)
          tpu.yield
        }) : () -> ()
      } else {
      }
      %barrier3A = arith.constant 0 : index
      tpu.barrier barrier_id(%barrier3A)
      %broadcast_in_dim3A = arith.constant 4 : i32
      %broadcast_in_dim3A_23 = vector.broadcast %broadcast_in_dim3A : i32 to vector<16xi32>
      %broadcast_in_dim3A_24 = arith.constant 5 : i32
      %broadcast_in_dim3A_25 = vector.broadcast %broadcast_in_dim3A_24 : i32 to vector<16xi32>
      %scan3A = arith.constant 0 : i32
      %scan3A_26 = arith.constant 2 : i32
      %scan3A_27 = arith.constant 0 : i32
      %scan3A_28 = arith.constant 162 : i32
      %scan3A_29 = arith.addi %scan3A_27, %scan3A_28 : i32
      %scan3A_30 = arith.constant 1 : i32
      scf.for %scan3A_36 = %scan3A_27 to %scan3A_29 step %scan3A_30  : i32 {
        %mul3A_37 = arith.constant 128 : i32
        %mul3A_38 = arith.muli %scan3A_36, %mul3A_37 : i32
        %add3A = arith.addi %mul3A_0, %mul3A_38 : i32
        "tpu.region"() ({
          %run_scoped3A_63 = tpu.sem_alloc : memref<!tpu.dma_semaphore, #tpu.memory_space<semaphore_mem>>
          %dma_start3A_64 = tpu.memref_slice %arg5[%add3A] : memref<331776xi32, #tpu.memory_space<hbm>> -> memref<128xi32, #tpu.memory_space<hbm>>
          %dma_start3A_65 = tpu.memref_slice %arg5[%add3A] : memref<331776xi32, #tpu.memory_space<hbm>> -> memref<128xi32, #tpu.memory_space<hbm>>
          tpu.enqueue_dma source(%dma_start3A_65 : memref<128xi32, #tpu.memory_space<hbm>>) target(%arg9 : memref<128xi32, #tpu.memory_space<vmem>>) target_semaphore(%run_scoped3A_63 : memref<!tpu.dma_semaphore, #tpu.memory_space<semaphore_mem>>)
          %dma_wait3A_66 = tpu.memref_slice %arg5[%add3A] : memref<331776xi32, #tpu.memory_space<hbm>> -> memref<128xi32, #tpu.memory_space<hbm>>
          %dma_wait3A_67 = tpu.memref_slice %arg5[%add3A] : memref<331776xi32, #tpu.memory_space<hbm>> -> memref<128xi32, #tpu.memory_space<hbm>>
          tpu.wait_dma2 semaphore(%run_scoped3A_63 : memref<!tpu.dma_semaphore, #tpu.memory_space<semaphore_mem>>) src(%dma_wait3A_67 : memref<128xi32, #tpu.memory_space<hbm>>) dst(%arg9 : memref<128xi32, #tpu.memory_space<vmem>>)
          tpu.yield
        }) : () -> ()
        "tpu.region"() ({
          %run_scoped3A_63 = tpu.sem_alloc : memref<!tpu.dma_semaphore, #tpu.memory_space<semaphore_mem>>
          %dma_start3A_64 = tpu.memref_slice %arg6[%add3A] : memref<331776xi32, #tpu.memory_space<hbm>> -> memref<128xi32, #tpu.memory_space<hbm>>
          %dma_start3A_65 = tpu.memref_slice %arg6[%add3A] : memref<331776xi32, #tpu.memory_space<hbm>> -> memref<128xi32, #tpu.memory_space<hbm>>
          tpu.enqueue_dma source(%dma_start3A_65 : memref<128xi32, #tpu.memory_space<hbm>>) target(%arg10 : memref<128xi32, #tpu.memory_space<vmem>>) target_semaphore(%run_scoped3A_63 : memref<!tpu.dma_semaphore, #tpu.memory_space<semaphore_mem>>)
          %dma_wait3A_66 = tpu.memref_slice %arg6[%add3A] : memref<331776xi32, #tpu.memory_space<hbm>> -> memref<128xi32, #tpu.memory_space<hbm>>
          %dma_wait3A_67 = tpu.memref_slice %arg6[%add3A] : memref<331776xi32, #tpu.memory_space<hbm>> -> memref<128xi32, #tpu.memory_space<hbm>>
          tpu.wait_dma2 semaphore(%run_scoped3A_63 : memref<!tpu.dma_semaphore, #tpu.memory_space<semaphore_mem>>) src(%dma_wait3A_67 : memref<128xi32, #tpu.memory_space<hbm>>) dst(%arg10 : memref<128xi32, #tpu.memory_space<vmem>>)
          tpu.yield
        }) : () -> ()
        %dma_start3A = arith.constant 0 : i32
        %dma_start3A_39 = arith.constant 0 : i32
        %dma_start3A_40 = tpu.memref_slice %arg2[%scan3A_26, %dma_start3A, %dma_start3A_39] : memref<4x10240x128xf32, #tpu.memory_space<hbm>> -> memref<1x10240x128xf32, #tpu.memory_space<hbm>>
        %dma_start3A_41 = tpu.memref_squeeze %dma_start3A_40 : memref<1x10240x128xf32, #tpu.memory_space<hbm>> -> memref<10240x128xf32, #tpu.memory_space<hbm>>
        %dma_start3A_42 = arith.constant 0 : i32
        %dma_start3A_43 = arith.constant 0 : i32
        %dma_start3A_44 = tpu.memref_slice %dma_start3A_41[%dma_start3A_42, %dma_start3A_43] : memref<10240x128xf32, #tpu.memory_space<hbm>> -> memref<10240x128xf32, #tpu.memory_space<hbm>>
        tpu.enqueue_indirect_dma source(%dma_start3A_44 : memref<10240x128xf32, #tpu.memory_space<hbm>>) target(%arg11 : memref<128x128xf32, #tpu.memory_space<vmem>>) offsets(%arg9 : memref<128xi32, #tpu.memory_space<vmem>>) semaphore(%arg15 : memref<!tpu.dma_semaphore, #tpu.memory_space<semaphore_mem>>)
        %dma_start3A_45 = arith.constant 0 : i32
        %dma_start3A_46 = arith.constant 0 : i32
        %dma_start3A_47 = tpu.memref_slice %arg4[%dma_start3A_45, %dma_start3A_46] : memref<10240x16xf32, #tpu.memory_space<hbm>> -> memref<10240x16xf32, #tpu.memory_space<hbm>>
        tpu.enqueue_indirect_dma source(%dma_start3A_47 : memref<10240x16xf32, #tpu.memory_space<hbm>>) target(%arg13 : memref<128x16xf32, #tpu.memory_space<vmem>>) offsets(%arg10 : memref<128xi32, #tpu.memory_space<vmem>>) semaphore(%arg16 : memref<!tpu.dma_semaphore, #tpu.memory_space<semaphore_mem>>)
        "tpu.region"() ({
          %run_scoped3A_63 = tpu.sem_alloc : memref<!tpu.dma_semaphore, #tpu.memory_space<semaphore_mem>>
          %dma_start3A_64 = arith.constant 0 : i32
          %dma_start3A_65 = tpu.memref_slice %arg3[%add3A, %dma_start3A_64] : memref<331776x16xf32, #tpu.memory_space<hbm>> -> memref<128x16xf32, #tpu.memory_space<hbm>>
          %dma_start3A_66 = arith.constant 0 : i32
          %dma_start3A_67 = tpu.memref_slice %arg3[%add3A, %dma_start3A_66] : memref<331776x16xf32, #tpu.memory_space<hbm>> -> memref<128x16xf32, #tpu.memory_space<hbm>>
          tpu.enqueue_dma source(%dma_start3A_67 : memref<128x16xf32, #tpu.memory_space<hbm>>) target(%arg12 : memref<128x16xf32, #tpu.memory_space<vmem>>) target_semaphore(%run_scoped3A_63 : memref<!tpu.dma_semaphore, #tpu.memory_space<semaphore_mem>>)
          %dma_wait3A_68 = arith.constant 0 : i32
          %dma_wait3A_69 = tpu.memref_slice %arg3[%add3A, %dma_wait3A_68] : memref<331776x16xf32, #tpu.memory_space<hbm>> -> memref<128x16xf32, #tpu.memory_space<hbm>>
          %dma_wait3A_70 = arith.constant 0 : i32
          %dma_wait3A_71 = tpu.memref_slice %arg3[%add3A, %dma_wait3A_70] : memref<331776x16xf32, #tpu.memory_space<hbm>> -> memref<128x16xf32, #tpu.memory_space<hbm>>
          tpu.wait_dma2 semaphore(%run_scoped3A_63 : memref<!tpu.dma_semaphore, #tpu.memory_space<semaphore_mem>>) src(%dma_wait3A_71 : memref<128x16xf32, #tpu.memory_space<hbm>>) dst(%arg12 : memref<128x16xf32, #tpu.memory_space<vmem>>)
          tpu.yield
        }) : () -> ()
        %dma_wait3A = arith.constant 0 : i32
        %dma_wait3A_48 = arith.constant 0 : i32
        %dma_wait3A_49 = tpu.memref_slice %arg2[%scan3A_26, %dma_wait3A, %dma_wait3A_48] : memref<4x10240x128xf32, #tpu.memory_space<hbm>> -> memref<1x10240x128xf32, #tpu.memory_space<hbm>>
        %dma_wait3A_50 = tpu.memref_squeeze %dma_wait3A_49 : memref<1x10240x128xf32, #tpu.memory_space<hbm>> -> memref<10240x128xf32, #tpu.memory_space<hbm>>
        %dma_wait3A_51 = arith.constant 0 : i32
        %dma_wait3A_52 = arith.constant 0 : i32
        %dma_wait3A_53 = tpu.memref_slice %dma_wait3A_50[%dma_wait3A_51, %dma_wait3A_52] : memref<10240x128xf32, #tpu.memory_space<hbm>> -> memref<10240x128xf32, #tpu.memory_space<hbm>>
        tpu.wait_indirect_dma semaphore(%arg15 : memref<!tpu.dma_semaphore, #tpu.memory_space<semaphore_mem>>) src(%dma_wait3A_53 : memref<10240x128xf32, #tpu.memory_space<hbm>>) dst(%arg11 : memref<128x128xf32, #tpu.memory_space<vmem>>)
        %dma_wait3A_54 = arith.constant 0 : i32
        %dma_wait3A_55 = arith.constant 0 : i32
        %dma_wait3A_56 = tpu.memref_slice %arg4[%dma_wait3A_54, %dma_wait3A_55] : memref<10240x16xf32, #tpu.memory_space<hbm>> -> memref<10240x16xf32, #tpu.memory_space<hbm>>
        tpu.wait_indirect_dma semaphore(%arg16 : memref<!tpu.dma_semaphore, #tpu.memory_space<semaphore_mem>>) src(%dma_wait3A_56 : memref<10240x16xf32, #tpu.memory_space<hbm>>) dst(%arg13 : memref<128x16xf32, #tpu.memory_space<vmem>>)
        %scan3A_57 = arith.constant 0 : i32
        %scan3A_58 = arith.constant 0 : i32
        %scan3A_59 = arith.constant 128 : i32
        %scan3A_60 = arith.addi %scan3A_58, %scan3A_59 : i32
        %scan3A_61 = arith.constant 2 : i32
        scf.for %scan3A_63 = %scan3A_58 to %scan3A_60 step %scan3A_61  : i32 {
          %get3A = arith.index_cast %scan3A_63 : i32 to index
          %get3A_64 = arith.constant 0 : index
          %get3A_65 = tpu.vector_load %arg12[%get3A, %get3A_64] {strides = array<i32>} : memref<128x16xf32, #tpu.memory_space<vmem>>, vector<1x16xf32>,
          %get3A_66 = vector.shape_cast %get3A_65 : vector<1x16xf32> to vector<16xf32>
          %get3A_67 = arith.index_cast %scan3A_63 : i32 to index
          %get3A_68 = arith.constant 0 : index
          %get3A_69 = tpu.vector_load %arg13[%get3A_67, %get3A_68] {strides = array<i32>} : memref<128x16xf32, #tpu.memory_space<vmem>>, vector<1x16xf32>,
          %get3A_70 = vector.shape_cast %get3A_69 : vector<1x16xf32> to vector<16xf32>
          %add3A_71 = arith.constant 1.000000e-16 : f32
          %add3A_72 = vector.broadcast %add3A_71 : f32 to vector<16xf32>
          %add3A_73 = arith.addf %get3A_70, %add3A_72 : vector<16xf32>
          %div3A = arith.divf %get3A_66, %add3A_73 : vector<16xf32>
          %broadcast_in_dim3A_74 = vector.shape_cast %broadcast_in_dim3A_23 : vector<16xi32> to vector<16x1xi32>
          %gather3A = vector.shape_cast %broadcast_in_dim3A_74 : vector<16x1xi32> to vector<16xi32>
          %gather3A_75 = tpu.dynamic_gather %div3A[%gather3A] in [0] : vector<16xf32>, vector<16xi32> -> vector<16xf32>
          %broadcast_in_dim3A_76 = vector.shape_cast %broadcast_in_dim3A_25 : vector<16xi32> to vector<16x1xi32>
          %gather3A_77 = vector.shape_cast %broadcast_in_dim3A_76 : vector<16x1xi32> to vector<16xi32>
          %gather3A_78 = tpu.dynamic_gather %div3A[%gather3A_77] in [0] : vector<16xf32>, vector<16xi32> -> vector<16xf32>
          %get3A_79 = arith.index_cast %scan3A_63 : i32 to index
          %get3A_80 = arith.constant 0 : index
          %get3A_81 = tpu.vector_load %arg11[%get3A_79, %get3A_80] {strides = array<i32>} : memref<128x128xf32, #tpu.memory_space<vmem>>, vector<1x16xf32>,
          %get3A_82 = vector.shape_cast %get3A_81 : vector<1x16xf32> to vector<16xf32>
          %mul3A_83 = arith.mulf %get3A_82, %gather3A_75 : vector<16xf32>
          %swap3A = arith.index_cast %scan3A_63 : i32 to index
          %swap3A_84 = arith.constant 0 : index
          %swap3A_85 = tpu.vector_load %arg11[%swap3A, %swap3A_84] {strides = array<i32>} : memref<128x128xf32, #tpu.memory_space<vmem>>, vector<1x16xf32>,
          %swap3A_86 = vector.shape_cast %swap3A_85 : vector<1x16xf32> to vector<16xf32>
          %swap3A_87 = vector.shape_cast %mul3A_83 : vector<16xf32> to vector<1x16xf32>
          tpu.vector_store %arg11[%swap3A, %swap3A_84], %swap3A_87 {strides = array<i32>} : memref<128x128xf32, #tpu.memory_space<vmem>>, vector<1x16xf32>,
          %get3A_88 = arith.index_cast %scan3A_63 : i32 to index
          %get3A_89 = arith.constant 16 : index
          %get3A_90 = tpu.vector_load %arg11[%get3A_88, %get3A_89] {strides = array<i32>} : memref<128x128xf32, #tpu.memory_space<vmem>>, vector<1x16xf32>,
          %get3A_91 = vector.shape_cast %get3A_90 : vector<1x16xf32> to vector<16xf32>
          %mul3A_92 = arith.mulf %get3A_91, %gather3A_75 : vector<16xf32>
          %swap3A_93 = arith.index_cast %scan3A_63 : i32 to index
          %swap3A_94 = arith.constant 16 : index
          %swap3A_95 = tpu.vector_load %arg11[%swap3A_93, %swap3A_94] {strides = array<i32>} : memref<128x128xf32, #tpu.memory_space<vmem>>, vector<1x16xf32>,
          %swap3A_96 = vector.shape_cast %swap3A_95 : vector<1x16xf32> to vector<16xf32>
          %swap3A_97 = vector.shape_cast %mul3A_92 : vector<16xf32> to vector<1x16xf32>
          tpu.vector_store %arg11[%swap3A_93, %swap3A_94], %swap3A_97 {strides = array<i32>} : memref<128x128xf32, #tpu.memory_space<vmem>>, vector<1x16xf32>,
          %get3A_98 = arith.index_cast %scan3A_63 : i32 to index
          %get3A_99 = arith.constant 32 : index
          %get3A_100 = tpu.vector_load %arg11[%get3A_98, %get3A_99] {strides = array<i32>} : memref<128x128xf32, #tpu.memory_space<vmem>>, vector<1x16xf32>,
          %get3A_101 = vector.shape_cast %get3A_100 : vector<1x16xf32> to vector<16xf32>
          %mul3A_102 = arith.mulf %get3A_101, %gather3A_75 : vector<16xf32>
          %swap3A_103 = arith.index_cast %scan3A_63 : i32 to index
          %swap3A_104 = arith.constant 32 : index
          %swap3A_105 = tpu.vector_load %arg11[%swap3A_103, %swap3A_104] {strides = array<i32>} : memref<128x128xf32, #tpu.memory_space<vmem>>, vector<1x16xf32>,
          %swap3A_106 = vector.shape_cast %swap3A_105 : vector<1x16xf32> to vector<16xf32>
          %swap3A_107 = vector.shape_cast %mul3A_102 : vector<16xf32> to vector<1x16xf32>
          tpu.vector_store %arg11[%swap3A_103, %swap3A_104], %swap3A_107 {strides = array<i32>} : memref<128x128xf32, #tpu.memory_space<vmem>>, vector<1x16xf32>,
          %get3A_108 = arith.index_cast %scan3A_63 : i32 to index
          %get3A_109 = arith.constant 48 : index
          %get3A_110 = tpu.vector_load %arg11[%get3A_108, %get3A_109] {strides = array<i32>} : memref<128x128xf32, #tpu.memory_space<vmem>>, vector<1x16xf32>,
          %get3A_111 = vector.shape_cast %get3A_110 : vector<1x16xf32> to vector<16xf32>
          %mul3A_112 = arith.mulf %get3A_111, %gather3A_75 : vector<16xf32>
          %swap3A_113 = arith.index_cast %scan3A_63 : i32 to index
          %swap3A_114 = arith.constant 48 : index
          %swap3A_115 = tpu.vector_load %arg11[%swap3A_113, %swap3A_114] {strides = array<i32>} : memref<128x128xf32, #tpu.memory_space<vmem>>, vector<1x16xf32>,
          %swap3A_116 = vector.shape_cast %swap3A_115 : vector<1x16xf32> to vector<16xf32>
          %swap3A_117 = vector.shape_cast %mul3A_112 : vector<16xf32> to vector<1x16xf32>
          tpu.vector_store %arg11[%swap3A_113, %swap3A_114], %swap3A_117 {strides = array<i32>} : memref<128x128xf32, #tpu.memory_space<vmem>>, vector<1x16xf32>,
          %get3A_118 = arith.index_cast %scan3A_63 : i32 to index
          %get3A_119 = arith.constant 64 : index
          %get3A_120 = tpu.vector_load %arg11[%get3A_118, %get3A_119] {strides = array<i32>} : memref<128x128xf32, #tpu.memory_space<vmem>>, vector<1x16xf32>,
          %get3A_121 = vector.shape_cast %get3A_120 : vector<1x16xf32> to vector<16xf32>
          %mul3A_122 = arith.mulf %get3A_121, %gather3A_78 : vector<16xf32>
          %swap3A_123 = arith.index_cast %scan3A_63 : i32 to index
          %swap3A_124 = arith.constant 64 : index
          %swap3A_125 = tpu.vector_load %arg11[%swap3A_123, %swap3A_124] {strides = array<i32>} : memref<128x128xf32, #tpu.memory_space<vmem>>, vector<1x16xf32>,
          %swap3A_126 = vector.shape_cast %swap3A_125 : vector<1x16xf32> to vector<16xf32>
          %swap3A_127 = vector.shape_cast %mul3A_122 : vector<16xf32> to vector<1x16xf32>
          tpu.vector_store %arg11[%swap3A_123, %swap3A_124], %swap3A_127 {strides = array<i32>} : memref<128x128xf32, #tpu.memory_space<vmem>>, vector<1x16xf32>,
          %get3A_128 = arith.index_cast %scan3A_63 : i32 to index
          %get3A_129 = arith.constant 80 : index
          %get3A_130 = tpu.vector_load %arg11[%get3A_128, %get3A_129] {strides = array<i32>} : memref<128x128xf32, #tpu.memory_space<vmem>>, vector<1x16xf32>,
          %get3A_131 = vector.shape_cast %get3A_130 : vector<1x16xf32> to vector<16xf32>
          %mul3A_132 = arith.mulf %get3A_131, %gather3A_78 : vector<16xf32>
          %swap3A_133 = arith.index_cast %scan3A_63 : i32 to index
          %swap3A_134 = arith.constant 80 : index
          %swap3A_135 = tpu.vector_load %arg11[%swap3A_133, %swap3A_134] {strides = array<i32>} : memref<128x128xf32, #tpu.memory_space<vmem>>, vector<1x16xf32>,
          %swap3A_136 = vector.shape_cast %swap3A_135 : vector<1x16xf32> to vector<16xf32>
          %swap3A_137 = vector.shape_cast %mul3A_132 : vector<16xf32> to vector<1x16xf32>
          tpu.vector_store %arg11[%swap3A_133, %swap3A_134], %swap3A_137 {strides = array<i32>} : memref<128x128xf32, #tpu.memory_space<vmem>>, vector<1x16xf32>,
          %get3A_138 = arith.index_cast %scan3A_63 : i32 to index
          %get3A_139 = arith.constant 96 : index
          %get3A_140 = tpu.vector_load %arg11[%get3A_138, %get3A_139] {strides = array<i32>} : memref<128x128xf32, #tpu.memory_space<vmem>>, vector<1x16xf32>,
          %get3A_141 = vector.shape_cast %get3A_140 : vector<1x16xf32> to vector<16xf32>
          %mul3A_142 = arith.mulf %get3A_141, %gather3A_78 : vector<16xf32>
          %swap3A_143 = arith.index_cast %scan3A_63 : i32 to index
          %swap3A_144 = arith.constant 96 : index
          %swap3A_145 = tpu.vector_load %arg11[%swap3A_143, %swap3A_144] {strides = array<i32>} : memref<128x128xf32, #tpu.memory_space<vmem>>, vector<1x16xf32>,
          %swap3A_146 = vector.shape_cast %swap3A_145 : vector<1x16xf32> to vector<16xf32>
          %swap3A_147 = vector.shape_cast %mul3A_142 : vector<16xf32> to vector<1x16xf32>
          tpu.vector_store %arg11[%swap3A_143, %swap3A_144], %swap3A_147 {strides = array<i32>} : memref<128x128xf32, #tpu.memory_space<vmem>>, vector<1x16xf32>,
          %get3A_148 = arith.index_cast %scan3A_63 : i32 to index
          %get3A_149 = arith.constant 112 : index
          %get3A_150 = tpu.vector_load %arg11[%get3A_148, %get3A_149] {strides = array<i32>} : memref<128x128xf32, #tpu.memory_space<vmem>>, vector<1x16xf32>,
          %get3A_151 = vector.shape_cast %get3A_150 : vector<1x16xf32> to vector<16xf32>
          %mul3A_152 = arith.mulf %get3A_151, %gather3A_78 : vector<16xf32>
          %swap3A_153 = arith.index_cast %scan3A_63 : i32 to index
          %swap3A_154 = arith.constant 112 : index
          %swap3A_155 = tpu.vector_load %arg11[%swap3A_153, %swap3A_154] {strides = array<i32>} : memref<128x128xf32, #tpu.memory_space<vmem>>, vector<1x16xf32>,
          %swap3A_156 = vector.shape_cast %swap3A_155 : vector<1x16xf32> to vector<16xf32>
          %swap3A_157 = vector.shape_cast %mul3A_152 : vector<16xf32> to vector<1x16xf32>
          tpu.vector_store %arg11[%swap3A_153, %swap3A_154], %swap3A_157 {strides = array<i32>} : memref<128x128xf32, #tpu.memory_space<vmem>>, vector<1x16xf32>,
          %scan3A_158 = arith.constant 1 : i32
          %scan3A_159 = arith.addi %scan3A_63, %scan3A_158 : i32
          %get3A_160 = arith.index_cast %scan3A_159 : i32 to index
          %get3A_161 = arith.constant 0 : index
          %get3A_162 = tpu.vector_load %arg12[%get3A_160, %get3A_161] {strides = array<i32>} : memref<128x16xf32, #tpu.memory_space<vmem>>, vector<1x16xf32>,
          %get3A_163 = vector.shape_cast %get3A_162 : vector<1x16xf32> to vector<16xf32>
          %get3A_164 = arith.index_cast %scan3A_159 : i32 to index
          %get3A_165 = arith.constant 0 : index
          %get3A_166 = tpu.vector_load %arg13[%get3A_164, %get3A_165] {strides = array<i32>} : memref<128x16xf32, #tpu.memory_space<vmem>>, vector<1x16xf32>,
          %get3A_167 = vector.shape_cast %get3A_166 : vector<1x16xf32> to vector<16xf32>
          %add3A_168 = arith.constant 1.000000e-16 : f32
          %add3A_169 = vector.broadcast %add3A_168 : f32 to vector<16xf32>
          %add3A_170 = arith.addf %get3A_167, %add3A_169 : vector<16xf32>
          %div3A_171 = arith.divf %get3A_163, %add3A_170 : vector<16xf32>
          %broadcast_in_dim3A_172 = vector.shape_cast %broadcast_in_dim3A_23 : vector<16xi32> to vector<16x1xi32>
          %gather3A_173 = vector.shape_cast %broadcast_in_dim3A_172 : vector<16x1xi32> to vector<16xi32>
          %gather3A_174 = tpu.dynamic_gather %div3A_171[%gather3A_173] in [0] : vector<16xf32>, vector<16xi32> -> vector<16xf32>
          %broadcast_in_dim3A_175 = vector.shape_cast %broadcast_in_dim3A_25 : vector<16xi32> to vector<16x1xi32>
          %gather3A_176 = vector.shape_cast %broadcast_in_dim3A_175 : vector<16x1xi32> to vector<16xi32>
          %gather3A_177 = tpu.dynamic_gather %div3A_171[%gather3A_176] in [0] : vector<16xf32>, vector<16xi32> -> vector<16xf32>
          %get3A_178 = arith.index_cast %scan3A_159 : i32 to index
          %get3A_179 = arith.constant 0 : index
          %get3A_180 = tpu.vector_load %arg11[%get3A_178, %get3A_179] {strides = array<i32>} : memref<128x128xf32, #tpu.memory_space<vmem>>, vector<1x16xf32>,
          %get3A_181 = vector.shape_cast %get3A_180 : vector<1x16xf32> to vector<16xf32>
          %mul3A_182 = arith.mulf %get3A_181, %gather3A_174 : vector<16xf32>
          %swap3A_183 = arith.index_cast %scan3A_159 : i32 to index
          %swap3A_184 = arith.constant 0 : index
          %swap3A_185 = tpu.vector_load %arg11[%swap3A_183, %swap3A_184] {strides = array<i32>} : memref<128x128xf32, #tpu.memory_space<vmem>>, vector<1x16xf32>,
          %swap3A_186 = vector.shape_cast %swap3A_185 : vector<1x16xf32> to vector<16xf32>
          %swap3A_187 = vector.shape_cast %mul3A_182 : vector<16xf32> to vector<1x16xf32>
          tpu.vector_store %arg11[%swap3A_183, %swap3A_184], %swap3A_187 {strides = array<i32>} : memref<128x128xf32, #tpu.memory_space<vmem>>, vector<1x16xf32>,
          %get3A_188 = arith.index_cast %scan3A_159 : i32 to index
          %get3A_189 = arith.constant 16 : index
          %get3A_190 = tpu.vector_load %arg11[%get3A_188, %get3A_189] {strides = array<i32>} : memref<128x128xf32, #tpu.memory_space<vmem>>, vector<1x16xf32>,
          %get3A_191 = vector.shape_cast %get3A_190 : vector<1x16xf32> to vector<16xf32>
          %mul3A_192 = arith.mulf %get3A_191, %gather3A_174 : vector<16xf32>
          %swap3A_193 = arith.index_cast %scan3A_159 : i32 to index
          %swap3A_194 = arith.constant 16 : index
          %swap3A_195 = tpu.vector_load %arg11[%swap3A_193, %swap3A_194] {strides = array<i32>} : memref<128x128xf32, #tpu.memory_space<vmem>>, vector<1x16xf32>,
          %swap3A_196 = vector.shape_cast %swap3A_195 : vector<1x16xf32> to vector<16xf32>
          %swap3A_197 = vector.shape_cast %mul3A_192 : vector<16xf32> to vector<1x16xf32>
          tpu.vector_store %arg11[%swap3A_193, %swap3A_194], %swap3A_197 {strides = array<i32>} : memref<128x128xf32, #tpu.memory_space<vmem>>, vector<1x16xf32>,
          %get3A_198 = arith.index_cast %scan3A_159 : i32 to index
          %get3A_199 = arith.constant 32 : index
          %get3A_200 = tpu.vector_load %arg11[%get3A_198, %get3A_199] {strides = array<i32>} : memref<128x128xf32, #tpu.memory_space<vmem>>, vector<1x16xf32>,
          %get3A_201 = vector.shape_cast %get3A_200 : vector<1x16xf32> to vector<16xf32>
          %mul3A_202 = arith.mulf %get3A_201, %gather3A_174 : vector<16xf32>
          %swap3A_203 = arith.index_cast %scan3A_159 : i32 to index
          %swap3A_204 = arith.constant 32 : index
          %swap3A_205 = tpu.vector_load %arg11[%swap3A_203, %swap3A_204] {strides = array<i32>} : memref<128x128xf32, #tpu.memory_space<vmem>>, vector<1x16xf32>,
          %swap3A_206 = vector.shape_cast %swap3A_205 : vector<1x16xf32> to vector<16xf32>
          %swap3A_207 = vector.shape_cast %mul3A_202 : vector<16xf32> to vector<1x16xf32>
          tpu.vector_store %arg11[%swap3A_203, %swap3A_204], %swap3A_207 {strides = array<i32>} : memref<128x128xf32, #tpu.memory_space<vmem>>, vector<1x16xf32>,
          %get3A_208 = arith.index_cast %scan3A_159 : i32 to index
          %get3A_209 = arith.constant 48 : index
          %get3A_210 = tpu.vector_load %arg11[%get3A_208, %get3A_209] {strides = array<i32>} : memref<128x128xf32, #tpu.memory_space<vmem>>, vector<1x16xf32>,
          %get3A_211 = vector.shape_cast %get3A_210 : vector<1x16xf32> to vector<16xf32>
          %mul3A_212 = arith.mulf %get3A_211, %gather3A_174 : vector<16xf32>
          %swap3A_213 = arith.index_cast %scan3A_159 : i32 to index
          %swap3A_214 = arith.constant 48 : index
          %swap3A_215 = tpu.vector_load %arg11[%swap3A_213, %swap3A_214] {strides = array<i32>} : memref<128x128xf32, #tpu.memory_space<vmem>>, vector<1x16xf32>,
          %swap3A_216 = vector.shape_cast %swap3A_215 : vector<1x16xf32> to vector<16xf32>
          %swap3A_217 = vector.shape_cast %mul3A_212 : vector<16xf32> to vector<1x16xf32>
          tpu.vector_store %arg11[%swap3A_213, %swap3A_214], %swap3A_217 {strides = array<i32>} : memref<128x128xf32, #tpu.memory_space<vmem>>, vector<1x16xf32>,
          %get3A_218 = arith.index_cast %scan3A_159 : i32 to index
          %get3A_219 = arith.constant 64 : index
          %get3A_220 = tpu.vector_load %arg11[%get3A_218, %get3A_219] {strides = array<i32>} : memref<128x128xf32, #tpu.memory_space<vmem>>, vector<1x16xf32>,
          %get3A_221 = vector.shape_cast %get3A_220 : vector<1x16xf32> to vector<16xf32>
          %mul3A_222 = arith.mulf %get3A_221, %gather3A_177 : vector<16xf32>
          %swap3A_223 = arith.index_cast %scan3A_159 : i32 to index
          %swap3A_224 = arith.constant 64 : index
          %swap3A_225 = tpu.vector_load %arg11[%swap3A_223, %swap3A_224] {strides = array<i32>} : memref<128x128xf32, #tpu.memory_space<vmem>>, vector<1x16xf32>,
          %swap3A_226 = vector.shape_cast %swap3A_225 : vector<1x16xf32> to vector<16xf32>
          %swap3A_227 = vector.shape_cast %mul3A_222 : vector<16xf32> to vector<1x16xf32>
          tpu.vector_store %arg11[%swap3A_223, %swap3A_224], %swap3A_227 {strides = array<i32>} : memref<128x128xf32, #tpu.memory_space<vmem>>, vector<1x16xf32>,
          %get3A_228 = arith.index_cast %scan3A_159 : i32 to index
          %get3A_229 = arith.constant 80 : index
          %get3A_230 = tpu.vector_load %arg11[%get3A_228, %get3A_229] {strides = array<i32>} : memref<128x128xf32, #tpu.memory_space<vmem>>, vector<1x16xf32>,
          %get3A_231 = vector.shape_cast %get3A_230 : vector<1x16xf32> to vector<16xf32>
          %mul3A_232 = arith.mulf %get3A_231, %gather3A_177 : vector<16xf32>
          %swap3A_233 = arith.index_cast %scan3A_159 : i32 to index
          %swap3A_234 = arith.constant 80 : index
          %swap3A_235 = tpu.vector_load %arg11[%swap3A_233, %swap3A_234] {strides = array<i32>} : memref<128x128xf32, #tpu.memory_space<vmem>>, vector<1x16xf32>,
          %swap3A_236 = vector.shape_cast %swap3A_235 : vector<1x16xf32> to vector<16xf32>
          %swap3A_237 = vector.shape_cast %mul3A_232 : vector<16xf32> to vector<1x16xf32>
          tpu.vector_store %arg11[%swap3A_233, %swap3A_234], %swap3A_237 {strides = array<i32>} : memref<128x128xf32, #tpu.memory_space<vmem>>, vector<1x16xf32>,
          %get3A_238 = arith.index_cast %scan3A_159 : i32 to index
          %get3A_239 = arith.constant 96 : index
          %get3A_240 = tpu.vector_load %arg11[%get3A_238, %get3A_239] {strides = array<i32>} : memref<128x128xf32, #tpu.memory_space<vmem>>, vector<1x16xf32>,
          %get3A_241 = vector.shape_cast %get3A_240 : vector<1x16xf32> to vector<16xf32>
          %mul3A_242 = arith.mulf %get3A_241, %gather3A_177 : vector<16xf32>
          %swap3A_243 = arith.index_cast %scan3A_159 : i32 to index
          %swap3A_244 = arith.constant 96 : index
          %swap3A_245 = tpu.vector_load %arg11[%swap3A_243, %swap3A_244] {strides = array<i32>} : memref<128x128xf32, #tpu.memory_space<vmem>>, vector<1x16xf32>,
          %swap3A_246 = vector.shape_cast %swap3A_245 : vector<1x16xf32> to vector<16xf32>
          %swap3A_247 = vector.shape_cast %mul3A_242 : vector<16xf32> to vector<1x16xf32>
          tpu.vector_store %arg11[%swap3A_243, %swap3A_244], %swap3A_247 {strides = array<i32>} : memref<128x128xf32, #tpu.memory_space<vmem>>, vector<1x16xf32>,
          %get3A_248 = arith.index_cast %scan3A_159 : i32 to index
          %get3A_249 = arith.constant 112 : index
          %get3A_250 = tpu.vector_load %arg11[%get3A_248, %get3A_249] {strides = array<i32>} : memref<128x128xf32, #tpu.memory_space<vmem>>, vector<1x16xf32>,
          %get3A_251 = vector.shape_cast %get3A_250 : vector<1x16xf32> to vector<16xf32>
          %mul3A_252 = arith.mulf %get3A_251, %gather3A_177 : vector<16xf32>
          %swap3A_253 = arith.index_cast %scan3A_159 : i32 to index
          %swap3A_254 = arith.constant 112 : index
          %swap3A_255 = tpu.vector_load %arg11[%swap3A_253, %swap3A_254] {strides = array<i32>} : memref<128x128xf32, #tpu.memory_space<vmem>>, vector<1x16xf32>,
          %swap3A_256 = vector.shape_cast %swap3A_255 : vector<1x16xf32> to vector<16xf32>
          %swap3A_257 = vector.shape_cast %mul3A_252 : vector<16xf32> to vector<1x16xf32>
          tpu.vector_store %arg11[%swap3A_253, %swap3A_254], %swap3A_257 {strides = array<i32>} : memref<128x128xf32, #tpu.memory_space<vmem>>, vector<1x16xf32>,
        }
        %scan3A_62 = arith.constant 128 : i32
        "tpu.region"() ({
          %run_scoped3A_63 = tpu.sem_alloc : memref<!tpu.dma_semaphore, #tpu.memory_space<semaphore_mem>>
          %dma_start3A_64 = arith.constant 0 : i32
          %dma_start3A_65 = arith.constant 0 : i32
          %dma_start3A_66 = tpu.memref_slice %arg14[%dma_start3A_64, %dma_start3A_65] : memref<10240x128xf32, #tpu.memory_space<vmem_shared>> -> memref<10240x128xf32, #tpu.memory_space<vmem_shared>>
          tpu.enqueue_indirect_dma source(%arg11 : memref<128x128xf32, #tpu.memory_space<vmem>>) target(%dma_start3A_66 : memref<10240x128xf32, #tpu.memory_space<vmem_shared>>) offsets(%arg10 : memref<128xi32, #tpu.memory_space<vmem>>) semaphore(%run_scoped3A_63 : memref<!tpu.dma_semaphore, #tpu.memory_space<semaphore_mem>>) {add = true}
          %dma_wait3A_67 = arith.constant 0 : i32
          %dma_wait3A_68 = arith.constant 0 : i32
          %dma_wait3A_69 = tpu.memref_slice %arg14[%dma_wait3A_67, %dma_wait3A_68] : memref<10240x128xf32, #tpu.memory_space<vmem_shared>> -> memref<10240x128xf32, #tpu.memory_space<vmem_shared>>
          tpu.wait_indirect_dma semaphore(%run_scoped3A_63 : memref<!tpu.dma_semaphore, #tpu.memory_space<semaphore_mem>>) src(%arg11 : memref<128x128xf32, #tpu.memory_space<vmem>>) dst(%dma_wait3A_69 : memref<10240x128xf32, #tpu.memory_space<vmem_shared>>)
          tpu.yield
        }) : () -> ()
      }
      %scan3A_31 = arith.constant 162 : i32
      %barrier3A_32 = arith.constant 0 : index
      tpu.barrier barrier_id(%barrier3A_32)
      %mul3A_33 = arith.constant 640 : i32
      %mul3A_34 = arith.muli %arg1, %mul3A_33 : i32
      %run_scoped3A = arith.constant 2 : i32
      "tpu.region"() ({
        %run_scoped3A_36 = tpu.sem_alloc : memref<!tpu.dma_semaphore, #tpu.memory_space<semaphore_mem>>
        %dma_start3A = arith.constant 0 : i32
        %dma_start3A_37 = arith.constant 0 : i32
        %dma_start3A_38 = tpu.memref_slice %arg8[%run_scoped3A, %dma_start3A, %dma_start3A_37] : memref<4x10240x128xf32, #tpu.memory_space<hbm>> -> memref<1x10240x128xf32, #tpu.memory_space<hbm>>
        %dma_start3A_39 = tpu.memref_squeeze %dma_start3A_38 : memref<1x10240x128xf32, #tpu.memory_space<hbm>> -> memref<10240x128xf32, #tpu.memory_space<hbm>>
        %dma_start3A_40 = arith.constant 0 : i32
        %dma_start3A_41 = tpu.memref_slice %dma_start3A_39[%mul3A_34, %dma_start3A_40] : memref<10240x128xf32, #tpu.memory_space<hbm>> -> memref<640x128xf32, #tpu.memory_space<hbm>>
        %dma_start3A_42 = arith.constant 0 : i32
        %dma_start3A_43 = tpu.memref_slice %arg14[%mul3A_34, %dma_start3A_42] : memref<10240x128xf32, #tpu.memory_space<vmem_shared>> -> memref<640x128xf32, #tpu.memory_space<vmem_shared>>
        tpu.enqueue_dma source(%dma_start3A_43 : memref<640x128xf32, #tpu.memory_space<vmem_shared>>) target(%dma_start3A_41 : memref<640x128xf32, #tpu.memory_space<hbm>>) target_semaphore(%run_scoped3A_36 : memref<!tpu.dma_semaphore, #tpu.memory_space<semaphore_mem>>)
        %dma_wait3A = arith.constant 0 : i32
        %dma_wait3A_44 = arith.constant 0 : i32
        %dma_wait3A_45 = tpu.memref_slice %arg8[%run_scoped3A, %dma_wait3A, %dma_wait3A_44] : memref<4x10240x128xf32, #tpu.memory_space<hbm>> -> memref<1x10240x128xf32, #tpu.memory_space<hbm>>
        %dma_wait3A_46 = tpu.memref_squeeze %dma_wait3A_45 : memref<1x10240x128xf32, #tpu.memory_space<hbm>> -> memref<10240x128xf32, #tpu.memory_space<hbm>>
        %dma_wait3A_47 = arith.constant 0 : i32
        %dma_wait3A_48 = tpu.memref_slice %dma_wait3A_46[%mul3A_34, %dma_wait3A_47] : memref<10240x128xf32, #tpu.memory_space<hbm>> -> memref<640x128xf32, #tpu.memory_space<hbm>>
        %dma_wait3A_49 = arith.constant 0 : i32
        %dma_wait3A_50 = tpu.memref_slice %arg14[%mul3A_34, %dma_wait3A_49] : memref<10240x128xf32, #tpu.memory_space<vmem_shared>> -> memref<640x128xf32, #tpu.memory_space<vmem_shared>>
        tpu.wait_dma2 semaphore(%run_scoped3A_36 : memref<!tpu.dma_semaphore, #tpu.memory_space<semaphore_mem>>) src(%dma_wait3A_50 : memref<640x128xf32, #tpu.memory_space<vmem_shared>>) dst(%dma_wait3A_48 : memref<640x128xf32, #tpu.memory_space<hbm>>)
        tpu.yield
      }) : () -> ()
      %barrier3A_35 = arith.constant 0 : index
      tpu.barrier barrier_id(%barrier3A_35)
    } else {
    }
    %eq3A_13 = arith.constant 1 : i32
    %eq3A_14 = arith.cmpi eq, %arg0, %eq3A_13 : i32
    %convert_element_type3A_15 = arith.extui %eq3A_14 : i1 to i32
    %cond3A_16 = arith.constant 0 : i32
    %cond3A_17 = arith.cmpi ne, %convert_element_type3A_15, %cond3A_16 : i32
    scf.if %cond3A_17 {
      %eq3A_18 = arith.constant 0 : i32
      %eq3A_19 = arith.cmpi eq, %arg1, %eq3A_18 : i32
      %convert_element_type3A_20 = arith.extui %eq3A_19 : i1 to i32
      %cond3A_21 = arith.constant 0 : i32
      %cond3A_22 = arith.cmpi ne, %convert_element_type3A_20, %cond3A_21 : i32
      scf.if %cond3A_22 {
        "tpu.region"() ({
          %run_scoped3A_36 = tpu.sem_alloc : memref<!tpu.dma_semaphore, #tpu.memory_space<semaphore_mem>>
          tpu.enqueue_dma source(%arg7 : memref<10240x128xf32, #tpu.memory_space<hbm>>) target(%arg14 : memref<10240x128xf32, #tpu.memory_space<vmem_shared>>) target_semaphore(%run_scoped3A_36 : memref<!tpu.dma_semaphore, #tpu.memory_space<semaphore_mem>>)
          tpu.wait_dma2 semaphore(%run_scoped3A_36 : memref<!tpu.dma_semaphore, #tpu.memory_space<semaphore_mem>>) src(%arg7 : memref<10240x128xf32, #tpu.memory_space<hbm>>) dst(%arg14 : memref<10240x128xf32, #tpu.memory_space<vmem_shared>>)
          tpu.yield
        }) : () -> ()
      } else {
      }
      %barrier3A = arith.constant 0 : index
      tpu.barrier barrier_id(%barrier3A)
      %broadcast_in_dim3A = arith.constant 6 : i32
      %broadcast_in_dim3A_23 = vector.broadcast %broadcast_in_dim3A : i32 to vector<16xi32>
      %broadcast_in_dim3A_24 = arith.constant 7 : i32
      %broadcast_in_dim3A_25 = vector.broadcast %broadcast_in_dim3A_24 : i32 to vector<16xi32>
      %scan3A = arith.constant 0 : i32
      %scan3A_26 = arith.constant 3 : i32
      %scan3A_27 = arith.constant 0 : i32
      %scan3A_28 = arith.constant 162 : i32
      %scan3A_29 = arith.addi %scan3A_27, %scan3A_28 : i32
      %scan3A_30 = arith.constant 1 : i32
      scf.for %scan3A_36 = %scan3A_27 to %scan3A_29 step %scan3A_30  : i32 {
        %mul3A_37 = arith.constant 128 : i32
        %mul3A_38 = arith.muli %scan3A_36, %mul3A_37 : i32
        %add3A = arith.addi %mul3A_0, %mul3A_38 : i32
        "tpu.region"() ({
          %run_scoped3A_63 = tpu.sem_alloc : memref<!tpu.dma_semaphore, #tpu.memory_space<semaphore_mem>>
          %dma_start3A_64 = tpu.memref_slice %arg5[%add3A] : memref<331776xi32, #tpu.memory_space<hbm>> -> memref<128xi32, #tpu.memory_space<hbm>>
          %dma_start3A_65 = tpu.memref_slice %arg5[%add3A] : memref<331776xi32, #tpu.memory_space<hbm>> -> memref<128xi32, #tpu.memory_space<hbm>>
          tpu.enqueue_dma source(%dma_start3A_65 : memref<128xi32, #tpu.memory_space<hbm>>) target(%arg9 : memref<128xi32, #tpu.memory_space<vmem>>) target_semaphore(%run_scoped3A_63 : memref<!tpu.dma_semaphore, #tpu.memory_space<semaphore_mem>>)
          %dma_wait3A_66 = tpu.memref_slice %arg5[%add3A] : memref<331776xi32, #tpu.memory_space<hbm>> -> memref<128xi32, #tpu.memory_space<hbm>>
          %dma_wait3A_67 = tpu.memref_slice %arg5[%add3A] : memref<331776xi32, #tpu.memory_space<hbm>> -> memref<128xi32, #tpu.memory_space<hbm>>
          tpu.wait_dma2 semaphore(%run_scoped3A_63 : memref<!tpu.dma_semaphore, #tpu.memory_space<semaphore_mem>>) src(%dma_wait3A_67 : memref<128xi32, #tpu.memory_space<hbm>>) dst(%arg9 : memref<128xi32, #tpu.memory_space<vmem>>)
          tpu.yield
        }) : () -> ()
        "tpu.region"() ({
          %run_scoped3A_63 = tpu.sem_alloc : memref<!tpu.dma_semaphore, #tpu.memory_space<semaphore_mem>>
          %dma_start3A_64 = tpu.memref_slice %arg6[%add3A] : memref<331776xi32, #tpu.memory_space<hbm>> -> memref<128xi32, #tpu.memory_space<hbm>>
          %dma_start3A_65 = tpu.memref_slice %arg6[%add3A] : memref<331776xi32, #tpu.memory_space<hbm>> -> memref<128xi32, #tpu.memory_space<hbm>>
          tpu.enqueue_dma source(%dma_start3A_65 : memref<128xi32, #tpu.memory_space<hbm>>) target(%arg10 : memref<128xi32, #tpu.memory_space<vmem>>) target_semaphore(%run_scoped3A_63 : memref<!tpu.dma_semaphore, #tpu.memory_space<semaphore_mem>>)
          %dma_wait3A_66 = tpu.memref_slice %arg6[%add3A] : memref<331776xi32, #tpu.memory_space<hbm>> -> memref<128xi32, #tpu.memory_space<hbm>>
          %dma_wait3A_67 = tpu.memref_slice %arg6[%add3A] : memref<331776xi32, #tpu.memory_space<hbm>> -> memref<128xi32, #tpu.memory_space<hbm>>
          tpu.wait_dma2 semaphore(%run_scoped3A_63 : memref<!tpu.dma_semaphore, #tpu.memory_space<semaphore_mem>>) src(%dma_wait3A_67 : memref<128xi32, #tpu.memory_space<hbm>>) dst(%arg10 : memref<128xi32, #tpu.memory_space<vmem>>)
          tpu.yield
        }) : () -> ()
        %dma_start3A = arith.constant 0 : i32
        %dma_start3A_39 = arith.constant 0 : i32
        %dma_start3A_40 = tpu.memref_slice %arg2[%scan3A_26, %dma_start3A, %dma_start3A_39] : memref<4x10240x128xf32, #tpu.memory_space<hbm>> -> memref<1x10240x128xf32, #tpu.memory_space<hbm>>
        %dma_start3A_41 = tpu.memref_squeeze %dma_start3A_40 : memref<1x10240x128xf32, #tpu.memory_space<hbm>> -> memref<10240x128xf32, #tpu.memory_space<hbm>>
        %dma_start3A_42 = arith.constant 0 : i32
        %dma_start3A_43 = arith.constant 0 : i32
        %dma_start3A_44 = tpu.memref_slice %dma_start3A_41[%dma_start3A_42, %dma_start3A_43] : memref<10240x128xf32, #tpu.memory_space<hbm>> -> memref<10240x128xf32, #tpu.memory_space<hbm>>
        tpu.enqueue_indirect_dma source(%dma_start3A_44 : memref<10240x128xf32, #tpu.memory_space<hbm>>) target(%arg11 : memref<128x128xf32, #tpu.memory_space<vmem>>) offsets(%arg9 : memref<128xi32, #tpu.memory_space<vmem>>) semaphore(%arg15 : memref<!tpu.dma_semaphore, #tpu.memory_space<semaphore_mem>>)
        %dma_start3A_45 = arith.constant 0 : i32
        %dma_start3A_46 = arith.constant 0 : i32
        %dma_start3A_47 = tpu.memref_slice %arg4[%dma_start3A_45, %dma_start3A_46] : memref<10240x16xf32, #tpu.memory_space<hbm>> -> memref<10240x16xf32, #tpu.memory_space<hbm>>
        tpu.enqueue_indirect_dma source(%dma_start3A_47 : memref<10240x16xf32, #tpu.memory_space<hbm>>) target(%arg13 : memref<128x16xf32, #tpu.memory_space<vmem>>) offsets(%arg10 : memref<128xi32, #tpu.memory_space<vmem>>) semaphore(%arg16 : memref<!tpu.dma_semaphore, #tpu.memory_space<semaphore_mem>>)
        "tpu.region"() ({
          %run_scoped3A_63 = tpu.sem_alloc : memref<!tpu.dma_semaphore, #tpu.memory_space<semaphore_mem>>
          %dma_start3A_64 = arith.constant 0 : i32
          %dma_start3A_65 = tpu.memref_slice %arg3[%add3A, %dma_start3A_64] : memref<331776x16xf32, #tpu.memory_space<hbm>> -> memref<128x16xf32, #tpu.memory_space<hbm>>
          %dma_start3A_66 = arith.constant 0 : i32
          %dma_start3A_67 = tpu.memref_slice %arg3[%add3A, %dma_start3A_66] : memref<331776x16xf32, #tpu.memory_space<hbm>> -> memref<128x16xf32, #tpu.memory_space<hbm>>
          tpu.enqueue_dma source(%dma_start3A_67 : memref<128x16xf32, #tpu.memory_space<hbm>>) target(%arg12 : memref<128x16xf32, #tpu.memory_space<vmem>>) target_semaphore(%run_scoped3A_63 : memref<!tpu.dma_semaphore, #tpu.memory_space<semaphore_mem>>)
          %dma_wait3A_68 = arith.constant 0 : i32
          %dma_wait3A_69 = tpu.memref_slice %arg3[%add3A, %dma_wait3A_68] : memref<331776x16xf32, #tpu.memory_space<hbm>> -> memref<128x16xf32, #tpu.memory_space<hbm>>
          %dma_wait3A_70 = arith.constant 0 : i32
          %dma_wait3A_71 = tpu.memref_slice %arg3[%add3A, %dma_wait3A_70] : memref<331776x16xf32, #tpu.memory_space<hbm>> -> memref<128x16xf32, #tpu.memory_space<hbm>>
          tpu.wait_dma2 semaphore(%run_scoped3A_63 : memref<!tpu.dma_semaphore, #tpu.memory_space<semaphore_mem>>) src(%dma_wait3A_71 : memref<128x16xf32, #tpu.memory_space<hbm>>) dst(%arg12 : memref<128x16xf32, #tpu.memory_space<vmem>>)
          tpu.yield
        }) : () -> ()
        %dma_wait3A = arith.constant 0 : i32
        %dma_wait3A_48 = arith.constant 0 : i32
        %dma_wait3A_49 = tpu.memref_slice %arg2[%scan3A_26, %dma_wait3A, %dma_wait3A_48] : memref<4x10240x128xf32, #tpu.memory_space<hbm>> -> memref<1x10240x128xf32, #tpu.memory_space<hbm>>
        %dma_wait3A_50 = tpu.memref_squeeze %dma_wait3A_49 : memref<1x10240x128xf32, #tpu.memory_space<hbm>> -> memref<10240x128xf32, #tpu.memory_space<hbm>>
        %dma_wait3A_51 = arith.constant 0 : i32
        %dma_wait3A_52 = arith.constant 0 : i32
        %dma_wait3A_53 = tpu.memref_slice %dma_wait3A_50[%dma_wait3A_51, %dma_wait3A_52] : memref<10240x128xf32, #tpu.memory_space<hbm>> -> memref<10240x128xf32, #tpu.memory_space<hbm>>
        tpu.wait_indirect_dma semaphore(%arg15 : memref<!tpu.dma_semaphore, #tpu.memory_space<semaphore_mem>>) src(%dma_wait3A_53 : memref<10240x128xf32, #tpu.memory_space<hbm>>) dst(%arg11 : memref<128x128xf32, #tpu.memory_space<vmem>>)
        %dma_wait3A_54 = arith.constant 0 : i32
        %dma_wait3A_55 = arith.constant 0 : i32
        %dma_wait3A_56 = tpu.memref_slice %arg4[%dma_wait3A_54, %dma_wait3A_55] : memref<10240x16xf32, #tpu.memory_space<hbm>> -> memref<10240x16xf32, #tpu.memory_space<hbm>>
        tpu.wait_indirect_dma semaphore(%arg16 : memref<!tpu.dma_semaphore, #tpu.memory_space<semaphore_mem>>) src(%dma_wait3A_56 : memref<10240x16xf32, #tpu.memory_space<hbm>>) dst(%arg13 : memref<128x16xf32, #tpu.memory_space<vmem>>)
        %scan3A_57 = arith.constant 0 : i32
        %scan3A_58 = arith.constant 0 : i32
        %scan3A_59 = arith.constant 128 : i32
        %scan3A_60 = arith.addi %scan3A_58, %scan3A_59 : i32
        %scan3A_61 = arith.constant 2 : i32
        scf.for %scan3A_63 = %scan3A_58 to %scan3A_60 step %scan3A_61  : i32 {
          %get3A = arith.index_cast %scan3A_63 : i32 to index
          %get3A_64 = arith.constant 0 : index
          %get3A_65 = tpu.vector_load %arg12[%get3A, %get3A_64] {strides = array<i32>} : memref<128x16xf32, #tpu.memory_space<vmem>>, vector<1x16xf32>,
          %get3A_66 = vector.shape_cast %get3A_65 : vector<1x16xf32> to vector<16xf32>
          %get3A_67 = arith.index_cast %scan3A_63 : i32 to index
          %get3A_68 = arith.constant 0 : index
          %get3A_69 = tpu.vector_load %arg13[%get3A_67, %get3A_68] {strides = array<i32>} : memref<128x16xf32, #tpu.memory_space<vmem>>, vector<1x16xf32>,
          %get3A_70 = vector.shape_cast %get3A_69 : vector<1x16xf32> to vector<16xf32>
          %add3A_71 = arith.constant 1.000000e-16 : f32
          %add3A_72 = vector.broadcast %add3A_71 : f32 to vector<16xf32>
          %add3A_73 = arith.addf %get3A_70, %add3A_72 : vector<16xf32>
          %div3A = arith.divf %get3A_66, %add3A_73 : vector<16xf32>
          %broadcast_in_dim3A_74 = vector.shape_cast %broadcast_in_dim3A_23 : vector<16xi32> to vector<16x1xi32>
          %gather3A = vector.shape_cast %broadcast_in_dim3A_74 : vector<16x1xi32> to vector<16xi32>
          %gather3A_75 = tpu.dynamic_gather %div3A[%gather3A] in [0] : vector<16xf32>, vector<16xi32> -> vector<16xf32>
          %broadcast_in_dim3A_76 = vector.shape_cast %broadcast_in_dim3A_25 : vector<16xi32> to vector<16x1xi32>
          %gather3A_77 = vector.shape_cast %broadcast_in_dim3A_76 : vector<16x1xi32> to vector<16xi32>
          %gather3A_78 = tpu.dynamic_gather %div3A[%gather3A_77] in [0] : vector<16xf32>, vector<16xi32> -> vector<16xf32>
          %get3A_79 = arith.index_cast %scan3A_63 : i32 to index
          %get3A_80 = arith.constant 0 : index
          %get3A_81 = tpu.vector_load %arg11[%get3A_79, %get3A_80] {strides = array<i32>} : memref<128x128xf32, #tpu.memory_space<vmem>>, vector<1x16xf32>,
          %get3A_82 = vector.shape_cast %get3A_81 : vector<1x16xf32> to vector<16xf32>
          %mul3A_83 = arith.mulf %get3A_82, %gather3A_75 : vector<16xf32>
          %swap3A = arith.index_cast %scan3A_63 : i32 to index
          %swap3A_84 = arith.constant 0 : index
          %swap3A_85 = tpu.vector_load %arg11[%swap3A, %swap3A_84] {strides = array<i32>} : memref<128x128xf32, #tpu.memory_space<vmem>>, vector<1x16xf32>,
          %swap3A_86 = vector.shape_cast %swap3A_85 : vector<1x16xf32> to vector<16xf32>
          %swap3A_87 = vector.shape_cast %mul3A_83 : vector<16xf32> to vector<1x16xf32>
          tpu.vector_store %arg11[%swap3A, %swap3A_84], %swap3A_87 {strides = array<i32>} : memref<128x128xf32, #tpu.memory_space<vmem>>, vector<1x16xf32>,
          %get3A_88 = arith.index_cast %scan3A_63 : i32 to index
          %get3A_89 = arith.constant 16 : index
          %get3A_90 = tpu.vector_load %arg11[%get3A_88, %get3A_89] {strides = array<i32>} : memref<128x128xf32, #tpu.memory_space<vmem>>, vector<1x16xf32>,
          %get3A_91 = vector.shape_cast %get3A_90 : vector<1x16xf32> to vector<16xf32>
          %mul3A_92 = arith.mulf %get3A_91, %gather3A_75 : vector<16xf32>
          %swap3A_93 = arith.index_cast %scan3A_63 : i32 to index
          %swap3A_94 = arith.constant 16 : index
          %swap3A_95 = tpu.vector_load %arg11[%swap3A_93, %swap3A_94] {strides = array<i32>} : memref<128x128xf32, #tpu.memory_space<vmem>>, vector<1x16xf32>,
          %swap3A_96 = vector.shape_cast %swap3A_95 : vector<1x16xf32> to vector<16xf32>
          %swap3A_97 = vector.shape_cast %mul3A_92 : vector<16xf32> to vector<1x16xf32>
          tpu.vector_store %arg11[%swap3A_93, %swap3A_94], %swap3A_97 {strides = array<i32>} : memref<128x128xf32, #tpu.memory_space<vmem>>, vector<1x16xf32>,
          %get3A_98 = arith.index_cast %scan3A_63 : i32 to index
          %get3A_99 = arith.constant 32 : index
          %get3A_100 = tpu.vector_load %arg11[%get3A_98, %get3A_99] {strides = array<i32>} : memref<128x128xf32, #tpu.memory_space<vmem>>, vector<1x16xf32>,
          %get3A_101 = vector.shape_cast %get3A_100 : vector<1x16xf32> to vector<16xf32>
          %mul3A_102 = arith.mulf %get3A_101, %gather3A_75 : vector<16xf32>
          %swap3A_103 = arith.index_cast %scan3A_63 : i32 to index
          %swap3A_104 = arith.constant 32 : index
          %swap3A_105 = tpu.vector_load %arg11[%swap3A_103, %swap3A_104] {strides = array<i32>} : memref<128x128xf32, #tpu.memory_space<vmem>>, vector<1x16xf32>,
          %swap3A_106 = vector.shape_cast %swap3A_105 : vector<1x16xf32> to vector<16xf32>
          %swap3A_107 = vector.shape_cast %mul3A_102 : vector<16xf32> to vector<1x16xf32>
          tpu.vector_store %arg11[%swap3A_103, %swap3A_104], %swap3A_107 {strides = array<i32>} : memref<128x128xf32, #tpu.memory_space<vmem>>, vector<1x16xf32>,
          %get3A_108 = arith.index_cast %scan3A_63 : i32 to index
          %get3A_109 = arith.constant 48 : index
          %get3A_110 = tpu.vector_load %arg11[%get3A_108, %get3A_109] {strides = array<i32>} : memref<128x128xf32, #tpu.memory_space<vmem>>, vector<1x16xf32>,
          %get3A_111 = vector.shape_cast %get3A_110 : vector<1x16xf32> to vector<16xf32>
          %mul3A_112 = arith.mulf %get3A_111, %gather3A_75 : vector<16xf32>
          %swap3A_113 = arith.index_cast %scan3A_63 : i32 to index
          %swap3A_114 = arith.constant 48 : index
          %swap3A_115 = tpu.vector_load %arg11[%swap3A_113, %swap3A_114] {strides = array<i32>} : memref<128x128xf32, #tpu.memory_space<vmem>>, vector<1x16xf32>,
          %swap3A_116 = vector.shape_cast %swap3A_115 : vector<1x16xf32> to vector<16xf32>
          %swap3A_117 = vector.shape_cast %mul3A_112 : vector<16xf32> to vector<1x16xf32>
          tpu.vector_store %arg11[%swap3A_113, %swap3A_114], %swap3A_117 {strides = array<i32>} : memref<128x128xf32, #tpu.memory_space<vmem>>, vector<1x16xf32>,
          %get3A_118 = arith.index_cast %scan3A_63 : i32 to index
          %get3A_119 = arith.constant 64 : index
          %get3A_120 = tpu.vector_load %arg11[%get3A_118, %get3A_119] {strides = array<i32>} : memref<128x128xf32, #tpu.memory_space<vmem>>, vector<1x16xf32>,
          %get3A_121 = vector.shape_cast %get3A_120 : vector<1x16xf32> to vector<16xf32>
          %mul3A_122 = arith.mulf %get3A_121, %gather3A_78 : vector<16xf32>
          %swap3A_123 = arith.index_cast %scan3A_63 : i32 to index
          %swap3A_124 = arith.constant 64 : index
          %swap3A_125 = tpu.vector_load %arg11[%swap3A_123, %swap3A_124] {strides = array<i32>} : memref<128x128xf32, #tpu.memory_space<vmem>>, vector<1x16xf32>,
          %swap3A_126 = vector.shape_cast %swap3A_125 : vector<1x16xf32> to vector<16xf32>
          %swap3A_127 = vector.shape_cast %mul3A_122 : vector<16xf32> to vector<1x16xf32>
          tpu.vector_store %arg11[%swap3A_123, %swap3A_124], %swap3A_127 {strides = array<i32>} : memref<128x128xf32, #tpu.memory_space<vmem>>, vector<1x16xf32>,
          %get3A_128 = arith.index_cast %scan3A_63 : i32 to index
          %get3A_129 = arith.constant 80 : index
          %get3A_130 = tpu.vector_load %arg11[%get3A_128, %get3A_129] {strides = array<i32>} : memref<128x128xf32, #tpu.memory_space<vmem>>, vector<1x16xf32>,
          %get3A_131 = vector.shape_cast %get3A_130 : vector<1x16xf32> to vector<16xf32>
          %mul3A_132 = arith.mulf %get3A_131, %gather3A_78 : vector<16xf32>
          %swap3A_133 = arith.index_cast %scan3A_63 : i32 to index
          %swap3A_134 = arith.constant 80 : index
          %swap3A_135 = tpu.vector_load %arg11[%swap3A_133, %swap3A_134] {strides = array<i32>} : memref<128x128xf32, #tpu.memory_space<vmem>>, vector<1x16xf32>,
          %swap3A_136 = vector.shape_cast %swap3A_135 : vector<1x16xf32> to vector<16xf32>
          %swap3A_137 = vector.shape_cast %mul3A_132 : vector<16xf32> to vector<1x16xf32>
          tpu.vector_store %arg11[%swap3A_133, %swap3A_134], %swap3A_137 {strides = array<i32>} : memref<128x128xf32, #tpu.memory_space<vmem>>, vector<1x16xf32>,
          %get3A_138 = arith.index_cast %scan3A_63 : i32 to index
          %get3A_139 = arith.constant 96 : index
          %get3A_140 = tpu.vector_load %arg11[%get3A_138, %get3A_139] {strides = array<i32>} : memref<128x128xf32, #tpu.memory_space<vmem>>, vector<1x16xf32>,
          %get3A_141 = vector.shape_cast %get3A_140 : vector<1x16xf32> to vector<16xf32>
          %mul3A_142 = arith.mulf %get3A_141, %gather3A_78 : vector<16xf32>
          %swap3A_143 = arith.index_cast %scan3A_63 : i32 to index
          %swap3A_144 = arith.constant 96 : index
          %swap3A_145 = tpu.vector_load %arg11[%swap3A_143, %swap3A_144] {strides = array<i32>} : memref<128x128xf32, #tpu.memory_space<vmem>>, vector<1x16xf32>,
          %swap3A_146 = vector.shape_cast %swap3A_145 : vector<1x16xf32> to vector<16xf32>
          %swap3A_147 = vector.shape_cast %mul3A_142 : vector<16xf32> to vector<1x16xf32>
          tpu.vector_store %arg11[%swap3A_143, %swap3A_144], %swap3A_147 {strides = array<i32>} : memref<128x128xf32, #tpu.memory_space<vmem>>, vector<1x16xf32>,
          %get3A_148 = arith.index_cast %scan3A_63 : i32 to index
          %get3A_149 = arith.constant 112 : index
          %get3A_150 = tpu.vector_load %arg11[%get3A_148, %get3A_149] {strides = array<i32>} : memref<128x128xf32, #tpu.memory_space<vmem>>, vector<1x16xf32>,
          %get3A_151 = vector.shape_cast %get3A_150 : vector<1x16xf32> to vector<16xf32>
          %mul3A_152 = arith.mulf %get3A_151, %gather3A_78 : vector<16xf32>
          %swap3A_153 = arith.index_cast %scan3A_63 : i32 to index
          %swap3A_154 = arith.constant 112 : index
          %swap3A_155 = tpu.vector_load %arg11[%swap3A_153, %swap3A_154] {strides = array<i32>} : memref<128x128xf32, #tpu.memory_space<vmem>>, vector<1x16xf32>,
          %swap3A_156 = vector.shape_cast %swap3A_155 : vector<1x16xf32> to vector<16xf32>
          %swap3A_157 = vector.shape_cast %mul3A_152 : vector<16xf32> to vector<1x16xf32>
          tpu.vector_store %arg11[%swap3A_153, %swap3A_154], %swap3A_157 {strides = array<i32>} : memref<128x128xf32, #tpu.memory_space<vmem>>, vector<1x16xf32>,
          %scan3A_158 = arith.constant 1 : i32
          %scan3A_159 = arith.addi %scan3A_63, %scan3A_158 : i32
          %get3A_160 = arith.index_cast %scan3A_159 : i32 to index
          %get3A_161 = arith.constant 0 : index
          %get3A_162 = tpu.vector_load %arg12[%get3A_160, %get3A_161] {strides = array<i32>} : memref<128x16xf32, #tpu.memory_space<vmem>>, vector<1x16xf32>,
          %get3A_163 = vector.shape_cast %get3A_162 : vector<1x16xf32> to vector<16xf32>
          %get3A_164 = arith.index_cast %scan3A_159 : i32 to index
          %get3A_165 = arith.constant 0 : index
          %get3A_166 = tpu.vector_load %arg13[%get3A_164, %get3A_165] {strides = array<i32>} : memref<128x16xf32, #tpu.memory_space<vmem>>, vector<1x16xf32>,
          %get3A_167 = vector.shape_cast %get3A_166 : vector<1x16xf32> to vector<16xf32>
          %add3A_168 = arith.constant 1.000000e-16 : f32
          %add3A_169 = vector.broadcast %add3A_168 : f32 to vector<16xf32>
          %add3A_170 = arith.addf %get3A_167, %add3A_169 : vector<16xf32>
          %div3A_171 = arith.divf %get3A_163, %add3A_170 : vector<16xf32>
          %broadcast_in_dim3A_172 = vector.shape_cast %broadcast_in_dim3A_23 : vector<16xi32> to vector<16x1xi32>
          %gather3A_173 = vector.shape_cast %broadcast_in_dim3A_172 : vector<16x1xi32> to vector<16xi32>
          %gather3A_174 = tpu.dynamic_gather %div3A_171[%gather3A_173] in [0] : vector<16xf32>, vector<16xi32> -> vector<16xf32>
          %broadcast_in_dim3A_175 = vector.shape_cast %broadcast_in_dim3A_25 : vector<16xi32> to vector<16x1xi32>
          %gather3A_176 = vector.shape_cast %broadcast_in_dim3A_175 : vector<16x1xi32> to vector<16xi32>
          %gather3A_177 = tpu.dynamic_gather %div3A_171[%gather3A_176] in [0] : vector<16xf32>, vector<16xi32> -> vector<16xf32>
          %get3A_178 = arith.index_cast %scan3A_159 : i32 to index
          %get3A_179 = arith.constant 0 : index
          %get3A_180 = tpu.vector_load %arg11[%get3A_178, %get3A_179] {strides = array<i32>} : memref<128x128xf32, #tpu.memory_space<vmem>>, vector<1x16xf32>,
          %get3A_181 = vector.shape_cast %get3A_180 : vector<1x16xf32> to vector<16xf32>
          %mul3A_182 = arith.mulf %get3A_181, %gather3A_174 : vector<16xf32>
          %swap3A_183 = arith.index_cast %scan3A_159 : i32 to index
          %swap3A_184 = arith.constant 0 : index
          %swap3A_185 = tpu.vector_load %arg11[%swap3A_183, %swap3A_184] {strides = array<i32>} : memref<128x128xf32, #tpu.memory_space<vmem>>, vector<1x16xf32>,
          %swap3A_186 = vector.shape_cast %swap3A_185 : vector<1x16xf32> to vector<16xf32>
          %swap3A_187 = vector.shape_cast %mul3A_182 : vector<16xf32> to vector<1x16xf32>
          tpu.vector_store %arg11[%swap3A_183, %swap3A_184], %swap3A_187 {strides = array<i32>} : memref<128x128xf32, #tpu.memory_space<vmem>>, vector<1x16xf32>,
          %get3A_188 = arith.index_cast %scan3A_159 : i32 to index
          %get3A_189 = arith.constant 16 : index
          %get3A_190 = tpu.vector_load %arg11[%get3A_188, %get3A_189] {strides = array<i32>} : memref<128x128xf32, #tpu.memory_space<vmem>>, vector<1x16xf32>,
          %get3A_191 = vector.shape_cast %get3A_190 : vector<1x16xf32> to vector<16xf32>
          %mul3A_192 = arith.mulf %get3A_191, %gather3A_174 : vector<16xf32>
          %swap3A_193 = arith.index_cast %scan3A_159 : i32 to index
          %swap3A_194 = arith.constant 16 : index
          %swap3A_195 = tpu.vector_load %arg11[%swap3A_193, %swap3A_194] {strides = array<i32>} : memref<128x128xf32, #tpu.memory_space<vmem>>, vector<1x16xf32>,
          %swap3A_196 = vector.shape_cast %swap3A_195 : vector<1x16xf32> to vector<16xf32>
          %swap3A_197 = vector.shape_cast %mul3A_192 : vector<16xf32> to vector<1x16xf32>
          tpu.vector_store %arg11[%swap3A_193, %swap3A_194], %swap3A_197 {strides = array<i32>} : memref<128x128xf32, #tpu.memory_space<vmem>>, vector<1x16xf32>,
          %get3A_198 = arith.index_cast %scan3A_159 : i32 to index
          %get3A_199 = arith.constant 32 : index
          %get3A_200 = tpu.vector_load %arg11[%get3A_198, %get3A_199] {strides = array<i32>} : memref<128x128xf32, #tpu.memory_space<vmem>>, vector<1x16xf32>,
          %get3A_201 = vector.shape_cast %get3A_200 : vector<1x16xf32> to vector<16xf32>
          %mul3A_202 = arith.mulf %get3A_201, %gather3A_174 : vector<16xf32>
          %swap3A_203 = arith.index_cast %scan3A_159 : i32 to index
          %swap3A_204 = arith.constant 32 : index
          %swap3A_205 = tpu.vector_load %arg11[%swap3A_203, %swap3A_204] {strides = array<i32>} : memref<128x128xf32, #tpu.memory_space<vmem>>, vector<1x16xf32>,
          %swap3A_206 = vector.shape_cast %swap3A_205 : vector<1x16xf32> to vector<16xf32>
          %swap3A_207 = vector.shape_cast %mul3A_202 : vector<16xf32> to vector<1x16xf32>
          tpu.vector_store %arg11[%swap3A_203, %swap3A_204], %swap3A_207 {strides = array<i32>} : memref<128x128xf32, #tpu.memory_space<vmem>>, vector<1x16xf32>,
          %get3A_208 = arith.index_cast %scan3A_159 : i32 to index
          %get3A_209 = arith.constant 48 : index
          %get3A_210 = tpu.vector_load %arg11[%get3A_208, %get3A_209] {strides = array<i32>} : memref<128x128xf32, #tpu.memory_space<vmem>>, vector<1x16xf32>,
          %get3A_211 = vector.shape_cast %get3A_210 : vector<1x16xf32> to vector<16xf32>
          %mul3A_212 = arith.mulf %get3A_211, %gather3A_174 : vector<16xf32>
          %swap3A_213 = arith.index_cast %scan3A_159 : i32 to index
          %swap3A_214 = arith.constant 48 : index
          %swap3A_215 = tpu.vector_load %arg11[%swap3A_213, %swap3A_214] {strides = array<i32>} : memref<128x128xf32, #tpu.memory_space<vmem>>, vector<1x16xf32>,
          %swap3A_216 = vector.shape_cast %swap3A_215 : vector<1x16xf32> to vector<16xf32>
          %swap3A_217 = vector.shape_cast %mul3A_212 : vector<16xf32> to vector<1x16xf32>
          tpu.vector_store %arg11[%swap3A_213, %swap3A_214], %swap3A_217 {strides = array<i32>} : memref<128x128xf32, #tpu.memory_space<vmem>>, vector<1x16xf32>,
          %get3A_218 = arith.index_cast %scan3A_159 : i32 to index
          %get3A_219 = arith.constant 64 : index
          %get3A_220 = tpu.vector_load %arg11[%get3A_218, %get3A_219] {strides = array<i32>} : memref<128x128xf32, #tpu.memory_space<vmem>>, vector<1x16xf32>,
          %get3A_221 = vector.shape_cast %get3A_220 : vector<1x16xf32> to vector<16xf32>
          %mul3A_222 = arith.mulf %get3A_221, %gather3A_177 : vector<16xf32>
          %swap3A_223 = arith.index_cast %scan3A_159 : i32 to index
          %swap3A_224 = arith.constant 64 : index
          %swap3A_225 = tpu.vector_load %arg11[%swap3A_223, %swap3A_224] {strides = array<i32>} : memref<128x128xf32, #tpu.memory_space<vmem>>, vector<1x16xf32>,
          %swap3A_226 = vector.shape_cast %swap3A_225 : vector<1x16xf32> to vector<16xf32>
          %swap3A_227 = vector.shape_cast %mul3A_222 : vector<16xf32> to vector<1x16xf32>
          tpu.vector_store %arg11[%swap3A_223, %swap3A_224], %swap3A_227 {strides = array<i32>} : memref<128x128xf32, #tpu.memory_space<vmem>>, vector<1x16xf32>,
          %get3A_228 = arith.index_cast %scan3A_159 : i32 to index
          %get3A_229 = arith.constant 80 : index
          %get3A_230 = tpu.vector_load %arg11[%get3A_228, %get3A_229] {strides = array<i32>} : memref<128x128xf32, #tpu.memory_space<vmem>>, vector<1x16xf32>,
          %get3A_231 = vector.shape_cast %get3A_230 : vector<1x16xf32> to vector<16xf32>
          %mul3A_232 = arith.mulf %get3A_231, %gather3A_177 : vector<16xf32>
          %swap3A_233 = arith.index_cast %scan3A_159 : i32 to index
          %swap3A_234 = arith.constant 80 : index
          %swap3A_235 = tpu.vector_load %arg11[%swap3A_233, %swap3A_234] {strides = array<i32>} : memref<128x128xf32, #tpu.memory_space<vmem>>, vector<1x16xf32>,
          %swap3A_236 = vector.shape_cast %swap3A_235 : vector<1x16xf32> to vector<16xf32>
          %swap3A_237 = vector.shape_cast %mul3A_232 : vector<16xf32> to vector<1x16xf32>
          tpu.vector_store %arg11[%swap3A_233, %swap3A_234], %swap3A_237 {strides = array<i32>} : memref<128x128xf32, #tpu.memory_space<vmem>>, vector<1x16xf32>,
          %get3A_238 = arith.index_cast %scan3A_159 : i32 to index
          %get3A_239 = arith.constant 96 : index
          %get3A_240 = tpu.vector_load %arg11[%get3A_238, %get3A_239] {strides = array<i32>} : memref<128x128xf32, #tpu.memory_space<vmem>>, vector<1x16xf32>,
          %get3A_241 = vector.shape_cast %get3A_240 : vector<1x16xf32> to vector<16xf32>
          %mul3A_242 = arith.mulf %get3A_241, %gather3A_177 : vector<16xf32>
          %swap3A_243 = arith.index_cast %scan3A_159 : i32 to index
          %swap3A_244 = arith.constant 96 : index
          %swap3A_245 = tpu.vector_load %arg11[%swap3A_243, %swap3A_244] {strides = array<i32>} : memref<128x128xf32, #tpu.memory_space<vmem>>, vector<1x16xf32>,
          %swap3A_246 = vector.shape_cast %swap3A_245 : vector<1x16xf32> to vector<16xf32>
          %swap3A_247 = vector.shape_cast %mul3A_242 : vector<16xf32> to vector<1x16xf32>
          tpu.vector_store %arg11[%swap3A_243, %swap3A_244], %swap3A_247 {strides = array<i32>} : memref<128x128xf32, #tpu.memory_space<vmem>>, vector<1x16xf32>,
          %get3A_248 = arith.index_cast %scan3A_159 : i32 to index
          %get3A_249 = arith.constant 112 : index
          %get3A_250 = tpu.vector_load %arg11[%get3A_248, %get3A_249] {strides = array<i32>} : memref<128x128xf32, #tpu.memory_space<vmem>>, vector<1x16xf32>,
          %get3A_251 = vector.shape_cast %get3A_250 : vector<1x16xf32> to vector<16xf32>
          %mul3A_252 = arith.mulf %get3A_251, %gather3A_177 : vector<16xf32>
          %swap3A_253 = arith.index_cast %scan3A_159 : i32 to index
          %swap3A_254 = arith.constant 112 : index
          %swap3A_255 = tpu.vector_load %arg11[%swap3A_253, %swap3A_254] {strides = array<i32>} : memref<128x128xf32, #tpu.memory_space<vmem>>, vector<1x16xf32>,
          %swap3A_256 = vector.shape_cast %swap3A_255 : vector<1x16xf32> to vector<16xf32>
          %swap3A_257 = vector.shape_cast %mul3A_252 : vector<16xf32> to vector<1x16xf32>
          tpu.vector_store %arg11[%swap3A_253, %swap3A_254], %swap3A_257 {strides = array<i32>} : memref<128x128xf32, #tpu.memory_space<vmem>>, vector<1x16xf32>,
        }
        %scan3A_62 = arith.constant 128 : i32
        "tpu.region"() ({
          %run_scoped3A_63 = tpu.sem_alloc : memref<!tpu.dma_semaphore, #tpu.memory_space<semaphore_mem>>
          %dma_start3A_64 = arith.constant 0 : i32
          %dma_start3A_65 = arith.constant 0 : i32
          %dma_start3A_66 = tpu.memref_slice %arg14[%dma_start3A_64, %dma_start3A_65] : memref<10240x128xf32, #tpu.memory_space<vmem_shared>> -> memref<10240x128xf32, #tpu.memory_space<vmem_shared>>
          tpu.enqueue_indirect_dma source(%arg11 : memref<128x128xf32, #tpu.memory_space<vmem>>) target(%dma_start3A_66 : memref<10240x128xf32, #tpu.memory_space<vmem_shared>>) offsets(%arg10 : memref<128xi32, #tpu.memory_space<vmem>>) semaphore(%run_scoped3A_63 : memref<!tpu.dma_semaphore, #tpu.memory_space<semaphore_mem>>) {add = true}
          %dma_wait3A_67 = arith.constant 0 : i32
          %dma_wait3A_68 = arith.constant 0 : i32
          %dma_wait3A_69 = tpu.memref_slice %arg14[%dma_wait3A_67, %dma_wait3A_68] : memref<10240x128xf32, #tpu.memory_space<vmem_shared>> -> memref<10240x128xf32, #tpu.memory_space<vmem_shared>>
          tpu.wait_indirect_dma semaphore(%run_scoped3A_63 : memref<!tpu.dma_semaphore, #tpu.memory_space<semaphore_mem>>) src(%arg11 : memref<128x128xf32, #tpu.memory_space<vmem>>) dst(%dma_wait3A_69 : memref<10240x128xf32, #tpu.memory_space<vmem_shared>>)
          tpu.yield
        }) : () -> ()
      }
      %scan3A_31 = arith.constant 162 : i32
      %barrier3A_32 = arith.constant 0 : index
      tpu.barrier barrier_id(%barrier3A_32)
      %mul3A_33 = arith.constant 640 : i32
      %mul3A_34 = arith.muli %arg1, %mul3A_33 : i32
      %run_scoped3A = arith.constant 3 : i32
      "tpu.region"() ({
        %run_scoped3A_36 = tpu.sem_alloc : memref<!tpu.dma_semaphore, #tpu.memory_space<semaphore_mem>>
        %dma_start3A = arith.constant 0 : i32
        %dma_start3A_37 = arith.constant 0 : i32
        %dma_start3A_38 = tpu.memref_slice %arg8[%run_scoped3A, %dma_start3A, %dma_start3A_37] : memref<4x10240x128xf32, #tpu.memory_space<hbm>> -> memref<1x10240x128xf32, #tpu.memory_space<hbm>>
        %dma_start3A_39 = tpu.memref_squeeze %dma_start3A_38 : memref<1x10240x128xf32, #tpu.memory_space<hbm>> -> memref<10240x128xf32, #tpu.memory_space<hbm>>
        %dma_start3A_40 = arith.constant 0 : i32
        %dma_start3A_41 = tpu.memref_slice %dma_start3A_39[%mul3A_34, %dma_start3A_40] : memref<10240x128xf32, #tpu.memory_space<hbm>> -> memref<640x128xf32, #tpu.memory_space<hbm>>
        %dma_start3A_42 = arith.constant 0 : i32
        %dma_start3A_43 = tpu.memref_slice %arg14[%mul3A_34, %dma_start3A_42] : memref<10240x128xf32, #tpu.memory_space<vmem_shared>> -> memref<640x128xf32, #tpu.memory_space<vmem_shared>>
        tpu.enqueue_dma source(%dma_start3A_43 : memref<640x128xf32, #tpu.memory_space<vmem_shared>>) target(%dma_start3A_41 : memref<640x128xf32, #tpu.memory_space<hbm>>) target_semaphore(%run_scoped3A_36 : memref<!tpu.dma_semaphore, #tpu.memory_space<semaphore_mem>>)
        %dma_wait3A = arith.constant 0 : i32
        %dma_wait3A_44 = arith.constant 0 : i32
        %dma_wait3A_45 = tpu.memref_slice %arg8[%run_scoped3A, %dma_wait3A, %dma_wait3A_44] : memref<4x10240x128xf32, #tpu.memory_space<hbm>> -> memref<1x10240x128xf32, #tpu.memory_space<hbm>>
        %dma_wait3A_46 = tpu.memref_squeeze %dma_wait3A_45 : memref<1x10240x128xf32, #tpu.memory_space<hbm>> -> memref<10240x128xf32, #tpu.memory_space<hbm>>
        %dma_wait3A_47 = arith.constant 0 : i32
        %dma_wait3A_48 = tpu.memref_slice %dma_wait3A_46[%mul3A_34, %dma_wait3A_47] : memref<10240x128xf32, #tpu.memory_space<hbm>> -> memref<640x128xf32, #tpu.memory_space<hbm>>
        %dma_wait3A_49 = arith.constant 0 : i32
        %dma_wait3A_50 = tpu.memref_slice %arg14[%mul3A_34, %dma_wait3A_49] : memref<10240x128xf32, #tpu.memory_space<vmem_shared>> -> memref<640x128xf32, #tpu.memory_space<vmem_shared>>
        tpu.wait_dma2 semaphore(%run_scoped3A_36 : memref<!tpu.dma_semaphore, #tpu.memory_space<semaphore_mem>>) src(%dma_wait3A_50 : memref<640x128xf32, #tpu.memory_space<vmem_shared>>) dst(%dma_wait3A_48 : memref<640x128xf32, #tpu.memory_space<hbm>>)
        tpu.yield
      }) : () -> ()
      %barrier3A_35 = arith.constant 0 : index
      tpu.barrier barrier_id(%barrier3A_35)
    } else {
    }
    return
  }
}

#map = affine_map<(d0, d1) -> (0, 0, 0)>
#map1 = affine_map<(d0, d1) -> (0, 0)>
#map2 = affine_map<(d0, d1) -> (0)>
module attributes {stable_mosaic.version = 14 : i64} {
  func.func @k(%arg0: i32, %arg1: i32, %arg2: memref<2x10240x128xf32, #tpu.memory_space<hbm>>, %arg3: memref<10240x16xf32, #tpu.memory_space<hbm>>, %arg4: memref<331776xi32, #tpu.memory_space<hbm>>, %arg5: memref<331776xi32, #tpu.memory_space<hbm>>, %arg6: memref<10240x128xf32, #tpu.memory_space<hbm>>, %arg7: memref<2x10240x128xf32, #tpu.memory_space<hbm>>, %arg8: memref<128xi32, #tpu.memory_space<vmem>>, %arg9: memref<128xi32, #tpu.memory_space<vmem>>, %arg10: memref<128x128xf32, #tpu.memory_space<vmem>>, %arg11: memref<128x16xf32, #tpu.memory_space<vmem>>, %arg12: memref<128x16xf32, #tpu.memory_space<vmem>>, %arg13: memref<10240x128xf32, #tpu.memory_space<vmem_shared>>, %arg14: memref<!tpu.dma_semaphore, #tpu.memory_space<semaphore_mem>>, %arg15: memref<!tpu.dma_semaphore, #tpu.memory_space<semaphore_mem>>) attributes {dimension_semantics = [#tpu.dimension_semantics<core_parallel>, #tpu.dimension_semantics<subcore_parallel>], iteration_bounds = array<i64: 2, 16>, scalar_prefetch = 0 : i64, scratch_operands = 8 : i64, tpu.core_type = #tpu.core_type<sc_vector_subcore>, window_params = [{transform_indices = #map}, {transform_indices = #map1}, {transform_indices = #map2}, {transform_indices = #map2}, {transform_indices = #map1}, {transform_indices = #map}]} {
    %eq3A = arith.constant 0 : i32
    %eq3A_0 = arith.cmpi eq, %arg0, %eq3A : i32
    %convert_element_type3A = arith.extui %eq3A_0 : i1 to i32
    %cond3A = arith.constant 0 : i32
    %cond3A_1 = arith.cmpi ne, %convert_element_type3A, %cond3A : i32
    scf.if %cond3A_1 {
      %mul3A = arith.constant 20736 : i32
      %mul3A_7 = arith.muli %arg1, %mul3A : i32
      %eq3A_8 = arith.constant 0 : i32
      %eq3A_9 = arith.cmpi eq, %arg1, %eq3A_8 : i32
      %convert_element_type3A_10 = arith.extui %eq3A_9 : i1 to i32
      %cond3A_11 = arith.constant 0 : i32
      %cond3A_12 = arith.cmpi ne, %convert_element_type3A_10, %cond3A_11 : i32
      scf.if %cond3A_12 {
        "tpu.region"() ({
          %run_scoped3A_23 = tpu.sem_alloc : memref<!tpu.dma_semaphore, #tpu.memory_space<semaphore_mem>>
          tpu.enqueue_dma source(%arg6 : memref<10240x128xf32, #tpu.memory_space<hbm>>) target(%arg13 : memref<10240x128xf32, #tpu.memory_space<vmem_shared>>) target_semaphore(%run_scoped3A_23 : memref<!tpu.dma_semaphore, #tpu.memory_space<semaphore_mem>>)
          tpu.wait_dma2 semaphore(%run_scoped3A_23 : memref<!tpu.dma_semaphore, #tpu.memory_space<semaphore_mem>>) src(%arg6 : memref<10240x128xf32, #tpu.memory_space<hbm>>) dst(%arg13 : memref<10240x128xf32, #tpu.memory_space<vmem_shared>>)
          tpu.yield
        }) : () -> ()
      } else {
      }
      %barrier3A = arith.constant 0 : index
      tpu.barrier barrier_id(%barrier3A)
      %scan3A = arith.constant 0 : i32
      %scan3A_13 = arith.constant 0 : i32
      %scan3A_14 = arith.constant 0 : i32
      %scan3A_15 = arith.constant 162 : i32
      %scan3A_16 = arith.addi %scan3A_14, %scan3A_15 : i32
      %scan3A_17 = arith.constant 1 : i32
      scf.for %scan3A_23 = %scan3A_14 to %scan3A_16 step %scan3A_17  : i32 {
        %mul3A_24 = arith.constant 128 : i32
        %mul3A_25 = arith.muli %scan3A_23, %mul3A_24 : i32
        %add3A = arith.addi %mul3A_7, %mul3A_25 : i32
        "tpu.region"() ({
          %run_scoped3A_56 = tpu.sem_alloc : memref<!tpu.dma_semaphore, #tpu.memory_space<semaphore_mem>>
          %dma_start3A_57 = tpu.memref_slice %arg4[%add3A] : memref<331776xi32, #tpu.memory_space<hbm>> -> memref<128xi32, #tpu.memory_space<hbm>>
          %dma_start3A_58 = tpu.memref_slice %arg4[%add3A] : memref<331776xi32, #tpu.memory_space<hbm>> -> memref<128xi32, #tpu.memory_space<hbm>>
          tpu.enqueue_dma source(%dma_start3A_58 : memref<128xi32, #tpu.memory_space<hbm>>) target(%arg8 : memref<128xi32, #tpu.memory_space<vmem>>) target_semaphore(%run_scoped3A_56 : memref<!tpu.dma_semaphore, #tpu.memory_space<semaphore_mem>>)
          %dma_wait3A_59 = tpu.memref_slice %arg4[%add3A] : memref<331776xi32, #tpu.memory_space<hbm>> -> memref<128xi32, #tpu.memory_space<hbm>>
          %dma_wait3A_60 = tpu.memref_slice %arg4[%add3A] : memref<331776xi32, #tpu.memory_space<hbm>> -> memref<128xi32, #tpu.memory_space<hbm>>
          tpu.wait_dma2 semaphore(%run_scoped3A_56 : memref<!tpu.dma_semaphore, #tpu.memory_space<semaphore_mem>>) src(%dma_wait3A_60 : memref<128xi32, #tpu.memory_space<hbm>>) dst(%arg8 : memref<128xi32, #tpu.memory_space<vmem>>)
          tpu.yield
        }) : () -> ()
        "tpu.region"() ({
          %run_scoped3A_56 = tpu.sem_alloc : memref<!tpu.dma_semaphore, #tpu.memory_space<semaphore_mem>>
          %dma_start3A_57 = tpu.memref_slice %arg5[%add3A] : memref<331776xi32, #tpu.memory_space<hbm>> -> memref<128xi32, #tpu.memory_space<hbm>>
          %dma_start3A_58 = tpu.memref_slice %arg5[%add3A] : memref<331776xi32, #tpu.memory_space<hbm>> -> memref<128xi32, #tpu.memory_space<hbm>>
          tpu.enqueue_dma source(%dma_start3A_58 : memref<128xi32, #tpu.memory_space<hbm>>) target(%arg9 : memref<128xi32, #tpu.memory_space<vmem>>) target_semaphore(%run_scoped3A_56 : memref<!tpu.dma_semaphore, #tpu.memory_space<semaphore_mem>>)
          %dma_wait3A_59 = tpu.memref_slice %arg5[%add3A] : memref<331776xi32, #tpu.memory_space<hbm>> -> memref<128xi32, #tpu.memory_space<hbm>>
          %dma_wait3A_60 = tpu.memref_slice %arg5[%add3A] : memref<331776xi32, #tpu.memory_space<hbm>> -> memref<128xi32, #tpu.memory_space<hbm>>
          tpu.wait_dma2 semaphore(%run_scoped3A_56 : memref<!tpu.dma_semaphore, #tpu.memory_space<semaphore_mem>>) src(%dma_wait3A_60 : memref<128xi32, #tpu.memory_space<hbm>>) dst(%arg9 : memref<128xi32, #tpu.memory_space<vmem>>)
          tpu.yield
        }) : () -> ()
        %dma_start3A = arith.constant 0 : i32
        %dma_start3A_26 = arith.constant 0 : i32
        %dma_start3A_27 = tpu.memref_slice %arg2[%scan3A_13, %dma_start3A, %dma_start3A_26] : memref<2x10240x128xf32, #tpu.memory_space<hbm>> -> memref<1x10240x128xf32, #tpu.memory_space<hbm>>
        %dma_start3A_28 = tpu.memref_squeeze %dma_start3A_27 : memref<1x10240x128xf32, #tpu.memory_space<hbm>> -> memref<10240x128xf32, #tpu.memory_space<hbm>>
        %dma_start3A_29 = arith.constant 0 : i32
        %dma_start3A_30 = arith.constant 0 : i32
        %dma_start3A_31 = tpu.memref_slice %dma_start3A_28[%dma_start3A_29, %dma_start3A_30] : memref<10240x128xf32, #tpu.memory_space<hbm>> -> memref<10240x128xf32, #tpu.memory_space<hbm>>
        tpu.enqueue_indirect_dma source(%dma_start3A_31 : memref<10240x128xf32, #tpu.memory_space<hbm>>) target(%arg10 : memref<128x128xf32, #tpu.memory_space<vmem>>) offsets(%arg8 : memref<128xi32, #tpu.memory_space<vmem>>) semaphore(%arg14 : memref<!tpu.dma_semaphore, #tpu.memory_space<semaphore_mem>>)
        %dma_start3A_32 = arith.constant 0 : i32
        %dma_start3A_33 = arith.constant 0 : i32
        %dma_start3A_34 = tpu.memref_slice %arg3[%dma_start3A_32, %dma_start3A_33] : memref<10240x16xf32, #tpu.memory_space<hbm>> -> memref<10240x16xf32, #tpu.memory_space<hbm>>
        tpu.enqueue_indirect_dma source(%dma_start3A_34 : memref<10240x16xf32, #tpu.memory_space<hbm>>) target(%arg11 : memref<128x16xf32, #tpu.memory_space<vmem>>) offsets(%arg8 : memref<128xi32, #tpu.memory_space<vmem>>) semaphore(%arg15 : memref<!tpu.dma_semaphore, #tpu.memory_space<semaphore_mem>>)
        %dma_wait3A = arith.constant 0 : i32
        %dma_wait3A_35 = arith.constant 0 : i32
        %dma_wait3A_36 = tpu.memref_slice %arg2[%scan3A_13, %dma_wait3A, %dma_wait3A_35] : memref<2x10240x128xf32, #tpu.memory_space<hbm>> -> memref<1x10240x128xf32, #tpu.memory_space<hbm>>
        %dma_wait3A_37 = tpu.memref_squeeze %dma_wait3A_36 : memref<1x10240x128xf32, #tpu.memory_space<hbm>> -> memref<10240x128xf32, #tpu.memory_space<hbm>>
        %dma_wait3A_38 = arith.constant 0 : i32
        %dma_wait3A_39 = arith.constant 0 : i32
        %dma_wait3A_40 = tpu.memref_slice %dma_wait3A_37[%dma_wait3A_38, %dma_wait3A_39] : memref<10240x128xf32, #tpu.memory_space<hbm>> -> memref<10240x128xf32, #tpu.memory_space<hbm>>
        tpu.wait_indirect_dma semaphore(%arg14 : memref<!tpu.dma_semaphore, #tpu.memory_space<semaphore_mem>>) src(%dma_wait3A_40 : memref<10240x128xf32, #tpu.memory_space<hbm>>) dst(%arg10 : memref<128x128xf32, #tpu.memory_space<vmem>>)
        %dma_wait3A_41 = arith.constant 0 : i32
        %dma_wait3A_42 = arith.constant 0 : i32
        %dma_wait3A_43 = tpu.memref_slice %arg3[%dma_wait3A_41, %dma_wait3A_42] : memref<10240x16xf32, #tpu.memory_space<hbm>> -> memref<10240x16xf32, #tpu.memory_space<hbm>>
        tpu.wait_indirect_dma semaphore(%arg15 : memref<!tpu.dma_semaphore, #tpu.memory_space<semaphore_mem>>) src(%dma_wait3A_43 : memref<10240x16xf32, #tpu.memory_space<hbm>>) dst(%arg11 : memref<128x16xf32, #tpu.memory_space<vmem>>)
        %dma_start3A_44 = arith.constant 0 : i32
        %dma_start3A_45 = arith.constant 0 : i32
        %dma_start3A_46 = tpu.memref_slice %arg3[%dma_start3A_44, %dma_start3A_45] : memref<10240x16xf32, #tpu.memory_space<hbm>> -> memref<10240x16xf32, #tpu.memory_space<hbm>>
        tpu.enqueue_indirect_dma source(%dma_start3A_46 : memref<10240x16xf32, #tpu.memory_space<hbm>>) target(%arg12 : memref<128x16xf32, #tpu.memory_space<vmem>>) offsets(%arg9 : memref<128xi32, #tpu.memory_space<vmem>>) semaphore(%arg15 : memref<!tpu.dma_semaphore, #tpu.memory_space<semaphore_mem>>)
        %dma_wait3A_47 = arith.constant 0 : i32
        %dma_wait3A_48 = arith.constant 0 : i32
        %dma_wait3A_49 = tpu.memref_slice %arg3[%dma_wait3A_47, %dma_wait3A_48] : memref<10240x16xf32, #tpu.memory_space<hbm>> -> memref<10240x16xf32, #tpu.memory_space<hbm>>
        tpu.wait_indirect_dma semaphore(%arg15 : memref<!tpu.dma_semaphore, #tpu.memory_space<semaphore_mem>>) src(%dma_wait3A_49 : memref<10240x16xf32, #tpu.memory_space<hbm>>) dst(%arg12 : memref<128x16xf32, #tpu.memory_space<vmem>>)
        %scan3A_50 = arith.constant 0 : i32
        %scan3A_51 = arith.constant 0 : i32
        %scan3A_52 = arith.constant 128 : i32
        %scan3A_53 = arith.addi %scan3A_51, %scan3A_52 : i32
        %scan3A_54 = arith.constant 2 : i32
        scf.for %scan3A_56 = %scan3A_51 to %scan3A_53 step %scan3A_54  : i32 {
          %get3A = arith.index_cast %scan3A_56 : i32 to index
          %get3A_57 = arith.constant 0 : index
          %get3A_58 = tpu.vector_load %arg11[%get3A, %get3A_57] {strides = array<i32>} : memref<128x16xf32, #tpu.memory_space<vmem>>, vector<1x16xf32>,
          %get3A_59 = vector.shape_cast %get3A_58 : vector<1x16xf32> to vector<16xf32>
          %get3A_60 = arith.index_cast %scan3A_56 : i32 to index
          %get3A_61 = arith.constant 0 : index
          %get3A_62 = tpu.vector_load %arg12[%get3A_60, %get3A_61] {strides = array<i32>} : memref<128x16xf32, #tpu.memory_space<vmem>>, vector<1x16xf32>,
          %get3A_63 = vector.shape_cast %get3A_62 : vector<1x16xf32> to vector<16xf32>
          %mul3A_64 = arith.mulf %get3A_59, %get3A_63 : vector<16xf32>
          %get3A_65 = arith.index_cast %scan3A_56 : i32 to index
          %get3A_66 = arith.constant 0 : index
          %get3A_67 = tpu.vector_load %arg10[%get3A_65, %get3A_66] {strides = array<i32>} : memref<128x128xf32, #tpu.memory_space<vmem>>, vector<1x16xf32>,
          %get3A_68 = vector.shape_cast %get3A_67 : vector<1x16xf32> to vector<16xf32>
          %mul3A_69 = arith.mulf %get3A_68, %mul3A_64 : vector<16xf32>
          %swap3A = arith.index_cast %scan3A_56 : i32 to index
          %swap3A_70 = arith.constant 0 : index
          %swap3A_71 = tpu.vector_load %arg10[%swap3A, %swap3A_70] {strides = array<i32>} : memref<128x128xf32, #tpu.memory_space<vmem>>, vector<1x16xf32>,
          %swap3A_72 = vector.shape_cast %swap3A_71 : vector<1x16xf32> to vector<16xf32>
          %swap3A_73 = vector.shape_cast %mul3A_69 : vector<16xf32> to vector<1x16xf32>
          tpu.vector_store %arg10[%swap3A, %swap3A_70], %swap3A_73 {strides = array<i32>} : memref<128x128xf32, #tpu.memory_space<vmem>>, vector<1x16xf32>,
          %get3A_74 = arith.index_cast %scan3A_56 : i32 to index
          %get3A_75 = arith.constant 16 : index
          %get3A_76 = tpu.vector_load %arg10[%get3A_74, %get3A_75] {strides = array<i32>} : memref<128x128xf32, #tpu.memory_space<vmem>>, vector<1x16xf32>,
          %get3A_77 = vector.shape_cast %get3A_76 : vector<1x16xf32> to vector<16xf32>
          %mul3A_78 = arith.mulf %get3A_77, %mul3A_64 : vector<16xf32>
          %swap3A_79 = arith.index_cast %scan3A_56 : i32 to index
          %swap3A_80 = arith.constant 16 : index
          %swap3A_81 = tpu.vector_load %arg10[%swap3A_79, %swap3A_80] {strides = array<i32>} : memref<128x128xf32, #tpu.memory_space<vmem>>, vector<1x16xf32>,
          %swap3A_82 = vector.shape_cast %swap3A_81 : vector<1x16xf32> to vector<16xf32>
          %swap3A_83 = vector.shape_cast %mul3A_78 : vector<16xf32> to vector<1x16xf32>
          tpu.vector_store %arg10[%swap3A_79, %swap3A_80], %swap3A_83 {strides = array<i32>} : memref<128x128xf32, #tpu.memory_space<vmem>>, vector<1x16xf32>,
          %get3A_84 = arith.index_cast %scan3A_56 : i32 to index
          %get3A_85 = arith.constant 32 : index
          %get3A_86 = tpu.vector_load %arg10[%get3A_84, %get3A_85] {strides = array<i32>} : memref<128x128xf32, #tpu.memory_space<vmem>>, vector<1x16xf32>,
          %get3A_87 = vector.shape_cast %get3A_86 : vector<1x16xf32> to vector<16xf32>
          %mul3A_88 = arith.mulf %get3A_87, %mul3A_64 : vector<16xf32>
          %swap3A_89 = arith.index_cast %scan3A_56 : i32 to index
          %swap3A_90 = arith.constant 32 : index
          %swap3A_91 = tpu.vector_load %arg10[%swap3A_89, %swap3A_90] {strides = array<i32>} : memref<128x128xf32, #tpu.memory_space<vmem>>, vector<1x16xf32>,
          %swap3A_92 = vector.shape_cast %swap3A_91 : vector<1x16xf32> to vector<16xf32>
          %swap3A_93 = vector.shape_cast %mul3A_88 : vector<16xf32> to vector<1x16xf32>
          tpu.vector_store %arg10[%swap3A_89, %swap3A_90], %swap3A_93 {strides = array<i32>} : memref<128x128xf32, #tpu.memory_space<vmem>>, vector<1x16xf32>,
          %get3A_94 = arith.index_cast %scan3A_56 : i32 to index
          %get3A_95 = arith.constant 48 : index
          %get3A_96 = tpu.vector_load %arg10[%get3A_94, %get3A_95] {strides = array<i32>} : memref<128x128xf32, #tpu.memory_space<vmem>>, vector<1x16xf32>,
          %get3A_97 = vector.shape_cast %get3A_96 : vector<1x16xf32> to vector<16xf32>
          %mul3A_98 = arith.mulf %get3A_97, %mul3A_64 : vector<16xf32>
          %swap3A_99 = arith.index_cast %scan3A_56 : i32 to index
          %swap3A_100 = arith.constant 48 : index
          %swap3A_101 = tpu.vector_load %arg10[%swap3A_99, %swap3A_100] {strides = array<i32>} : memref<128x128xf32, #tpu.memory_space<vmem>>, vector<1x16xf32>,
          %swap3A_102 = vector.shape_cast %swap3A_101 : vector<1x16xf32> to vector<16xf32>
          %swap3A_103 = vector.shape_cast %mul3A_98 : vector<16xf32> to vector<1x16xf32>
          tpu.vector_store %arg10[%swap3A_99, %swap3A_100], %swap3A_103 {strides = array<i32>} : memref<128x128xf32, #tpu.memory_space<vmem>>, vector<1x16xf32>,
          %get3A_104 = arith.index_cast %scan3A_56 : i32 to index
          %get3A_105 = arith.constant 64 : index
          %get3A_106 = tpu.vector_load %arg10[%get3A_104, %get3A_105] {strides = array<i32>} : memref<128x128xf32, #tpu.memory_space<vmem>>, vector<1x16xf32>,
          %get3A_107 = vector.shape_cast %get3A_106 : vector<1x16xf32> to vector<16xf32>
          %mul3A_108 = arith.mulf %get3A_107, %mul3A_64 : vector<16xf32>
          %swap3A_109 = arith.index_cast %scan3A_56 : i32 to index
          %swap3A_110 = arith.constant 64 : index
          %swap3A_111 = tpu.vector_load %arg10[%swap3A_109, %swap3A_110] {strides = array<i32>} : memref<128x128xf32, #tpu.memory_space<vmem>>, vector<1x16xf32>,
          %swap3A_112 = vector.shape_cast %swap3A_111 : vector<1x16xf32> to vector<16xf32>
          %swap3A_113 = vector.shape_cast %mul3A_108 : vector<16xf32> to vector<1x16xf32>
          tpu.vector_store %arg10[%swap3A_109, %swap3A_110], %swap3A_113 {strides = array<i32>} : memref<128x128xf32, #tpu.memory_space<vmem>>, vector<1x16xf32>,
          %get3A_114 = arith.index_cast %scan3A_56 : i32 to index
          %get3A_115 = arith.constant 80 : index
          %get3A_116 = tpu.vector_load %arg10[%get3A_114, %get3A_115] {strides = array<i32>} : memref<128x128xf32, #tpu.memory_space<vmem>>, vector<1x16xf32>,
          %get3A_117 = vector.shape_cast %get3A_116 : vector<1x16xf32> to vector<16xf32>
          %mul3A_118 = arith.mulf %get3A_117, %mul3A_64 : vector<16xf32>
          %swap3A_119 = arith.index_cast %scan3A_56 : i32 to index
          %swap3A_120 = arith.constant 80 : index
          %swap3A_121 = tpu.vector_load %arg10[%swap3A_119, %swap3A_120] {strides = array<i32>} : memref<128x128xf32, #tpu.memory_space<vmem>>, vector<1x16xf32>,
          %swap3A_122 = vector.shape_cast %swap3A_121 : vector<1x16xf32> to vector<16xf32>
          %swap3A_123 = vector.shape_cast %mul3A_118 : vector<16xf32> to vector<1x16xf32>
          tpu.vector_store %arg10[%swap3A_119, %swap3A_120], %swap3A_123 {strides = array<i32>} : memref<128x128xf32, #tpu.memory_space<vmem>>, vector<1x16xf32>,
          %get3A_124 = arith.index_cast %scan3A_56 : i32 to index
          %get3A_125 = arith.constant 96 : index
          %get3A_126 = tpu.vector_load %arg10[%get3A_124, %get3A_125] {strides = array<i32>} : memref<128x128xf32, #tpu.memory_space<vmem>>, vector<1x16xf32>,
          %get3A_127 = vector.shape_cast %get3A_126 : vector<1x16xf32> to vector<16xf32>
          %mul3A_128 = arith.mulf %get3A_127, %mul3A_64 : vector<16xf32>
          %swap3A_129 = arith.index_cast %scan3A_56 : i32 to index
          %swap3A_130 = arith.constant 96 : index
          %swap3A_131 = tpu.vector_load %arg10[%swap3A_129, %swap3A_130] {strides = array<i32>} : memref<128x128xf32, #tpu.memory_space<vmem>>, vector<1x16xf32>,
          %swap3A_132 = vector.shape_cast %swap3A_131 : vector<1x16xf32> to vector<16xf32>
          %swap3A_133 = vector.shape_cast %mul3A_128 : vector<16xf32> to vector<1x16xf32>
          tpu.vector_store %arg10[%swap3A_129, %swap3A_130], %swap3A_133 {strides = array<i32>} : memref<128x128xf32, #tpu.memory_space<vmem>>, vector<1x16xf32>,
          %get3A_134 = arith.index_cast %scan3A_56 : i32 to index
          %get3A_135 = arith.constant 112 : index
          %get3A_136 = tpu.vector_load %arg10[%get3A_134, %get3A_135] {strides = array<i32>} : memref<128x128xf32, #tpu.memory_space<vmem>>, vector<1x16xf32>,
          %get3A_137 = vector.shape_cast %get3A_136 : vector<1x16xf32> to vector<16xf32>
          %mul3A_138 = arith.mulf %get3A_137, %mul3A_64 : vector<16xf32>
          %swap3A_139 = arith.index_cast %scan3A_56 : i32 to index
          %swap3A_140 = arith.constant 112 : index
          %swap3A_141 = tpu.vector_load %arg10[%swap3A_139, %swap3A_140] {strides = array<i32>} : memref<128x128xf32, #tpu.memory_space<vmem>>, vector<1x16xf32>,
          %swap3A_142 = vector.shape_cast %swap3A_141 : vector<1x16xf32> to vector<16xf32>
          %swap3A_143 = vector.shape_cast %mul3A_138 : vector<16xf32> to vector<1x16xf32>
          tpu.vector_store %arg10[%swap3A_139, %swap3A_140], %swap3A_143 {strides = array<i32>} : memref<128x128xf32, #tpu.memory_space<vmem>>, vector<1x16xf32>,
          %scan3A_144 = arith.constant 1 : i32
          %scan3A_145 = arith.addi %scan3A_56, %scan3A_144 : i32
          %get3A_146 = arith.index_cast %scan3A_145 : i32 to index
          %get3A_147 = arith.constant 0 : index
          %get3A_148 = tpu.vector_load %arg11[%get3A_146, %get3A_147] {strides = array<i32>} : memref<128x16xf32, #tpu.memory_space<vmem>>, vector<1x16xf32>,
          %get3A_149 = vector.shape_cast %get3A_148 : vector<1x16xf32> to vector<16xf32>
          %get3A_150 = arith.index_cast %scan3A_145 : i32 to index
          %get3A_151 = arith.constant 0 : index
          %get3A_152 = tpu.vector_load %arg12[%get3A_150, %get3A_151] {strides = array<i32>} : memref<128x16xf32, #tpu.memory_space<vmem>>, vector<1x16xf32>,
          %get3A_153 = vector.shape_cast %get3A_152 : vector<1x16xf32> to vector<16xf32>
          %mul3A_154 = arith.mulf %get3A_149, %get3A_153 : vector<16xf32>
          %get3A_155 = arith.index_cast %scan3A_145 : i32 to index
          %get3A_156 = arith.constant 0 : index
          %get3A_157 = tpu.vector_load %arg10[%get3A_155, %get3A_156] {strides = array<i32>} : memref<128x128xf32, #tpu.memory_space<vmem>>, vector<1x16xf32>,
          %get3A_158 = vector.shape_cast %get3A_157 : vector<1x16xf32> to vector<16xf32>
          %mul3A_159 = arith.mulf %get3A_158, %mul3A_154 : vector<16xf32>
          %swap3A_160 = arith.index_cast %scan3A_145 : i32 to index
          %swap3A_161 = arith.constant 0 : index
          %swap3A_162 = tpu.vector_load %arg10[%swap3A_160, %swap3A_161] {strides = array<i32>} : memref<128x128xf32, #tpu.memory_space<vmem>>, vector<1x16xf32>,
          %swap3A_163 = vector.shape_cast %swap3A_162 : vector<1x16xf32> to vector<16xf32>
          %swap3A_164 = vector.shape_cast %mul3A_159 : vector<16xf32> to vector<1x16xf32>
          tpu.vector_store %arg10[%swap3A_160, %swap3A_161], %swap3A_164 {strides = array<i32>} : memref<128x128xf32, #tpu.memory_space<vmem>>, vector<1x16xf32>,
          %get3A_165 = arith.index_cast %scan3A_145 : i32 to index
          %get3A_166 = arith.constant 16 : index
          %get3A_167 = tpu.vector_load %arg10[%get3A_165, %get3A_166] {strides = array<i32>} : memref<128x128xf32, #tpu.memory_space<vmem>>, vector<1x16xf32>,
          %get3A_168 = vector.shape_cast %get3A_167 : vector<1x16xf32> to vector<16xf32>
          %mul3A_169 = arith.mulf %get3A_168, %mul3A_154 : vector<16xf32>
          %swap3A_170 = arith.index_cast %scan3A_145 : i32 to index
          %swap3A_171 = arith.constant 16 : index
          %swap3A_172 = tpu.vector_load %arg10[%swap3A_170, %swap3A_171] {strides = array<i32>} : memref<128x128xf32, #tpu.memory_space<vmem>>, vector<1x16xf32>,
          %swap3A_173 = vector.shape_cast %swap3A_172 : vector<1x16xf32> to vector<16xf32>
          %swap3A_174 = vector.shape_cast %mul3A_169 : vector<16xf32> to vector<1x16xf32>
          tpu.vector_store %arg10[%swap3A_170, %swap3A_171], %swap3A_174 {strides = array<i32>} : memref<128x128xf32, #tpu.memory_space<vmem>>, vector<1x16xf32>,
          %get3A_175 = arith.index_cast %scan3A_145 : i32 to index
          %get3A_176 = arith.constant 32 : index
          %get3A_177 = tpu.vector_load %arg10[%get3A_175, %get3A_176] {strides = array<i32>} : memref<128x128xf32, #tpu.memory_space<vmem>>, vector<1x16xf32>,
          %get3A_178 = vector.shape_cast %get3A_177 : vector<1x16xf32> to vector<16xf32>
          %mul3A_179 = arith.mulf %get3A_178, %mul3A_154 : vector<16xf32>
          %swap3A_180 = arith.index_cast %scan3A_145 : i32 to index
          %swap3A_181 = arith.constant 32 : index
          %swap3A_182 = tpu.vector_load %arg10[%swap3A_180, %swap3A_181] {strides = array<i32>} : memref<128x128xf32, #tpu.memory_space<vmem>>, vector<1x16xf32>,
          %swap3A_183 = vector.shape_cast %swap3A_182 : vector<1x16xf32> to vector<16xf32>
          %swap3A_184 = vector.shape_cast %mul3A_179 : vector<16xf32> to vector<1x16xf32>
          tpu.vector_store %arg10[%swap3A_180, %swap3A_181], %swap3A_184 {strides = array<i32>} : memref<128x128xf32, #tpu.memory_space<vmem>>, vector<1x16xf32>,
          %get3A_185 = arith.index_cast %scan3A_145 : i32 to index
          %get3A_186 = arith.constant 48 : index
          %get3A_187 = tpu.vector_load %arg10[%get3A_185, %get3A_186] {strides = array<i32>} : memref<128x128xf32, #tpu.memory_space<vmem>>, vector<1x16xf32>,
          %get3A_188 = vector.shape_cast %get3A_187 : vector<1x16xf32> to vector<16xf32>
          %mul3A_189 = arith.mulf %get3A_188, %mul3A_154 : vector<16xf32>
          %swap3A_190 = arith.index_cast %scan3A_145 : i32 to index
          %swap3A_191 = arith.constant 48 : index
          %swap3A_192 = tpu.vector_load %arg10[%swap3A_190, %swap3A_191] {strides = array<i32>} : memref<128x128xf32, #tpu.memory_space<vmem>>, vector<1x16xf32>,
          %swap3A_193 = vector.shape_cast %swap3A_192 : vector<1x16xf32> to vector<16xf32>
          %swap3A_194 = vector.shape_cast %mul3A_189 : vector<16xf32> to vector<1x16xf32>
          tpu.vector_store %arg10[%swap3A_190, %swap3A_191], %swap3A_194 {strides = array<i32>} : memref<128x128xf32, #tpu.memory_space<vmem>>, vector<1x16xf32>,
          %get3A_195 = arith.index_cast %scan3A_145 : i32 to index
          %get3A_196 = arith.constant 64 : index
          %get3A_197 = tpu.vector_load %arg10[%get3A_195, %get3A_196] {strides = array<i32>} : memref<128x128xf32, #tpu.memory_space<vmem>>, vector<1x16xf32>,
          %get3A_198 = vector.shape_cast %get3A_197 : vector<1x16xf32> to vector<16xf32>
          %mul3A_199 = arith.mulf %get3A_198, %mul3A_154 : vector<16xf32>
          %swap3A_200 = arith.index_cast %scan3A_145 : i32 to index
          %swap3A_201 = arith.constant 64 : index
          %swap3A_202 = tpu.vector_load %arg10[%swap3A_200, %swap3A_201] {strides = array<i32>} : memref<128x128xf32, #tpu.memory_space<vmem>>, vector<1x16xf32>,
          %swap3A_203 = vector.shape_cast %swap3A_202 : vector<1x16xf32> to vector<16xf32>
          %swap3A_204 = vector.shape_cast %mul3A_199 : vector<16xf32> to vector<1x16xf32>
          tpu.vector_store %arg10[%swap3A_200, %swap3A_201], %swap3A_204 {strides = array<i32>} : memref<128x128xf32, #tpu.memory_space<vmem>>, vector<1x16xf32>,
          %get3A_205 = arith.index_cast %scan3A_145 : i32 to index
          %get3A_206 = arith.constant 80 : index
          %get3A_207 = tpu.vector_load %arg10[%get3A_205, %get3A_206] {strides = array<i32>} : memref<128x128xf32, #tpu.memory_space<vmem>>, vector<1x16xf32>,
          %get3A_208 = vector.shape_cast %get3A_207 : vector<1x16xf32> to vector<16xf32>
          %mul3A_209 = arith.mulf %get3A_208, %mul3A_154 : vector<16xf32>
          %swap3A_210 = arith.index_cast %scan3A_145 : i32 to index
          %swap3A_211 = arith.constant 80 : index
          %swap3A_212 = tpu.vector_load %arg10[%swap3A_210, %swap3A_211] {strides = array<i32>} : memref<128x128xf32, #tpu.memory_space<vmem>>, vector<1x16xf32>,
          %swap3A_213 = vector.shape_cast %swap3A_212 : vector<1x16xf32> to vector<16xf32>
          %swap3A_214 = vector.shape_cast %mul3A_209 : vector<16xf32> to vector<1x16xf32>
          tpu.vector_store %arg10[%swap3A_210, %swap3A_211], %swap3A_214 {strides = array<i32>} : memref<128x128xf32, #tpu.memory_space<vmem>>, vector<1x16xf32>,
          %get3A_215 = arith.index_cast %scan3A_145 : i32 to index
          %get3A_216 = arith.constant 96 : index
          %get3A_217 = tpu.vector_load %arg10[%get3A_215, %get3A_216] {strides = array<i32>} : memref<128x128xf32, #tpu.memory_space<vmem>>, vector<1x16xf32>,
          %get3A_218 = vector.shape_cast %get3A_217 : vector<1x16xf32> to vector<16xf32>
          %mul3A_219 = arith.mulf %get3A_218, %mul3A_154 : vector<16xf32>
          %swap3A_220 = arith.index_cast %scan3A_145 : i32 to index
          %swap3A_221 = arith.constant 96 : index
          %swap3A_222 = tpu.vector_load %arg10[%swap3A_220, %swap3A_221] {strides = array<i32>} : memref<128x128xf32, #tpu.memory_space<vmem>>, vector<1x16xf32>,
          %swap3A_223 = vector.shape_cast %swap3A_222 : vector<1x16xf32> to vector<16xf32>
          %swap3A_224 = vector.shape_cast %mul3A_219 : vector<16xf32> to vector<1x16xf32>
          tpu.vector_store %arg10[%swap3A_220, %swap3A_221], %swap3A_224 {strides = array<i32>} : memref<128x128xf32, #tpu.memory_space<vmem>>, vector<1x16xf32>,
          %get3A_225 = arith.index_cast %scan3A_145 : i32 to index
          %get3A_226 = arith.constant 112 : index
          %get3A_227 = tpu.vector_load %arg10[%get3A_225, %get3A_226] {strides = array<i32>} : memref<128x128xf32, #tpu.memory_space<vmem>>, vector<1x16xf32>,
          %get3A_228 = vector.shape_cast %get3A_227 : vector<1x16xf32> to vector<16xf32>
          %mul3A_229 = arith.mulf %get3A_228, %mul3A_154 : vector<16xf32>
          %swap3A_230 = arith.index_cast %scan3A_145 : i32 to index
          %swap3A_231 = arith.constant 112 : index
          %swap3A_232 = tpu.vector_load %arg10[%swap3A_230, %swap3A_231] {strides = array<i32>} : memref<128x128xf32, #tpu.memory_space<vmem>>, vector<1x16xf32>,
          %swap3A_233 = vector.shape_cast %swap3A_232 : vector<1x16xf32> to vector<16xf32>
          %swap3A_234 = vector.shape_cast %mul3A_229 : vector<16xf32> to vector<1x16xf32>
          tpu.vector_store %arg10[%swap3A_230, %swap3A_231], %swap3A_234 {strides = array<i32>} : memref<128x128xf32, #tpu.memory_space<vmem>>, vector<1x16xf32>,
        }
        %scan3A_55 = arith.constant 128 : i32
        "tpu.region"() ({
          %run_scoped3A_56 = tpu.sem_alloc : memref<!tpu.dma_semaphore, #tpu.memory_space<semaphore_mem>>
          %dma_start3A_57 = arith.constant 0 : i32
          %dma_start3A_58 = arith.constant 0 : i32
          %dma_start3A_59 = tpu.memref_slice %arg13[%dma_start3A_57, %dma_start3A_58] : memref<10240x128xf32, #tpu.memory_space<vmem_shared>> -> memref<10240x128xf32, #tpu.memory_space<vmem_shared>>
          tpu.enqueue_indirect_dma source(%arg10 : memref<128x128xf32, #tpu.memory_space<vmem>>) target(%dma_start3A_59 : memref<10240x128xf32, #tpu.memory_space<vmem_shared>>) offsets(%arg9 : memref<128xi32, #tpu.memory_space<vmem>>) semaphore(%run_scoped3A_56 : memref<!tpu.dma_semaphore, #tpu.memory_space<semaphore_mem>>) {add = true}
          %dma_wait3A_60 = arith.constant 0 : i32
          %dma_wait3A_61 = arith.constant 0 : i32
          %dma_wait3A_62 = tpu.memref_slice %arg13[%dma_wait3A_60, %dma_wait3A_61] : memref<10240x128xf32, #tpu.memory_space<vmem_shared>> -> memref<10240x128xf32, #tpu.memory_space<vmem_shared>>
          tpu.wait_indirect_dma semaphore(%run_scoped3A_56 : memref<!tpu.dma_semaphore, #tpu.memory_space<semaphore_mem>>) src(%arg10 : memref<128x128xf32, #tpu.memory_space<vmem>>) dst(%dma_wait3A_62 : memref<10240x128xf32, #tpu.memory_space<vmem_shared>>)
          tpu.yield
        }) : () -> ()
      }
      %scan3A_18 = arith.constant 162 : i32
      %barrier3A_19 = arith.constant 0 : index
      tpu.barrier barrier_id(%barrier3A_19)
      %mul3A_20 = arith.constant 640 : i32
      %mul3A_21 = arith.muli %arg1, %mul3A_20 : i32
      %run_scoped3A = arith.constant 0 : i32
      "tpu.region"() ({
        %run_scoped3A_23 = tpu.sem_alloc : memref<!tpu.dma_semaphore, #tpu.memory_space<semaphore_mem>>
        %dma_start3A = arith.constant 0 : i32
        %dma_start3A_24 = arith.constant 0 : i32
        %dma_start3A_25 = tpu.memref_slice %arg7[%run_scoped3A, %dma_start3A, %dma_start3A_24] : memref<2x10240x128xf32, #tpu.memory_space<hbm>> -> memref<1x10240x128xf32, #tpu.memory_space<hbm>>
        %dma_start3A_26 = tpu.memref_squeeze %dma_start3A_25 : memref<1x10240x128xf32, #tpu.memory_space<hbm>> -> memref<10240x128xf32, #tpu.memory_space<hbm>>
        %dma_start3A_27 = arith.constant 0 : i32
        %dma_start3A_28 = tpu.memref_slice %dma_start3A_26[%mul3A_21, %dma_start3A_27] : memref<10240x128xf32, #tpu.memory_space<hbm>> -> memref<640x128xf32, #tpu.memory_space<hbm>>
        %dma_start3A_29 = arith.constant 0 : i32
        %dma_start3A_30 = tpu.memref_slice %arg13[%mul3A_21, %dma_start3A_29] : memref<10240x128xf32, #tpu.memory_space<vmem_shared>> -> memref<640x128xf32, #tpu.memory_space<vmem_shared>>
        tpu.enqueue_dma source(%dma_start3A_30 : memref<640x128xf32, #tpu.memory_space<vmem_shared>>) target(%dma_start3A_28 : memref<640x128xf32, #tpu.memory_space<hbm>>) target_semaphore(%run_scoped3A_23 : memref<!tpu.dma_semaphore, #tpu.memory_space<semaphore_mem>>)
        %dma_wait3A = arith.constant 0 : i32
        %dma_wait3A_31 = arith.constant 0 : i32
        %dma_wait3A_32 = tpu.memref_slice %arg7[%run_scoped3A, %dma_wait3A, %dma_wait3A_31] : memref<2x10240x128xf32, #tpu.memory_space<hbm>> -> memref<1x10240x128xf32, #tpu.memory_space<hbm>>
        %dma_wait3A_33 = tpu.memref_squeeze %dma_wait3A_32 : memref<1x10240x128xf32, #tpu.memory_space<hbm>> -> memref<10240x128xf32, #tpu.memory_space<hbm>>
        %dma_wait3A_34 = arith.constant 0 : i32
        %dma_wait3A_35 = tpu.memref_slice %dma_wait3A_33[%mul3A_21, %dma_wait3A_34] : memref<10240x128xf32, #tpu.memory_space<hbm>> -> memref<640x128xf32, #tpu.memory_space<hbm>>
        %dma_wait3A_36 = arith.constant 0 : i32
        %dma_wait3A_37 = tpu.memref_slice %arg13[%mul3A_21, %dma_wait3A_36] : memref<10240x128xf32, #tpu.memory_space<vmem_shared>> -> memref<640x128xf32, #tpu.memory_space<vmem_shared>>
        tpu.wait_dma2 semaphore(%run_scoped3A_23 : memref<!tpu.dma_semaphore, #tpu.memory_space<semaphore_mem>>) src(%dma_wait3A_37 : memref<640x128xf32, #tpu.memory_space<vmem_shared>>) dst(%dma_wait3A_35 : memref<640x128xf32, #tpu.memory_space<hbm>>)
        tpu.yield
      }) : () -> ()
      %barrier3A_22 = arith.constant 0 : index
      tpu.barrier barrier_id(%barrier3A_22)
    } else {
    }
    %eq3A_2 = arith.constant 1 : i32
    %eq3A_3 = arith.cmpi eq, %arg0, %eq3A_2 : i32
    %convert_element_type3A_4 = arith.extui %eq3A_3 : i1 to i32
    %cond3A_5 = arith.constant 0 : i32
    %cond3A_6 = arith.cmpi ne, %convert_element_type3A_4, %cond3A_5 : i32
    scf.if %cond3A_6 {
      %mul3A = arith.constant 20736 : i32
      %mul3A_7 = arith.muli %arg1, %mul3A : i32
      %eq3A_8 = arith.constant 0 : i32
      %eq3A_9 = arith.cmpi eq, %arg1, %eq3A_8 : i32
      %convert_element_type3A_10 = arith.extui %eq3A_9 : i1 to i32
      %cond3A_11 = arith.constant 0 : i32
      %cond3A_12 = arith.cmpi ne, %convert_element_type3A_10, %cond3A_11 : i32
      scf.if %cond3A_12 {
        "tpu.region"() ({
          %run_scoped3A_23 = tpu.sem_alloc : memref<!tpu.dma_semaphore, #tpu.memory_space<semaphore_mem>>
          tpu.enqueue_dma source(%arg6 : memref<10240x128xf32, #tpu.memory_space<hbm>>) target(%arg13 : memref<10240x128xf32, #tpu.memory_space<vmem_shared>>) target_semaphore(%run_scoped3A_23 : memref<!tpu.dma_semaphore, #tpu.memory_space<semaphore_mem>>)
          tpu.wait_dma2 semaphore(%run_scoped3A_23 : memref<!tpu.dma_semaphore, #tpu.memory_space<semaphore_mem>>) src(%arg6 : memref<10240x128xf32, #tpu.memory_space<hbm>>) dst(%arg13 : memref<10240x128xf32, #tpu.memory_space<vmem_shared>>)
          tpu.yield
        }) : () -> ()
      } else {
      }
      %barrier3A = arith.constant 0 : index
      tpu.barrier barrier_id(%barrier3A)
      %scan3A = arith.constant 0 : i32
      %scan3A_13 = arith.constant 1 : i32
      %scan3A_14 = arith.constant 0 : i32
      %scan3A_15 = arith.constant 162 : i32
      %scan3A_16 = arith.addi %scan3A_14, %scan3A_15 : i32
      %scan3A_17 = arith.constant 1 : i32
      scf.for %scan3A_23 = %scan3A_14 to %scan3A_16 step %scan3A_17  : i32 {
        %mul3A_24 = arith.constant 128 : i32
        %mul3A_25 = arith.muli %scan3A_23, %mul3A_24 : i32
        %add3A = arith.addi %mul3A_7, %mul3A_25 : i32
        "tpu.region"() ({
          %run_scoped3A_56 = tpu.sem_alloc : memref<!tpu.dma_semaphore, #tpu.memory_space<semaphore_mem>>
          %dma_start3A_57 = tpu.memref_slice %arg4[%add3A] : memref<331776xi32, #tpu.memory_space<hbm>> -> memref<128xi32, #tpu.memory_space<hbm>>
          %dma_start3A_58 = tpu.memref_slice %arg4[%add3A] : memref<331776xi32, #tpu.memory_space<hbm>> -> memref<128xi32, #tpu.memory_space<hbm>>
          tpu.enqueue_dma source(%dma_start3A_58 : memref<128xi32, #tpu.memory_space<hbm>>) target(%arg8 : memref<128xi32, #tpu.memory_space<vmem>>) target_semaphore(%run_scoped3A_56 : memref<!tpu.dma_semaphore, #tpu.memory_space<semaphore_mem>>)
          %dma_wait3A_59 = tpu.memref_slice %arg4[%add3A] : memref<331776xi32, #tpu.memory_space<hbm>> -> memref<128xi32, #tpu.memory_space<hbm>>
          %dma_wait3A_60 = tpu.memref_slice %arg4[%add3A] : memref<331776xi32, #tpu.memory_space<hbm>> -> memref<128xi32, #tpu.memory_space<hbm>>
          tpu.wait_dma2 semaphore(%run_scoped3A_56 : memref<!tpu.dma_semaphore, #tpu.memory_space<semaphore_mem>>) src(%dma_wait3A_60 : memref<128xi32, #tpu.memory_space<hbm>>) dst(%arg8 : memref<128xi32, #tpu.memory_space<vmem>>)
          tpu.yield
        }) : () -> ()
        "tpu.region"() ({
          %run_scoped3A_56 = tpu.sem_alloc : memref<!tpu.dma_semaphore, #tpu.memory_space<semaphore_mem>>
          %dma_start3A_57 = tpu.memref_slice %arg5[%add3A] : memref<331776xi32, #tpu.memory_space<hbm>> -> memref<128xi32, #tpu.memory_space<hbm>>
          %dma_start3A_58 = tpu.memref_slice %arg5[%add3A] : memref<331776xi32, #tpu.memory_space<hbm>> -> memref<128xi32, #tpu.memory_space<hbm>>
          tpu.enqueue_dma source(%dma_start3A_58 : memref<128xi32, #tpu.memory_space<hbm>>) target(%arg9 : memref<128xi32, #tpu.memory_space<vmem>>) target_semaphore(%run_scoped3A_56 : memref<!tpu.dma_semaphore, #tpu.memory_space<semaphore_mem>>)
          %dma_wait3A_59 = tpu.memref_slice %arg5[%add3A] : memref<331776xi32, #tpu.memory_space<hbm>> -> memref<128xi32, #tpu.memory_space<hbm>>
          %dma_wait3A_60 = tpu.memref_slice %arg5[%add3A] : memref<331776xi32, #tpu.memory_space<hbm>> -> memref<128xi32, #tpu.memory_space<hbm>>
          tpu.wait_dma2 semaphore(%run_scoped3A_56 : memref<!tpu.dma_semaphore, #tpu.memory_space<semaphore_mem>>) src(%dma_wait3A_60 : memref<128xi32, #tpu.memory_space<hbm>>) dst(%arg9 : memref<128xi32, #tpu.memory_space<vmem>>)
          tpu.yield
        }) : () -> ()
        %dma_start3A = arith.constant 0 : i32
        %dma_start3A_26 = arith.constant 0 : i32
        %dma_start3A_27 = tpu.memref_slice %arg2[%scan3A_13, %dma_start3A, %dma_start3A_26] : memref<2x10240x128xf32, #tpu.memory_space<hbm>> -> memref<1x10240x128xf32, #tpu.memory_space<hbm>>
        %dma_start3A_28 = tpu.memref_squeeze %dma_start3A_27 : memref<1x10240x128xf32, #tpu.memory_space<hbm>> -> memref<10240x128xf32, #tpu.memory_space<hbm>>
        %dma_start3A_29 = arith.constant 0 : i32
        %dma_start3A_30 = arith.constant 0 : i32
        %dma_start3A_31 = tpu.memref_slice %dma_start3A_28[%dma_start3A_29, %dma_start3A_30] : memref<10240x128xf32, #tpu.memory_space<hbm>> -> memref<10240x128xf32, #tpu.memory_space<hbm>>
        tpu.enqueue_indirect_dma source(%dma_start3A_31 : memref<10240x128xf32, #tpu.memory_space<hbm>>) target(%arg10 : memref<128x128xf32, #tpu.memory_space<vmem>>) offsets(%arg8 : memref<128xi32, #tpu.memory_space<vmem>>) semaphore(%arg14 : memref<!tpu.dma_semaphore, #tpu.memory_space<semaphore_mem>>)
        %dma_start3A_32 = arith.constant 0 : i32
        %dma_start3A_33 = arith.constant 0 : i32
        %dma_start3A_34 = tpu.memref_slice %arg3[%dma_start3A_32, %dma_start3A_33] : memref<10240x16xf32, #tpu.memory_space<hbm>> -> memref<10240x16xf32, #tpu.memory_space<hbm>>
        tpu.enqueue_indirect_dma source(%dma_start3A_34 : memref<10240x16xf32, #tpu.memory_space<hbm>>) target(%arg11 : memref<128x16xf32, #tpu.memory_space<vmem>>) offsets(%arg8 : memref<128xi32, #tpu.memory_space<vmem>>) semaphore(%arg15 : memref<!tpu.dma_semaphore, #tpu.memory_space<semaphore_mem>>)
        %dma_wait3A = arith.constant 0 : i32
        %dma_wait3A_35 = arith.constant 0 : i32
        %dma_wait3A_36 = tpu.memref_slice %arg2[%scan3A_13, %dma_wait3A, %dma_wait3A_35] : memref<2x10240x128xf32, #tpu.memory_space<hbm>> -> memref<1x10240x128xf32, #tpu.memory_space<hbm>>
        %dma_wait3A_37 = tpu.memref_squeeze %dma_wait3A_36 : memref<1x10240x128xf32, #tpu.memory_space<hbm>> -> memref<10240x128xf32, #tpu.memory_space<hbm>>
        %dma_wait3A_38 = arith.constant 0 : i32
        %dma_wait3A_39 = arith.constant 0 : i32
        %dma_wait3A_40 = tpu.memref_slice %dma_wait3A_37[%dma_wait3A_38, %dma_wait3A_39] : memref<10240x128xf32, #tpu.memory_space<hbm>> -> memref<10240x128xf32, #tpu.memory_space<hbm>>
        tpu.wait_indirect_dma semaphore(%arg14 : memref<!tpu.dma_semaphore, #tpu.memory_space<semaphore_mem>>) src(%dma_wait3A_40 : memref<10240x128xf32, #tpu.memory_space<hbm>>) dst(%arg10 : memref<128x128xf32, #tpu.memory_space<vmem>>)
        %dma_wait3A_41 = arith.constant 0 : i32
        %dma_wait3A_42 = arith.constant 0 : i32
        %dma_wait3A_43 = tpu.memref_slice %arg3[%dma_wait3A_41, %dma_wait3A_42] : memref<10240x16xf32, #tpu.memory_space<hbm>> -> memref<10240x16xf32, #tpu.memory_space<hbm>>
        tpu.wait_indirect_dma semaphore(%arg15 : memref<!tpu.dma_semaphore, #tpu.memory_space<semaphore_mem>>) src(%dma_wait3A_43 : memref<10240x16xf32, #tpu.memory_space<hbm>>) dst(%arg11 : memref<128x16xf32, #tpu.memory_space<vmem>>)
        %dma_start3A_44 = arith.constant 0 : i32
        %dma_start3A_45 = arith.constant 0 : i32
        %dma_start3A_46 = tpu.memref_slice %arg3[%dma_start3A_44, %dma_start3A_45] : memref<10240x16xf32, #tpu.memory_space<hbm>> -> memref<10240x16xf32, #tpu.memory_space<hbm>>
        tpu.enqueue_indirect_dma source(%dma_start3A_46 : memref<10240x16xf32, #tpu.memory_space<hbm>>) target(%arg12 : memref<128x16xf32, #tpu.memory_space<vmem>>) offsets(%arg9 : memref<128xi32, #tpu.memory_space<vmem>>) semaphore(%arg15 : memref<!tpu.dma_semaphore, #tpu.memory_space<semaphore_mem>>)
        %dma_wait3A_47 = arith.constant 0 : i32
        %dma_wait3A_48 = arith.constant 0 : i32
        %dma_wait3A_49 = tpu.memref_slice %arg3[%dma_wait3A_47, %dma_wait3A_48] : memref<10240x16xf32, #tpu.memory_space<hbm>> -> memref<10240x16xf32, #tpu.memory_space<hbm>>
        tpu.wait_indirect_dma semaphore(%arg15 : memref<!tpu.dma_semaphore, #tpu.memory_space<semaphore_mem>>) src(%dma_wait3A_49 : memref<10240x16xf32, #tpu.memory_space<hbm>>) dst(%arg12 : memref<128x16xf32, #tpu.memory_space<vmem>>)
        %scan3A_50 = arith.constant 0 : i32
        %scan3A_51 = arith.constant 0 : i32
        %scan3A_52 = arith.constant 128 : i32
        %scan3A_53 = arith.addi %scan3A_51, %scan3A_52 : i32
        %scan3A_54 = arith.constant 2 : i32
        scf.for %scan3A_56 = %scan3A_51 to %scan3A_53 step %scan3A_54  : i32 {
          %get3A = arith.index_cast %scan3A_56 : i32 to index
          %get3A_57 = arith.constant 0 : index
          %get3A_58 = tpu.vector_load %arg11[%get3A, %get3A_57] {strides = array<i32>} : memref<128x16xf32, #tpu.memory_space<vmem>>, vector<1x16xf32>,
          %get3A_59 = vector.shape_cast %get3A_58 : vector<1x16xf32> to vector<16xf32>
          %get3A_60 = arith.index_cast %scan3A_56 : i32 to index
          %get3A_61 = arith.constant 0 : index
          %get3A_62 = tpu.vector_load %arg12[%get3A_60, %get3A_61] {strides = array<i32>} : memref<128x16xf32, #tpu.memory_space<vmem>>, vector<1x16xf32>,
          %get3A_63 = vector.shape_cast %get3A_62 : vector<1x16xf32> to vector<16xf32>
          %mul3A_64 = arith.mulf %get3A_59, %get3A_63 : vector<16xf32>
          %get3A_65 = arith.index_cast %scan3A_56 : i32 to index
          %get3A_66 = arith.constant 0 : index
          %get3A_67 = tpu.vector_load %arg10[%get3A_65, %get3A_66] {strides = array<i32>} : memref<128x128xf32, #tpu.memory_space<vmem>>, vector<1x16xf32>,
          %get3A_68 = vector.shape_cast %get3A_67 : vector<1x16xf32> to vector<16xf32>
          %mul3A_69 = arith.mulf %get3A_68, %mul3A_64 : vector<16xf32>
          %swap3A = arith.index_cast %scan3A_56 : i32 to index
          %swap3A_70 = arith.constant 0 : index
          %swap3A_71 = tpu.vector_load %arg10[%swap3A, %swap3A_70] {strides = array<i32>} : memref<128x128xf32, #tpu.memory_space<vmem>>, vector<1x16xf32>,
          %swap3A_72 = vector.shape_cast %swap3A_71 : vector<1x16xf32> to vector<16xf32>
          %swap3A_73 = vector.shape_cast %mul3A_69 : vector<16xf32> to vector<1x16xf32>
          tpu.vector_store %arg10[%swap3A, %swap3A_70], %swap3A_73 {strides = array<i32>} : memref<128x128xf32, #tpu.memory_space<vmem>>, vector<1x16xf32>,
          %get3A_74 = arith.index_cast %scan3A_56 : i32 to index
          %get3A_75 = arith.constant 16 : index
          %get3A_76 = tpu.vector_load %arg10[%get3A_74, %get3A_75] {strides = array<i32>} : memref<128x128xf32, #tpu.memory_space<vmem>>, vector<1x16xf32>,
          %get3A_77 = vector.shape_cast %get3A_76 : vector<1x16xf32> to vector<16xf32>
          %mul3A_78 = arith.mulf %get3A_77, %mul3A_64 : vector<16xf32>
          %swap3A_79 = arith.index_cast %scan3A_56 : i32 to index
          %swap3A_80 = arith.constant 16 : index
          %swap3A_81 = tpu.vector_load %arg10[%swap3A_79, %swap3A_80] {strides = array<i32>} : memref<128x128xf32, #tpu.memory_space<vmem>>, vector<1x16xf32>,
          %swap3A_82 = vector.shape_cast %swap3A_81 : vector<1x16xf32> to vector<16xf32>
          %swap3A_83 = vector.shape_cast %mul3A_78 : vector<16xf32> to vector<1x16xf32>
          tpu.vector_store %arg10[%swap3A_79, %swap3A_80], %swap3A_83 {strides = array<i32>} : memref<128x128xf32, #tpu.memory_space<vmem>>, vector<1x16xf32>,
          %get3A_84 = arith.index_cast %scan3A_56 : i32 to index
          %get3A_85 = arith.constant 32 : index
          %get3A_86 = tpu.vector_load %arg10[%get3A_84, %get3A_85] {strides = array<i32>} : memref<128x128xf32, #tpu.memory_space<vmem>>, vector<1x16xf32>,
          %get3A_87 = vector.shape_cast %get3A_86 : vector<1x16xf32> to vector<16xf32>
          %mul3A_88 = arith.mulf %get3A_87, %mul3A_64 : vector<16xf32>
          %swap3A_89 = arith.index_cast %scan3A_56 : i32 to index
          %swap3A_90 = arith.constant 32 : index
          %swap3A_91 = tpu.vector_load %arg10[%swap3A_89, %swap3A_90] {strides = array<i32>} : memref<128x128xf32, #tpu.memory_space<vmem>>, vector<1x16xf32>,
          %swap3A_92 = vector.shape_cast %swap3A_91 : vector<1x16xf32> to vector<16xf32>
          %swap3A_93 = vector.shape_cast %mul3A_88 : vector<16xf32> to vector<1x16xf32>
          tpu.vector_store %arg10[%swap3A_89, %swap3A_90], %swap3A_93 {strides = array<i32>} : memref<128x128xf32, #tpu.memory_space<vmem>>, vector<1x16xf32>,
          %get3A_94 = arith.index_cast %scan3A_56 : i32 to index
          %get3A_95 = arith.constant 48 : index
          %get3A_96 = tpu.vector_load %arg10[%get3A_94, %get3A_95] {strides = array<i32>} : memref<128x128xf32, #tpu.memory_space<vmem>>, vector<1x16xf32>,
          %get3A_97 = vector.shape_cast %get3A_96 : vector<1x16xf32> to vector<16xf32>
          %mul3A_98 = arith.mulf %get3A_97, %mul3A_64 : vector<16xf32>
          %swap3A_99 = arith.index_cast %scan3A_56 : i32 to index
          %swap3A_100 = arith.constant 48 : index
          %swap3A_101 = tpu.vector_load %arg10[%swap3A_99, %swap3A_100] {strides = array<i32>} : memref<128x128xf32, #tpu.memory_space<vmem>>, vector<1x16xf32>,
          %swap3A_102 = vector.shape_cast %swap3A_101 : vector<1x16xf32> to vector<16xf32>
          %swap3A_103 = vector.shape_cast %mul3A_98 : vector<16xf32> to vector<1x16xf32>
          tpu.vector_store %arg10[%swap3A_99, %swap3A_100], %swap3A_103 {strides = array<i32>} : memref<128x128xf32, #tpu.memory_space<vmem>>, vector<1x16xf32>,
          %get3A_104 = arith.index_cast %scan3A_56 : i32 to index
          %get3A_105 = arith.constant 64 : index
          %get3A_106 = tpu.vector_load %arg10[%get3A_104, %get3A_105] {strides = array<i32>} : memref<128x128xf32, #tpu.memory_space<vmem>>, vector<1x16xf32>,
          %get3A_107 = vector.shape_cast %get3A_106 : vector<1x16xf32> to vector<16xf32>
          %mul3A_108 = arith.mulf %get3A_107, %mul3A_64 : vector<16xf32>
          %swap3A_109 = arith.index_cast %scan3A_56 : i32 to index
          %swap3A_110 = arith.constant 64 : index
          %swap3A_111 = tpu.vector_load %arg10[%swap3A_109, %swap3A_110] {strides = array<i32>} : memref<128x128xf32, #tpu.memory_space<vmem>>, vector<1x16xf32>,
          %swap3A_112 = vector.shape_cast %swap3A_111 : vector<1x16xf32> to vector<16xf32>
          %swap3A_113 = vector.shape_cast %mul3A_108 : vector<16xf32> to vector<1x16xf32>
          tpu.vector_store %arg10[%swap3A_109, %swap3A_110], %swap3A_113 {strides = array<i32>} : memref<128x128xf32, #tpu.memory_space<vmem>>, vector<1x16xf32>,
          %get3A_114 = arith.index_cast %scan3A_56 : i32 to index
          %get3A_115 = arith.constant 80 : index
          %get3A_116 = tpu.vector_load %arg10[%get3A_114, %get3A_115] {strides = array<i32>} : memref<128x128xf32, #tpu.memory_space<vmem>>, vector<1x16xf32>,
          %get3A_117 = vector.shape_cast %get3A_116 : vector<1x16xf32> to vector<16xf32>
          %mul3A_118 = arith.mulf %get3A_117, %mul3A_64 : vector<16xf32>
          %swap3A_119 = arith.index_cast %scan3A_56 : i32 to index
          %swap3A_120 = arith.constant 80 : index
          %swap3A_121 = tpu.vector_load %arg10[%swap3A_119, %swap3A_120] {strides = array<i32>} : memref<128x128xf32, #tpu.memory_space<vmem>>, vector<1x16xf32>,
          %swap3A_122 = vector.shape_cast %swap3A_121 : vector<1x16xf32> to vector<16xf32>
          %swap3A_123 = vector.shape_cast %mul3A_118 : vector<16xf32> to vector<1x16xf32>
          tpu.vector_store %arg10[%swap3A_119, %swap3A_120], %swap3A_123 {strides = array<i32>} : memref<128x128xf32, #tpu.memory_space<vmem>>, vector<1x16xf32>,
          %get3A_124 = arith.index_cast %scan3A_56 : i32 to index
          %get3A_125 = arith.constant 96 : index
          %get3A_126 = tpu.vector_load %arg10[%get3A_124, %get3A_125] {strides = array<i32>} : memref<128x128xf32, #tpu.memory_space<vmem>>, vector<1x16xf32>,
          %get3A_127 = vector.shape_cast %get3A_126 : vector<1x16xf32> to vector<16xf32>
          %mul3A_128 = arith.mulf %get3A_127, %mul3A_64 : vector<16xf32>
          %swap3A_129 = arith.index_cast %scan3A_56 : i32 to index
          %swap3A_130 = arith.constant 96 : index
          %swap3A_131 = tpu.vector_load %arg10[%swap3A_129, %swap3A_130] {strides = array<i32>} : memref<128x128xf32, #tpu.memory_space<vmem>>, vector<1x16xf32>,
          %swap3A_132 = vector.shape_cast %swap3A_131 : vector<1x16xf32> to vector<16xf32>
          %swap3A_133 = vector.shape_cast %mul3A_128 : vector<16xf32> to vector<1x16xf32>
          tpu.vector_store %arg10[%swap3A_129, %swap3A_130], %swap3A_133 {strides = array<i32>} : memref<128x128xf32, #tpu.memory_space<vmem>>, vector<1x16xf32>,
          %get3A_134 = arith.index_cast %scan3A_56 : i32 to index
          %get3A_135 = arith.constant 112 : index
          %get3A_136 = tpu.vector_load %arg10[%get3A_134, %get3A_135] {strides = array<i32>} : memref<128x128xf32, #tpu.memory_space<vmem>>, vector<1x16xf32>,
          %get3A_137 = vector.shape_cast %get3A_136 : vector<1x16xf32> to vector<16xf32>
          %mul3A_138 = arith.mulf %get3A_137, %mul3A_64 : vector<16xf32>
          %swap3A_139 = arith.index_cast %scan3A_56 : i32 to index
          %swap3A_140 = arith.constant 112 : index
          %swap3A_141 = tpu.vector_load %arg10[%swap3A_139, %swap3A_140] {strides = array<i32>} : memref<128x128xf32, #tpu.memory_space<vmem>>, vector<1x16xf32>,
          %swap3A_142 = vector.shape_cast %swap3A_141 : vector<1x16xf32> to vector<16xf32>
          %swap3A_143 = vector.shape_cast %mul3A_138 : vector<16xf32> to vector<1x16xf32>
          tpu.vector_store %arg10[%swap3A_139, %swap3A_140], %swap3A_143 {strides = array<i32>} : memref<128x128xf32, #tpu.memory_space<vmem>>, vector<1x16xf32>,
          %scan3A_144 = arith.constant 1 : i32
          %scan3A_145 = arith.addi %scan3A_56, %scan3A_144 : i32
          %get3A_146 = arith.index_cast %scan3A_145 : i32 to index
          %get3A_147 = arith.constant 0 : index
          %get3A_148 = tpu.vector_load %arg11[%get3A_146, %get3A_147] {strides = array<i32>} : memref<128x16xf32, #tpu.memory_space<vmem>>, vector<1x16xf32>,
          %get3A_149 = vector.shape_cast %get3A_148 : vector<1x16xf32> to vector<16xf32>
          %get3A_150 = arith.index_cast %scan3A_145 : i32 to index
          %get3A_151 = arith.constant 0 : index
          %get3A_152 = tpu.vector_load %arg12[%get3A_150, %get3A_151] {strides = array<i32>} : memref<128x16xf32, #tpu.memory_space<vmem>>, vector<1x16xf32>,
          %get3A_153 = vector.shape_cast %get3A_152 : vector<1x16xf32> to vector<16xf32>
          %mul3A_154 = arith.mulf %get3A_149, %get3A_153 : vector<16xf32>
          %get3A_155 = arith.index_cast %scan3A_145 : i32 to index
          %get3A_156 = arith.constant 0 : index
          %get3A_157 = tpu.vector_load %arg10[%get3A_155, %get3A_156] {strides = array<i32>} : memref<128x128xf32, #tpu.memory_space<vmem>>, vector<1x16xf32>,
          %get3A_158 = vector.shape_cast %get3A_157 : vector<1x16xf32> to vector<16xf32>
          %mul3A_159 = arith.mulf %get3A_158, %mul3A_154 : vector<16xf32>
          %swap3A_160 = arith.index_cast %scan3A_145 : i32 to index
          %swap3A_161 = arith.constant 0 : index
          %swap3A_162 = tpu.vector_load %arg10[%swap3A_160, %swap3A_161] {strides = array<i32>} : memref<128x128xf32, #tpu.memory_space<vmem>>, vector<1x16xf32>,
          %swap3A_163 = vector.shape_cast %swap3A_162 : vector<1x16xf32> to vector<16xf32>
          %swap3A_164 = vector.shape_cast %mul3A_159 : vector<16xf32> to vector<1x16xf32>
          tpu.vector_store %arg10[%swap3A_160, %swap3A_161], %swap3A_164 {strides = array<i32>} : memref<128x128xf32, #tpu.memory_space<vmem>>, vector<1x16xf32>,
          %get3A_165 = arith.index_cast %scan3A_145 : i32 to index
          %get3A_166 = arith.constant 16 : index
          %get3A_167 = tpu.vector_load %arg10[%get3A_165, %get3A_166] {strides = array<i32>} : memref<128x128xf32, #tpu.memory_space<vmem>>, vector<1x16xf32>,
          %get3A_168 = vector.shape_cast %get3A_167 : vector<1x16xf32> to vector<16xf32>
          %mul3A_169 = arith.mulf %get3A_168, %mul3A_154 : vector<16xf32>
          %swap3A_170 = arith.index_cast %scan3A_145 : i32 to index
          %swap3A_171 = arith.constant 16 : index
          %swap3A_172 = tpu.vector_load %arg10[%swap3A_170, %swap3A_171] {strides = array<i32>} : memref<128x128xf32, #tpu.memory_space<vmem>>, vector<1x16xf32>,
          %swap3A_173 = vector.shape_cast %swap3A_172 : vector<1x16xf32> to vector<16xf32>
          %swap3A_174 = vector.shape_cast %mul3A_169 : vector<16xf32> to vector<1x16xf32>
          tpu.vector_store %arg10[%swap3A_170, %swap3A_171], %swap3A_174 {strides = array<i32>} : memref<128x128xf32, #tpu.memory_space<vmem>>, vector<1x16xf32>,
          %get3A_175 = arith.index_cast %scan3A_145 : i32 to index
          %get3A_176 = arith.constant 32 : index
          %get3A_177 = tpu.vector_load %arg10[%get3A_175, %get3A_176] {strides = array<i32>} : memref<128x128xf32, #tpu.memory_space<vmem>>, vector<1x16xf32>,
          %get3A_178 = vector.shape_cast %get3A_177 : vector<1x16xf32> to vector<16xf32>
          %mul3A_179 = arith.mulf %get3A_178, %mul3A_154 : vector<16xf32>
          %swap3A_180 = arith.index_cast %scan3A_145 : i32 to index
          %swap3A_181 = arith.constant 32 : index
          %swap3A_182 = tpu.vector_load %arg10[%swap3A_180, %swap3A_181] {strides = array<i32>} : memref<128x128xf32, #tpu.memory_space<vmem>>, vector<1x16xf32>,
          %swap3A_183 = vector.shape_cast %swap3A_182 : vector<1x16xf32> to vector<16xf32>
          %swap3A_184 = vector.shape_cast %mul3A_179 : vector<16xf32> to vector<1x16xf32>
          tpu.vector_store %arg10[%swap3A_180, %swap3A_181], %swap3A_184 {strides = array<i32>} : memref<128x128xf32, #tpu.memory_space<vmem>>, vector<1x16xf32>,
          %get3A_185 = arith.index_cast %scan3A_145 : i32 to index
          %get3A_186 = arith.constant 48 : index
          %get3A_187 = tpu.vector_load %arg10[%get3A_185, %get3A_186] {strides = array<i32>} : memref<128x128xf32, #tpu.memory_space<vmem>>, vector<1x16xf32>,
          %get3A_188 = vector.shape_cast %get3A_187 : vector<1x16xf32> to vector<16xf32>
          %mul3A_189 = arith.mulf %get3A_188, %mul3A_154 : vector<16xf32>
          %swap3A_190 = arith.index_cast %scan3A_145 : i32 to index
          %swap3A_191 = arith.constant 48 : index
          %swap3A_192 = tpu.vector_load %arg10[%swap3A_190, %swap3A_191] {strides = array<i32>} : memref<128x128xf32, #tpu.memory_space<vmem>>, vector<1x16xf32>,
          %swap3A_193 = vector.shape_cast %swap3A_192 : vector<1x16xf32> to vector<16xf32>
          %swap3A_194 = vector.shape_cast %mul3A_189 : vector<16xf32> to vector<1x16xf32>
          tpu.vector_store %arg10[%swap3A_190, %swap3A_191], %swap3A_194 {strides = array<i32>} : memref<128x128xf32, #tpu.memory_space<vmem>>, vector<1x16xf32>,
          %get3A_195 = arith.index_cast %scan3A_145 : i32 to index
          %get3A_196 = arith.constant 64 : index
          %get3A_197 = tpu.vector_load %arg10[%get3A_195, %get3A_196] {strides = array<i32>} : memref<128x128xf32, #tpu.memory_space<vmem>>, vector<1x16xf32>,
          %get3A_198 = vector.shape_cast %get3A_197 : vector<1x16xf32> to vector<16xf32>
          %mul3A_199 = arith.mulf %get3A_198, %mul3A_154 : vector<16xf32>
          %swap3A_200 = arith.index_cast %scan3A_145 : i32 to index
          %swap3A_201 = arith.constant 64 : index
          %swap3A_202 = tpu.vector_load %arg10[%swap3A_200, %swap3A_201] {strides = array<i32>} : memref<128x128xf32, #tpu.memory_space<vmem>>, vector<1x16xf32>,
          %swap3A_203 = vector.shape_cast %swap3A_202 : vector<1x16xf32> to vector<16xf32>
          %swap3A_204 = vector.shape_cast %mul3A_199 : vector<16xf32> to vector<1x16xf32>
          tpu.vector_store %arg10[%swap3A_200, %swap3A_201], %swap3A_204 {strides = array<i32>} : memref<128x128xf32, #tpu.memory_space<vmem>>, vector<1x16xf32>,
          %get3A_205 = arith.index_cast %scan3A_145 : i32 to index
          %get3A_206 = arith.constant 80 : index
          %get3A_207 = tpu.vector_load %arg10[%get3A_205, %get3A_206] {strides = array<i32>} : memref<128x128xf32, #tpu.memory_space<vmem>>, vector<1x16xf32>,
          %get3A_208 = vector.shape_cast %get3A_207 : vector<1x16xf32> to vector<16xf32>
          %mul3A_209 = arith.mulf %get3A_208, %mul3A_154 : vector<16xf32>
          %swap3A_210 = arith.index_cast %scan3A_145 : i32 to index
          %swap3A_211 = arith.constant 80 : index
          %swap3A_212 = tpu.vector_load %arg10[%swap3A_210, %swap3A_211] {strides = array<i32>} : memref<128x128xf32, #tpu.memory_space<vmem>>, vector<1x16xf32>,
          %swap3A_213 = vector.shape_cast %swap3A_212 : vector<1x16xf32> to vector<16xf32>
          %swap3A_214 = vector.shape_cast %mul3A_209 : vector<16xf32> to vector<1x16xf32>
          tpu.vector_store %arg10[%swap3A_210, %swap3A_211], %swap3A_214 {strides = array<i32>} : memref<128x128xf32, #tpu.memory_space<vmem>>, vector<1x16xf32>,
          %get3A_215 = arith.index_cast %scan3A_145 : i32 to index
          %get3A_216 = arith.constant 96 : index
          %get3A_217 = tpu.vector_load %arg10[%get3A_215, %get3A_216] {strides = array<i32>} : memref<128x128xf32, #tpu.memory_space<vmem>>, vector<1x16xf32>,
          %get3A_218 = vector.shape_cast %get3A_217 : vector<1x16xf32> to vector<16xf32>
          %mul3A_219 = arith.mulf %get3A_218, %mul3A_154 : vector<16xf32>
          %swap3A_220 = arith.index_cast %scan3A_145 : i32 to index
          %swap3A_221 = arith.constant 96 : index
          %swap3A_222 = tpu.vector_load %arg10[%swap3A_220, %swap3A_221] {strides = array<i32>} : memref<128x128xf32, #tpu.memory_space<vmem>>, vector<1x16xf32>,
          %swap3A_223 = vector.shape_cast %swap3A_222 : vector<1x16xf32> to vector<16xf32>
          %swap3A_224 = vector.shape_cast %mul3A_219 : vector<16xf32> to vector<1x16xf32>
          tpu.vector_store %arg10[%swap3A_220, %swap3A_221], %swap3A_224 {strides = array<i32>} : memref<128x128xf32, #tpu.memory_space<vmem>>, vector<1x16xf32>,
          %get3A_225 = arith.index_cast %scan3A_145 : i32 to index
          %get3A_226 = arith.constant 112 : index
          %get3A_227 = tpu.vector_load %arg10[%get3A_225, %get3A_226] {strides = array<i32>} : memref<128x128xf32, #tpu.memory_space<vmem>>, vector<1x16xf32>,
          %get3A_228 = vector.shape_cast %get3A_227 : vector<1x16xf32> to vector<16xf32>
          %mul3A_229 = arith.mulf %get3A_228, %mul3A_154 : vector<16xf32>
          %swap3A_230 = arith.index_cast %scan3A_145 : i32 to index
          %swap3A_231 = arith.constant 112 : index
          %swap3A_232 = tpu.vector_load %arg10[%swap3A_230, %swap3A_231] {strides = array<i32>} : memref<128x128xf32, #tpu.memory_space<vmem>>, vector<1x16xf32>,
          %swap3A_233 = vector.shape_cast %swap3A_232 : vector<1x16xf32> to vector<16xf32>
          %swap3A_234 = vector.shape_cast %mul3A_229 : vector<16xf32> to vector<1x16xf32>
          tpu.vector_store %arg10[%swap3A_230, %swap3A_231], %swap3A_234 {strides = array<i32>} : memref<128x128xf32, #tpu.memory_space<vmem>>, vector<1x16xf32>,
        }
        %scan3A_55 = arith.constant 128 : i32
        "tpu.region"() ({
          %run_scoped3A_56 = tpu.sem_alloc : memref<!tpu.dma_semaphore, #tpu.memory_space<semaphore_mem>>
          %dma_start3A_57 = arith.constant 0 : i32
          %dma_start3A_58 = arith.constant 0 : i32
          %dma_start3A_59 = tpu.memref_slice %arg13[%dma_start3A_57, %dma_start3A_58] : memref<10240x128xf32, #tpu.memory_space<vmem_shared>> -> memref<10240x128xf32, #tpu.memory_space<vmem_shared>>
          tpu.enqueue_indirect_dma source(%arg10 : memref<128x128xf32, #tpu.memory_space<vmem>>) target(%dma_start3A_59 : memref<10240x128xf32, #tpu.memory_space<vmem_shared>>) offsets(%arg9 : memref<128xi32, #tpu.memory_space<vmem>>) semaphore(%run_scoped3A_56 : memref<!tpu.dma_semaphore, #tpu.memory_space<semaphore_mem>>) {add = true}
          %dma_wait3A_60 = arith.constant 0 : i32
          %dma_wait3A_61 = arith.constant 0 : i32
          %dma_wait3A_62 = tpu.memref_slice %arg13[%dma_wait3A_60, %dma_wait3A_61] : memref<10240x128xf32, #tpu.memory_space<vmem_shared>> -> memref<10240x128xf32, #tpu.memory_space<vmem_shared>>
          tpu.wait_indirect_dma semaphore(%run_scoped3A_56 : memref<!tpu.dma_semaphore, #tpu.memory_space<semaphore_mem>>) src(%arg10 : memref<128x128xf32, #tpu.memory_space<vmem>>) dst(%dma_wait3A_62 : memref<10240x128xf32, #tpu.memory_space<vmem_shared>>)
          tpu.yield
        }) : () -> ()
      }
      %scan3A_18 = arith.constant 162 : i32
      %barrier3A_19 = arith.constant 0 : index
      tpu.barrier barrier_id(%barrier3A_19)
      %mul3A_20 = arith.constant 640 : i32
      %mul3A_21 = arith.muli %arg1, %mul3A_20 : i32
      %run_scoped3A = arith.constant 1 : i32
      "tpu.region"() ({
        %run_scoped3A_23 = tpu.sem_alloc : memref<!tpu.dma_semaphore, #tpu.memory_space<semaphore_mem>>
        %dma_start3A = arith.constant 0 : i32
        %dma_start3A_24 = arith.constant 0 : i32
        %dma_start3A_25 = tpu.memref_slice %arg7[%run_scoped3A, %dma_start3A, %dma_start3A_24] : memref<2x10240x128xf32, #tpu.memory_space<hbm>> -> memref<1x10240x128xf32, #tpu.memory_space<hbm>>
        %dma_start3A_26 = tpu.memref_squeeze %dma_start3A_25 : memref<1x10240x128xf32, #tpu.memory_space<hbm>> -> memref<10240x128xf32, #tpu.memory_space<hbm>>
        %dma_start3A_27 = arith.constant 0 : i32
        %dma_start3A_28 = tpu.memref_slice %dma_start3A_26[%mul3A_21, %dma_start3A_27] : memref<10240x128xf32, #tpu.memory_space<hbm>> -> memref<640x128xf32, #tpu.memory_space<hbm>>
        %dma_start3A_29 = arith.constant 0 : i32
        %dma_start3A_30 = tpu.memref_slice %arg13[%mul3A_21, %dma_start3A_29] : memref<10240x128xf32, #tpu.memory_space<vmem_shared>> -> memref<640x128xf32, #tpu.memory_space<vmem_shared>>
        tpu.enqueue_dma source(%dma_start3A_30 : memref<640x128xf32, #tpu.memory_space<vmem_shared>>) target(%dma_start3A_28 : memref<640x128xf32, #tpu.memory_space<hbm>>) target_semaphore(%run_scoped3A_23 : memref<!tpu.dma_semaphore, #tpu.memory_space<semaphore_mem>>)
        %dma_wait3A = arith.constant 0 : i32
        %dma_wait3A_31 = arith.constant 0 : i32
        %dma_wait3A_32 = tpu.memref_slice %arg7[%run_scoped3A, %dma_wait3A, %dma_wait3A_31] : memref<2x10240x128xf32, #tpu.memory_space<hbm>> -> memref<1x10240x128xf32, #tpu.memory_space<hbm>>
        %dma_wait3A_33 = tpu.memref_squeeze %dma_wait3A_32 : memref<1x10240x128xf32, #tpu.memory_space<hbm>> -> memref<10240x128xf32, #tpu.memory_space<hbm>>
        %dma_wait3A_34 = arith.constant 0 : i32
        %dma_wait3A_35 = tpu.memref_slice %dma_wait3A_33[%mul3A_21, %dma_wait3A_34] : memref<10240x128xf32, #tpu.memory_space<hbm>> -> memref<640x128xf32, #tpu.memory_space<hbm>>
        %dma_wait3A_36 = arith.constant 0 : i32
        %dma_wait3A_37 = tpu.memref_slice %arg13[%mul3A_21, %dma_wait3A_36] : memref<10240x128xf32, #tpu.memory_space<vmem_shared>> -> memref<640x128xf32, #tpu.memory_space<vmem_shared>>
        tpu.wait_dma2 semaphore(%run_scoped3A_23 : memref<!tpu.dma_semaphore, #tpu.memory_space<semaphore_mem>>) src(%dma_wait3A_37 : memref<640x128xf32, #tpu.memory_space<vmem_shared>>) dst(%dma_wait3A_35 : memref<640x128xf32, #tpu.memory_space<hbm>>)
        tpu.yield
      }) : () -> ()
      %barrier3A_22 = arith.constant 0 : index
      tpu.barrier barrier_id(%barrier3A_22)
    } else {
    }
    return
  }
}

module attributes {stable_mosaic.version = 14 : i64} {
  func.func @_tc1_body(%arg0: i32, %arg1: memref<1280x128xf32, #tpu.memory_space<vmem>>, %arg2: memref<128x512xf32, #tpu.memory_space<vmem>>, %arg3: memref<512x32xf32, #tpu.memory_space<vmem>>, %arg4: memref<4x1280x128xf32, #tpu.memory_space<vmem>>, %arg5: memref<1280x16xf32, #tpu.memory_space<vmem>>, %arg6: memref<1280x16xf32, #tpu.memory_space<vmem>>) attributes {dimension_semantics = [#tpu.dimension_semantics<arbitrary>], iteration_bounds = array<i64: 8>, scalar_prefetch = 0 : i64, scratch_operands = 0 : i64, tpu.core_type = #tpu.core_type<tc>, window_params = [{transform_indices = @transform_0, window_bounds = array<i64: 1280, 128>}, {pipeline_mode = #tpu.pipeline_mode<synchronous>, transform_indices = @transform_1, window_bounds = array<i64: 128, 512>}, {pipeline_mode = #tpu.pipeline_mode<synchronous>, transform_indices = @transform_2, window_bounds = array<i64: 512, 32>}, {transform_indices = @transform_3, window_bounds = array<i64: 4, 1280, 128>}, {transform_indices = @transform_4, window_bounds = array<i64: 1280, 16>}, {transform_indices = @transform_5, window_bounds = array<i64: 1280, 16>}]} {
    %get3A = arith.constant 0 : index
    %get3A_0 = arith.constant 0 : index
    %get3A_1 = vector.load %arg1[%get3A, %get3A_0] : memref<1280x128xf32, #tpu.memory_space<vmem>>, vector<1280x128xf32>
    %get3A_2 = arith.constant 0 : index
    %get3A_3 = arith.constant 0 : index
    %get3A_4 = vector.load %arg2[%get3A_2, %get3A_3] : memref<128x512xf32, #tpu.memory_space<vmem>>, vector<128x512xf32>
    %dot_general3A = arith.constant dense<0.000000e+00> : vector<1280x512xf32>
    %dot_general3A_5 = tpu.matmul %get3A_1, %get3A_4, %dot_general3A {dimension_numbers = #tpu.dot_dimension_numbers<[1], [0], [0], [1], [0, 0, 1, 1], [], []>, transpose_lhs_hint = false} : vector<1280x128xf32>, vector<128x512xf32>, vector<1280x512xf32> -> vector<1280x512xf32>
    %get3A_6 = arith.constant 0 : index
    %get3A_7 = arith.constant 0 : index
    %get3A_8 = vector.load %arg3[%get3A_6, %get3A_7] : memref<512x32xf32, #tpu.memory_space<vmem>>, vector<512x32xf32>
    %dot_general3A_9 = arith.constant dense<0.000000e+00> : vector<1280x32xf32>
    %dot_general3A_10 = tpu.matmul %dot_general3A_5, %get3A_8, %dot_general3A_9 {dimension_numbers = #tpu.dot_dimension_numbers<[1], [0], [0], [1], [0, 0, 1, 1], [], []>, transpose_lhs_hint = false} : vector<1280x512xf32>, vector<512x32xf32>, vector<1280x32xf32> -> vector<1280x32xf32>
    %slice3A = vector.extract_strided_slice %dot_general3A_10 {offsets = [0, 0], sizes = [1280, 16], strides = [1, 1]} : vector<1280x32xf32> to vector<1280x16xf32>
    %swap3A = arith.constant 0 : index
    %swap3A_11 = arith.constant 0 : index
    %swap3A_12 = vector.load %arg5[%swap3A, %swap3A_11] : memref<1280x16xf32, #tpu.memory_space<vmem>>, vector<1280x16xf32>
    tpu.vector_store %arg5[%swap3A, %swap3A_11], %slice3A {strides = array<i32>} : memref<1280x16xf32, #tpu.memory_space<vmem>>, vector<1280x16xf32>,
    %slice3A_13 = vector.extract_strided_slice %dot_general3A_10 {offsets = [0, 16], sizes = [1280, 16], strides = [1, 1]} : vector<1280x32xf32> to vector<1280x16xf32>
    %swap3A_14 = arith.constant 0 : index
    %swap3A_15 = arith.constant 0 : index
    %swap3A_16 = vector.load %arg6[%swap3A_14, %swap3A_15] : memref<1280x16xf32, #tpu.memory_space<vmem>>, vector<1280x16xf32>
    tpu.vector_store %arg6[%swap3A_14, %swap3A_15], %slice3A_13 {strides = array<i32>} : memref<1280x16xf32, #tpu.memory_space<vmem>>, vector<1280x16xf32>,
    %slice3A_17 = vector.extract_strided_slice %dot_general3A_5 {offsets = [0, 0], sizes = [1280, 128], strides = [1, 1]} : vector<1280x512xf32> to vector<1280x128xf32>
    %swap3A_18 = arith.constant 0 : index
    %swap3A_19 = arith.constant 0 : index
    %swap3A_20 = arith.constant 0 : index
    %swap3A_21 = vector.load %arg4[%swap3A_18, %swap3A_19, %swap3A_20] : memref<4x1280x128xf32, #tpu.memory_space<vmem>>, vector<1x1280x128xf32>
    %swap3A_22 = vector.shape_cast %swap3A_21 : vector<1x1280x128xf32> to vector<1280x128xf32>
    %swap3A_23 = vector.shape_cast %slice3A_17 : vector<1280x128xf32> to vector<1x1280x128xf32>
    tpu.vector_store %arg4[%swap3A_18, %swap3A_19, %swap3A_20], %swap3A_23 {strides = array<i32>} : memref<4x1280x128xf32, #tpu.memory_space<vmem>>, vector<1x1280x128xf32>,
    %slice3A_24 = vector.extract_strided_slice %dot_general3A_5 {offsets = [0, 128], sizes = [1280, 128], strides = [1, 1]} : vector<1280x512xf32> to vector<1280x128xf32>
    %swap3A_25 = arith.constant 1 : index
    %swap3A_26 = arith.constant 0 : index
    %swap3A_27 = arith.constant 0 : index
    %swap3A_28 = vector.load %arg4[%swap3A_25, %swap3A_26, %swap3A_27] : memref<4x1280x128xf32, #tpu.memory_space<vmem>>, vector<1x1280x128xf32>
    %swap3A_29 = vector.shape_cast %swap3A_28 : vector<1x1280x128xf32> to vector<1280x128xf32>
    %swap3A_30 = vector.shape_cast %slice3A_24 : vector<1280x128xf32> to vector<1x1280x128xf32>
    tpu.vector_store %arg4[%swap3A_25, %swap3A_26, %swap3A_27], %swap3A_30 {strides = array<i32>} : memref<4x1280x128xf32, #tpu.memory_space<vmem>>, vector<1x1280x128xf32>,
    %slice3A_31 = vector.extract_strided_slice %dot_general3A_5 {offsets = [0, 256], sizes = [1280, 128], strides = [1, 1]} : vector<1280x512xf32> to vector<1280x128xf32>
    %swap3A_32 = arith.constant 2 : index
    %swap3A_33 = arith.constant 0 : index
    %swap3A_34 = arith.constant 0 : index
    %swap3A_35 = vector.load %arg4[%swap3A_32, %swap3A_33, %swap3A_34] : memref<4x1280x128xf32, #tpu.memory_space<vmem>>, vector<1x1280x128xf32>
    %swap3A_36 = vector.shape_cast %swap3A_35 : vector<1x1280x128xf32> to vector<1280x128xf32>
    %swap3A_37 = vector.shape_cast %slice3A_31 : vector<1280x128xf32> to vector<1x1280x128xf32>
    tpu.vector_store %arg4[%swap3A_32, %swap3A_33, %swap3A_34], %swap3A_37 {strides = array<i32>} : memref<4x1280x128xf32, #tpu.memory_space<vmem>>, vector<1x1280x128xf32>,
    %slice3A_38 = vector.extract_strided_slice %dot_general3A_5 {offsets = [0, 384], sizes = [1280, 128], strides = [1, 1]} : vector<1280x512xf32> to vector<1280x128xf32>
    %swap3A_39 = arith.constant 3 : index
    %swap3A_40 = arith.constant 0 : index
    %swap3A_41 = arith.constant 0 : index
    %swap3A_42 = vector.load %arg4[%swap3A_39, %swap3A_40, %swap3A_41] : memref<4x1280x128xf32, #tpu.memory_space<vmem>>, vector<1x1280x128xf32>
    %swap3A_43 = vector.shape_cast %swap3A_42 : vector<1x1280x128xf32> to vector<1280x128xf32>
    %swap3A_44 = vector.shape_cast %slice3A_38 : vector<1280x128xf32> to vector<1x1280x128xf32>
    tpu.vector_store %arg4[%swap3A_39, %swap3A_40, %swap3A_41], %swap3A_44 {strides = array<i32>} : memref<4x1280x128xf32, #tpu.memory_space<vmem>>, vector<1x1280x128xf32>,
    return
  }
  func.func @transform_0(%arg0: i32) -> (i32, i32) {
    %c0_i32 = arith.constant 0 : i32
    %c0_i32_0 = arith.constant 0 : i32
    return %arg0, %c0_i32 : i32, i32
  }
  func.func @transform_1(%arg0: i32) -> (i32, i32) {
    %c0_i32 = arith.constant 0 : i32
    %c0_i32_0 = arith.constant 0 : i32
    %c0_i32_1 = arith.constant 0 : i32
    return %c0_i32, %c0_i32_0 : i32, i32
  }
  func.func @transform_2(%arg0: i32) -> (i32, i32) {
    %c0_i32 = arith.constant 0 : i32
    %c0_i32_0 = arith.constant 0 : i32
    %c0_i32_1 = arith.constant 0 : i32
    return %c0_i32, %c0_i32_0 : i32, i32
  }
  func.func @transform_3(%arg0: i32) -> (i32, i32, i32) {
    %c0_i32 = arith.constant 0 : i32
    %c0_i32_0 = arith.constant 0 : i32
    %c0_i32_1 = arith.constant 0 : i32
    return %c0_i32, %arg0, %c0_i32_0 : i32, i32, i32
  }
  func.func @transform_4(%arg0: i32) -> (i32, i32) {
    %c0_i32 = arith.constant 0 : i32
    %c0_i32_0 = arith.constant 0 : i32
    return %arg0, %c0_i32 : i32, i32
  }
  func.func @transform_5(%arg0: i32) -> (i32, i32) {
    %c0_i32 = arith.constant 0 : i32
    %c0_i32_0 = arith.constant 0 : i32
    return %arg0, %c0_i32 : i32, i32
  }
}

module attributes {stable_mosaic.version = 14 : i64} {
  func.func @_tc2_body(%arg0: i32, %arg1: memref<4x1280x128xf32, #tpu.memory_space<vmem>>, %arg2: memref<1x512xf32, #tpu.memory_space<vmem>>, %arg3: memref<512x256xf32, #tpu.memory_space<vmem>>, %arg4: memref<1280x16xf32, #tpu.memory_space<vmem>>, %arg5: memref<2x1280x128xf32, #tpu.memory_space<vmem>>, %arg6: memref<1280x16xf32, #tpu.memory_space<vmem>>) attributes {dimension_semantics = [#tpu.dimension_semantics<arbitrary>], iteration_bounds = array<i64: 8>, scalar_prefetch = 0 : i64, scratch_operands = 0 : i64, tpu.core_type = #tpu.core_type<tc>, window_params = [{transform_indices = @transform_0, window_bounds = array<i64: 4, 1280, 128>}, {pipeline_mode = #tpu.pipeline_mode<synchronous>, transform_indices = @transform_1, window_bounds = array<i64: 1, 512>}, {pipeline_mode = #tpu.pipeline_mode<synchronous>, transform_indices = @transform_2, window_bounds = array<i64: 512, 256>}, {transform_indices = @transform_3, window_bounds = array<i64: 1280, 16>}, {transform_indices = @transform_4, window_bounds = array<i64: 2, 1280, 128>}, {transform_indices = @transform_5, window_bounds = array<i64: 1280, 16>}]} {
    %get3A = arith.constant 0 : index
    %get3A_0 = arith.constant 0 : index
    %get3A_1 = arith.constant 0 : index
    %get3A_2 = vector.load %arg1[%get3A, %get3A_0, %get3A_1] : memref<4x1280x128xf32, #tpu.memory_space<vmem>>, vector<1x1280x128xf32>
    %get3A_3 = vector.shape_cast %get3A_2 : vector<1x1280x128xf32> to vector<1280x128xf32>
    %get3A_4 = arith.constant 1 : index
    %get3A_5 = arith.constant 0 : index
    %get3A_6 = arith.constant 0 : index
    %get3A_7 = vector.load %arg1[%get3A_4, %get3A_5, %get3A_6] : memref<4x1280x128xf32, #tpu.memory_space<vmem>>, vector<1x1280x128xf32>
    %get3A_8 = vector.shape_cast %get3A_7 : vector<1x1280x128xf32> to vector<1280x128xf32>
    %get3A_9 = arith.constant 2 : index
    %get3A_10 = arith.constant 0 : index
    %get3A_11 = arith.constant 0 : index
    %get3A_12 = vector.load %arg1[%get3A_9, %get3A_10, %get3A_11] : memref<4x1280x128xf32, #tpu.memory_space<vmem>>, vector<1x1280x128xf32>
    %get3A_13 = vector.shape_cast %get3A_12 : vector<1x1280x128xf32> to vector<1280x128xf32>
    %get3A_14 = arith.constant 3 : index
    %get3A_15 = arith.constant 0 : index
    %get3A_16 = arith.constant 0 : index
    %get3A_17 = vector.load %arg1[%get3A_14, %get3A_15, %get3A_16] : memref<4x1280x128xf32, #tpu.memory_space<vmem>>, vector<1x1280x128xf32>
    %get3A_18 = vector.shape_cast %get3A_17 : vector<1x1280x128xf32> to vector<1280x128xf32>
    %concatenate3A = tpu.concatenate %get3A_3, %get3A_8, %get3A_13, %get3A_18 in 1 : vector<1280x128xf32>, vector<1280x128xf32>, vector<1280x128xf32>, vector<1280x128xf32> -> vector<1280x512xf32>
    %get3A_19 = arith.constant 0 : index
    %get3A_20 = arith.constant 0 : index
    %get3A_21 = vector.load %arg2[%get3A_19, %get3A_20] : memref<1x512xf32, #tpu.memory_space<vmem>>, vector<1x512xf32>
    %add3A = vector.broadcast %get3A_21 : vector<1x512xf32> to vector<1280x512xf32>
    %add3A_22 = arith.addf %concatenate3A, %add3A : vector<1280x512xf32>
    %gt3A = arith.constant 0.000000e+00 : f32
    %gt3A_23 = vector.broadcast %gt3A : f32 to vector<1280x512xf32>
    %gt3A_24 = arith.cmpf ogt, %add3A_22, %gt3A_23 : vector<1280x512xf32>
    %min3A = arith.constant 0.000000e+00 : f32
    %min3A_25 = vector.broadcast %min3A : f32 to vector<1280x512xf32>
    %min3A_26 = arith.minimumf %add3A_22, %min3A_25 : vector<1280x512xf32>
    %exp3A = math.exp %min3A_26 : vector<1280x512xf32>
    %sub3A = arith.constant 1.000000e+00 : f32
    %sub3A_27 = vector.broadcast %sub3A : f32 to vector<1280x512xf32>
    %sub3A_28 = arith.subf %exp3A, %sub3A_27 : vector<1280x512xf32>
    %select_n3A = arith.select %gt3A_24, %add3A_22, %sub3A_28 : vector<1280x512xi1>, vector<1280x512xf32>
    %get3A_29 = arith.constant 0 : index
    %get3A_30 = arith.constant 0 : index
    %get3A_31 = vector.load %arg3[%get3A_29, %get3A_30] : memref<512x256xf32, #tpu.memory_space<vmem>>, vector<512x256xf32>
    %dot_general3A = arith.constant dense<0.000000e+00> : vector<1280x256xf32>
    %dot_general3A_32 = tpu.matmul %select_n3A, %get3A_31, %dot_general3A {dimension_numbers = #tpu.dot_dimension_numbers<[1], [0], [0], [1], [0, 0, 1, 1], [], []>, transpose_lhs_hint = false} : vector<1280x512xf32>, vector<512x256xf32>, vector<1280x256xf32> -> vector<1280x256xf32>
    %slice3A = vector.extract_strided_slice %dot_general3A_32 {offsets = [0, 0], sizes = [1280, 128], strides = [1, 1]} : vector<1280x256xf32> to vector<1280x128xf32>
    %swap3A = arith.constant 0 : index
    %swap3A_33 = arith.constant 0 : index
    %swap3A_34 = arith.constant 0 : index
    %swap3A_35 = vector.load %arg5[%swap3A, %swap3A_33, %swap3A_34] : memref<2x1280x128xf32, #tpu.memory_space<vmem>>, vector<1x1280x128xf32>
    %swap3A_36 = vector.shape_cast %swap3A_35 : vector<1x1280x128xf32> to vector<1280x128xf32>
    %swap3A_37 = vector.shape_cast %slice3A : vector<1280x128xf32> to vector<1x1280x128xf32>
    tpu.vector_store %arg5[%swap3A, %swap3A_33, %swap3A_34], %swap3A_37 {strides = array<i32>} : memref<2x1280x128xf32, #tpu.memory_space<vmem>>, vector<1x1280x128xf32>,
    %slice3A_38 = vector.extract_strided_slice %dot_general3A_32 {offsets = [0, 128], sizes = [1280, 128], strides = [1, 1]} : vector<1280x256xf32> to vector<1280x128xf32>
    %swap3A_39 = arith.constant 1 : index
    %swap3A_40 = arith.constant 0 : index
    %swap3A_41 = arith.constant 0 : index
    %swap3A_42 = vector.load %arg5[%swap3A_39, %swap3A_40, %swap3A_41] : memref<2x1280x128xf32, #tpu.memory_space<vmem>>, vector<1x1280x128xf32>
    %swap3A_43 = vector.shape_cast %swap3A_42 : vector<1x1280x128xf32> to vector<1280x128xf32>
    %swap3A_44 = vector.shape_cast %slice3A_38 : vector<1280x128xf32> to vector<1x1280x128xf32>
    tpu.vector_store %arg5[%swap3A_39, %swap3A_40, %swap3A_41], %swap3A_44 {strides = array<i32>} : memref<2x1280x128xf32, #tpu.memory_space<vmem>>, vector<1x1280x128xf32>,
    %get3A_45 = arith.constant 0 : index
    %get3A_46 = arith.constant 8 : index
    %get3A_47 = vector.load %arg4[%get3A_45, %get3A_46] : memref<1280x16xf32, #tpu.memory_space<vmem>>, vector<1280x1xf32>
    %gt3A_48 = arith.constant 0.000000e+00 : f32
    %gt3A_49 = vector.broadcast %gt3A_48 : f32 to vector<1280x1xf32>
    %gt3A_50 = arith.cmpf ogt, %get3A_47, %gt3A_49 : vector<1280x1xf32>
    %max3A = arith.constant 9.99999996E-13 : f32
    %max3A_51 = vector.broadcast %max3A : f32 to vector<1280x1xf32>
    %max3A_52 = arith.maximumf %get3A_47, %max3A_51 : vector<1280x1xf32>
    %rsqrt3A = math.rsqrt %max3A_52 : vector<1280x1xf32>
    %jit3A = arith.constant 0.000000e+00 : f32
    %broadcast_in_dim3A = vector.broadcast %jit3A : f32 to vector<1280x1xf32>
    %select_n3A_53 = arith.select %gt3A_50, %rsqrt3A, %broadcast_in_dim3A : vector<1280x1xi1>, vector<1280x1xf32>
    %broadcast_in_dim3A_54 = vector.shape_cast %select_n3A_53 : vector<1280x1xf32> to vector<1280x1xf32>
    %broadcast_in_dim3A_55 = vector.broadcast %broadcast_in_dim3A_54 : vector<1280x1xf32> to vector<1280x16xf32>
    %swap3A_56 = arith.constant 0 : index
    %swap3A_57 = arith.constant 0 : index
    %swap3A_58 = vector.load %arg6[%swap3A_56, %swap3A_57] : memref<1280x16xf32, #tpu.memory_space<vmem>>, vector<1280x16xf32>
    tpu.vector_store %arg6[%swap3A_56, %swap3A_57], %broadcast_in_dim3A_55 {strides = array<i32>} : memref<1280x16xf32, #tpu.memory_space<vmem>>, vector<1280x16xf32>,
    return
  }
  func.func @transform_0(%arg0: i32) -> (i32, i32, i32) {
    %c0_i32 = arith.constant 0 : i32
    %c0_i32_0 = arith.constant 0 : i32
    %c0_i32_1 = arith.constant 0 : i32
    return %c0_i32, %arg0, %c0_i32_0 : i32, i32, i32
  }
  func.func @transform_1(%arg0: i32) -> (i32, i32) {
    %c0_i32 = arith.constant 0 : i32
    %c0_i32_0 = arith.constant 0 : i32
    %c0_i32_1 = arith.constant 0 : i32
    return %c0_i32, %c0_i32_0 : i32, i32
  }
  func.func @transform_2(%arg0: i32) -> (i32, i32) {
    %c0_i32 = arith.constant 0 : i32
    %c0_i32_0 = arith.constant 0 : i32
    %c0_i32_1 = arith.constant 0 : i32
    return %c0_i32, %c0_i32_0 : i32, i32
  }
  func.func @transform_3(%arg0: i32) -> (i32, i32) {
    %c0_i32 = arith.constant 0 : i32
    %c0_i32_0 = arith.constant 0 : i32
    return %arg0, %c0_i32 : i32, i32
  }
  func.func @transform_4(%arg0: i32) -> (i32, i32, i32) {
    %c0_i32 = arith.constant 0 : i32
    %c0_i32_0 = arith.constant 0 : i32
    %c0_i32_1 = arith.constant 0 : i32
    return %c0_i32, %arg0, %c0_i32_0 : i32, i32, i32
  }
  func.func @transform_5(%arg0: i32) -> (i32, i32) {
    %c0_i32 = arith.constant 0 : i32
    %c0_i32_0 = arith.constant 0 : i32
    return %arg0, %c0_i32 : i32, i32
  }
}

module attributes {stable_mosaic.version = 14 : i64} {
  func.func @_tc3_body(%arg0: i32, %arg1: memref<2x1280x128xf32, #tpu.memory_space<vmem>>, %arg2: memref<1x256xf32, #tpu.memory_space<vmem>>, %arg3: memref<256x128xf32, #tpu.memory_space<vmem>>, %arg4: memref<1280x128xf32, #tpu.memory_space<vmem>>) attributes {dimension_semantics = [#tpu.dimension_semantics<arbitrary>], iteration_bounds = array<i64: 8>, scalar_prefetch = 0 : i64, scratch_operands = 0 : i64, tpu.core_type = #tpu.core_type<tc>, window_params = [{transform_indices = @transform_0, window_bounds = array<i64: 2, 1280, 128>}, {pipeline_mode = #tpu.pipeline_mode<synchronous>, transform_indices = @transform_1, window_bounds = array<i64: 1, 256>}, {pipeline_mode = #tpu.pipeline_mode<synchronous>, transform_indices = @transform_2, window_bounds = array<i64: 256, 128>}, {transform_indices = @transform_3, window_bounds = array<i64: 1280, 128>}]} {
    %get3A = arith.constant 0 : index
    %get3A_0 = arith.constant 0 : index
    %get3A_1 = arith.constant 0 : index
    %get3A_2 = vector.load %arg1[%get3A, %get3A_0, %get3A_1] : memref<2x1280x128xf32, #tpu.memory_space<vmem>>, vector<1x1280x128xf32>
    %get3A_3 = vector.shape_cast %get3A_2 : vector<1x1280x128xf32> to vector<1280x128xf32>
    %get3A_4 = arith.constant 1 : index
    %get3A_5 = arith.constant 0 : index
    %get3A_6 = arith.constant 0 : index
    %get3A_7 = vector.load %arg1[%get3A_4, %get3A_5, %get3A_6] : memref<2x1280x128xf32, #tpu.memory_space<vmem>>, vector<1x1280x128xf32>
    %get3A_8 = vector.shape_cast %get3A_7 : vector<1x1280x128xf32> to vector<1280x128xf32>
    %concatenate3A = tpu.concatenate %get3A_3, %get3A_8 in 1 : vector<1280x128xf32>, vector<1280x128xf32> -> vector<1280x256xf32>
    %get3A_9 = arith.constant 0 : index
    %get3A_10 = arith.constant 0 : index
    %get3A_11 = vector.load %arg2[%get3A_9, %get3A_10] : memref<1x256xf32, #tpu.memory_space<vmem>>, vector<1x256xf32>
    %add3A = vector.broadcast %get3A_11 : vector<1x256xf32> to vector<1280x256xf32>
    %add3A_12 = arith.addf %concatenate3A, %add3A : vector<1280x256xf32>
    %gt3A = arith.constant 0.000000e+00 : f32
    %gt3A_13 = vector.broadcast %gt3A : f32 to vector<1280x256xf32>
    %gt3A_14 = arith.cmpf ogt, %add3A_12, %gt3A_13 : vector<1280x256xf32>
    %min3A = arith.constant 0.000000e+00 : f32
    %min3A_15 = vector.broadcast %min3A : f32 to vector<1280x256xf32>
    %min3A_16 = arith.minimumf %add3A_12, %min3A_15 : vector<1280x256xf32>
    %exp3A = math.exp %min3A_16 : vector<1280x256xf32>
    %sub3A = arith.constant 1.000000e+00 : f32
    %sub3A_17 = vector.broadcast %sub3A : f32 to vector<1280x256xf32>
    %sub3A_18 = arith.subf %exp3A, %sub3A_17 : vector<1280x256xf32>
    %select_n3A = arith.select %gt3A_14, %add3A_12, %sub3A_18 : vector<1280x256xi1>, vector<1280x256xf32>
    %get3A_19 = arith.constant 0 : index
    %get3A_20 = arith.constant 0 : index
    %get3A_21 = vector.load %arg3[%get3A_19, %get3A_20] : memref<256x128xf32, #tpu.memory_space<vmem>>, vector<256x128xf32>
    %dot_general3A = arith.constant dense<0.000000e+00> : vector<1280x128xf32>
    %dot_general3A_22 = tpu.matmul %select_n3A, %get3A_21, %dot_general3A {dimension_numbers = #tpu.dot_dimension_numbers<[1], [0], [0], [1], [0, 0, 1, 1], [], []>, transpose_lhs_hint = false} : vector<1280x256xf32>, vector<256x128xf32>, vector<1280x128xf32> -> vector<1280x128xf32>
    %swap3A = arith.constant 0 : index
    %swap3A_23 = arith.constant 0 : index
    %swap3A_24 = vector.load %arg4[%swap3A, %swap3A_23] : memref<1280x128xf32, #tpu.memory_space<vmem>>, vector<1280x128xf32>
    tpu.vector_store %arg4[%swap3A, %swap3A_23], %dot_general3A_22 {strides = array<i32>} : memref<1280x128xf32, #tpu.memory_space<vmem>>, vector<1280x128xf32>,
    return
  }
  func.func @transform_0(%arg0: i32) -> (i32, i32, i32) {
    %c0_i32 = arith.constant 0 : i32
    %c0_i32_0 = arith.constant 0 : i32
    %c0_i32_1 = arith.constant 0 : i32
    return %c0_i32, %arg0, %c0_i32_0 : i32, i32, i32
  }
  func.func @transform_1(%arg0: i32) -> (i32, i32) {
    %c0_i32 = arith.constant 0 : i32
    %c0_i32_0 = arith.constant 0 : i32
    %c0_i32_1 = arith.constant 0 : i32
    return %c0_i32, %c0_i32_0 : i32, i32
  }
  func.func @transform_2(%arg0: i32) -> (i32, i32) {
    %c0_i32 = arith.constant 0 : i32
    %c0_i32_0 = arith.constant 0 : i32
    %c0_i32_1 = arith.constant 0 : i32
    return %c0_i32, %c0_i32_0 : i32, i32
  }
  func.func @transform_3(%arg0: i32) -> (i32, i32) {
    %c0_i32 = arith.constant 0 : i32
    %c0_i32_0 = arith.constant 0 : i32
    return %arg0, %c0_i32 : i32, i32
  }
}

module attributes {stable_mosaic.version = 14 : i64} {
  func.func @_tc4_body(%arg0: i32, %arg1: memref<2x1280x128xf32, #tpu.memory_space<vmem>>, %arg2: memref<1x128xf32, #tpu.memory_space<vmem>>, %arg3: memref<128x64xf32, #tpu.memory_space<vmem>>, %arg4: memref<128x64xf32, #tpu.memory_space<vmem>>, %arg5: memref<1280x128xf32, #tpu.memory_space<vmem>>) attributes {dimension_semantics = [#tpu.dimension_semantics<arbitrary>], iteration_bounds = array<i64: 8>, scalar_prefetch = 0 : i64, scratch_operands = 0 : i64, tpu.core_type = #tpu.core_type<tc>, window_params = [{transform_indices = @transform_0, window_bounds = array<i64: 2, 1280, 128>}, {pipeline_mode = #tpu.pipeline_mode<synchronous>, transform_indices = @transform_1, window_bounds = array<i64: 1, 128>}, {pipeline_mode = #tpu.pipeline_mode<synchronous>, transform_indices = @transform_2, window_bounds = array<i64: 128, 64>}, {pipeline_mode = #tpu.pipeline_mode<synchronous>, transform_indices = @transform_3, window_bounds = array<i64: 128, 64>}, {transform_indices = @transform_4, window_bounds = array<i64: 1280, 128>}]} {
    %get3A = arith.constant 0 : index
    %get3A_0 = arith.constant 0 : index
    %get3A_1 = arith.constant 0 : index
    %get3A_2 = vector.load %arg1[%get3A, %get3A_0, %get3A_1] : memref<2x1280x128xf32, #tpu.memory_space<vmem>>, vector<1x1280x128xf32>
    %get3A_3 = vector.shape_cast %get3A_2 : vector<1x1280x128xf32> to vector<1280x128xf32>
    %get3A_4 = arith.constant 1 : index
    %get3A_5 = arith.constant 0 : index
    %get3A_6 = arith.constant 0 : index
    %get3A_7 = vector.load %arg1[%get3A_4, %get3A_5, %get3A_6] : memref<2x1280x128xf32, #tpu.memory_space<vmem>>, vector<1x1280x128xf32>
    %get3A_8 = vector.shape_cast %get3A_7 : vector<1x1280x128xf32> to vector<1280x128xf32>
    %add3A = arith.addf %get3A_3, %get3A_8 : vector<1280x128xf32>
    %get3A_9 = arith.constant 0 : index
    %get3A_10 = arith.constant 0 : index
    %get3A_11 = vector.load %arg2[%get3A_9, %get3A_10] : memref<1x128xf32, #tpu.memory_space<vmem>>, vector<1x128xf32>
    %add3A_12 = vector.broadcast %get3A_11 : vector<1x128xf32> to vector<1280x128xf32>
    %add3A_13 = arith.addf %add3A, %add3A_12 : vector<1280x128xf32>
    %gt3A = arith.constant 0.000000e+00 : f32
    %gt3A_14 = vector.broadcast %gt3A : f32 to vector<1280x128xf32>
    %gt3A_15 = arith.cmpf ogt, %add3A_13, %gt3A_14 : vector<1280x128xf32>
    %min3A = arith.constant 0.000000e+00 : f32
    %min3A_16 = vector.broadcast %min3A : f32 to vector<1280x128xf32>
    %min3A_17 = arith.minimumf %add3A_13, %min3A_16 : vector<1280x128xf32>
    %exp3A = math.exp %min3A_17 : vector<1280x128xf32>
    %sub3A = arith.constant 1.000000e+00 : f32
    %sub3A_18 = vector.broadcast %sub3A : f32 to vector<1280x128xf32>
    %sub3A_19 = arith.subf %exp3A, %sub3A_18 : vector<1280x128xf32>
    %select_n3A = arith.select %gt3A_15, %add3A_13, %sub3A_19 : vector<1280x128xi1>, vector<1280x128xf32>
    %max3A = arith.constant 0.000000e+00 : f32
    %max3A_20 = vector.broadcast %max3A : f32 to vector<1280x128xf32>
    %max3A_21 = arith.maximumf %select_n3A, %max3A_20 : vector<1280x128xf32>
    %get3A_22 = arith.constant 0 : index
    %get3A_23 = arith.constant 0 : index
    %get3A_24 = vector.load %arg3[%get3A_22, %get3A_23] : memref<128x64xf32, #tpu.memory_space<vmem>>, vector<128x64xf32>
    %dot_general3A = arith.constant dense<0.000000e+00> : vector<1280x64xf32>
    %dot_general3A_25 = tpu.matmul %max3A_21, %get3A_24, %dot_general3A {dimension_numbers = #tpu.dot_dimension_numbers<[1], [0], [0], [1], [0, 0, 1, 1], [], []>, transpose_lhs_hint = false} : vector<1280x128xf32>, vector<128x64xf32>, vector<1280x64xf32> -> vector<1280x64xf32>
    %get3A_26 = arith.constant 0 : index
    %get3A_27 = arith.constant 0 : index
    %get3A_28 = vector.load %arg4[%get3A_26, %get3A_27] : memref<128x64xf32, #tpu.memory_space<vmem>>, vector<128x64xf32>
    %dot_general3A_29 = arith.constant dense<0.000000e+00> : vector<1280x64xf32>
    %dot_general3A_30 = tpu.matmul %max3A_21, %get3A_28, %dot_general3A_29 {dimension_numbers = #tpu.dot_dimension_numbers<[1], [0], [0], [1], [0, 0, 1, 1], [], []>, transpose_lhs_hint = false} : vector<1280x128xf32>, vector<128x64xf32>, vector<1280x64xf32> -> vector<1280x64xf32>
    %concatenate3A = tpu.concatenate %dot_general3A_25, %dot_general3A_30 in 1 : vector<1280x64xf32>, vector<1280x64xf32> -> vector<1280x128xf32>
    %swap3A = arith.constant 0 : index
    %swap3A_31 = arith.constant 0 : index
    %swap3A_32 = vector.load %arg5[%swap3A, %swap3A_31] : memref<1280x128xf32, #tpu.memory_space<vmem>>, vector<1280x128xf32>
    tpu.vector_store %arg5[%swap3A, %swap3A_31], %concatenate3A {strides = array<i32>} : memref<1280x128xf32, #tpu.memory_space<vmem>>, vector<1280x128xf32>,
    return
  }
  func.func @transform_0(%arg0: i32) -> (i32, i32, i32) {
    %c0_i32 = arith.constant 0 : i32
    %c0_i32_0 = arith.constant 0 : i32
    %c0_i32_1 = arith.constant 0 : i32
    return %c0_i32, %arg0, %c0_i32_0 : i32, i32, i32
  }
  func.func @transform_1(%arg0: i32) -> (i32, i32) {
    %c0_i32 = arith.constant 0 : i32
    %c0_i32_0 = arith.constant 0 : i32
    %c0_i32_1 = arith.constant 0 : i32
    return %c0_i32, %c0_i32_0 : i32, i32
  }
  func.func @transform_2(%arg0: i32) -> (i32, i32) {
    %c0_i32 = arith.constant 0 : i32
    %c0_i32_0 = arith.constant 0 : i32
    %c0_i32_1 = arith.constant 0 : i32
    return %c0_i32, %c0_i32_0 : i32, i32
  }
  func.func @transform_3(%arg0: i32) -> (i32, i32) {
    %c0_i32 = arith.constant 0 : i32
    %c0_i32_0 = arith.constant 0 : i32
    %c0_i32_1 = arith.constant 0 : i32
    return %c0_i32, %c0_i32_0 : i32, i32
  }
  func.func @transform_4(%arg0: i32) -> (i32, i32) {
    %c0_i32 = arith.constant 0 : i32
    %c0_i32_0 = arith.constant 0 : i32
    return %arg0, %c0_i32 : i32, i32
  }
}

module attributes {stable_mosaic.version = 14 : i64} {
  func.func @_tc5_body(%arg0: i32, %arg1: memref<64x64xf32, #tpu.memory_space<vmem>>, %arg2: memref<400x64xf32, #tpu.memory_space<vmem>>, %arg3: memref<1x64xf32, #tpu.memory_space<vmem>>, %arg4: memref<64x128xf32, #tpu.memory_space<vmem>>, %arg5: memref<1x128xf32, #tpu.memory_space<vmem>>, %arg6: memref<128x1xf32, #tpu.memory_space<vmem>>, %arg7: memref<25600x1xf32, #tpu.memory_space<vmem>>) attributes {dimension_semantics = [#tpu.dimension_semantics<arbitrary>], iteration_bounds = array<i64: 8>, scalar_prefetch = 0 : i64, scratch_operands = 0 : i64, tpu.core_type = #tpu.core_type<tc>, window_params = [{transform_indices = @transform_0, window_bounds = array<i64: 64, 64>}, {pipeline_mode = #tpu.pipeline_mode<synchronous>, transform_indices = @transform_1, window_bounds = array<i64: 400, 64>}, {pipeline_mode = #tpu.pipeline_mode<synchronous>, transform_indices = @transform_2, window_bounds = array<i64: 1, 64>}, {pipeline_mode = #tpu.pipeline_mode<synchronous>, transform_indices = @transform_3, window_bounds = array<i64: 64, 128>}, {pipeline_mode = #tpu.pipeline_mode<synchronous>, transform_indices = @transform_4, window_bounds = array<i64: 1, 128>}, {pipeline_mode = #tpu.pipeline_mode<synchronous>, transform_indices = @transform_5, window_bounds = array<i64: 128, 1>}, {transform_indices = @transform_6, window_bounds = array<i64: 25600, 1>}]} {
    %get3A = arith.constant 0 : index
    %get3A_0 = arith.constant 0 : index
    %get3A_1 = vector.load %arg1[%get3A, %get3A_0] : memref<64x64xf32, #tpu.memory_space<vmem>>, vector<64x64xf32>
    %broadcast_in_dim3A = vector.shape_cast %get3A_1 : vector<64x64xf32> to vector<64x1x64xf32>
    %get3A_2 = arith.constant 0 : index
    %get3A_3 = arith.constant 0 : index
    %get3A_4 = vector.load %arg2[%get3A_2, %get3A_3] : memref<400x64xf32, #tpu.memory_space<vmem>>, vector<400x64xf32>
    %broadcast_in_dim3A_5 = vector.shape_cast %get3A_4 : vector<400x64xf32> to vector<1x400x64xf32>
    %add3A = vector.broadcast %broadcast_in_dim3A : vector<64x1x64xf32> to vector<64x400x64xf32>
    %add3A_6 = vector.broadcast %broadcast_in_dim3A_5 : vector<1x400x64xf32> to vector<64x400x64xf32>
    %add3A_7 = arith.addf %add3A, %add3A_6 : vector<64x400x64xf32>
    %get3A_8 = arith.constant 0 : index
    %get3A_9 = arith.constant 0 : index
    %get3A_10 = vector.load %arg3[%get3A_8, %get3A_9] : memref<1x64xf32, #tpu.memory_space<vmem>>, vector<1x64xf32>
    %broadcast_in_dim3A_11 = vector.shape_cast %get3A_10 : vector<1x64xf32> to vector<1x1x64xf32>
    %add3A_12 = vector.broadcast %broadcast_in_dim3A_11 : vector<1x1x64xf32> to vector<64x400x64xf32>
    %add3A_13 = arith.addf %add3A_7, %add3A_12 : vector<64x400x64xf32>
    %gt3A = arith.constant 0.000000e+00 : f32
    %gt3A_14 = vector.broadcast %gt3A : f32 to vector<64x400x64xf32>
    %gt3A_15 = arith.cmpf ogt, %add3A_13, %gt3A_14 : vector<64x400x64xf32>
    %mul3A = arith.constant 0.00999999977 : f32
    %mul3A_16 = vector.broadcast %mul3A : f32 to vector<64x400x64xf32>
    %mul3A_17 = arith.mulf %mul3A_16, %add3A_13 : vector<64x400x64xf32>
    %select_n3A = arith.select %gt3A_15, %add3A_13, %mul3A_17 : vector<64x400x64xi1>, vector<64x400x64xf32>
    %reshape3A = vector.shape_cast %select_n3A : vector<64x400x64xf32> to vector<25600x64xf32>
    %get3A_18 = arith.constant 0 : index
    %get3A_19 = arith.constant 0 : index
    %get3A_20 = vector.load %arg4[%get3A_18, %get3A_19] : memref<64x128xf32, #tpu.memory_space<vmem>>, vector<64x128xf32>
    %dot_general3A = arith.constant dense<0.000000e+00> : vector<25600x128xf32>
    %dot_general3A_21 = tpu.matmul %reshape3A, %get3A_20, %dot_general3A {dimension_numbers = #tpu.dot_dimension_numbers<[1], [0], [0], [1], [0, 0, 1, 1], [], []>, transpose_lhs_hint = false} : vector<25600x64xf32>, vector<64x128xf32>, vector<25600x128xf32> -> vector<25600x128xf32>
    %get3A_22 = arith.constant 0 : index
    %get3A_23 = arith.constant 0 : index
    %get3A_24 = vector.load %arg5[%get3A_22, %get3A_23] : memref<1x128xf32, #tpu.memory_space<vmem>>, vector<1x128xf32>
    %add3A_25 = vector.broadcast %get3A_24 : vector<1x128xf32> to vector<25600x128xf32>
    %add3A_26 = arith.addf %dot_general3A_21, %add3A_25 : vector<25600x128xf32>
    %gt3A_27 = arith.constant 0.000000e+00 : f32
    %gt3A_28 = vector.broadcast %gt3A_27 : f32 to vector<25600x128xf32>
    %gt3A_29 = arith.cmpf ogt, %add3A_26, %gt3A_28 : vector<25600x128xf32>
    %mul3A_30 = arith.constant 0.00999999977 : f32
    %mul3A_31 = vector.broadcast %mul3A_30 : f32 to vector<25600x128xf32>
    %mul3A_32 = arith.mulf %mul3A_31, %add3A_26 : vector<25600x128xf32>
    %select_n3A_33 = arith.select %gt3A_29, %add3A_26, %mul3A_32 : vector<25600x128xi1>, vector<25600x128xf32>
    %get3A_34 = arith.constant 0 : index
    %get3A_35 = arith.constant 0 : index
    %get3A_36 = vector.load %arg6[%get3A_34, %get3A_35] : memref<128x1xf32, #tpu.memory_space<vmem>>, vector<128x1xf32>
    %dot_general3A_37 = arith.constant dense<0.000000e+00> : vector<25600x1xf32>
    %dot_general3A_38 = tpu.matmul %select_n3A_33, %get3A_36, %dot_general3A_37 {dimension_numbers = #tpu.dot_dimension_numbers<[1], [0], [0], [1], [0, 0, 1, 1], [], []>, transpose_lhs_hint = false} : vector<25600x128xf32>, vector<128x1xf32>, vector<25600x1xf32> -> vector<25600x1xf32>
    %logistic3A = arith.negf %dot_general3A_38 : vector<25600x1xf32>
    %logistic3A_39 = math.exp %logistic3A : vector<25600x1xf32>
    %logistic3A_40 = arith.constant 1.000000e+00 : f32
    %logistic3A_41 = vector.broadcast %logistic3A_40 : f32 to vector<25600x1xf32>
    %logistic3A_42 = arith.addf %logistic3A_41, %logistic3A_39 : vector<25600x1xf32>
    %logistic3A_43 = arith.divf %logistic3A_41, %logistic3A_42 : vector<25600x1xf32>
    %swap3A = arith.constant 0 : index
    %swap3A_44 = arith.constant 0 : index
    %swap3A_45 = vector.load %arg7[%swap3A, %swap3A_44] : memref<25600x1xf32, #tpu.memory_space<vmem>>, vector<25600x1xf32>
    tpu.vector_store %arg7[%swap3A, %swap3A_44], %logistic3A_43 {strides = array<i32>} : memref<25600x1xf32, #tpu.memory_space<vmem>>, vector<25600x1xf32>,
    return
  }
  func.func @transform_0(%arg0: i32) -> (i32, i32) {
    %c0_i32 = arith.constant 0 : i32
    %c0_i32_0 = arith.constant 0 : i32
    return %arg0, %c0_i32 : i32, i32
  }
  func.func @transform_1(%arg0: i32) -> (i32, i32) {
    %c0_i32 = arith.constant 0 : i32
    %c0_i32_0 = arith.constant 0 : i32
    %c0_i32_1 = arith.constant 0 : i32
    return %c0_i32, %c0_i32_0 : i32, i32
  }
  func.func @transform_2(%arg0: i32) -> (i32, i32) {
    %c0_i32 = arith.constant 0 : i32
    %c0_i32_0 = arith.constant 0 : i32
    %c0_i32_1 = arith.constant 0 : i32
    return %c0_i32, %c0_i32_0 : i32, i32
  }
  func.func @transform_3(%arg0: i32) -> (i32, i32) {
    %c0_i32 = arith.constant 0 : i32
    %c0_i32_0 = arith.constant 0 : i32
    %c0_i32_1 = arith.constant 0 : i32
    return %c0_i32, %c0_i32_0 : i32, i32
  }
  func.func @transform_4(%arg0: i32) -> (i32, i32) {
    %c0_i32 = arith.constant 0 : i32
    %c0_i32_0 = arith.constant 0 : i32
    %c0_i32_1 = arith.constant 0 : i32
    return %c0_i32, %c0_i32_0 : i32, i32
  }
  func.func @transform_5(%arg0: i32) -> (i32, i32) {
    %c0_i32 = arith.constant 0 : i32
    %c0_i32_0 = arith.constant 0 : i32
    %c0_i32_1 = arith.constant 0 : i32
    return %c0_i32, %c0_i32_0 : i32, i32
  }
  func.func @transform_6(%arg0: i32) -> (i32, i32) {
    %c0_i32 = arith.constant 0 : i32
    %c0_i32_0 = arith.constant 0 : i32
    return %arg0, %c0_i32 : i32, i32
  }
}

</mosaic_0001>

<sc_bundles>
// kernel: kernel.11.cloned.1.call-start
scs
__scs_entry_jumppad:
0x0: {  	(pc) =	sbr.rel $0x88, $3  }
0x1: {  	(tag) =	ssettag $0x0;
	lr =	simm.s32 $0x1  }
0x2: {  	[smem:$0x3F91] =	sst lr;
	_ =	strace $0xD0000000  }
0x3: {  	_ = 	snop  }
0x4: {  	_ = 	snop  }
0x5: {  	_ = 	snop  }
0x6: {  	_ = 	snop  }
0x7: {  	_ = 	snop  }
__scs_overlays_trampoline_lowered:
0x8: {  	[smem:$0x3FA0] =	sst s0  }
0x9: {  	[smem:$0x3FA1] =	sst s1  }
0xa: {  	[smem:$0x3FA2] =	sst s2  }
0xb: {  	[smem:$0x3FA3] =	sst s3  }
0xc: {  	[smem:$0x3FA4] =	sst s4  }
0xd: {  	[smem:$0x3FA5] =	sst s5  }
0xe: {  	[smem:$0x3FA6] =	sst s6  }
0xf: {  	[smem:$0x3FA7] =	sst s7  }
0x10: {  	[smem:$0x3FA8] =	sst s8  }
0x11: {  	[smem:$0x3FA9] =	sst s9;
	s0 =	simm.s32 @!p0 $0x0  }
0x12: {  	s1 =	sld [smem:$0x3F8F];
	s0 =	simm.s32 @p0 $0x1  }
0x13: {  	[smem:$0x3FAA] =	sst s0;
	s0 =	simm.s32 @!p1 $0x0  }
0x14: {  	s2 =	sld [smem:$0x3F8E];
	s0 =	simm.s32 @p1 $0x1  }
0x15: {  	[smem:$0x3FAB] =	sst s0;
	s0 =	simm.s32 @!p2 $0x0  }
0x16: {  	s3 =	sld [smem:$0x3FDB];
	s0 =	simm.s32 @p2 $0x1  }
0x17: {  	s4 =	simm.s32 $0x1BF5;
	[smem:$0x3FAD] =	sst s0  }
0x18: {  	s0 =	sld [smem:$0x3F90];
	_ =	swait.ge [sflag:s4], $0x0  }
0x19: {  	s7 =	sld [smem:$0x3F91]  }
0x1a: {  	s8 =	sadd.s32 $0xFFFFE003, lr  }
0x1b: {  	s9 =	sadd.s32 $0xFFFFFEF7, lr;
	s5 =	simm.s32 $0xFFFFFFFF;
	p2 =	slt.u32 s8, $0xFFFFF086  }
0x1c: {  	p1 =	slt.u32 s9, $0xF7A;
	s5 =	simm.s32 @!p2 $0x0  }
0x1d: {  	s5 =	simm.s32 @p1 $0x1;
	p0 =	seq.s32 s7, s2  }
0x1e: {  	s7 =	smul.u32 @!p0 $0xF7A, s2;
	p2 =	seq.s32 @!p0 s5, $0x0  }
0x1f: {  	s9 =	smul.u32 $0xF7A, s1;
	s8 =	simm.s32 @!p0 $0x1BF5;
	p2 =	por !p2, p0  }
0x20: {  	[sflag:s8] =	ssyncset.s32 @!p0 $0xFFFFF086;
	s6 =	sadd.s32 @!p0 s3, s7;
	s7 =	simm.s32 @!p0 $0x108  }
0x21: {  	s3 =	sadd.s32 s3, s9;
	s6 =	sadd.s32 @!p0 $0x88, s6;
	s7 =	simm.s32 @p2 $0x1082  }
0x22: {  	[simem:s7], [sflag:s8] =	dma.local @!p0 [hbm:s6], $0xF7A  }
0x23: {  	s9 =	sor.u32 $0xD0000000, s2;
	s6 =	simm.s32 $0x108;
	_ =	swait.ge @!p0 [sflag:s8], $0x0  }
0x24: {  	s3 =	sadd.s32 $0x88, s3;
	s6 =	simm.s32 @!p1 $0x1082;
	[sflag:s4] =	ssyncset.s32 $0xFFFFF086  }
0x25: {  	[simem:s6], [sflag:s4] =	dma.local [hbm:s3], $0xF7A  }
0x26: {  	[smem:$0x3F91] =	sst s1;
	(tag) =	ssettag s2;
	_ =	strace s9  }
0x27: {  	s1 =	sld [smem:$0x3FA1]  }
0x28: {  	s2 =	sld [smem:$0x3FA2]  }
0x29: {  	s4 =	sld [smem:$0x3FA4]  }
0x2a: {  	p0 =	seq.s32 s5, $0x0;
	s5 =	sld [smem:$0x3FA5]  }
0x2b: {  	s6 =	sld [smem:$0x3FA6]  }
0x2c: {  	s7 =	sld [smem:$0x3FA7]  }
0x2d: {  	s3 =	simm.s32 $0x108;
	s8 =	sld [smem:$0x3FA8]  }
0x2e: {  	s3 =	simm.s32 @!p0 $0x1082;
	s9 =	sld [smem:$0x3FA9]  }
0x2f: {  	lr =	sadd.s32 s0, s3;
	s0 =	sld [smem:$0x3FA0]  }
0x30: {  	s3 =	sld [smem:$0x3FA3]  }
0x31: {  	[smem:$0x3FAC] =	sst s10  }
0x32: {  	s10 =	sld [smem:$0x3FAA];
	_ =	sdelay $0x3  }
0x33: {  	p0 =	seq.s32 s10, $0x1;
	s10 =	sld [smem:$0x3FAC];
	_ =	sdelay $0x3  }
0x34: {  	[smem:$0x3FAC] =	sst s10  }
0x35: {  	s10 =	sld [smem:$0x3FAB];
	_ =	sdelay $0x3  }
0x36: {  	p1 =	seq.s32 s10, $0x1;
	s10 =	sld [smem:$0x3FAC];
	_ =	sdelay $0x3  }
0x37: {  	[smem:$0x3FAC] =	sst s10  }
0x38: {  	s10 =	sld [smem:$0x3FAD]  }
0x39: {  	_ = 	snop;
	(pc) =	sbr.ind lr, $3  }
0x3a: {  	_ = 	snop  }
0x3b: {  	_ = 	snop  }
0x3c: {  	p2 =	seq.s32 s10, $0x1;
	s10 =	sld [smem:$0x3FAC]  }
0x3d: {  	_ =	shalt  }
0x3e: {  	_ =	shalt  }
0x3f: {  	_ =	shalt  }
0x40: {  	_ =	shalt  }
0x41: {  	_ =	shalt  }
0x42: {  	_ =	shalt  }
0x43: {  	_ =	shalt  }
0x44: {  	_ =	shalt  }
0x45: {  	_ =	shalt  }
0x46: {  	_ =	shalt  }
0x47: {  	_ =	shalt  }
0x48: {  	_ =	shalt  }
0x49: {  	_ =	shalt  }
0x4a: {  	_ =	shalt  }
0x4b: {  	_ =	shalt  }
0x4c: {  	_ =	shalt  }
0x4d: {  	_ =	shalt  }
0x4e: {  	_ =	shalt  }
0x4f: {  	_ =	shalt  }
0x50: {  	_ =	shalt  }
0x51: {  	_ =	shalt  }
0x52: {  	_ =	shalt  }
0x53: {  	_ =	shalt  }
0x54: {  	_ =	shalt  }
0x55: {  	_ =	shalt  }
0x56: {  	_ =	shalt  }
0x57: {  	_ =	shalt  }
0x58: {  	_ =	shalt  }
0x59: {  	_ =	shalt  }
0x5a: {  	_ =	shalt  }
0x5b: {  	_ =	shalt  }
0x5c: {  	_ =	shalt  }
0x5d: {  	_ =	shalt  }
0x5e: {  	_ =	shalt  }
0x5f: {  	_ =	shalt  }
0x60: {  	_ =	shalt  }
0x61: {  	_ =	shalt  }
0x62: {  	_ =	shalt  }
0x63: {  	_ =	shalt  }
0x64: {  	_ =	shalt  }
0x65: {  	_ =	shalt  }
0x66: {  	_ =	shalt  }
0x67: {  	_ =	shalt  }
0x68: {  	_ =	shalt  }
0x69: {  	_ =	shalt  }
0x6a: {  	_ =	shalt  }
0x6b: {  	_ =	shalt  }
0x6c: {  	_ =	shalt  }
0x6d: {  	_ =	shalt  }
0x6e: {  	_ =	shalt  }
0x6f: {  	_ =	shalt  }
0x70: {  	_ =	shalt  }
0x71: {  	_ =	shalt  }
0x72: {  	_ =	shalt  }
0x73: {  	_ =	shalt  }
0x74: {  	_ =	shalt  }
0x75: {  	_ =	shalt  }
0x76: {  	_ =	shalt  }
0x77: {  	_ =	shalt  }
0x78: {  	_ =	shalt  }
0x79: {  	_ =	shalt  }
0x7a: {  	_ =	shalt  }
0x7b: {  	_ =	shalt  }
0x7c: {  	_ =	shalt  }
0x7d: {  	_ =	shalt  }
0x7e: {  	_ =	shalt  }
0x7f: {  	_ =	shalt  }
0x80: {  	_ =	shalt  }
0x81: {  	_ =	shalt  }
0x82: {  	_ =	shalt  }
0x83: {  	_ =	shalt  }
0x84: {  	_ =	shalt  }
0x85: {  	_ =	shalt  }
0x86: {  	_ =	shalt  }
0x87: {  	_ =	shalt  }
.Lfunc_end0:
.L_simem_size_0:
called_computation_lowered:
.L_overlay_start_0:
0x88: {  	s2 =	sld [smem:$0x3FD9]  }
0x89: {  	s3 =	sld [smem:$0x3FFE];
	_ =	sdelay $0x1  }
0x8a: {  	s1 =	srdreg.scid  }
0x8b: {  	s0 =	sand.u32 $0x1, s1  }
0x8c: {  	s14 =	sshll.u32 s0, $0xA;
	s2 =	sadd.s32 s3, s2  }
0x8d: {  	s2 =	sadd.s32 s2, s14  }
0x8e: {  	[smem:$0x3FB8] =	sst s2  }
0x8f: {  	_ = 	snop  }
0x90: {  	s2 =	sld [smem:$0x3FD0];
	_ =	sdelay $0x2  }
0x91: {  	s15 =	simm.s32 $0xA;
	s4 =	simm.s32 $0x10  }
0x92: {  	[smem:s4], [sflag:s15] =	dma.local [hbm:s2], $0x1  }
0x93: {  	_ =	swait.eq [sflag:s15], $0x1  }
0x94: {  	[sflag:s15] =	ssyncset.done $0x0  }
0x95: {  	s16 =	sld [smem:$0x10];
	[sflag:s15] =	ssyncadd.s32 $0xFFFFFFFF  }
0x96: {  	s17 =	sld [smem:$0x11];
	(tm) =	ssettm $0x1  }
0x97: {  	s18 =	sld [smem:$0x3FFB];
	_ =	sdelay $0x3  }
0x98: {  	_ =	strace s18  }
0x99: {  	s4 =	sld [smem:$0x3FFC];
	_ =	sdelay $0x3  }
0x9a: {  	_ =	strace s4  }
0x9b: {  	s4 =	sld [smem:$0x3FFD];
	_ =	sdelay $0x3  }
0x9c: {  	_ =	strace s4  }
0x9d: {  	_ =	strace $0x8FFFFFFF  }
0x9e: {  	s19 =	sld [smem:$0x3FDB];
	_ =	sdelay $0x1  }
0x9f: {  	s5 =	simm.s32 $_scs_section_size  }
0xa0: {  	s6 =	simm.s32 $_size__tile_overlayer_lowered;
	s7 =	simm.s32 $_tile_overlayer_lowered  }
0xa1: {  	s22 =	simm.s32 $0x1BFF;
	s21 =	sshll.u32 s7, $0x1;
	s4 =	sadd.s32 s5, s19  }
0xa2: {  	s8 =	simm.s32 $0x0;
	s20 =	sshll.u32 s6, $0x1;
	s6 =	sadd.s32 s21, s4  }
0xa3: {  	[timem:s8], [sflag:s22] =	dma.local [hbm:s6], s20  }
0xa4: {  	_ =	swait.ge [sflag:s22], s20  }
0xa5: {  	s5 =	ssub.s32 $0x0, s20;
	[sflag:s22] =	ssyncset.done $0x0  }
0xa6: {  	[sflag:s22] =	ssyncadd.s32 s5;
	_ =	sdelay $0x1  }
0xa7: {  	s23 =	simm.s32 $0x1B8B  }
0xa8: {  	_ =	swait.ge [sflag:s23], $0x1  }
0xa9: {  	[sflag:s23] =	ssyncset.done $0x0  }
0xaa: {  	s25 =	simm.s32 $0x1B8E;
	s24 =	sld [smem:$0x3FFE];
	[sflag:s23] =	ssyncadd.s32 $0xFFFFFFFF  }
0xab: {  	s26 =	simm.s32 $execute0_lowered;
	[smem:$0x3FD2] =	sst s25  }
0xac: {  	s6 =	sshll.u32 s26, $0x1;
	_ =	strace $0x80000046;
	[dreg:$0x1] =	wrdreg $0xFFFFFFFF  }
0xad: {  	s28 =	simm.s32 $_size_execute0_lowered;
	s4 =	sadd.s32 s4, s6;
	[dreg:$0x0] =	wrdreg $0x0  }
0xae: {  	s6 =	sshll.u32 s28, $0x1;
	[dreg:$0x2] =	wrdreg s4  }
0xaf: {  	[dreg:$0x3] =	wrdreg s6  }
0xb0: {  	[dreg:$0x4] =	wrdreg $0xC0  }
0xb1: {  	_ =	task [dreg:s8], $0x5FFFF  }
0xb2: {  	[dreg:$0x1] =	wrdreg $0xFFFFFFFF  }
0xb3: {  	[dreg:$0x0] =	wrdreg $0x60  }
0xb4: {  	[dreg:$0x2] =	wrdreg s17  }
0xb5: {  	[dreg:$0x3] =	wrdreg s16  }
0xb6: {  	[dreg:$0x4] =	wrdreg s24  }
0xb7: {  	[dreg:$0x5] =	wrdreg $0x19000  }
0xb8: {  	[dreg:$0x6] =	wrdreg $0x9  }
0xb9: {  	_ =	task.clear_ibuf [dreg:s8], $0x7FFFF;
	_ =	strace $0x90000046  }
0xba: {  	s29 =	simm.s32 $0x9;
	_ =	strace $0x80000048  }
0xbb: {  	_ =	swait.ge [sflag:s29], $0x1  }
0xbc: {  	[sflag:s29] =	ssyncadd.s32 $0xFFFFFFFF  }
0xbd: {  	_ =	strace $0x90000048  }
0xbe: {  	_ =	sfence  }
0xbf: {  	s30 =	sld [smem:$0x0];
	_ =	sdelay $0x2  }
0xc0: {  	s31 =	sshll.u32 s1, $0xD;
	s1 =	sshrl.u32 s1, $0x2  }
0xc1: {  	s3 =	sand.u32 $0x4000, s31;
	s1 =	sadd.s32 s1, s30  }
0xc2: {  	s0 =	sor.u32 s3, s0;
	s1 =	sshll.u32 s1, $0x11  }
0xc3: {  	s0 =	sor.u32 s1, s0  }
0xc4: {  	s0 =	sadd.s32 $0x8F2B, s0  }
0xc5: {  	[sflag:s0] =	ssyncadd.remote.s32 $0x1  }
0xc6: {  	_ =	sfence.sel $0xFFFF  }
0xc7: {  	[dreg:$0x0] =	wrdreg $0xFFFFFFFF;
	(pc) =	sbr.abs _section_cstart, $3  }
0xc8: {  	[dreg:$0x1] =	wrdreg $0xFFFFFFFF  }
0xc9: {  	_ =	task.clear_ibuf [dreg:s8], $0x2FFFF;
	_ =	strace $0x9FFFFFFF  }
0xca: {  	(tm) =	ssettm $0x7FFFFFFF  }
0xcb: {  	_ =	shalt  }
tec
execute0_lowered:
.L_overlay_start_1:
0x0: {  	(tag) =	ssettag $0x1  }
0x1: {  	s1 =	rddreg [dreg:$0x0]  }
0x2: {  	s2 =	rddreg [dreg:$0x1]  }
0x3: {  	s10 =	rddreg [dreg:$0x2]  }
0x4: {  	s3 =	rddreg [dreg:$0x3];
	s4 =	srdreg.scid  }
0x5: {  	s0 =	rddreg [dreg:$0x4];
	s5 =	stileid.u32  }
0x6: {  	s15 =	simm.s32 $0x80;
	s16 =	simm.s32 $0x100;
	s17 =	simm.s32 $0x900  }
0x7: {  	s18 =	simm.s32 $0x1;
	s19 =	simm.s32 $0x2;
	s20 =	simm.s32 $0x1100  }
0x8: {  	s22 =	simm.s32 $0x3;
	s23 =	simm.s32 $0x0;
	s11 =	sand.u32 $0x1, s4  }
0x9: {  	s4 =	simm.s32 $0x0;
	s9 =	smul.u32 $0x140, s5;
	s6 =	sadd.s32 $0xDA00, s10  }
0xa: {  	s7 =	sadd.s32 $0x3800, s10;
	p1 =	slt.u32 s5, $0x8;
	p2 =	sgt.u32 s5, $0x7  }
0xb: {  	s8 =	smul.u32 $0x1400, s11;
	[smem:$0x7FF] =	sst s4;
	s14 =	ssub.s32 $0x2, s11  }
0xc: {  	p0 =	seq.s32 s11, $0x0;
	p6 =	seq.s32 s11, $0x1;
	_ =	strace $0x80000047  }
0xd: {  	p0 =	por !p0, !p1;
	s30 =	sshrl.u32 s14, $0x1;
	p1 =	por !p2, !p6  }
0xe: {  	s12 =	sadd.s32 s9, s8;
	s8 =	sadd.s32 $0xB7C00, s10;
	s9 =	sadd.s32 $0xBCC00, s10  }
0xf: {  	s31 =	ssub.s32 s14, s30;
	p0 =	por !p0, !p0;
	p1 =	por !p1, !p1  }
0x10: {  	s14 =	simm.s32 $0x4;
	s13 =	sshll.u32 s12, $0x1;
	p1 =	por p0, p1  }
0x11: {  	s12 =	sshll.u32 s12, $0x4;
	p0 =	sne.s32 s5, $0x0;
	s29 =	sadd.s32 s13, s10  }
0x12: {  	s10 =	smul.u32 $0x5100, s5;
	s21 =	sadd.s32 s12, s3;
	s12 =	smax.u32 s31, $0x1  }
0x13: {  	s13 =	sshrl.u32 @!p0 s3, $0x3;
	s11 =	sadd.s32 $0x15EC00, s29;
	s21 =	sshrl.u32 s21, $0x3  }
.LBB2_1:
0x14: {  	s24 =	simm.s32 @!p0 $0x1C03  }
0x15: {  	[spmem:s13], [sflag:s24] =	dma.local @!p0 [hbm:s8], $0x5000  }
0x16: {  	s24 =	simm.s32 @!p0 $0x3  }
0x17: {  	_ =	swait.ge @!p0 [sflag:s24], $0x5000  }
0x18: {  	[sflag:s24] =	ssyncset.done @!p0 $0x0  }
0x19: {  	[sflag:s24] =	ssyncadd.s32 @!p0 $0xFFFFB000  }
0x1a: {  	s24 =	simm.s32 $0x0;
	[bflag:$0x0] =	sbarrier.arrive $0xFFFF  }
.LBB2_2:
0x1b: {  	s25 =	sshll.u32 s24, $0x7  }
0x1c: {  	s25 =	sadd.s32 s10, s25  }
0x1d: {  	s26 =	sshrl.u32 s25, $0x3  }
0x1e: {  	s28 =	sadd.s32 s6, s26  }
0x1f: {  	[tilespmem:s4], [sflag:$0x4] =	stream.linear.gather [hbm4b:s28+s4], $0x80, $0x38;
	[tilespmem:$0x4100] =	vst v63  }
0x20: {  	_ =	swait.ge [sflag:s14], $0x80  }
0x21: {  	[sflag:s14] =	ssyncset.done $0x0  }
0x22: {  	s26 =	sadd.s32 s7, s26;
	[sflag:s14] =	ssyncadd.s32 $0xFFFFFF80  }
0x23: {  	[tilespmem:s15], [sflag:$0x4] =	stream.linear.gather [hbm4b:s26+s4], $0x80, $0x38;
	[tilespmem:$0x4100] =	vst v63  }
0x24: {  	_ =	swait.ge [sflag:s14], $0x80  }
0x25: {  	[sflag:s14] =	ssyncset.done $0x0  }
0x26: {  	[sflag:s14] =	ssyncadd.s32 $0xFFFFFF80  }
0x27: {  	[tilespmem:s16], [sflag:$0x1] =	stream.indirect.gather [hbm4b:s1+s15], $0x10, s4, s15, $0xb8;
	[tilespmem:$0x4100] =	vst v63  }
0x28: {  	_ = 	snop  }
0x29: {  	[tilespmem:s17], [sflag:$0x2] =	stream.indirect.gather [hbm4b:s2+s15], $0x10, s15, s15, $0xb8;
	[tilespmem:$0x4100] =	vst v63  }
0x2a: {  	_ =	swait.ge [sflag:s18], $0x800  }
0x2b: {  	[sflag:s18] =	ssyncset.done $0x0  }
0x2c: {  	[sflag:s18] =	ssyncadd.s32 $0xFFFFF800  }
0x2d: {  	_ =	swait.ge [sflag:s19], $0x800  }
0x2e: {  	[sflag:s19] =	ssyncset.done $0x0  }
0x2f: {  	s29 =	simm.s32 $0x120;
	[sflag:s19] =	ssyncadd.s32 $0xFFFFF800  }
0x30: {  	s26 =	simm.s32 $0x920;
	v0 =	vld [tilespmem:s29+$0xFFFFFFE0]  }
0x31: {  	v1 =	vld [tilespmem:s26+$0xFFFFFFE0];
	_ =	sdelay $0x4  }
0x32: {  	v0 =	vadd.f32 v1, v0;
	_ =	sdelay $0x1  }
0x33: {  	v1 =	vmul.f32 $2.000000030e-01, v0  }
0x34: {  	vm0 =	vge.f32 v0, $0.0e+00  }
0x35: {  	v0 =	vsel vm0, v0, v1  }
0x36: {  	v0 =	vmul.f32 $1.442695020e+00, v0;
	_ =	sdelay $0x1  }
0x37: {  	(erf) = vpow2.f32 v0;
	_ =	sdelay $0x8  }
0x38: {  	s28 =	simm.s32 $0x1120;
	v0 =	vpop (erf)  }
0x39: {  	[tilespmem:s28+$0xFFFFFFE0] =	vst v0  }
0x3a: {  	v0 =	vld [tilespmem:s29+$0xFFFFFFF0]  }
0x3b: {  	v61 =	vld [tilespmem:s26+$0xFFFFFFF0];
	_ =	sdelay $0x4  }
0x3c: {  	v0 =	vadd.f32 v61, v0;
	_ =	sdelay $0x1  }
0x3d: {  	v1 =	vmul.f32 $2.000000030e-01, v0  }
0x3e: {  	vm13 =	vge.f32 v0, $0.0e+00  }
0x3f: {  	v0 =	vsel vm13, v0, v1  }
0x40: {  	v0 =	vmul.f32 $1.442695020e+00, v0;
	_ =	sdelay $0x1  }
0x41: {  	(erf) = vpow2.f32 v0;
	_ =	sdelay $0x8  }
0x42: {  	v0 =	vpop (erf)  }
0x43: {  	[tilespmem:s28+$0xFFFFFFF0] =	vst v0  }
0x44: {  	v0 =	vld [tilespmem:s29+$0x0]  }
0x45: {  	v62 =	vld [tilespmem:s26+$0x0];
	_ =	sdelay $0x4  }
0x46: {  	v0 =	vadd.f32 v62, v0;
	_ =	sdelay $0x1  }
0x47: {  	v1 =	vmul.f32 $2.000000030e-01, v0  }
0x48: {  	vm14 =	vge.f32 v0, $0.0e+00  }
0x49: {  	v0 =	vsel vm14, v0, v1  }
0x4a: {  	v0 =	vmul.f32 $1.442695020e+00, v0;
	_ =	sdelay $0x1  }
0x4b: {  	(erf) = vpow2.f32 v0;
	_ =	sdelay $0x8  }
0x4c: {  	v0 =	vpop (erf)  }
0x4d: {  	[tilespmem:s28+$0x0] =	vst v0  }
0x4e: {  	v0 =	vld [tilespmem:s29+$0x10]  }
0x4f: {  	v63 =	vld [tilespmem:s26+$0x10];
	_ =	sdelay $0x4  }
0x50: {  	v0 =	vadd.f32 v63, v0;
	_ =	sdelay $0x1  }
0x51: {  	v1 =	vmul.f32 $2.000000030e-01, v0  }
0x52: {  	vm15 =	vge.f32 v0, $0.0e+00  }
0x53: {  	v0 =	vsel vm15, v0, v1  }
0x54: {  	v0 =	vmul.f32 $1.442695020e+00, v0;
	_ =	sdelay $0x1  }
0x55: {  	(erf) = vpow2.f32 v0;
	_ =	sdelay $0x5  }
0x56: {  	s31 =	simm.s32 $0x160;
	s30 =	simm.s32 $0x1120;
	s29 =	simm.s32 $0x0  }
.LBB2_3:
0x57: {  	s29 =	sadd.s32 $0x4, s29;
	s28 =	sadd.s32 $0x40, s28;
	s26 =	sadd.s32 $0x40, s26  }
0x58: {  	p2 =	slt.u32 s29, $0x7C  }
0x59: {  	v0 =	vpop (erf)  }
0x5a: {  	[tilespmem:s30+$0x10] =	vst v0;
	s30 =	smov.u32 s28  }
0x5b: {  	v0 =	vld [tilespmem:s31+$0xFFFFFFE0]  }
0x5c: {  	v1 =	vld [tilespmem:s26+$0xFFFFFFE0];
	_ =	sdelay $0x4  }
0x5d: {  	v0 =	vadd.f32 v1, v0;
	_ =	sdelay $0x1  }
0x5e: {  	v1 =	vmul.f32 $2.000000030e-01, v0  }
0x5f: {  	vm0 =	vge.f32 v0, $0.0e+00  }
0x60: {  	v0 =	vsel vm0, v0, v1  }
0x61: {  	v0 =	vmul.f32 $1.442695020e+00, v0;
	_ =	sdelay $0x1  }
0x62: {  	(erf) = vpow2.f32 v0;
	_ =	sdelay $0x8  }
0x63: {  	v0 =	vpop (erf)  }
0x64: {  	[tilespmem:s28+$0xFFFFFFE0] =	vst v0  }
0x65: {  	v0 =	vld [tilespmem:s31+$0xFFFFFFF0]  }
0x66: {  	v1 =	vld [tilespmem:s26+$0xFFFFFFF0];
	_ =	sdelay $0x4  }
0x67: {  	v0 =	vadd.f32 v1, v0;
	_ =	sdelay $0x1  }
0x68: {  	vm0 =	vge.f32 v0, $0.0e+00;
	v1 =	vmul.f32 $2.000000030e-01, v0;
	_ =	sdelay $0x1  }
0x69: {  	v0 =	vsel vm0, v0, v1  }
0x6a: {  	v0 =	vmul.f32 $1.442695020e+00, v0;
	_ =	sdelay $0x1  }
0x6b: {  	(erf) = vpow2.f32 v0;
	_ =	sdelay $0x8  }
0x6c: {  	v0 =	vpop (erf)  }
0x6d: {  	[tilespmem:s28+$0xFFFFFFF0] =	vst v0  }
0x6e: {  	v0 =	vld [tilespmem:s31+$0x0]  }
0x6f: {  	v1 =	vld [tilespmem:s26+$0x0];
	_ =	sdelay $0x4  }
0x70: {  	v0 =	vadd.f32 v1, v0;
	_ =	sdelay $0x1  }
0x71: {  	vm0 =	vge.f32 v0, $0.0e+00;
	v1 =	vmul.f32 $2.000000030e-01, v0;
	_ =	sdelay $0x1  }
0x72: {  	v0 =	vsel vm0, v0, v1  }
0x73: {  	v0 =	vmul.f32 $1.442695020e+00, v0;
	_ =	sdelay $0x1  }
0x74: {  	(erf) = vpow2.f32 v0;
	_ =	sdelay $0x8  }
0x75: {  	v0 =	vpop (erf)  }
0x76: {  	[tilespmem:s28+$0x0] =	vst v0  }
0x77: {  	v0 =	vld [tilespmem:s31+$0x10]  }
0x78: {  	v1 =	vld [tilespmem:s26+$0x10];
	_ =	sdelay $0x4  }
0x79: {  	v0 =	vadd.f32 v1, v0;
	_ =	sdelay $0x1  }
0x7a: {  	vm0 =	vge.f32 v0, $0.0e+00;
	v1 =	vmul.f32 $2.000000030e-01, v0;
	_ =	sdelay $0x1  }
0x7b: {  	v0 =	vsel vm0, v0, v1  }
0x7c: {  	v0 =	vmul.f32 $1.442695020e+00, v0;
	_ =	sdelay $0x1  }
0x7d: {  	(erf) = vpow2.f32 v0;
	_ =	sdelay $0x1  }
.Ltmp0:
0x7e: {  	(pc) =	sbr.rel @p2 .LBB2_3-.Ltmp0, $2  }
0x7f: {  	_ =	sdelay $0x2  }
0x80: {  	s31 =	sadd.s32 $0x40, s31  }
0x81: {  	_ =	sdelay $0x1  }
0x82: {  	v0 =	vpop (erf)  }
0x83: {  	[tilespmem:s30+$0x10] =	vst v0  }
0x84: {  	[spmem:s3] =	stream.indirect.scatter.add.f32 [tilespmem:s20], [sflag:$0x4], $0x10, s15, s15, $0xb8;
	[tilespmem:$0x4100] =	vst v63  }
0x85: {  	s25 =	sshll.u32 @p1 s25, $0x1;
	s26 =	simm.s32 @p1 $0x0;
	_ =	swait.ge [sflag:s14], $0x800  }
0x86: {  	s28 =	simm.s32 @p1 $0x1100;
	s24 =	sadd.s32 $0x1, s24;
	[sflag:s14] =	ssyncset.done $0x0  }
0x87: {  	s25 =	sadd.s32 @p1 s9, s25;
	p2 =	sne.s32 s24, $0xA2;
	[sflag:s14] =	ssyncadd.s32 $0xFFFFF800  }
0x88: {  	[hbm4b:s25+s26] =	stream.linear.scatter @p1 [tilespmem:s28], [sflag:$0x3], $0x800, $0x38;
	[tilespmem:$0x4100] =	vst v63  }
.Ltmp1:
0x89: {  	_ = 	snop;
	(pc) =	sbr.rel @p2 .LBB2_2-.Ltmp1, $4  }
0x8a: {  	s25 =	simm.s32 @p1 $0x3  }
0x8b: {  	_ =	swait.ge @p1 [sflag:s25], $0x800  }
0x8c: {  	[sflag:s25] =	ssyncset.done @p1 $0x0  }
0x8d: {  	[sflag:s25] =	ssyncadd.s32 @p1 $0xFFFFF800  }
0x8e: {  	s23 =	sadd.s32 $0x1, s23  }
0x8f: {  	s24 =	sshll.u32 s5, $0x6;
	p2 =	sne.s32 s23, s12  }
.Ltmp2:
0x90: {  	[bflag:$0x0] =	sbarrier.arrive $0xFFFF;
	s24 =	sor.u32 $0x1C03, s24;
	(pc) =	sbr.rel @p2 .LBB2_1-.Ltmp2, $4  }
0x91: {  	[hbm:s11], [sflag:s24] =	dma.local [spmem:s21], $0x280  }
0x92: {  	_ =	swait.ge [sflag:s22], $0x280  }
0x93: {  	[sflag:s22] =	ssyncset.done $0x0  }
0x94: {  	[sflag:s22] =	ssyncadd.s32 $0xFFFFFD80  }
0x95: {  	_ =	sfence.sel $0x180000  }
0x96: {  	[bflag:$0x0] =	sbarrier.arrive $0xFFFF  }
0x97: {  	_ =	strace $0x90000047  }
0x98: {  	s0 =	sadd.s32 @!p0 $0x100000, s0;
	[bflag:$0x2] =	sbarrier.arrive $0xFFFF  }
0x99: {  	[sflag:s0] =	ssyncadd.tile.s32 @!p0 $0x1;
	_ =	shalt  }
.Lfunc_end2:
_tile_overlayer_lowered:
.L_overlay_start_2:
0x9a: {  	(tag) =	ssettag $0x2  }
0x9b: {  	s0 =	rddreg [dreg:$0x0];
	s2 =	stileid.u32  }
0x9c: {  	s1 =	rddreg [dreg:$0x1];
	p0 =	sne.s32 s2, $0x0  }
0x9d: {  	s3 =	rddreg [dreg:$0x2];
	[bflag:$0x3] =	sbarrier.arrive $0xFFFF;
	s2 =	simm.s32 @!p0 $0x1C03  }
0x9e: {  	[timem:s3], [sflag:s2] =	dma.local @!p0 [hbm:s0], s1  }
0x9f: {  	s0 =	simm.s32 @!p0 $0x3  }
0xa0: {  	_ =	swait.ge @!p0 [sflag:s0], s1  }
0xa1: {  	s1 =	ssub.s32 @!p0 $0x0, s1;
	[sflag:s0] =	ssyncset.done @!p0 $0x0  }
0xa2: {  	[sflag:s0] =	ssyncadd.s32 @!p0 s1  }
0xa3: {  	[bflag:$0x3] =	sbarrier.arrive $0xFFFF  }
0xa4: {  	_ =	shalt  }

// kernel: kernel.14.cloned.1.call-start
scs
__scs_entry_jumppad:
0x0: {  	(pc) =	sbr.rel $0x88, $3  }
0x1: {  	(tag) =	ssettag $0x0;
	lr =	simm.s32 $0x1  }
0x2: {  	[smem:$0x3F91] =	sst lr;
	_ =	strace $0xD0000000  }
0x3: {  	_ = 	snop  }
0x4: {  	_ = 	snop  }
0x5: {  	_ = 	snop  }
0x6: {  	_ = 	snop  }
0x7: {  	_ = 	snop  }
__scs_overlays_trampoline_lowered:
0x8: {  	[smem:$0x3FA0] =	sst s0  }
0x9: {  	[smem:$0x3FA1] =	sst s1  }
0xa: {  	[smem:$0x3FA2] =	sst s2  }
0xb: {  	[smem:$0x3FA3] =	sst s3  }
0xc: {  	[smem:$0x3FA4] =	sst s4  }
0xd: {  	[smem:$0x3FA5] =	sst s5  }
0xe: {  	[smem:$0x3FA6] =	sst s6  }
0xf: {  	[smem:$0x3FA7] =	sst s7  }
0x10: {  	[smem:$0x3FA8] =	sst s8  }
0x11: {  	[smem:$0x3FA9] =	sst s9;
	s0 =	simm.s32 @!p0 $0x0  }
0x12: {  	s1 =	sld [smem:$0x3F8F];
	s0 =	simm.s32 @p0 $0x1  }
0x13: {  	[smem:$0x3FAA] =	sst s0;
	s0 =	simm.s32 @!p1 $0x0  }
0x14: {  	s2 =	sld [smem:$0x3F8E];
	s0 =	simm.s32 @p1 $0x1  }
0x15: {  	[smem:$0x3FAB] =	sst s0;
	s0 =	simm.s32 @!p2 $0x0  }
0x16: {  	s3 =	sld [smem:$0x3FDB];
	s0 =	simm.s32 @p2 $0x1  }
0x17: {  	s4 =	simm.s32 $0x1BF5;
	[smem:$0x3FAD] =	sst s0  }
0x18: {  	s0 =	sld [smem:$0x3F90];
	_ =	swait.ge [sflag:s4], $0x0  }
0x19: {  	s7 =	sld [smem:$0x3F91]  }
0x1a: {  	s8 =	sadd.s32 $0xFFFFE003, lr  }
0x1b: {  	s9 =	sadd.s32 $0xFFFFFEF7, lr;
	s5 =	simm.s32 $0xFFFFFFFF;
	p2 =	slt.u32 s8, $0xFFFFF086  }
0x1c: {  	p1 =	slt.u32 s9, $0xF7A;
	s5 =	simm.s32 @!p2 $0x0  }
0x1d: {  	s5 =	simm.s32 @p1 $0x1;
	p0 =	seq.s32 s7, s2  }
0x1e: {  	s7 =	smul.u32 @!p0 $0xF7A, s2;
	p2 =	seq.s32 @!p0 s5, $0x0  }
0x1f: {  	s9 =	smul.u32 $0xF7A, s1;
	s8 =	simm.s32 @!p0 $0x1BF5;
	p2 =	por !p2, p0  }
0x20: {  	[sflag:s8] =	ssyncset.s32 @!p0 $0xFFFFF086;
	s6 =	sadd.s32 @!p0 s3, s7;
	s7 =	simm.s32 @!p0 $0x108  }
0x21: {  	s3 =	sadd.s32 s3, s9;
	s6 =	sadd.s32 @!p0 $0x88, s6;
	s7 =	simm.s32 @p2 $0x1082  }
0x22: {  	[simem:s7], [sflag:s8] =	dma.local @!p0 [hbm:s6], $0xF7A  }
0x23: {  	s9 =	sor.u32 $0xD0000000, s2;
	s6 =	simm.s32 $0x108;
	_ =	swait.ge @!p0 [sflag:s8], $0x0  }
0x24: {  	s3 =	sadd.s32 $0x88, s3;
	s6 =	simm.s32 @!p1 $0x1082;
	[sflag:s4] =	ssyncset.s32 $0xFFFFF086  }
0x25: {  	[simem:s6], [sflag:s4] =	dma.local [hbm:s3], $0xF7A  }
0x26: {  	[smem:$0x3F91] =	sst s1;
	(tag) =	ssettag s2;
	_ =	strace s9  }
0x27: {  	s1 =	sld [smem:$0x3FA1]  }
0x28: {  	s2 =	sld [smem:$0x3FA2]  }
0x29: {  	s4 =	sld [smem:$0x3FA4]  }
0x2a: {  	p0 =	seq.s32 s5, $0x0;
	s5 =	sld [smem:$0x3FA5]  }
0x2b: {  	s6 =	sld [smem:$0x3FA6]  }
0x2c: {  	s7 =	sld [smem:$0x3FA7]  }
0x2d: {  	s3 =	simm.s32 $0x108;
	s8 =	sld [smem:$0x3FA8]  }
0x2e: {  	s3 =	simm.s32 @!p0 $0x1082;
	s9 =	sld [smem:$0x3FA9]  }
0x2f: {  	lr =	sadd.s32 s0, s3;
	s0 =	sld [smem:$0x3FA0]  }
0x30: {  	s3 =	sld [smem:$0x3FA3]  }
0x31: {  	[smem:$0x3FAC] =	sst s10  }
0x32: {  	s10 =	sld [smem:$0x3FAA];
	_ =	sdelay $0x3  }
0x33: {  	p0 =	seq.s32 s10, $0x1;
	s10 =	sld [smem:$0x3FAC];
	_ =	sdelay $0x3  }
0x34: {  	[smem:$0x3FAC] =	sst s10  }
0x35: {  	s10 =	sld [smem:$0x3FAB];
	_ =	sdelay $0x3  }
0x36: {  	p1 =	seq.s32 s10, $0x1;
	s10 =	sld [smem:$0x3FAC];
	_ =	sdelay $0x3  }
0x37: {  	[smem:$0x3FAC] =	sst s10  }
0x38: {  	s10 =	sld [smem:$0x3FAD]  }
0x39: {  	_ = 	snop;
	(pc) =	sbr.ind lr, $3  }
0x3a: {  	_ = 	snop  }
0x3b: {  	_ = 	snop  }
0x3c: {  	p2 =	seq.s32 s10, $0x1;
	s10 =	sld [smem:$0x3FAC]  }
0x3d: {  	_ =	shalt  }
0x3e: {  	_ =	shalt  }
0x3f: {  	_ =	shalt  }
0x40: {  	_ =	shalt  }
0x41: {  	_ =	shalt  }
0x42: {  	_ =	shalt  }
0x43: {  	_ =	shalt  }
0x44: {  	_ =	shalt  }
0x45: {  	_ =	shalt  }
0x46: {  	_ =	shalt  }
0x47: {  	_ =	shalt  }
0x48: {  	_ =	shalt  }
0x49: {  	_ =	shalt  }
0x4a: {  	_ =	shalt  }
0x4b: {  	_ =	shalt  }
0x4c: {  	_ =	shalt  }
0x4d: {  	_ =	shalt  }
0x4e: {  	_ =	shalt  }
0x4f: {  	_ =	shalt  }
0x50: {  	_ =	shalt  }
0x51: {  	_ =	shalt  }
0x52: {  	_ =	shalt  }
0x53: {  	_ =	shalt  }
0x54: {  	_ =	shalt  }
0x55: {  	_ =	shalt  }
0x56: {  	_ =	shalt  }
0x57: {  	_ =	shalt  }
0x58: {  	_ =	shalt  }
0x59: {  	_ =	shalt  }
0x5a: {  	_ =	shalt  }
0x5b: {  	_ =	shalt  }
0x5c: {  	_ =	shalt  }
0x5d: {  	_ =	shalt  }
0x5e: {  	_ =	shalt  }
0x5f: {  	_ =	shalt  }
0x60: {  	_ =	shalt  }
0x61: {  	_ =	shalt  }
0x62: {  	_ =	shalt  }
0x63: {  	_ =	shalt  }
0x64: {  	_ =	shalt  }
0x65: {  	_ =	shalt  }
0x66: {  	_ =	shalt  }
0x67: {  	_ =	shalt  }
0x68: {  	_ =	shalt  }
0x69: {  	_ =	shalt  }
0x6a: {  	_ =	shalt  }
0x6b: {  	_ =	shalt  }
0x6c: {  	_ =	shalt  }
0x6d: {  	_ =	shalt  }
0x6e: {  	_ =	shalt  }
0x6f: {  	_ =	shalt  }
0x70: {  	_ =	shalt  }
0x71: {  	_ =	shalt  }
0x72: {  	_ =	shalt  }
0x73: {  	_ =	shalt  }
0x74: {  	_ =	shalt  }
0x75: {  	_ =	shalt  }
0x76: {  	_ =	shalt  }
0x77: {  	_ =	shalt  }
0x78: {  	_ =	shalt  }
0x79: {  	_ =	shalt  }
0x7a: {  	_ =	shalt  }
0x7b: {  	_ =	shalt  }
0x7c: {  	_ =	shalt  }
0x7d: {  	_ =	shalt  }
0x7e: {  	_ =	shalt  }
0x7f: {  	_ =	shalt  }
0x80: {  	_ =	shalt  }
0x81: {  	_ =	shalt  }
0x82: {  	_ =	shalt  }
0x83: {  	_ =	shalt  }
0x84: {  	_ =	shalt  }
0x85: {  	_ =	shalt  }
0x86: {  	_ =	shalt  }
0x87: {  	_ =	shalt  }
.Lfunc_end0:
.L_simem_size_0:
called_computation.1_lowered:
.L_overlay_start_0:
0x88: {  	s2 =	sld [smem:$0x3FD9]  }
0x89: {  	s3 =	sld [smem:$0x3FFE];
	_ =	sdelay $0x1  }
0x8a: {  	s1 =	srdreg.scid  }
0x8b: {  	s0 =	sand.u32 $0x1, s1  }
0x8c: {  	s16 =	sshll.u32 s0, $0xA;
	s2 =	sadd.s32 s3, s2  }
0x8d: {  	s2 =	sadd.s32 s2, s16  }
0x8e: {  	[smem:$0x3FB8] =	sst s2  }
0x8f: {  	_ = 	snop  }
0x90: {  	(tm) =	ssettm $0x1  }
0x91: {  	s17 =	sld [smem:$0x3FFB];
	_ =	sdelay $0x3  }
0x92: {  	_ =	strace s17  }
0x93: {  	s2 =	sld [smem:$0x3FFC];
	_ =	sdelay $0x3  }
0x94: {  	_ =	strace s2  }
0x95: {  	s2 =	sld [smem:$0x3FFD];
	_ =	sdelay $0x3  }
0x96: {  	_ =	strace s2  }
0x97: {  	_ =	strace $0x8FFFFFFF  }
0x98: {  	s18 =	sld [smem:$0x3FDB];
	_ =	sdelay $0x1  }
0x99: {  	s19 =	simm.s32 $_scs_section_size  }
0x9a: {  	s4 =	simm.s32 $_size__tile_overlayer_lowered;
	s5 =	simm.s32 $_tile_overlayer_lowered  }
0x9b: {  	s22 =	simm.s32 $0x1BFF;
	s21 =	sshll.u32 s5, $0x1;
	s2 =	sadd.s32 s19, s18  }
0x9c: {  	s6 =	simm.s32 $0x0;
	s20 =	sshll.u32 s4, $0x1;
	s4 =	sadd.s32 s21, s2  }
0x9d: {  	[timem:s6], [sflag:s22] =	dma.local [hbm:s4], s20  }
0x9e: {  	_ =	swait.ge [sflag:s22], s20  }
0x9f: {  	s3 =	ssub.s32 $0x0, s20;
	[sflag:s22] =	ssyncset.done $0x0  }
0xa0: {  	[sflag:s22] =	ssyncadd.s32 s3;
	_ =	sdelay $0x1  }
0xa1: {  	s23 =	simm.s32 $0x1B8B  }
0xa2: {  	_ =	swait.ge [sflag:s23], $0x1  }
0xa3: {  	[sflag:s23] =	ssyncset.done $0x0  }
0xa4: {  	s25 =	simm.s32 $0x1B8E;
	s24 =	sld [smem:$0x3FFE];
	[sflag:s23] =	ssyncadd.s32 $0xFFFFFFFF  }
0xa5: {  	s26 =	simm.s32 $execute0_lowered;
	[smem:$0x3FD2] =	sst s25  }
0xa6: {  	s4 =	sshll.u32 s26, $0x1;
	_ =	strace $0x80000049;
	[dreg:$0x1] =	wrdreg $0xFFFFFFFF  }
0xa7: {  	s28 =	simm.s32 $_size_execute0_lowered;
	s2 =	sadd.s32 s2, s4;
	[dreg:$0x0] =	wrdreg $0x0  }
0xa8: {  	s4 =	sshll.u32 s28, $0x1;
	[dreg:$0x2] =	wrdreg s2  }
0xa9: {  	[dreg:$0x3] =	wrdreg s4  }
0xaa: {  	[dreg:$0x4] =	wrdreg $0xC0  }
0xab: {  	_ =	task [dreg:s6], $0x5FFFF  }
0xac: {  	[dreg:$0x1] =	wrdreg $0xFFFFFFFF  }
0xad: {  	[dreg:$0x0] =	wrdreg $0x60  }
0xae: {  	[dreg:$0x2] =	wrdreg s24  }
0xaf: {  	[dreg:$0x3] =	wrdreg $0x51000  }
0xb0: {  	[dreg:$0x4] =	wrdreg $0x9  }
0xb1: {  	_ =	task.clear_ibuf [dreg:s6], $0x5FFFF;
	_ =	strace $0x90000049  }
0xb2: {  	s29 =	simm.s32 $0x9;
	_ =	strace $0x8000004B  }
0xb3: {  	_ =	swait.ge [sflag:s29], $0x1  }
0xb4: {  	[sflag:s29] =	ssyncadd.s32 $0xFFFFFFFF  }
0xb5: {  	_ =	strace $0x9000004B  }
0xb6: {  	_ =	sfence  }
0xb7: {  	s30 =	sld [smem:$0x0];
	_ =	sdelay $0x2  }
0xb8: {  	s31 =	sshll.u32 s1, $0xD;
	s1 =	sshrl.u32 s1, $0x2  }
0xb9: {  	s3 =	sand.u32 $0x4000, s31;
	s1 =	sadd.s32 s1, s30  }
0xba: {  	s0 =	sor.u32 s3, s0;
	s1 =	sshll.u32 s1, $0x11  }
0xbb: {  	s0 =	sor.u32 s1, s0  }
0xbc: {  	s0 =	sadd.s32 $0x8F2B, s0  }
0xbd: {  	[sflag:s0] =	ssyncadd.remote.s32 $0x1  }
0xbe: {  	_ =	sfence.sel $0xFFFF  }
0xbf: {  	[dreg:$0x0] =	wrdreg $0xFFFFFFFF;
	(pc) =	sbr.abs _section_cstart, $3  }
0xc0: {  	[dreg:$0x1] =	wrdreg $0xFFFFFFFF  }
0xc1: {  	_ =	task.clear_ibuf [dreg:s6], $0x2FFFF;
	_ =	strace $0x9FFFFFFF  }
0xc2: {  	(tm) =	ssettm $0x7FFFFFFF  }
0xc3: {  	_ =	shalt  }
tec
execute0_lowered:
.L_overlay_start_1:
0x0: {  	(tag) =	ssettag $0x1  }
0x1: {  	s0 =	rddreg [dreg:$0x0]  }
0x2: {  	s1 =	rddreg [dreg:$0x1]  }
0x3: {  	s2 =	simm.s32 $0x0;
	s23 =	stileid.u32;
	s9 =	srdreg.scid  }
0x4: {  	s18 =	simm.s32 $0x3;
	s19 =	simm.s32 $0x80;
	s20 =	simm.s32 $0x100  }
0x5: {  	s21 =	simm.s32 $0x4900;
	s25 =	simm.s32 $0x4100;
	s26 =	simm.s32 $0x1  }
0x6: {  	s28 =	simm.s32 $0x2;
	[smem:$0x7FF] =	sst s2;
	s4 =	sadd.s32 $0x17C00, s0  }
0x7: {  	s5 =	sadd.s32 $0xBCC00, s0;
	s3 =	smul.u32 $0x14000, s23;
	s6 =	sadd.s32 $0x15EC00, s0  }
0x8: {  	s7 =	sadd.s32 $0xDA00, s0;
	s8 =	sadd.s32 $0x3800, s0;
	s17 =	sand.u32 $0x1, s9  }
0x9: {  	s9 =	sadd.s32 $0x163C00, s0;
	s10 =	smul.u32 $0x5100, s23;
	s11 =	sadd.s32 $0x3FC00, s0  }
0xa: {  	s29 =	simm.s32 $0x0;
	s22 =	sadd.s32 $0x1B3C00, s0;
	s30 =	sadd.s32 $0x1DBC00, s0  }
0xb: {  	p0 =	sne.s32 s23, $0x0;
	p2 =	seq.s32 s23, $0x0;
	s14 =	ssub.s32 $0x2, s17  }
0xc: {  	_ =	strace $0x8000004A;
	s12 =	sshrl.u32 s3, $0x3;
	s15 =	sshrl.u32 s14, $0x1  }
0xd: {  	s13 =	sadd.s32 s12, s0;
	s16 =	ssub.s32 s14, s15;
	s14 =	sadd.s32 $0x67C00, s0  }
.Ltmp0:
0xe: {  	s15 =	sadd.s32 $0x8FC00, s0;
	s31 =	sadd.s32 s12, s22;
	(pc) =	sbr.rel .LBB2_1-.Ltmp0, $4  }
0xf: {  	s0 =	sadd.s32 $0x203C00, s0;
	s13 =	sadd.s32 $0x18BC00, s13;
	[dreg:$0x5] =	wrdreg s31  }
0x10: {  	v0 =	vimm.s32 $0x0;
	v1 =	vimm.s32 $0x1;
	p1 =	sne.s32 s17, $0x0;
	s0 =	sadd.s32 s12, s0;
	[dreg:$0x3] =	wrdreg s13  }
0x11: {  	v2 =	vimm.s32 $0x4;
	v3 =	vimm.s32 $0x5;
	v4 =	vimm.s32 $0x2;
	s13 =	sadd.s32 s3, s1;
	s3 =	sadd.s32 s12, s30;
	[dreg:$0x6] =	wrdreg s0  }
0x12: {  	v5 =	vimm.s32 $0x3;
	v6 =	vimm.s32 $0x6;
	v7 =	vimm.s32 $0x7;
	s17 =	sshrl.u32 @!p0 s1, $0x3;
	s16 =	smax.u32 s16, $0x1;
	[dreg:$0x4] =	wrdreg s3  }
.LBB2_20:
0x13: {  	s29 =	sadd.s32 $0x1, s29  }
0x14: {  	p3 =	sne.s32 s29, s16  }
.Ltmp1:
0x15: {  	_ =	swait.ge [sflag:s18], $0x2800;
	(pc) =	sbr.rel @!p3 .LBB2_21-.Ltmp1, $3  }
0x16: {  	[sflag:s18] =	ssyncset.done $0x0  }
0x17: {  	[sflag:s18] =	ssyncadd.s32 $0xFFFFD800  }
0x18: {  	[bflag:$0x0] =	sbarrier.arrive $0xFFFF;
	_ =	sdelay $0x1  }
.LBB2_1:
.Ltmp2:
0x19: {  	(pc) =	sbr.rel @p1 .LBB2_11-.Ltmp2, $1  }
0x1a: {  	_ =	sdelay $0x3  }
0x1b: {  	s0 =	simm.s32 @!p0 $0x1C03  }
0x1c: {  	[spmem:s17], [sflag:s0] =	dma.local @!p0 [hbm:s9], $0x28000  }
0x1d: {  	s0 =	simm.s32 @!p0 $0x3  }
0x1e: {  	_ =	swait.ge @!p0 [sflag:s0], $0x28000  }
0x1f: {  	[sflag:s0] =	ssyncset.done @!p0 $0x0  }
0x20: {  	[sflag:s0] =	ssyncadd.s32 @!p0 $0xFFFD8000  }
0x21: {  	s30 =	simm.s32 $0x0;
	[bflag:$0x0] =	sbarrier.arrive $0xFFFF  }
.LBB2_3:
0x22: {  	s0 =	sshll.u32 s30, $0x7  }
0x23: {  	s0 =	sadd.s32 s10, s0  }
0x24: {  	s3 =	sshrl.u32 s0, $0x3  }
0x25: {  	s12 =	sadd.s32 s7, s3  }
0x26: {  	[tilespmem:s2], [sflag:$0x3] =	stream.linear.gather [hbm4b:s12+s2], $0x80, $0x38;
	[tilespmem:$0x19100] =	vst v63  }
0x27: {  	_ =	swait.ge [sflag:s18], $0x80  }
0x28: {  	[sflag:s18] =	ssyncset.done $0x0  }
0x29: {  	s3 =	sadd.s32 s8, s3;
	[sflag:s18] =	ssyncadd.s32 $0xFFFFFF80  }
0x2a: {  	[tilespmem:s19], [sflag:$0x3] =	stream.linear.gather [hbm4b:s3+s2], $0x80, $0x38;
	[tilespmem:$0x19100] =	vst v63  }
0x2b: {  	_ =	swait.ge [sflag:s18], $0x80  }
0x2c: {  	[sflag:s18] =	ssyncset.done $0x0  }
0x2d: {  	[sflag:s18] =	ssyncadd.s32 $0xFFFFFF80  }
0x2e: {  	[tilespmem:s20], [sflag:$0x1] =	stream.indirect.gather [hbm4b:s4+s19], $0x80, s2, s19, $0xb8;
	[tilespmem:$0x19100] =	vst v63  }
0x2f: {  	s0 =	sshll.u32 s0, $0x1  }
0x30: {  	[tilespmem:s21], [sflag:$0x2] =	stream.indirect.gather [hbm4b:s6+s19], $0x10, s19, s19, $0xb8;
	[tilespmem:$0x19100] =	vst v63  }
0x31: {  	s0 =	sadd.s32 s5, s0  }
0x32: {  	[tilespmem:s25], [sflag:$0x3] =	stream.linear.gather [hbm4b:s0+s2], $0x800, $0x38;
	[tilespmem:$0x19100] =	vst v63  }
0x33: {  	_ =	swait.ge [sflag:s18], $0x800  }
0x34: {  	[sflag:s18] =	ssyncset.done $0x0  }
0x35: {  	[sflag:s18] =	ssyncadd.s32 $0xFFFFF800  }
0x36: {  	_ =	swait.ge [sflag:s26], $0x4000  }
0x37: {  	[sflag:s26] =	ssyncset.done $0x0  }
0x38: {  	[sflag:s26] =	ssyncadd.s32 $0xFFFFC000  }
0x39: {  	_ =	swait.ge [sflag:s28], $0x800  }
0x3a: {  	[sflag:s28] =	ssyncset.done $0x0  }
0x3b: {  	s12 =	simm.s32 $0x4910;
	[sflag:s28] =	ssyncadd.s32 $0xFFFFF800  }
0x3c: {  	v8 =	vld [tilespmem:s12+$0xFFFFFFF0];
	_ =	sdelay $0x4  }
0x3d: {  	v8 =	vadd.f32 $1.000000020e-16, v8;
	_ =	sdelay $0x1  }
0x3e: {  	(erf) = vrcp.f32 v8;
	_ =	sdelay $0x3  }
0x3f: {  	s22 =	simm.s32 $0x4110  }
0x40: {  	v8 =	vld [tilespmem:s22+$0xFFFFFFF0];
	_ =	sdelay $0x2  }
0x41: {  	s0 =	simm.s32 $0x180  }
0x42: {  	v9 =	vld [tilespmem:s0+$0xFFFFFFD0];
	v10 =	vpop (erf)  }
0x43: {  	v11 =	vld [tilespmem:s0+$0xFFFFFFB0];
	v8 =	vmul.f32 v10, v8  }
0x44: {  	v10 =	vld [tilespmem:s0+$0xFFFFFF80]  }
0x45: {  	v12 =	vld [tilespmem:s0+$0xFFFFFFE0];
	v13 =	vperm.xlane v8, v1  }
0x46: {  	v15 =	vld [tilespmem:s0+$0xFFFFFFF0];
	v8 =	vperm.xlane v8, v0  }
0x47: {  	v14 =	vld [tilespmem:s0+$0xFFFFFFC0];
	v9 =	vmul.f32 v9, v13  }
0x48: {  	v16 =	vld [tilespmem:s0+$0xFFFFFFA0];
	v11 =	vmul.f32 v11, v8  }
0x49: {  	v17 =	vld [tilespmem:s0+$0xFFFFFF90];
	v10 =	vmul.f32 v10, v8;
	[tilespmem:s0+$0xFFFFFFD0] =	vst v9  }
0x4a: {  	v9 =	vmul.f32 v12, v13;
	[tilespmem:s0+$0xFFFFFFB0] =	vst v11  }
0x4b: {  	v11 =	vmul.f32 v15, v13;
	[tilespmem:s0+$0xFFFFFF80] =	vst v10  }
0x4c: {  	v10 =	vmul.f32 v14, v13;
	[tilespmem:s0+$0xFFFFFFE0] =	vst v9  }
0x4d: {  	v9 =	vmul.f32 v16, v8;
	[tilespmem:s0+$0xFFFFFFF0] =	vst v11  }
0x4e: {  	v8 =	vmul.f32 v17, v8;
	[tilespmem:s0+$0xFFFFFFC0] =	vst v10  }
0x4f: {  	[tilespmem:s0+$0xFFFFFFA0] =	vst v9  }
0x50: {  	[tilespmem:s0+$0xFFFFFF90] =	vst v8  }
0x51: {  	v8 =	vld [tilespmem:s12+$0x0];
	_ =	sdelay $0x4  }
0x52: {  	v9 =	vadd.f32 $1.000000020e-16, v8;
	_ =	sdelay $0x1  }
0x53: {  	(erf) = vrcp.f32 v9;
	_ =	sdelay $0x3  }
0x54: {  	v8 =	vld [tilespmem:s0+$0x60]  }
0x55: {  	s23 =	simm.s32 $0x0;
	s24 =	simm.s32 $0x280;
	v9 =	vld [tilespmem:s22+$0x0]  }
.LBB2_4:
0x56: {  	s23 =	sadd.s32 $0x2, s23;
	v10 =	vld [tilespmem:s0+$0x0];
	s12 =	sadd.s32 $0x20, s12;
	s22 =	sadd.s32 $0x20, s22  }
0x57: {  	p3 =	slt.u32 s23, $0x7E;
	v11 =	vld [tilespmem:s0+$0x50]  }
0x58: {  	v12 =	vld [tilespmem:s0+$0x20]  }
0x59: {  	v13 =	vld [tilespmem:s0+$0x10];
	v14 =	vpop (erf)  }
0x5a: {  	v9 =	vmul.f32 v14, v9;
	v14 =	vld [tilespmem:s0+$0x30]  }
0x5b: {  	v15 =	vld [tilespmem:s0+$0x40]  }
0x5c: {  	v16 =	vperm.xlane v9, v0;
	v9 =	vperm.xlane v9, v1;
	v17 =	vld [tilespmem:s0+$0x70];
	_ =	sdelay $0x1  }
0x5d: {  	v10 =	vmul.f32 v10, v16;
	v13 =	vmul.f32 v13, v16  }
0x5e: {  	v12 =	vmul.f32 v12, v16;
	v14 =	vmul.f32 v14, v16  }
0x5f: {  	v11 =	vmul.f32 v11, v9;
	[tilespmem:s0+$0x0] =	vst v10;
	v10 =	vmul.f32 v15, v9  }
0x60: {  	v8 =	vmul.f32 v8, v9;
	[tilespmem:s0+$0x20] =	vst v12;
	v9 =	vmul.f32 v17, v9  }
0x61: {  	[tilespmem:s0+$0x30] =	vst v14  }
0x62: {  	[tilespmem:s0+$0x40] =	vst v10  }
0x63: {  	[tilespmem:s0+$0x60] =	vst v8  }
0x64: {  	[tilespmem:s0+$0x50] =	vst v11  }
0x65: {  	[tilespmem:s0+$0x10] =	vst v13  }
0x66: {  	[tilespmem:s0+$0x70] =	vst v9;
	s0 =	smov.u32 s24  }
0x67: {  	v8 =	vld [tilespmem:s12+$0xFFFFFFF0];
	_ =	sdelay $0x4  }
0x68: {  	v8 =	vadd.f32 $1.000000020e-16, v8;
	_ =	sdelay $0x1  }
0x69: {  	(erf) = vrcp.f32 v8;
	_ =	sdelay $0x3  }
0x6a: {  	v8 =	vld [tilespmem:s24+$0xFFFFFFF0]  }
0x6b: {  	v9 =	vld [tilespmem:s22+$0xFFFFFFF0]  }
0x6c: {  	v10 =	vld [tilespmem:s24+$0xFFFFFFB0]  }
0x6d: {  	v11 =	vld [tilespmem:s24+$0xFFFFFFC0]  }
0x6e: {  	v12 =	vld [tilespmem:s24+$0xFFFFFFE0]  }
0x6f: {  	v13 =	vld [tilespmem:s24+$0xFFFFFFD0];
	v14 =	vpop (erf)  }
0x70: {  	v9 =	vmul.f32 v14, v9;
	v14 =	vld [tilespmem:s24+$0xFFFFFF80]  }
0x71: {  	v15 =	vld [tilespmem:s24+$0xFFFFFFA0]  }
0x72: {  	v16 =	vperm.xlane v9, v0;
	v9 =	vperm.xlane v9, v1;
	v17 =	vld [tilespmem:s24+$0xFFFFFF90];
	_ =	sdelay $0x1  }
0x73: {  	v13 =	vmul.f32 v13, v9;
	v12 =	vmul.f32 v12, v9  }
0x74: {  	v11 =	vmul.f32 v11, v9;
	v14 =	vmul.f32 v14, v16  }
0x75: {  	v10 =	vmul.f32 v10, v16;
	v15 =	vmul.f32 v15, v16;
	[tilespmem:s24+$0xFFFFFFD0] =	vst v13  }
0x76: {  	v8 =	vmul.f32 v8, v9;
	[tilespmem:s24+$0xFFFFFF80] =	vst v14;
	v13 =	vmul.f32 v17, v16  }
0x77: {  	[tilespmem:s24+$0xFFFFFFB0] =	vst v10  }
0x78: {  	[tilespmem:s24+$0xFFFFFFE0] =	vst v12  }
0x79: {  	[tilespmem:s24+$0xFFFFFFC0] =	vst v11  }
0x7a: {  	[tilespmem:s24+$0xFFFFFFF0] =	vst v8  }
0x7b: {  	[tilespmem:s24+$0xFFFFFFA0] =	vst v15  }
0x7c: {  	[tilespmem:s24+$0xFFFFFF90] =	vst v13  }
0x7d: {  	v8 =	vld [tilespmem:s12+$0x0];
	_ =	sdelay $0x4  }
0x7e: {  	v8 =	vadd.f32 $1.000000020e-16, v8;
	_ =	sdelay $0x1  }
0x7f: {  	(erf) = vrcp.f32 v8  }
.Ltmp3:
0x80: {  	(pc) =	sbr.rel @p3 .LBB2_4-.Ltmp3, $3  }
0x81: {  	_ =	sdelay $0x1  }
0x82: {  	v8 =	vld [tilespmem:s24+$0x60]  }
0x83: {  	s24 =	sadd.s32 $0x100, s24;
	v9 =	vld [tilespmem:s22+$0x0]  }
0x84: {  	_ =	sdelay $0x2  }
0x85: {  	v10 =	vld [tilespmem:s0+$0x0];
	v11 =	vpop (erf)  }
0x86: {  	v12 =	vld [tilespmem:s0+$0x20];
	v9 =	vmul.f32 v11, v9  }
0x87: {  	v60 =	vld [tilespmem:s0+$0x30]  }
0x88: {  	v13 =	vld [tilespmem:s0+$0x40];
	v14 =	vperm.xlane v9, v0;
	_ =	sdelay $0x1  }
0x89: {  	v15 =	vld [tilespmem:s0+$0x50];
	v10 =	vmul.f32 v10, v14  }
0x8a: {  	v16 =	vld [tilespmem:s0+$0x10];
	v9 =	vperm.xlane v9, v1;
	v12 =	vmul.f32 v12, v14  }
0x8b: {  	v17 =	vld [tilespmem:s0+$0x70];
	v11 =	vmul.f32 v60, v14;
	[tilespmem:s0+$0x0] =	vst v10  }
0x8c: {  	v61 =	vmul.f32 v13, v9;
	[tilespmem:s0+$0x20] =	vst v12  }
0x8d: {  	v8 =	vmul.f32 v8, v9;
	[tilespmem:s0+$0x30] =	vst v11  }
0x8e: {  	v62 =	vmul.f32 v15, v9;
	[tilespmem:s0+$0x40] =	vst v61  }
0x8f: {  	v63 =	vmul.f32 v16, v14;
	[tilespmem:s0+$0x60] =	vst v8  }
0x90: {  	s30 =	sadd.s32 $0x1, s30;
	v8 =	vmul.f32 v17, v9;
	[tilespmem:s0+$0x50] =	vst v62  }
0x91: {  	p3 =	sne.s32 s30, $0xA2;
	[tilespmem:s0+$0x10] =	vst v63  }
.Ltmp4:
0x92: {  	[tilespmem:s0+$0x70] =	vst v8;
	(pc) =	sbr.rel @p3 .LBB2_3-.Ltmp4, $4  }
0x93: {  	[spmem:s1] =	stream.indirect.scatter.add.f32 [tilespmem:s20], [sflag:$0x3], $0x80, s19, s19, $0xb8;
	[tilespmem:$0x19100] =	vst v63  }
0x94: {  	_ =	swait.ge [sflag:s18], $0x4000  }
0x95: {  	[sflag:s18] =	ssyncset.done $0x0  }
0x96: {  	[sflag:s18] =	ssyncadd.s32 $0xFFFFC000  }
0x97: {  	s0 =	stileid.u32  }
0x98: {  	[bflag:$0x0] =	sbarrier.arrive $0xFFFF;
	s0 =	sshll.u32 s0, $0x6  }
0x99: {  	s31 =	sshrl.u32 s13, $0x3;
	s24 =	rddreg [dreg:$0x3];
	s30 =	sor.u32 $0x1C03, s0  }
0x9a: {  	[hbm:s24], [sflag:s30] =	dma.local [spmem:s31], $0x2800  }
0x9b: {  	_ =	swait.ge [sflag:s18], $0x2800  }
0x9c: {  	[sflag:s18] =	ssyncset.done $0x0  }
0x9d: {  	[sflag:s18] =	ssyncadd.s32 $0xFFFFD800  }
0x9e: {  	s3 =	simm.s32 @p2 $0x1C03;
	s0 =	sshrl.u32 @p2 s1, $0x3;
	[bflag:$0x0] =	sbarrier.arrive $0xFFFF  }
0x9f: {  	[spmem:s0], [sflag:s3] =	dma.local @p2 [hbm:s9], $0x28000  }
0xa0: {  	s0 =	simm.s32 @p2 $0x3  }
0xa1: {  	_ =	swait.ge @p2 [sflag:s0], $0x28000  }
0xa2: {  	[sflag:s0] =	ssyncset.done @p2 $0x0  }
0xa3: {  	[sflag:s0] =	ssyncadd.s32 @p2 $0xFFFD8000  }
0xa4: {  	s0 =	simm.s32 $0x0;
	[bflag:$0x0] =	sbarrier.arrive $0xFFFF  }
.LBB2_7:
0xa5: {  	s3 =	sshll.u32 s0, $0x7  }
0xa6: {  	s3 =	sadd.s32 s10, s3  }
0xa7: {  	s12 =	sshrl.u32 s3, $0x3  }
0xa8: {  	s22 =	sadd.s32 s7, s12  }
0xa9: {  	[tilespmem:s2], [sflag:$0x3] =	stream.linear.gather [hbm4b:s22+s2], $0x80, $0x38;
	[tilespmem:$0x19100] =	vst v63  }
0xaa: {  	_ =	swait.ge [sflag:s18], $0x80  }
0xab: {  	[sflag:s18] =	ssyncset.done $0x0  }
0xac: {  	s12 =	sadd.s32 s8, s12;
	[sflag:s18] =	ssyncadd.s32 $0xFFFFFF80  }
0xad: {  	[tilespmem:s19], [sflag:$0x3] =	stream.linear.gather [hbm4b:s12+s2], $0x80, $0x38;
	[tilespmem:$0x19100] =	vst v63  }
0xae: {  	_ =	swait.ge [sflag:s18], $0x80  }
0xaf: {  	[sflag:s18] =	ssyncset.done $0x0  }
0xb0: {  	[sflag:s18] =	ssyncadd.s32 $0xFFFFFF80  }
0xb1: {  	[tilespmem:s20], [sflag:$0x1] =	stream.indirect.gather [hbm4b:s14+s19], $0x80, s2, s19, $0xb8;
	[tilespmem:$0x19100] =	vst v63  }
0xb2: {  	s3 =	sshll.u32 s3, $0x1  }
0xb3: {  	[tilespmem:s21], [sflag:$0x2] =	stream.indirect.gather [hbm4b:s6+s19], $0x10, s19, s19, $0xb8;
	[tilespmem:$0x19100] =	vst v63  }
0xb4: {  	s3 =	sadd.s32 s5, s3  }
0xb5: {  	[tilespmem:s25], [sflag:$0x3] =	stream.linear.gather [hbm4b:s3+s2], $0x800, $0x38;
	[tilespmem:$0x19100] =	vst v63  }
0xb6: {  	_ =	swait.ge [sflag:s18], $0x800  }
0xb7: {  	[sflag:s18] =	ssyncset.done $0x0  }
0xb8: {  	[sflag:s18] =	ssyncadd.s32 $0xFFFFF800  }
0xb9: {  	_ =	swait.ge [sflag:s26], $0x4000  }
0xba: {  	[sflag:s26] =	ssyncset.done $0x0  }
0xbb: {  	[sflag:s26] =	ssyncadd.s32 $0xFFFFC000  }
0xbc: {  	_ =	swait.ge [sflag:s28], $0x800  }
0xbd: {  	[sflag:s28] =	ssyncset.done $0x0  }
0xbe: {  	s22 =	simm.s32 $0x4910;
	[sflag:s28] =	ssyncadd.s32 $0xFFFFF800  }
0xbf: {  	v8 =	vld [tilespmem:s22+$0xFFFFFFF0];
	_ =	sdelay $0x4  }
0xc0: {  	v8 =	vadd.f32 $1.000000020e-16, v8;
	_ =	sdelay $0x1  }
0xc1: {  	(erf) = vrcp.f32 v8;
	_ =	sdelay $0x3  }
0xc2: {  	s23 =	simm.s32 $0x4110  }
0xc3: {  	v8 =	vld [tilespmem:s23+$0xFFFFFFF0];
	_ =	sdelay $0x2  }
0xc4: {  	s12 =	simm.s32 $0x180  }
0xc5: {  	v9 =	vld [tilespmem:s12+$0xFFFFFFD0];
	v10 =	vpop (erf)  }
0xc6: {  	v11 =	vld [tilespmem:s12+$0xFFFFFFB0];
	v8 =	vmul.f32 v10, v8  }
0xc7: {  	v10 =	vld [tilespmem:s12+$0xFFFFFF80]  }
0xc8: {  	v12 =	vld [tilespmem:s12+$0xFFFFFFE0];
	v13 =	vperm.xlane v8, v3  }
0xc9: {  	v15 =	vld [tilespmem:s12+$0xFFFFFFF0];
	v8 =	vperm.xlane v8, v2  }
0xca: {  	v14 =	vld [tilespmem:s12+$0xFFFFFFC0];
	v9 =	vmul.f32 v9, v13  }
0xcb: {  	v16 =	vld [tilespmem:s12+$0xFFFFFFA0];
	v11 =	vmul.f32 v11, v8  }
0xcc: {  	v17 =	vld [tilespmem:s12+$0xFFFFFF90];
	v10 =	vmul.f32 v10, v8;
	[tilespmem:s12+$0xFFFFFFD0] =	vst v9  }
0xcd: {  	v9 =	vmul.f32 v12, v13;
	[tilespmem:s12+$0xFFFFFFB0] =	vst v11  }
0xce: {  	v11 =	vmul.f32 v15, v13;
	[tilespmem:s12+$0xFFFFFF80] =	vst v10  }
0xcf: {  	v10 =	vmul.f32 v14, v13;
	[tilespmem:s12+$0xFFFFFFE0] =	vst v9  }
0xd0: {  	v9 =	vmul.f32 v16, v8;
	[tilespmem:s12+$0xFFFFFFF0] =	vst v11  }
0xd1: {  	v8 =	vmul.f32 v17, v8;
	[tilespmem:s12+$0xFFFFFFC0] =	vst v10  }
0xd2: {  	[tilespmem:s12+$0xFFFFFFA0] =	vst v9  }
0xd3: {  	[tilespmem:s12+$0xFFFFFF90] =	vst v8  }
0xd4: {  	v8 =	vld [tilespmem:s22+$0x0];
	_ =	sdelay $0x4  }
0xd5: {  	v9 =	vadd.f32 $1.000000020e-16, v8;
	_ =	sdelay $0x1  }
0xd6: {  	(erf) = vrcp.f32 v9;
	_ =	sdelay $0x3  }
0xd7: {  	v8 =	vld [tilespmem:s12+$0x60]  }
0xd8: {  	s24 =	simm.s32 $0x0;
	s3 =	simm.s32 $0x280;
	v9 =	vld [tilespmem:s23+$0x0]  }
.LBB2_8:
0xd9: {  	s24 =	sadd.s32 $0x2, s24;
	v10 =	vld [tilespmem:s12+$0x0];
	s22 =	sadd.s32 $0x20, s22;
	s23 =	sadd.s32 $0x20, s23  }
0xda: {  	p3 =	slt.u32 s24, $0x7E;
	v11 =	vld [tilespmem:s12+$0x50]  }
0xdb: {  	v12 =	vld [tilespmem:s12+$0x20]  }
0xdc: {  	v13 =	vld [tilespmem:s12+$0x10];
	v14 =	vpop (erf)  }
0xdd: {  	v9 =	vmul.f32 v14, v9;
	v14 =	vld [tilespmem:s12+$0x30]  }
0xde: {  	v15 =	vld [tilespmem:s12+$0x40]  }
0xdf: {  	v16 =	vperm.xlane v9, v2;
	v9 =	vperm.xlane v9, v3;
	v17 =	vld [tilespmem:s12+$0x70];
	_ =	sdelay $0x1  }
0xe0: {  	v10 =	vmul.f32 v10, v16;
	v13 =	vmul.f32 v13, v16  }
0xe1: {  	v12 =	vmul.f32 v12, v16;
	v14 =	vmul.f32 v14, v16  }
0xe2: {  	v11 =	vmul.f32 v11, v9;
	[tilespmem:s12+$0x0] =	vst v10;
	v10 =	vmul.f32 v15, v9  }
0xe3: {  	v8 =	vmul.f32 v8, v9;
	[tilespmem:s12+$0x20] =	vst v12;
	v9 =	vmul.f32 v17, v9  }
0xe4: {  	[tilespmem:s12+$0x30] =	vst v14  }
0xe5: {  	[tilespmem:s12+$0x40] =	vst v10  }
0xe6: {  	[tilespmem:s12+$0x60] =	vst v8  }
0xe7: {  	[tilespmem:s12+$0x50] =	vst v11  }
0xe8: {  	[tilespmem:s12+$0x10] =	vst v13  }
0xe9: {  	[tilespmem:s12+$0x70] =	vst v9;
	s12 =	smov.u32 s3  }
0xea: {  	v8 =	vld [tilespmem:s22+$0xFFFFFFF0];
	_ =	sdelay $0x4  }
0xeb: {  	v8 =	vadd.f32 $1.000000020e-16, v8;
	_ =	sdelay $0x1  }
0xec: {  	(erf) = vrcp.f32 v8;
	_ =	sdelay $0x3  }
0xed: {  	v8 =	vld [tilespmem:s3+$0xFFFFFFF0]  }
0xee: {  	v9 =	vld [tilespmem:s23+$0xFFFFFFF0]  }
0xef: {  	v10 =	vld [tilespmem:s3+$0xFFFFFFB0]  }
0xf0: {  	v11 =	vld [tilespmem:s3+$0xFFFFFFC0]  }
0xf1: {  	v12 =	vld [tilespmem:s3+$0xFFFFFFE0]  }
0xf2: {  	v13 =	vld [tilespmem:s3+$0xFFFFFFD0];
	v14 =	vpop (erf)  }
0xf3: {  	v9 =	vmul.f32 v14, v9;
	v14 =	vld [tilespmem:s3+$0xFFFFFF80]  }
0xf4: {  	v15 =	vld [tilespmem:s3+$0xFFFFFFA0]  }
0xf5: {  	v16 =	vperm.xlane v9, v2;
	v9 =	vperm.xlane v9, v3;
	v17 =	vld [tilespmem:s3+$0xFFFFFF90];
	_ =	sdelay $0x1  }
0xf6: {  	v13 =	vmul.f32 v13, v9;
	v12 =	vmul.f32 v12, v9  }
0xf7: {  	v11 =	vmul.f32 v11, v9;
	v14 =	vmul.f32 v14, v16  }
0xf8: {  	v10 =	vmul.f32 v10, v16;
	v15 =	vmul.f32 v15, v16;
	[tilespmem:s3+$0xFFFFFFD0] =	vst v13  }
0xf9: {  	v8 =	vmul.f32 v8, v9;
	[tilespmem:s3+$0xFFFFFF80] =	vst v14;
	v13 =	vmul.f32 v17, v16  }
0xfa: {  	[tilespmem:s3+$0xFFFFFFB0] =	vst v10  }
0xfb: {  	[tilespmem:s3+$0xFFFFFFE0] =	vst v12  }
0xfc: {  	[tilespmem:s3+$0xFFFFFFC0] =	vst v11  }
0xfd: {  	[tilespmem:s3+$0xFFFFFFF0] =	vst v8  }
0xfe: {  	[tilespmem:s3+$0xFFFFFFA0] =	vst v15  }
0xff: {  	[tilespmem:s3+$0xFFFFFF90] =	vst v13  }
0x100: {  	v8 =	vld [tilespmem:s22+$0x0];
	_ =	sdelay $0x4  }
0x101: {  	v8 =	vadd.f32 $1.000000020e-16, v8;
	_ =	sdelay $0x1  }
0x102: {  	(erf) = vrcp.f32 v8  }
.Ltmp5:
0x103: {  	(pc) =	sbr.rel @p3 .LBB2_8-.Ltmp5, $3  }
0x104: {  	_ =	sdelay $0x1  }
0x105: {  	v8 =	vld [tilespmem:s3+$0x60]  }
0x106: {  	s3 =	sadd.s32 $0x100, s3;
	v9 =	vld [tilespmem:s23+$0x0]  }
0x107: {  	_ =	sdelay $0x2  }
0x108: {  	v10 =	vld [tilespmem:s12+$0x0];
	v11 =	vpop (erf)  }
0x109: {  	v12 =	vld [tilespmem:s12+$0x20];
	v9 =	vmul.f32 v11, v9  }
0x10a: {  	v60 =	vld [tilespmem:s12+$0x30]  }
0x10b: {  	v13 =	vld [tilespmem:s12+$0x40];
	v14 =	vperm.xlane v9, v2;
	_ =	sdelay $0x1  }
0x10c: {  	v15 =	vld [tilespmem:s12+$0x50];
	v10 =	vmul.f32 v10, v14  }
0x10d: {  	v16 =	vld [tilespmem:s12+$0x10];
	v9 =	vperm.xlane v9, v3;
	v12 =	vmul.f32 v12, v14  }
0x10e: {  	v17 =	vld [tilespmem:s12+$0x70];
	v11 =	vmul.f32 v60, v14;
	[tilespmem:s12+$0x0] =	vst v10  }
0x10f: {  	v61 =	vmul.f32 v13, v9;
	[tilespmem:s12+$0x20] =	vst v12  }
0x110: {  	v8 =	vmul.f32 v8, v9;
	[tilespmem:s12+$0x30] =	vst v11  }
0x111: {  	v62 =	vmul.f32 v15, v9;
	[tilespmem:s12+$0x40] =	vst v61  }
0x112: {  	v63 =	vmul.f32 v16, v14;
	[tilespmem:s12+$0x60] =	vst v8  }
0x113: {  	s0 =	sadd.s32 $0x1, s0;
	v8 =	vmul.f32 v17, v9;
	[tilespmem:s12+$0x50] =	vst v62  }
0x114: {  	p3 =	sne.s32 s0, $0xA2;
	[tilespmem:s12+$0x10] =	vst v63  }
.Ltmp6:
0x115: {  	[tilespmem:s12+$0x70] =	vst v8;
	(pc) =	sbr.rel @p3 .LBB2_7-.Ltmp6, $4  }
0x116: {  	[spmem:s1] =	stream.indirect.scatter.add.f32 [tilespmem:s20], [sflag:$0x3], $0x80, s19, s19, $0xb8;
	[tilespmem:$0x19100] =	vst v63  }
0x117: {  	_ =	swait.ge [sflag:s18], $0x4000  }
0x118: {  	[sflag:s18] =	ssyncset.done $0x0  }
0x119: {  	[sflag:s18] =	ssyncadd.s32 $0xFFFFC000  }
.Ltmp7:
0x11a: {  	(pc) =	sbr.rel .LBB2_20-.Ltmp7, $4  }
0x11b: {  	_ = 	snop  }
0x11c: {  	[bflag:$0x0] =	sbarrier.arrive $0xFFFF  }
0x11d: {  	s0 =	rddreg [dreg:$0x4]  }
0x11e: {  	[hbm:s0], [sflag:s30] =	dma.local [spmem:s31], $0x2800  }
.LBB2_11:
0x11f: {  	s0 =	simm.s32 @!p0 $0x1C03  }
0x120: {  	[spmem:s17], [sflag:s0] =	dma.local @!p0 [hbm:s9], $0x28000  }
0x121: {  	s0 =	simm.s32 @!p0 $0x3  }
0x122: {  	_ =	swait.ge @!p0 [sflag:s0], $0x28000  }
0x123: {  	[sflag:s0] =	ssyncset.done @!p0 $0x0  }
0x124: {  	[sflag:s0] =	ssyncadd.s32 @!p0 $0xFFFD8000  }
0x125: {  	s30 =	simm.s32 $0x0;
	[bflag:$0x0] =	sbarrier.arrive $0xFFFF  }
.LBB2_12:
0x126: {  	s0 =	sshll.u32 s30, $0x7  }
0x127: {  	s0 =	sadd.s32 s10, s0  }
0x128: {  	s3 =	sshrl.u32 s0, $0x3  }
0x129: {  	s12 =	sadd.s32 s7, s3  }
0x12a: {  	[tilespmem:s2], [sflag:$0x3] =	stream.linear.gather [hbm4b:s12+s2], $0x80, $0x38;
	[tilespmem:$0x19100] =	vst v63  }
0x12b: {  	_ =	swait.ge [sflag:s18], $0x80  }
0x12c: {  	[sflag:s18] =	ssyncset.done $0x0  }
0x12d: {  	s3 =	sadd.s32 s8, s3;
	[sflag:s18] =	ssyncadd.s32 $0xFFFFFF80  }
0x12e: {  	[tilespmem:s19], [sflag:$0x3] =	stream.linear.gather [hbm4b:s3+s2], $0x80, $0x38;
	[tilespmem:$0x19100] =	vst v63  }
0x12f: {  	_ =	swait.ge [sflag:s18], $0x80  }
0x130: {  	[sflag:s18] =	ssyncset.done $0x0  }
0x131: {  	[sflag:s18] =	ssyncadd.s32 $0xFFFFFF80  }
0x132: {  	[tilespmem:s20], [sflag:$0x1] =	stream.indirect.gather [hbm4b:s11+s19], $0x80, s2, s19, $0xb8;
	[tilespmem:$0x19100] =	vst v63  }
0x133: {  	s0 =	sshll.u32 s0, $0x1  }
0x134: {  	[tilespmem:s21], [sflag:$0x2] =	stream.indirect.gather [hbm4b:s6+s19], $0x10, s19, s19, $0xb8;
	[tilespmem:$0x19100] =	vst v63  }
0x135: {  	s0 =	sadd.s32 s5, s0  }
0x136: {  	[tilespmem:s25], [sflag:$0x3] =	stream.linear.gather [hbm4b:s0+s2], $0x800, $0x38;
	[tilespmem:$0x19100] =	vst v63  }
0x137: {  	_ =	swait.ge [sflag:s18], $0x800  }
0x138: {  	[sflag:s18] =	ssyncset.done $0x0  }
0x139: {  	[sflag:s18] =	ssyncadd.s32 $0xFFFFF800  }
0x13a: {  	_ =	swait.ge [sflag:s26], $0x4000  }
0x13b: {  	[sflag:s26] =	ssyncset.done $0x0  }
0x13c: {  	[sflag:s26] =	ssyncadd.s32 $0xFFFFC000  }
0x13d: {  	_ =	swait.ge [sflag:s28], $0x800  }
0x13e: {  	[sflag:s28] =	ssyncset.done $0x0  }
0x13f: {  	s12 =	simm.s32 $0x4910;
	[sflag:s28] =	ssyncadd.s32 $0xFFFFF800  }
0x140: {  	v8 =	vld [tilespmem:s12+$0xFFFFFFF0];
	_ =	sdelay $0x4  }
0x141: {  	v8 =	vadd.f32 $1.000000020e-16, v8;
	_ =	sdelay $0x1  }
0x142: {  	(erf) = vrcp.f32 v8;
	_ =	sdelay $0x3  }
0x143: {  	s22 =	simm.s32 $0x4110  }
0x144: {  	v8 =	vld [tilespmem:s22+$0xFFFFFFF0];
	_ =	sdelay $0x2  }
0x145: {  	s0 =	simm.s32 $0x180  }
0x146: {  	v9 =	vld [tilespmem:s0+$0xFFFFFFD0];
	v10 =	vpop (erf)  }
0x147: {  	v11 =	vld [tilespmem:s0+$0xFFFFFFB0];
	v8 =	vmul.f32 v10, v8  }
0x148: {  	v10 =	vld [tilespmem:s0+$0xFFFFFF80]  }
0x149: {  	v12 =	vld [tilespmem:s0+$0xFFFFFFE0];
	v13 =	vperm.xlane v8, v5  }
0x14a: {  	v15 =	vld [tilespmem:s0+$0xFFFFFFF0];
	v8 =	vperm.xlane v8, v4  }
0x14b: {  	v14 =	vld [tilespmem:s0+$0xFFFFFFC0];
	v9 =	vmul.f32 v9, v13  }
0x14c: {  	v16 =	vld [tilespmem:s0+$0xFFFFFFA0];
	v11 =	vmul.f32 v11, v8  }
0x14d: {  	v17 =	vld [tilespmem:s0+$0xFFFFFF90];
	v10 =	vmul.f32 v10, v8;
	[tilespmem:s0+$0xFFFFFFD0] =	vst v9  }
0x14e: {  	v9 =	vmul.f32 v12, v13;
	[tilespmem:s0+$0xFFFFFFB0] =	vst v11  }
0x14f: {  	v11 =	vmul.f32 v15, v13;
	[tilespmem:s0+$0xFFFFFF80] =	vst v10  }
0x150: {  	v10 =	vmul.f32 v14, v13;
	[tilespmem:s0+$0xFFFFFFE0] =	vst v9  }
0x151: {  	v9 =	vmul.f32 v16, v8;
	[tilespmem:s0+$0xFFFFFFF0] =	vst v11  }
0x152: {  	v8 =	vmul.f32 v17, v8;
	[tilespmem:s0+$0xFFFFFFC0] =	vst v10  }
0x153: {  	[tilespmem:s0+$0xFFFFFFA0] =	vst v9  }
0x154: {  	[tilespmem:s0+$0xFFFFFF90] =	vst v8  }
0x155: {  	v8 =	vld [tilespmem:s12+$0x0];
	_ =	sdelay $0x4  }
0x156: {  	v9 =	vadd.f32 $1.000000020e-16, v8;
	_ =	sdelay $0x1  }
0x157: {  	(erf) = vrcp.f32 v9;
	_ =	sdelay $0x3  }
0x158: {  	v8 =	vld [tilespmem:s0+$0x60]  }
0x159: {  	s23 =	simm.s32 $0x0;
	s24 =	simm.s32 $0x280;
	v9 =	vld [tilespmem:s22+$0x0]  }
.LBB2_13:
0x15a: {  	s23 =	sadd.s32 $0x2, s23;
	v10 =	vld [tilespmem:s0+$0x0];
	s12 =	sadd.s32 $0x20, s12;
	s22 =	sadd.s32 $0x20, s22  }
0x15b: {  	p3 =	slt.u32 s23, $0x7E;
	v11 =	vld [tilespmem:s0+$0x50]  }
0x15c: {  	v12 =	vld [tilespmem:s0+$0x20]  }
0x15d: {  	v13 =	vld [tilespmem:s0+$0x10];
	v14 =	vpop (erf)  }
0x15e: {  	v9 =	vmul.f32 v14, v9;
	v14 =	vld [tilespmem:s0+$0x30]  }
0x15f: {  	v15 =	vld [tilespmem:s0+$0x40]  }
0x160: {  	v16 =	vperm.xlane v9, v4;
	v9 =	vperm.xlane v9, v5;
	v17 =	vld [tilespmem:s0+$0x70];
	_ =	sdelay $0x1  }
0x161: {  	v10 =	vmul.f32 v10, v16;
	v13 =	vmul.f32 v13, v16  }
0x162: {  	v12 =	vmul.f32 v12, v16;
	v14 =	vmul.f32 v14, v16  }
0x163: {  	v11 =	vmul.f32 v11, v9;
	[tilespmem:s0+$0x0] =	vst v10;
	v10 =	vmul.f32 v15, v9  }
0x164: {  	v8 =	vmul.f32 v8, v9;
	[tilespmem:s0+$0x20] =	vst v12;
	v9 =	vmul.f32 v17, v9  }
0x165: {  	[tilespmem:s0+$0x30] =	vst v14  }
0x166: {  	[tilespmem:s0+$0x40] =	vst v10  }
0x167: {  	[tilespmem:s0+$0x60] =	vst v8  }
0x168: {  	[tilespmem:s0+$0x50] =	vst v11  }
0x169: {  	[tilespmem:s0+$0x10] =	vst v13  }
0x16a: {  	[tilespmem:s0+$0x70] =	vst v9;
	s0 =	smov.u32 s24  }
0x16b: {  	v8 =	vld [tilespmem:s12+$0xFFFFFFF0];
	_ =	sdelay $0x4  }
0x16c: {  	v8 =	vadd.f32 $1.000000020e-16, v8;
	_ =	sdelay $0x1  }
0x16d: {  	(erf) = vrcp.f32 v8;
	_ =	sdelay $0x3  }
0x16e: {  	v8 =	vld [tilespmem:s24+$0xFFFFFFF0]  }
0x16f: {  	v9 =	vld [tilespmem:s22+$0xFFFFFFF0]  }
0x170: {  	v10 =	vld [tilespmem:s24+$0xFFFFFFB0]  }
0x171: {  	v11 =	vld [tilespmem:s24+$0xFFFFFFC0]  }
0x172: {  	v12 =	vld [tilespmem:s24+$0xFFFFFFE0]  }
0x173: {  	v13 =	vld [tilespmem:s24+$0xFFFFFFD0];
	v14 =	vpop (erf)  }
0x174: {  	v9 =	vmul.f32 v14, v9;
	v14 =	vld [tilespmem:s24+$0xFFFFFF80]  }
0x175: {  	v15 =	vld [tilespmem:s24+$0xFFFFFFA0]  }
0x176: {  	v16 =	vperm.xlane v9, v4;
	v9 =	vperm.xlane v9, v5;
	v17 =	vld [tilespmem:s24+$0xFFFFFF90];
	_ =	sdelay $0x1  }
0x177: {  	v13 =	vmul.f32 v13, v9;
	v12 =	vmul.f32 v12, v9  }
0x178: {  	v11 =	vmul.f32 v11, v9;
	v14 =	vmul.f32 v14, v16  }
0x179: {  	v10 =	vmul.f32 v10, v16;
	v15 =	vmul.f32 v15, v16;
	[tilespmem:s24+$0xFFFFFFD0] =	vst v13  }
0x17a: {  	v8 =	vmul.f32 v8, v9;
	[tilespmem:s24+$0xFFFFFF80] =	vst v14;
	v13 =	vmul.f32 v17, v16  }
0x17b: {  	[tilespmem:s24+$0xFFFFFFB0] =	vst v10  }
0x17c: {  	[tilespmem:s24+$0xFFFFFFE0] =	vst v12  }
0x17d: {  	[tilespmem:s24+$0xFFFFFFC0] =	vst v11  }
0x17e: {  	[tilespmem:s24+$0xFFFFFFF0] =	vst v8  }
0x17f: {  	[tilespmem:s24+$0xFFFFFFA0] =	vst v15  }
0x180: {  	[tilespmem:s24+$0xFFFFFF90] =	vst v13  }
0x181: {  	v8 =	vld [tilespmem:s12+$0x0];
	_ =	sdelay $0x4  }
0x182: {  	v8 =	vadd.f32 $1.000000020e-16, v8;
	_ =	sdelay $0x1  }
0x183: {  	(erf) = vrcp.f32 v8  }
.Ltmp8:
0x184: {  	(pc) =	sbr.rel @p3 .LBB2_13-.Ltmp8, $3  }
0x185: {  	_ =	sdelay $0x1  }
0x186: {  	v8 =	vld [tilespmem:s24+$0x60]  }
0x187: {  	s24 =	sadd.s32 $0x100, s24;
	v9 =	vld [tilespmem:s22+$0x0]  }
0x188: {  	_ =	sdelay $0x2  }
0x189: {  	v10 =	vld [tilespmem:s0+$0x0];
	v11 =	vpop (erf)  }
0x18a: {  	v12 =	vld [tilespmem:s0+$0x20];
	v9 =	vmul.f32 v11, v9  }
0x18b: {  	v60 =	vld [tilespmem:s0+$0x30]  }
0x18c: {  	v13 =	vld [tilespmem:s0+$0x40];
	v14 =	vperm.xlane v9, v4;
	_ =	sdelay $0x1  }
0x18d: {  	v15 =	vld [tilespmem:s0+$0x50];
	v10 =	vmul.f32 v10, v14  }
0x18e: {  	v16 =	vld [tilespmem:s0+$0x10];
	v9 =	vperm.xlane v9, v5;
	v12 =	vmul.f32 v12, v14  }
0x18f: {  	v17 =	vld [tilespmem:s0+$0x70];
	v11 =	vmul.f32 v60, v14;
	[tilespmem:s0+$0x0] =	vst v10  }
0x190: {  	v61 =	vmul.f32 v13, v9;
	[tilespmem:s0+$0x20] =	vst v12  }
0x191: {  	v8 =	vmul.f32 v8, v9;
	[tilespmem:s0+$0x30] =	vst v11  }
0x192: {  	v62 =	vmul.f32 v15, v9;
	[tilespmem:s0+$0x40] =	vst v61  }
0x193: {  	v63 =	vmul.f32 v16, v14;
	[tilespmem:s0+$0x60] =	vst v8  }
0x194: {  	s30 =	sadd.s32 $0x1, s30;
	v8 =	vmul.f32 v17, v9;
	[tilespmem:s0+$0x50] =	vst v62  }
0x195: {  	p3 =	seq.s32 s30, $0xA2;
	[tilespmem:s0+$0x10] =	vst v63  }
.Ltmp9:
0x196: {  	[tilespmem:s0+$0x70] =	vst v8;
	(pc) =	sbr.rel @!p3 .LBB2_12-.Ltmp9, $4  }
0x197: {  	[spmem:s1] =	stream.indirect.scatter.add.f32 [tilespmem:s20], [sflag:$0x3], $0x80, s19, s19, $0xb8;
	[tilespmem:$0x19100] =	vst v63  }
0x198: {  	_ =	swait.ge [sflag:s18], $0x4000  }
0x199: {  	[sflag:s18] =	ssyncset.done $0x0  }
0x19a: {  	[sflag:s18] =	ssyncadd.s32 $0xFFFFC000  }
0x19b: {  	s0 =	stileid.u32  }
0x19c: {  	[bflag:$0x0] =	sbarrier.arrive $0xFFFF;
	s0 =	sshll.u32 s0, $0x6  }
0x19d: {  	s31 =	sshrl.u32 s13, $0x3;
	s24 =	rddreg [dreg:$0x5];
	s30 =	sor.u32 $0x1C03, s0  }
0x19e: {  	[hbm:s24], [sflag:s30] =	dma.local [spmem:s31], $0x2800  }
0x19f: {  	_ =	swait.ge [sflag:s18], $0x2800  }
0x1a0: {  	[sflag:s18] =	ssyncset.done $0x0  }
0x1a1: {  	[sflag:s18] =	ssyncadd.s32 $0xFFFFD800  }
0x1a2: {  	s0 =	simm.s32 @!p0 $0x1C03;
	[bflag:$0x0] =	sbarrier.arrive $0xFFFF  }
0x1a3: {  	[spmem:s17], [sflag:s0] =	dma.local @!p0 [hbm:s9], $0x28000  }
0x1a4: {  	s0 =	simm.s32 @!p0 $0x3  }
0x1a5: {  	_ =	swait.ge @!p0 [sflag:s0], $0x28000  }
0x1a6: {  	[sflag:s0] =	ssyncset.done @!p0 $0x0  }
0x1a7: {  	[sflag:s0] =	ssyncadd.s32 @!p0 $0xFFFD8000  }
0x1a8: {  	s0 =	simm.s32 $0x0;
	[bflag:$0x0] =	sbarrier.arrive $0xFFFF  }
.LBB2_16:
0x1a9: {  	s3 =	sshll.u32 s0, $0x7  }
0x1aa: {  	s3 =	sadd.s32 s10, s3  }
0x1ab: {  	s12 =	sshrl.u32 s3, $0x3  }
0x1ac: {  	s22 =	sadd.s32 s7, s12  }
0x1ad: {  	[tilespmem:s2], [sflag:$0x3] =	stream.linear.gather [hbm4b:s22+s2], $0x80, $0x38;
	[tilespmem:$0x19100] =	vst v63  }
0x1ae: {  	_ =	swait.ge [sflag:s18], $0x80  }
0x1af: {  	[sflag:s18] =	ssyncset.done $0x0  }
0x1b0: {  	s12 =	sadd.s32 s8, s12;
	[sflag:s18] =	ssyncadd.s32 $0xFFFFFF80  }
0x1b1: {  	[tilespmem:s19], [sflag:$0x3] =	stream.linear.gather [hbm4b:s12+s2], $0x80, $0x38;
	[tilespmem:$0x19100] =	vst v63  }
0x1b2: {  	_ =	swait.ge [sflag:s18], $0x80  }
0x1b3: {  	[sflag:s18] =	ssyncset.done $0x0  }
0x1b4: {  	[sflag:s18] =	ssyncadd.s32 $0xFFFFFF80  }
0x1b5: {  	[tilespmem:s20], [sflag:$0x1] =	stream.indirect.gather [hbm4b:s15+s19], $0x80, s2, s19, $0xb8;
	[tilespmem:$0x19100] =	vst v63  }
0x1b6: {  	s3 =	sshll.u32 s3, $0x1  }
0x1b7: {  	[tilespmem:s21], [sflag:$0x2] =	stream.indirect.gather [hbm4b:s6+s19], $0x10, s19, s19, $0xb8;
	[tilespmem:$0x19100] =	vst v63  }
0x1b8: {  	s3 =	sadd.s32 s5, s3  }
0x1b9: {  	[tilespmem:s25], [sflag:$0x3] =	stream.linear.gather [hbm4b:s3+s2], $0x800, $0x38;
	[tilespmem:$0x19100] =	vst v63  }
0x1ba: {  	_ =	swait.ge [sflag:s18], $0x800  }
0x1bb: {  	[sflag:s18] =	ssyncset.done $0x0  }
0x1bc: {  	[sflag:s18] =	ssyncadd.s32 $0xFFFFF800  }
0x1bd: {  	_ =	swait.ge [sflag:s26], $0x4000  }
0x1be: {  	[sflag:s26] =	ssyncset.done $0x0  }
0x1bf: {  	[sflag:s26] =	ssyncadd.s32 $0xFFFFC000  }
0x1c0: {  	_ =	swait.ge [sflag:s28], $0x800  }
0x1c1: {  	[sflag:s28] =	ssyncset.done $0x0  }
0x1c2: {  	s22 =	simm.s32 $0x4910;
	[sflag:s28] =	ssyncadd.s32 $0xFFFFF800  }
0x1c3: {  	v8 =	vld [tilespmem:s22+$0xFFFFFFF0];
	_ =	sdelay $0x4  }
0x1c4: {  	v8 =	vadd.f32 $1.000000020e-16, v8;
	_ =	sdelay $0x1  }
0x1c5: {  	(erf) = vrcp.f32 v8;
	_ =	sdelay $0x3  }
0x1c6: {  	s23 =	simm.s32 $0x4110  }
0x1c7: {  	v8 =	vld [tilespmem:s23+$0xFFFFFFF0];
	_ =	sdelay $0x2  }
0x1c8: {  	s12 =	simm.s32 $0x180  }
0x1c9: {  	v9 =	vld [tilespmem:s12+$0xFFFFFFD0];
	v10 =	vpop (erf)  }
0x1ca: {  	v11 =	vld [tilespmem:s12+$0xFFFFFFB0];
	v8 =	vmul.f32 v10, v8  }
0x1cb: {  	v10 =	vld [tilespmem:s12+$0xFFFFFF80]  }
0x1cc: {  	v12 =	vld [tilespmem:s12+$0xFFFFFFE0];
	v13 =	vperm.xlane v8, v7  }
0x1cd: {  	v15 =	vld [tilespmem:s12+$0xFFFFFFF0];
	v8 =	vperm.xlane v8, v6  }
0x1ce: {  	v14 =	vld [tilespmem:s12+$0xFFFFFFC0];
	v9 =	vmul.f32 v9, v13  }
0x1cf: {  	v16 =	vld [tilespmem:s12+$0xFFFFFFA0];
	v11 =	vmul.f32 v11, v8  }
0x1d0: {  	v17 =	vld [tilespmem:s12+$0xFFFFFF90];
	v10 =	vmul.f32 v10, v8;
	[tilespmem:s12+$0xFFFFFFD0] =	vst v9  }
0x1d1: {  	v9 =	vmul.f32 v12, v13;
	[tilespmem:s12+$0xFFFFFFB0] =	vst v11  }
0x1d2: {  	v11 =	vmul.f32 v15, v13;
	[tilespmem:s12+$0xFFFFFF80] =	vst v10  }
0x1d3: {  	v10 =	vmul.f32 v14, v13;
	[tilespmem:s12+$0xFFFFFFE0] =	vst v9  }
0x1d4: {  	v9 =	vmul.f32 v16, v8;
	[tilespmem:s12+$0xFFFFFFF0] =	vst v11  }
0x1d5: {  	v8 =	vmul.f32 v17, v8;
	[tilespmem:s12+$0xFFFFFFC0] =	vst v10  }
0x1d6: {  	[tilespmem:s12+$0xFFFFFFA0] =	vst v9  }
0x1d7: {  	[tilespmem:s12+$0xFFFFFF90] =	vst v8  }
0x1d8: {  	v8 =	vld [tilespmem:s22+$0x0];
	_ =	sdelay $0x4  }
0x1d9: {  	v9 =	vadd.f32 $1.000000020e-16, v8;
	_ =	sdelay $0x1  }
0x1da: {  	(erf) = vrcp.f32 v9;
	_ =	sdelay $0x3  }
0x1db: {  	v8 =	vld [tilespmem:s12+$0x60]  }
0x1dc: {  	s24 =	simm.s32 $0x0;
	s3 =	simm.s32 $0x280;
	v9 =	vld [tilespmem:s23+$0x0]  }
.LBB2_17:
0x1dd: {  	s24 =	sadd.s32 $0x2, s24;
	v10 =	vld [tilespmem:s12+$0x0];
	s22 =	sadd.s32 $0x20, s22;
	s23 =	sadd.s32 $0x20, s23  }
0x1de: {  	p3 =	slt.u32 s24, $0x7E;
	v11 =	vld [tilespmem:s12+$0x50]  }
0x1df: {  	v12 =	vld [tilespmem:s12+$0x20]  }
0x1e0: {  	v13 =	vld [tilespmem:s12+$0x10];
	v14 =	vpop (erf)  }
0x1e1: {  	v9 =	vmul.f32 v14, v9;
	v14 =	vld [tilespmem:s12+$0x30]  }
0x1e2: {  	v15 =	vld [tilespmem:s12+$0x40]  }
0x1e3: {  	v16 =	vperm.xlane v9, v6;
	v9 =	vperm.xlane v9, v7;
	v17 =	vld [tilespmem:s12+$0x70];
	_ =	sdelay $0x1  }
0x1e4: {  	v10 =	vmul.f32 v10, v16;
	v13 =	vmul.f32 v13, v16  }
0x1e5: {  	v12 =	vmul.f32 v12, v16;
	v14 =	vmul.f32 v14, v16  }
0x1e6: {  	v11 =	vmul.f32 v11, v9;
	[tilespmem:s12+$0x0] =	vst v10;
	v10 =	vmul.f32 v15, v9  }
0x1e7: {  	v8 =	vmul.f32 v8, v9;
	[tilespmem:s12+$0x20] =	vst v12;
	v9 =	vmul.f32 v17, v9  }
0x1e8: {  	[tilespmem:s12+$0x30] =	vst v14  }
0x1e9: {  	[tilespmem:s12+$0x40] =	vst v10  }
0x1ea: {  	[tilespmem:s12+$0x60] =	vst v8  }
0x1eb: {  	[tilespmem:s12+$0x50] =	vst v11  }
0x1ec: {  	[tilespmem:s12+$0x10] =	vst v13  }
0x1ed: {  	[tilespmem:s12+$0x70] =	vst v9;
	s12 =	smov.u32 s3  }
0x1ee: {  	v8 =	vld [tilespmem:s22+$0xFFFFFFF0];
	_ =	sdelay $0x4  }
0x1ef: {  	v8 =	vadd.f32 $1.000000020e-16, v8;
	_ =	sdelay $0x1  }
0x1f0: {  	(erf) = vrcp.f32 v8;
	_ =	sdelay $0x3  }
0x1f1: {  	v8 =	vld [tilespmem:s3+$0xFFFFFFF0]  }
0x1f2: {  	v9 =	vld [tilespmem:s23+$0xFFFFFFF0]  }
0x1f3: {  	v10 =	vld [tilespmem:s3+$0xFFFFFFB0]  }
0x1f4: {  	v11 =	vld [tilespmem:s3+$0xFFFFFFC0]  }
0x1f5: {  	v12 =	vld [tilespmem:s3+$0xFFFFFFE0]  }
0x1f6: {  	v13 =	vld [tilespmem:s3+$0xFFFFFFD0];
	v14 =	vpop (erf)  }
0x1f7: {  	v9 =	vmul.f32 v14, v9;
	v14 =	vld [tilespmem:s3+$0xFFFFFF80]  }
0x1f8: {  	v15 =	vld [tilespmem:s3+$0xFFFFFFA0]  }
0x1f9: {  	v16 =	vperm.xlane v9, v6;
	v9 =	vperm.xlane v9, v7;
	v17 =	vld [tilespmem:s3+$0xFFFFFF90];
	_ =	sdelay $0x1  }
0x1fa: {  	v13 =	vmul.f32 v13, v9;
	v12 =	vmul.f32 v12, v9  }
0x1fb: {  	v11 =	vmul.f32 v11, v9;
	v14 =	vmul.f32 v14, v16  }
0x1fc: {  	v10 =	vmul.f32 v10, v16;
	v15 =	vmul.f32 v15, v16;
	[tilespmem:s3+$0xFFFFFFD0] =	vst v13  }
0x1fd: {  	v8 =	vmul.f32 v8, v9;
	[tilespmem:s3+$0xFFFFFF80] =	vst v14;
	v13 =	vmul.f32 v17, v16  }
0x1fe: {  	[tilespmem:s3+$0xFFFFFFB0] =	vst v10  }
0x1ff: {  	[tilespmem:s3+$0xFFFFFFE0] =	vst v12  }
0x200: {  	[tilespmem:s3+$0xFFFFFFC0] =	vst v11  }
0x201: {  	[tilespmem:s3+$0xFFFFFFF0] =	vst v8  }
0x202: {  	[tilespmem:s3+$0xFFFFFFA0] =	vst v15  }
0x203: {  	[tilespmem:s3+$0xFFFFFF90] =	vst v13  }
0x204: {  	v8 =	vld [tilespmem:s22+$0x0];
	_ =	sdelay $0x4  }
0x205: {  	v8 =	vadd.f32 $1.000000020e-16, v8;
	_ =	sdelay $0x1  }
0x206: {  	(erf) = vrcp.f32 v8  }
.Ltmp10:
0x207: {  	(pc) =	sbr.rel @p3 .LBB2_17-.Ltmp10, $3  }
0x208: {  	_ =	sdelay $0x1  }
0x209: {  	v8 =	vld [tilespmem:s3+$0x60]  }
0x20a: {  	s3 =	sadd.s32 $0x100, s3;
	v9 =	vld [tilespmem:s23+$0x0]  }
0x20b: {  	_ =	sdelay $0x2  }
0x20c: {  	v10 =	vld [tilespmem:s12+$0x0];
	v11 =	vpop (erf)  }
0x20d: {  	v12 =	vld [tilespmem:s12+$0x20];
	v9 =	vmul.f32 v11, v9  }
0x20e: {  	v60 =	vld [tilespmem:s12+$0x30]  }
0x20f: {  	v13 =	vld [tilespmem:s12+$0x40];
	v14 =	vperm.xlane v9, v6;
	_ =	sdelay $0x1  }
0x210: {  	v15 =	vld [tilespmem:s12+$0x50];
	v10 =	vmul.f32 v10, v14  }
0x211: {  	v16 =	vld [tilespmem:s12+$0x10];
	v9 =	vperm.xlane v9, v7;
	v12 =	vmul.f32 v12, v14  }
0x212: {  	v17 =	vld [tilespmem:s12+$0x70];
	v11 =	vmul.f32 v60, v14;
	[tilespmem:s12+$0x0] =	vst v10  }
0x213: {  	v61 =	vmul.f32 v13, v9;
	[tilespmem:s12+$0x20] =	vst v12  }
0x214: {  	v8 =	vmul.f32 v8, v9;
	[tilespmem:s12+$0x30] =	vst v11  }
0x215: {  	v62 =	vmul.f32 v15, v9;
	[tilespmem:s12+$0x40] =	vst v61  }
0x216: {  	v63 =	vmul.f32 v16, v14;
	[tilespmem:s12+$0x60] =	vst v8  }
0x217: {  	s0 =	sadd.s32 $0x1, s0;
	v8 =	vmul.f32 v17, v9;
	[tilespmem:s12+$0x50] =	vst v62  }
0x218: {  	p3 =	sne.s32 s0, $0xA2;
	[tilespmem:s12+$0x10] =	vst v63  }
.Ltmp11:
0x219: {  	[tilespmem:s12+$0x70] =	vst v8;
	(pc) =	sbr.rel @p3 .LBB2_16-.Ltmp11, $4  }
0x21a: {  	[spmem:s1] =	stream.indirect.scatter.add.f32 [tilespmem:s20], [sflag:$0x3], $0x80, s19, s19, $0xb8;
	[tilespmem:$0x19100] =	vst v63  }
0x21b: {  	_ =	swait.ge [sflag:s18], $0x4000  }
0x21c: {  	[sflag:s18] =	ssyncset.done $0x0  }
0x21d: {  	[sflag:s18] =	ssyncadd.s32 $0xFFFFC000  }
.Ltmp12:
0x21e: {  	(pc) =	sbr.rel .LBB2_20-.Ltmp12, $4  }
0x21f: {  	_ = 	snop  }
0x220: {  	[bflag:$0x0] =	sbarrier.arrive $0xFFFF  }
0x221: {  	s0 =	rddreg [dreg:$0x6]  }
0x222: {  	[hbm:s0], [sflag:s30] =	dma.local [spmem:s31], $0x2800  }
.LBB2_21:
0x223: {  	_ =	sfence.sel $0x180000  }
0x224: {  	[bflag:$0x0] =	sbarrier.arrive $0xFFFF  }
0x225: {  	_ =	strace $0x9000004A  }
0x226: {  	[bflag:$0x2] =	sbarrier.arrive $0xFFFF  }
0x227: {  	s0 =	rddreg [dreg:$0x2]  }
0x228: {  	s0 =	sadd.s32 @!p0 $0x100000, s0  }
0x229: {  	[sflag:s0] =	ssyncadd.tile.s32 @!p0 $0x1;
	_ =	shalt  }
.Lfunc_end2:
_tile_overlayer_lowered:
.L_overlay_start_2:
0x22a: {  	(tag) =	ssettag $0x2  }
0x22b: {  	s0 =	rddreg [dreg:$0x0];
	s2 =	stileid.u32  }
0x22c: {  	s1 =	rddreg [dreg:$0x1];
	p0 =	sne.s32 s2, $0x0  }
0x22d: {  	s3 =	rddreg [dreg:$0x2];
	[bflag:$0x3] =	sbarrier.arrive $0xFFFF;
	s2 =	simm.s32 @!p0 $0x1C03  }
0x22e: {  	[timem:s3], [sflag:s2] =	dma.local @!p0 [hbm:s0], s1  }
0x22f: {  	s0 =	simm.s32 @!p0 $0x3  }
0x230: {  	_ =	swait.ge @!p0 [sflag:s0], s1  }
0x231: {  	s1 =	ssub.s32 @!p0 $0x0, s1;
	[sflag:s0] =	ssyncset.done @!p0 $0x0  }
0x232: {  	[sflag:s0] =	ssyncadd.s32 @!p0 s1  }
0x233: {  	[bflag:$0x3] =	sbarrier.arrive $0xFFFF  }
0x234: {  	_ =	shalt  }

// kernel: kernel.17.cloned.1.call-start
scs
__scs_entry_jumppad:
0x0: {  	(pc) =	sbr.rel $0x88, $3  }
0x1: {  	(tag) =	ssettag $0x0;
	lr =	simm.s32 $0x1  }
0x2: {  	[smem:$0x3F91] =	sst lr;
	_ =	strace $0xD0000000  }
0x3: {  	_ = 	snop  }
0x4: {  	_ = 	snop  }
0x5: {  	_ = 	snop  }
0x6: {  	_ = 	snop  }
0x7: {  	_ = 	snop  }
__scs_overlays_trampoline_lowered:
0x8: {  	[smem:$0x3FA0] =	sst s0  }
0x9: {  	[smem:$0x3FA1] =	sst s1  }
0xa: {  	[smem:$0x3FA2] =	sst s2  }
0xb: {  	[smem:$0x3FA3] =	sst s3  }
0xc: {  	[smem:$0x3FA4] =	sst s4  }
0xd: {  	[smem:$0x3FA5] =	sst s5  }
0xe: {  	[smem:$0x3FA6] =	sst s6  }
0xf: {  	[smem:$0x3FA7] =	sst s7  }
0x10: {  	[smem:$0x3FA8] =	sst s8  }
0x11: {  	[smem:$0x3FA9] =	sst s9;
	s0 =	simm.s32 @!p0 $0x0  }
0x12: {  	s1 =	sld [smem:$0x3F8F];
	s0 =	simm.s32 @p0 $0x1  }
0x13: {  	[smem:$0x3FAA] =	sst s0;
	s0 =	simm.s32 @!p1 $0x0  }
0x14: {  	s2 =	sld [smem:$0x3F8E];
	s0 =	simm.s32 @p1 $0x1  }
0x15: {  	[smem:$0x3FAB] =	sst s0;
	s0 =	simm.s32 @!p2 $0x0  }
0x16: {  	s3 =	sld [smem:$0x3FDB];
	s0 =	simm.s32 @p2 $0x1  }
0x17: {  	s4 =	simm.s32 $0x1BF5;
	[smem:$0x3FAD] =	sst s0  }
0x18: {  	s0 =	sld [smem:$0x3F90];
	_ =	swait.ge [sflag:s4], $0x0  }
0x19: {  	s7 =	sld [smem:$0x3F91]  }
0x1a: {  	s8 =	sadd.s32 $0xFFFFE003, lr  }
0x1b: {  	s9 =	sadd.s32 $0xFFFFFEF7, lr;
	s5 =	simm.s32 $0xFFFFFFFF;
	p2 =	slt.u32 s8, $0xFFFFF086  }
0x1c: {  	p1 =	slt.u32 s9, $0xF7A;
	s5 =	simm.s32 @!p2 $0x0  }
0x1d: {  	s5 =	simm.s32 @p1 $0x1;
	p0 =	seq.s32 s7, s2  }
0x1e: {  	s7 =	smul.u32 @!p0 $0xF7A, s2;
	p2 =	seq.s32 @!p0 s5, $0x0  }
0x1f: {  	s9 =	smul.u32 $0xF7A, s1;
	s8 =	simm.s32 @!p0 $0x1BF5;
	p2 =	por !p2, p0  }
0x20: {  	[sflag:s8] =	ssyncset.s32 @!p0 $0xFFFFF086;
	s6 =	sadd.s32 @!p0 s3, s7;
	s7 =	simm.s32 @!p0 $0x108  }
0x21: {  	s3 =	sadd.s32 s3, s9;
	s6 =	sadd.s32 @!p0 $0x88, s6;
	s7 =	simm.s32 @p2 $0x1082  }
0x22: {  	[simem:s7], [sflag:s8] =	dma.local @!p0 [hbm:s6], $0xF7A  }
0x23: {  	s9 =	sor.u32 $0xD0000000, s2;
	s6 =	simm.s32 $0x108;
	_ =	swait.ge @!p0 [sflag:s8], $0x0  }
0x24: {  	s3 =	sadd.s32 $0x88, s3;
	s6 =	simm.s32 @!p1 $0x1082;
	[sflag:s4] =	ssyncset.s32 $0xFFFFF086  }
0x25: {  	[simem:s6], [sflag:s4] =	dma.local [hbm:s3], $0xF7A  }
0x26: {  	[smem:$0x3F91] =	sst s1;
	(tag) =	ssettag s2;
	_ =	strace s9  }
0x27: {  	s1 =	sld [smem:$0x3FA1]  }
0x28: {  	s2 =	sld [smem:$0x3FA2]  }
0x29: {  	s4 =	sld [smem:$0x3FA4]  }
0x2a: {  	p0 =	seq.s32 s5, $0x0;
	s5 =	sld [smem:$0x3FA5]  }
0x2b: {  	s6 =	sld [smem:$0x3FA6]  }
0x2c: {  	s7 =	sld [smem:$0x3FA7]  }
0x2d: {  	s3 =	simm.s32 $0x108;
	s8 =	sld [smem:$0x3FA8]  }
0x2e: {  	s3 =	simm.s32 @!p0 $0x1082;
	s9 =	sld [smem:$0x3FA9]  }
0x2f: {  	lr =	sadd.s32 s0, s3;
	s0 =	sld [smem:$0x3FA0]  }
0x30: {  	s3 =	sld [smem:$0x3FA3]  }
0x31: {  	[smem:$0x3FAC] =	sst s10  }
0x32: {  	s10 =	sld [smem:$0x3FAA];
	_ =	sdelay $0x3  }
0x33: {  	p0 =	seq.s32 s10, $0x1;
	s10 =	sld [smem:$0x3FAC];
	_ =	sdelay $0x3  }
0x34: {  	[smem:$0x3FAC] =	sst s10  }
0x35: {  	s10 =	sld [smem:$0x3FAB];
	_ =	sdelay $0x3  }
0x36: {  	p1 =	seq.s32 s10, $0x1;
	s10 =	sld [smem:$0x3FAC];
	_ =	sdelay $0x3  }
0x37: {  	[smem:$0x3FAC] =	sst s10  }
0x38: {  	s10 =	sld [smem:$0x3FAD]  }
0x39: {  	_ = 	snop;
	(pc) =	sbr.ind lr, $3  }
0x3a: {  	_ = 	snop  }
0x3b: {  	_ = 	snop  }
0x3c: {  	p2 =	seq.s32 s10, $0x1;
	s10 =	sld [smem:$0x3FAC]  }
0x3d: {  	_ =	shalt  }
0x3e: {  	_ =	shalt  }
0x3f: {  	_ =	shalt  }
0x40: {  	_ =	shalt  }
0x41: {  	_ =	shalt  }
0x42: {  	_ =	shalt  }
0x43: {  	_ =	shalt  }
0x44: {  	_ =	shalt  }
0x45: {  	_ =	shalt  }
0x46: {  	_ =	shalt  }
0x47: {  	_ =	shalt  }
0x48: {  	_ =	shalt  }
0x49: {  	_ =	shalt  }
0x4a: {  	_ =	shalt  }
0x4b: {  	_ =	shalt  }
0x4c: {  	_ =	shalt  }
0x4d: {  	_ =	shalt  }
0x4e: {  	_ =	shalt  }
0x4f: {  	_ =	shalt  }
0x50: {  	_ =	shalt  }
0x51: {  	_ =	shalt  }
0x52: {  	_ =	shalt  }
0x53: {  	_ =	shalt  }
0x54: {  	_ =	shalt  }
0x55: {  	_ =	shalt  }
0x56: {  	_ =	shalt  }
0x57: {  	_ =	shalt  }
0x58: {  	_ =	shalt  }
0x59: {  	_ =	shalt  }
0x5a: {  	_ =	shalt  }
0x5b: {  	_ =	shalt  }
0x5c: {  	_ =	shalt  }
0x5d: {  	_ =	shalt  }
0x5e: {  	_ =	shalt  }
0x5f: {  	_ =	shalt  }
0x60: {  	_ =	shalt  }
0x61: {  	_ =	shalt  }
0x62: {  	_ =	shalt  }
0x63: {  	_ =	shalt  }
0x64: {  	_ =	shalt  }
0x65: {  	_ =	shalt  }
0x66: {  	_ =	shalt  }
0x67: {  	_ =	shalt  }
0x68: {  	_ =	shalt  }
0x69: {  	_ =	shalt  }
0x6a: {  	_ =	shalt  }
0x6b: {  	_ =	shalt  }
0x6c: {  	_ =	shalt  }
0x6d: {  	_ =	shalt  }
0x6e: {  	_ =	shalt  }
0x6f: {  	_ =	shalt  }
0x70: {  	_ =	shalt  }
0x71: {  	_ =	shalt  }
0x72: {  	_ =	shalt  }
0x73: {  	_ =	shalt  }
0x74: {  	_ =	shalt  }
0x75: {  	_ =	shalt  }
0x76: {  	_ =	shalt  }
0x77: {  	_ =	shalt  }
0x78: {  	_ =	shalt  }
0x79: {  	_ =	shalt  }
0x7a: {  	_ =	shalt  }
0x7b: {  	_ =	shalt  }
0x7c: {  	_ =	shalt  }
0x7d: {  	_ =	shalt  }
0x7e: {  	_ =	shalt  }
0x7f: {  	_ =	shalt  }
0x80: {  	_ =	shalt  }
0x81: {  	_ =	shalt  }
0x82: {  	_ =	shalt  }
0x83: {  	_ =	shalt  }
0x84: {  	_ =	shalt  }
0x85: {  	_ =	shalt  }
0x86: {  	_ =	shalt  }
0x87: {  	_ =	shalt  }
.Lfunc_end0:
.L_simem_size_0:
called_computation.2_lowered:
.L_overlay_start_0:
0x88: {  	s2 =	sld [smem:$0x3FD9]  }
0x89: {  	s3 =	sld [smem:$0x3FFE];
	_ =	sdelay $0x1  }
0x8a: {  	s1 =	srdreg.scid  }
0x8b: {  	s0 =	sand.u32 $0x1, s1  }
0x8c: {  	s14 =	sshll.u32 s0, $0xA;
	s2 =	sadd.s32 s3, s2  }
0x8d: {  	s2 =	sadd.s32 s2, s14  }
0x8e: {  	[smem:$0x3FB8] =	sst s2  }
0x8f: {  	_ = 	snop  }
0x90: {  	s2 =	sld [smem:$0x3FD0];
	_ =	sdelay $0x2  }
0x91: {  	s15 =	simm.s32 $0xA;
	s4 =	simm.s32 $0x10  }
0x92: {  	[smem:s4], [sflag:s15] =	dma.local [hbm:s2], $0x1  }
0x93: {  	_ =	swait.eq [sflag:s15], $0x1  }
0x94: {  	[sflag:s15] =	ssyncset.done $0x0  }
0x95: {  	[sflag:s15] =	ssyncadd.s32 $0xFFFFFFFF  }
0x96: {  	s16 =	sld [smem:$0x10];
	(tm) =	ssettm $0x1  }
0x97: {  	s17 =	sld [smem:$0x3FFB];
	_ =	sdelay $0x3  }
0x98: {  	_ =	strace s17  }
0x99: {  	s3 =	sld [smem:$0x3FFC];
	_ =	sdelay $0x3  }
0x9a: {  	_ =	strace s3  }
0x9b: {  	s3 =	sld [smem:$0x3FFD];
	_ =	sdelay $0x3  }
0x9c: {  	_ =	strace s3  }
0x9d: {  	_ =	strace $0x8FFFFFFF  }
0x9e: {  	s18 =	sld [smem:$0x3FDB];
	_ =	sdelay $0x1  }
0x9f: {  	s19 =	simm.s32 $_scs_section_size  }
0xa0: {  	s5 =	simm.s32 $_size__tile_overlayer_lowered;
	s6 =	simm.s32 $_tile_overlayer_lowered  }
0xa1: {  	s22 =	simm.s32 $0x1BFF;
	s21 =	sshll.u32 s6, $0x1;
	s3 =	sadd.s32 s19, s18  }
0xa2: {  	s7 =	simm.s32 $0x0;
	s20 =	sshll.u32 s5, $0x1;
	s5 =	sadd.s32 s21, s3  }
0xa3: {  	[timem:s7], [sflag:s22] =	dma.local [hbm:s5], s20  }
0xa4: {  	_ =	swait.ge [sflag:s22], s20  }
0xa5: {  	s4 =	ssub.s32 $0x0, s20;
	[sflag:s22] =	ssyncset.done $0x0  }
0xa6: {  	[sflag:s22] =	ssyncadd.s32 s4;
	_ =	sdelay $0x1  }
0xa7: {  	s23 =	simm.s32 $0x1B8B  }
0xa8: {  	_ =	swait.ge [sflag:s23], $0x1  }
0xa9: {  	[sflag:s23] =	ssyncset.done $0x0  }
0xaa: {  	s25 =	simm.s32 $0x1B8E;
	s24 =	sld [smem:$0x3FFE];
	[sflag:s23] =	ssyncadd.s32 $0xFFFFFFFF  }
0xab: {  	s26 =	simm.s32 $execute0_lowered;
	[smem:$0x3FD2] =	sst s25  }
0xac: {  	s5 =	sshll.u32 s26, $0x1;
	_ =	strace $0x8000004C;
	[dreg:$0x1] =	wrdreg $0xFFFFFFFF  }
0xad: {  	s28 =	simm.s32 $_size_execute0_lowered;
	s3 =	sadd.s32 s3, s5;
	[dreg:$0x0] =	wrdreg $0x0  }
0xae: {  	s5 =	sshll.u32 s28, $0x1;
	[dreg:$0x2] =	wrdreg s3  }
0xaf: {  	[dreg:$0x3] =	wrdreg s5  }
0xb0: {  	[dreg:$0x4] =	wrdreg $0xC0  }
0xb1: {  	_ =	task [dreg:s7], $0x5FFFF  }
0xb2: {  	[dreg:$0x1] =	wrdreg $0xFFFFFFFF  }
0xb3: {  	[dreg:$0x0] =	wrdreg $0x60  }
0xb4: {  	[dreg:$0x2] =	wrdreg s24  }
0xb5: {  	[dreg:$0x3] =	wrdreg s16  }
0xb6: {  	[dreg:$0x4] =	wrdreg $0x51000  }
0xb7: {  	[dreg:$0x5] =	wrdreg $0x9  }
0xb8: {  	_ =	task.clear_ibuf [dreg:s7], $0x6FFFF;
	_ =	strace $0x9000004C  }
0xb9: {  	s29 =	simm.s32 $0x9;
	_ =	strace $0x8000004E  }
0xba: {  	_ =	swait.ge [sflag:s29], $0x1  }
0xbb: {  	[sflag:s29] =	ssyncadd.s32 $0xFFFFFFFF  }
0xbc: {  	_ =	strace $0x9000004E  }
0xbd: {  	_ =	sfence  }
0xbe: {  	s30 =	sld [smem:$0x0];
	_ =	sdelay $0x2  }
0xbf: {  	s31 =	sshll.u32 s1, $0xD;
	s1 =	sshrl.u32 s1, $0x2  }
0xc0: {  	s3 =	sand.u32 $0x4000, s31;
	s1 =	sadd.s32 s1, s30  }
0xc1: {  	s0 =	sor.u32 s3, s0;
	s1 =	sshll.u32 s1, $0x11  }
0xc2: {  	s0 =	sor.u32 s1, s0  }
0xc3: {  	s0 =	sadd.s32 $0x8F2B, s0  }
0xc4: {  	[sflag:s0] =	ssyncadd.remote.s32 $0x1  }
0xc5: {  	_ =	sfence.sel $0xFFFF  }
0xc6: {  	[dreg:$0x0] =	wrdreg $0xFFFFFFFF;
	(pc) =	sbr.abs _section_cstart, $3  }
0xc7: {  	[dreg:$0x1] =	wrdreg $0xFFFFFFFF  }
0xc8: {  	_ =	task.clear_ibuf [dreg:s7], $0x2FFFF;
	_ =	strace $0x9FFFFFFF  }
0xc9: {  	(tm) =	ssettm $0x7FFFFFFF  }
tec
execute0_lowered:
.L_overlay_start_1:
0x0: {  	(tag) =	ssettag $0x1  }
0x1: {  	s12 =	rddreg [dreg:$0x0]  }
0x2: {  	s1 =	rddreg [dreg:$0x1]  }
0x3: {  	s2 =	rddreg [dreg:$0x2]  }
0x4: {  	s0 =	rddreg [dreg:$0x3]  }
0x5: {  	s3 =	simm.s32 $0x0;
	s4 =	stileid.u32;
	s6 =	srdreg.scid  }
0x6: {  	s15 =	simm.s32 $0x80;
	s16 =	simm.s32 $0x100;
	s17 =	simm.s32 $0x4100  }
0x7: {  	s18 =	simm.s32 $0x1;
	s19 =	simm.s32 $0x2;
	s20 =	simm.s32 $0x4900  }
0x8: {  	[smem:$0x7FF] =	sst s3;
	s5 =	sadd.s32 $0x17C00, s12;
	s11 =	smul.u32 $0x14000, s4  }
0x9: {  	s9 =	sand.u32 $0x1, s6;
	s6 =	sadd.s32 $0xDA00, s12;
	s7 =	sadd.s32 $0x3800, s12  }
0xa: {  	s8 =	sadd.s32 $0x163C00, s12;
	s23 =	sadd.s32 $0x8FC00, s12;
	p0 =	sne.s32 s4, $0x0  }
0xb: {  	s10 =	ssub.s32 $0x2, s9;
	p1 =	seq.s32 s9, $0x1;
	s9 =	smul.u32 $0x5100, s4  }
.Ltmp0:
0xc: {  	_ =	strace $0x8000004D;
	s21 =	sshrl.u32 s11, $0x3;
	(pc) =	sbr.rel .LBB2_1-.Ltmp0, $4  }
0xd: {  	s13 =	sshrl.u32 s10, $0x1;
	s22 =	sadd.s32 s11, s2;
	s11 =	sadd.s32 $0x3FC00, s12  }
0xe: {  	s14 =	sadd.s32 s21, s12;
	s13 =	ssub.s32 s10, s13;
	s21 =	sadd.s32 s21, s23  }
0xf: {  	s22 =	sshrl.u32 s22, $0x3;
	s23 =	simm.s32 $0x0;
	s10 =	sadd.s32 $0x67C00, s14  }
0x10: {  	s12 =	smax.u32 s13, $0x1;
	s13 =	sshrl.u32 @!p0 s2, $0x3;
	s14 =	simm.s32 $0x3  }
.LBB2_12:
0x11: {  	s25 =	sshll.u32 s4, $0x6;
	s23 =	sadd.s32 $0x1, s23  }
0x12: {  	s25 =	sor.u32 $0x1C03, s25;
	p2 =	sne.s32 s23, s12  }
0x13: {  	[hbm:s24], [sflag:s25] =	dma.local [spmem:s22], $0x2800  }
.Ltmp1:
0x14: {  	_ =	swait.ge [sflag:s14], $0x2800;
	(pc) =	sbr.rel @!p2 .LBB2_13-.Ltmp1, $3  }
0x15: {  	[sflag:s14] =	ssyncset.done $0x0  }
0x16: {  	[sflag:s14] =	ssyncadd.s32 $0xFFFFD800  }
0x17: {  	[bflag:$0x0] =	sbarrier.arrive $0xFFFF;
	_ =	sdelay $0x1  }
.LBB2_1:
.Ltmp2:
0x18: {  	(pc) =	sbr.rel @!p1 .LBB2_2-.Ltmp2, $1  }
0x19: {  	_ =	sdelay $0x3  }
0x1a: {  	s24 =	simm.s32 @!p0 $0x1C03  }
0x1b: {  	[spmem:s13], [sflag:s24] =	dma.local @!p0 [hbm:s8], $0x28000  }
0x1c: {  	s24 =	simm.s32 @!p0 $0x3  }
0x1d: {  	_ =	swait.ge @!p0 [sflag:s24], $0x28000  }
0x1e: {  	[sflag:s24] =	ssyncset.done @!p0 $0x0  }
0x1f: {  	[sflag:s24] =	ssyncadd.s32 @!p0 $0xFFFD8000  }
0x20: {  	s24 =	simm.s32 $0x0;
	[bflag:$0x0] =	sbarrier.arrive $0xFFFF  }
.LBB2_8:
0x21: {  	s25 =	sshll.u32 s24, $0x7  }
0x22: {  	s25 =	sadd.s32 s9, s25  }
0x23: {  	s25 =	sshrl.u32 s25, $0x3  }
0x24: {  	s26 =	sadd.s32 s6, s25  }
0x25: {  	[tilespmem:s3], [sflag:$0x3] =	stream.linear.gather [hbm4b:s26+s3], $0x80, $0x38;
	[tilespmem:$0x19100] =	vst v63  }
0x26: {  	_ =	swait.ge [sflag:s14], $0x80  }
0x27: {  	[sflag:s14] =	ssyncset.done $0x0  }
0x28: {  	s25 =	sadd.s32 s7, s25;
	[sflag:s14] =	ssyncadd.s32 $0xFFFFFF80  }
0x29: {  	[tilespmem:s15], [sflag:$0x3] =	stream.linear.gather [hbm4b:s25+s3], $0x80, $0x38;
	[tilespmem:$0x19100] =	vst v63  }
0x2a: {  	_ =	swait.ge [sflag:s14], $0x80  }
0x2b: {  	[sflag:s14] =	ssyncset.done $0x0  }
0x2c: {  	[sflag:s14] =	ssyncadd.s32 $0xFFFFFF80  }
0x2d: {  	[tilespmem:s16], [sflag:$0x1] =	stream.indirect.gather [hbm4b:s11+s15], $0x80, s3, s15, $0xb8;
	[tilespmem:$0x19100] =	vst v63  }
0x2e: {  	_ = 	snop  }
0x2f: {  	[tilespmem:s17], [sflag:$0x2] =	stream.indirect.gather [hbm4b:s1+s15], $0x10, s3, s15, $0xb8;
	[tilespmem:$0x19100] =	vst v63  }
0x30: {  	_ =	swait.ge [sflag:s18], $0x4000  }
0x31: {  	[sflag:s18] =	ssyncset.done $0x0  }
0x32: {  	[sflag:s18] =	ssyncadd.s32 $0xFFFFC000  }
0x33: {  	_ =	swait.ge [sflag:s19], $0x800  }
0x34: {  	[sflag:s19] =	ssyncset.done $0x0  }
0x35: {  	[sflag:s19] =	ssyncadd.s32 $0xFFFFF800  }
0x36: {  	[tilespmem:s20], [sflag:$0x2] =	stream.indirect.gather [hbm4b:s1+s15], $0x10, s15, s15, $0xb8;
	[tilespmem:$0x19100] =	vst v63  }
0x37: {  	_ =	swait.ge [sflag:s19], $0x800  }
0x38: {  	[sflag:s19] =	ssyncset.done $0x0  }
0x39: {  	s26 =	simm.s32 $0x4110;
	[sflag:s19] =	ssyncadd.s32 $0xFFFFF800  }
0x3a: {  	s28 =	simm.s32 $0x4910;
	v0 =	vld [tilespmem:s26+$0xFFFFFFF0]  }
0x3b: {  	v1 =	vld [tilespmem:s28+$0xFFFFFFF0]  }
0x3c: {  	s25 =	simm.s32 $0x180  }
0x3d: {  	v3 =	vld [tilespmem:s25+$0xFFFFFFF0]  }
0x3e: {  	v4 =	vld [tilespmem:s25+$0xFFFFFFB0]  }
0x3f: {  	v5 =	vld [tilespmem:s25+$0xFFFFFF80]  }
0x40: {  	v2 =	vld [tilespmem:s25+$0xFFFFFFD0];
	v0 =	vmul.f32 v1, v0  }
0x41: {  	v6 =	vld [tilespmem:s25+$0xFFFFFFA0]  }
0x42: {  	v1 =	vld [tilespmem:s25+$0xFFFFFFE0];
	v3 =	vmul.f32 v3, v0  }
0x43: {  	v7 =	vld [tilespmem:s25+$0xFFFFFF90];
	v4 =	vmul.f32 v4, v0  }
0x44: {  	v8 =	vld [tilespmem:s25+$0xFFFFFFC0];
	v5 =	vmul.f32 v0, v5;
	[tilespmem:s25+$0xFFFFFFF0] =	vst v3  }
0x45: {  	v2 =	vmul.f32 v2, v0;
	[tilespmem:s25+$0xFFFFFFB0] =	vst v4  }
0x46: {  	v3 =	vmul.f32 v6, v0;
	[tilespmem:s25+$0xFFFFFF80] =	vst v5  }
0x47: {  	[tilespmem:s25+$0xFFFFFFD0] =	vst v2;
	v1 =	vmul.f32 v1, v0  }
0x48: {  	[tilespmem:s25+$0xFFFFFFA0] =	vst v3;
	v3 =	vmul.f32 v7, v0  }
0x49: {  	v2 =	vld [tilespmem:s25+$0x0];
	[tilespmem:s25+$0xFFFFFFE0] =	vst v1;
	v1 =	vmul.f32 v8, v0  }
0x4a: {  	v0 =	vld [tilespmem:s25+$0x70];
	[tilespmem:s25+$0xFFFFFF90] =	vst v3  }
0x4b: {  	[tilespmem:s25+$0xFFFFFFC0] =	vst v1;
	v1 =	vld [tilespmem:s25+$0x50]  }
0x4c: {  	v3 =	vld [tilespmem:s26+$0x0]  }
0x4d: {  	s29 =	simm.s32 $0x0;
	s30 =	simm.s32 $0x280;
	v4 =	vld [tilespmem:s28+$0x0]  }
.LBB2_9:
0x4e: {  	s29 =	sadd.s32 $0x2, s29;
	v5 =	vld [tilespmem:s25+$0x20];
	s28 =	sadd.s32 $0x20, s28;
	s26 =	sadd.s32 $0x20, s26  }
0x4f: {  	p2 =	slt.u32 s29, $0x7E;
	v6 =	vld [tilespmem:s25+$0x10]  }
0x50: {  	v7 =	vld [tilespmem:s25+$0x30]  }
0x51: {  	v8 =	vld [tilespmem:s25+$0x40]  }
0x52: {  	v3 =	vmul.f32 v4, v3;
	v4 =	vld [tilespmem:s25+$0x60];
	_ =	sdelay $0x1  }
0x53: {  	v2 =	vmul.f32 v3, v2;
	v6 =	vmul.f32 v6, v3  }
0x54: {  	v5 =	vmul.f32 v5, v3;
	v7 =	vmul.f32 v7, v3  }
0x55: {  	v1 =	vmul.f32 v1, v3;
	[tilespmem:s25+$0x0] =	vst v2;
	v2 =	vmul.f32 v8, v3  }
0x56: {  	v0 =	vmul.f32 v0, v3;
	[tilespmem:s25+$0x20] =	vst v5;
	v4 =	vmul.f32 v4, v3  }
0x57: {  	[tilespmem:s25+$0x50] =	vst v1  }
0x58: {  	[tilespmem:s25+$0x70] =	vst v0  }
0x59: {  	[tilespmem:s25+$0x40] =	vst v2  }
0x5a: {  	v0 =	vld [tilespmem:s30+$0xFFFFFFD0];
	[tilespmem:s25+$0x30] =	vst v7  }
0x5b: {  	v1 =	vld [tilespmem:s30+$0xFFFFFFA0];
	[tilespmem:s25+$0x10] =	vst v6  }
0x5c: {  	v2 =	vld [tilespmem:s30+$0xFFFFFFE0];
	[tilespmem:s25+$0x60] =	vst v4;
	s25 =	smov.u32 s30  }
0x5d: {  	v3 =	vld [tilespmem:s26+$0xFFFFFFF0]  }
0x5e: {  	v4 =	vld [tilespmem:s28+$0xFFFFFFF0]  }
0x5f: {  	v5 =	vld [tilespmem:s30+$0xFFFFFFF0]  }
0x60: {  	v6 =	vld [tilespmem:s30+$0xFFFFFFB0]  }
0x61: {  	v7 =	vld [tilespmem:s30+$0xFFFFFF80]  }
0x62: {  	v8 =	vld [tilespmem:s30+$0xFFFFFF90]  }
0x63: {  	v3 =	vmul.f32 v4, v3;
	v4 =	vld [tilespmem:s30+$0xFFFFFFC0];
	_ =	sdelay $0x1  }
0x64: {  	v6 =	vmul.f32 v6, v3;
	v5 =	vmul.f32 v5, v3  }
0x65: {  	v2 =	vmul.f32 v2, v3;
	v7 =	vmul.f32 v3, v7  }
0x66: {  	v1 =	vmul.f32 v1, v3;
	v8 =	vmul.f32 v8, v3;
	[tilespmem:s30+$0xFFFFFFF0] =	vst v5  }
0x67: {  	[tilespmem:s30+$0xFFFFFFB0] =	vst v6;
	v4 =	vmul.f32 v4, v3;
	v3 =	vmul.f32 v0, v3  }
0x68: {  	[tilespmem:s30+$0xFFFFFF80] =	vst v7  }
0x69: {  	[tilespmem:s30+$0xFFFFFFA0] =	vst v1  }
0x6a: {  	[tilespmem:s30+$0xFFFFFF90] =	vst v8  }
.Ltmp3:
0x6b: {  	[tilespmem:s30+$0xFFFFFFE0] =	vst v2;
	v0 =	vld [tilespmem:s30+$0x70];
	(pc) =	sbr.rel @p2 .LBB2_9-.Ltmp3, $4  }
0x6c: {  	[tilespmem:s30+$0xFFFFFFD0] =	vst v3;
	v2 =	vld [tilespmem:s30+$0x0]  }
0x6d: {  	[tilespmem:s30+$0xFFFFFFC0] =	vst v4;
	v1 =	vld [tilespmem:s30+$0x50]  }
0x6e: {  	v3 =	vld [tilespmem:s26+$0x0]  }
0x6f: {  	s30 =	sadd.s32 $0x100, s30;
	v4 =	vld [tilespmem:s28+$0x0]  }
0x70: {  	_ =	sdelay $0x1  }
0x71: {  	v5 =	vld [tilespmem:s25+$0x20];
	_ =	sdelay $0x1  }
0x72: {  	v3 =	vmul.f32 v4, v3  }
0x73: {  	v59 =	vld [tilespmem:s25+$0x40]  }
0x74: {  	v6 =	vld [tilespmem:s25+$0x30];
	v2 =	vmul.f32 v3, v2  }
0x75: {  	v7 =	vld [tilespmem:s25+$0x10];
	v5 =	vmul.f32 v5, v3  }
0x76: {  	v8 =	vld [tilespmem:s25+$0x60];
	v1 =	vmul.f32 v1, v3;
	[tilespmem:s25+$0x0] =	vst v2  }
0x77: {  	v0 =	vmul.f32 v0, v3;
	[tilespmem:s25+$0x20] =	vst v5  }
0x78: {  	v60 =	vmul.f32 v59, v3;
	[tilespmem:s25+$0x50] =	vst v1  }
0x79: {  	v61 =	vmul.f32 v6, v3;
	[tilespmem:s25+$0x70] =	vst v0  }
0x7a: {  	v62 =	vmul.f32 v7, v3;
	[tilespmem:s25+$0x40] =	vst v60  }
0x7b: {  	s24 =	sadd.s32 $0x1, s24;
	v63 =	vmul.f32 v8, v3;
	[tilespmem:s25+$0x30] =	vst v61  }
0x7c: {  	p2 =	sne.s32 s24, $0xA2;
	[tilespmem:s25+$0x10] =	vst v62  }
.Ltmp4:
0x7d: {  	[tilespmem:s25+$0x60] =	vst v63;
	(pc) =	sbr.rel @p2 .LBB2_8-.Ltmp4, $4  }
0x7e: {  	[spmem:s2] =	stream.indirect.scatter.add.f32 [tilespmem:s16], [sflag:$0x3], $0x80, s15, s15, $0xb8;
	[tilespmem:$0x19100] =	vst v63  }
0x7f: {  	_ =	swait.ge [sflag:s14], $0x4000  }
0x80: {  	[sflag:s14] =	ssyncset.done $0x0  }
0x81: {  	[sflag:s14] =	ssyncadd.s32 $0xFFFFC000  }
.Ltmp5:
0x82: {  	(pc) =	sbr.rel .LBB2_12-.Ltmp5, $3  }
0x83: {  	_ =	sdelay $0x1  }
0x84: {  	[bflag:$0x0] =	sbarrier.arrive $0xFFFF  }
0x85: {  	s24 =	smov.u32 s21  }
.LBB2_2:
0x86: {  	s24 =	simm.s32 @!p0 $0x1C03  }
0x87: {  	[spmem:s13], [sflag:s24] =	dma.local @!p0 [hbm:s8], $0x28000  }
0x88: {  	s24 =	simm.s32 @!p0 $0x3  }
0x89: {  	_ =	swait.ge @!p0 [sflag:s24], $0x28000  }
0x8a: {  	[sflag:s24] =	ssyncset.done @!p0 $0x0  }
0x8b: {  	[sflag:s24] =	ssyncadd.s32 @!p0 $0xFFFD8000  }
0x8c: {  	s24 =	simm.s32 $0x0;
	[bflag:$0x0] =	sbarrier.arrive $0xFFFF  }
.LBB2_3:
0x8d: {  	s25 =	sshll.u32 s24, $0x7  }
0x8e: {  	s25 =	sadd.s32 s9, s25  }
0x8f: {  	s25 =	sshrl.u32 s25, $0x3  }
0x90: {  	s26 =	sadd.s32 s6, s25  }
0x91: {  	[tilespmem:s3], [sflag:$0x3] =	stream.linear.gather [hbm4b:s26+s3], $0x80, $0x38;
	[tilespmem:$0x19100] =	vst v63  }
0x92: {  	_ =	swait.ge [sflag:s14], $0x80  }
0x93: {  	[sflag:s14] =	ssyncset.done $0x0  }
0x94: {  	s25 =	sadd.s32 s7, s25;
	[sflag:s14] =	ssyncadd.s32 $0xFFFFFF80  }
0x95: {  	[tilespmem:s15], [sflag:$0x3] =	stream.linear.gather [hbm4b:s25+s3], $0x80, $0x38;
	[tilespmem:$0x19100] =	vst v63  }
0x96: {  	_ =	swait.ge [sflag:s14], $0x80  }
0x97: {  	[sflag:s14] =	ssyncset.done $0x0  }
0x98: {  	[sflag:s14] =	ssyncadd.s32 $0xFFFFFF80  }
0x99: {  	[tilespmem:s16], [sflag:$0x1] =	stream.indirect.gather [hbm4b:s5+s15], $0x80, s3, s15, $0xb8;
	[tilespmem:$0x19100] =	vst v63  }
0x9a: {  	_ = 	snop  }
0x9b: {  	[tilespmem:s17], [sflag:$0x2] =	stream.indirect.gather [hbm4b:s1+s15], $0x10, s3, s15, $0xb8;
	[tilespmem:$0x19100] =	vst v63  }
0x9c: {  	_ =	swait.ge [sflag:s18], $0x4000  }
0x9d: {  	[sflag:s18] =	ssyncset.done $0x0  }
0x9e: {  	[sflag:s18] =	ssyncadd.s32 $0xFFFFC000  }
0x9f: {  	_ =	swait.ge [sflag:s19], $0x800  }
0xa0: {  	[sflag:s19] =	ssyncset.done $0x0  }
0xa1: {  	[sflag:s19] =	ssyncadd.s32 $0xFFFFF800  }
0xa2: {  	[tilespmem:s20], [sflag:$0x2] =	stream.indirect.gather [hbm4b:s1+s15], $0x10, s15, s15, $0xb8;
	[tilespmem:$0x19100] =	vst v63  }
0xa3: {  	_ =	swait.ge [sflag:s19], $0x800  }
0xa4: {  	[sflag:s19] =	ssyncset.done $0x0  }
0xa5: {  	s26 =	simm.s32 $0x4110;
	[sflag:s19] =	ssyncadd.s32 $0xFFFFF800  }
0xa6: {  	s28 =	simm.s32 $0x4910;
	v0 =	vld [tilespmem:s26+$0xFFFFFFF0]  }
0xa7: {  	v1 =	vld [tilespmem:s28+$0xFFFFFFF0]  }
0xa8: {  	s25 =	simm.s32 $0x180  }
0xa9: {  	v3 =	vld [tilespmem:s25+$0xFFFFFFF0]  }
0xaa: {  	v4 =	vld [tilespmem:s25+$0xFFFFFFB0]  }
0xab: {  	v5 =	vld [tilespmem:s25+$0xFFFFFF80]  }
0xac: {  	v2 =	vld [tilespmem:s25+$0xFFFFFFD0];
	v0 =	vmul.f32 v1, v0  }
0xad: {  	v6 =	vld [tilespmem:s25+$0xFFFFFFA0]  }
0xae: {  	v1 =	vld [tilespmem:s25+$0xFFFFFFE0];
	v3 =	vmul.f32 v3, v0  }
0xaf: {  	v7 =	vld [tilespmem:s25+$0xFFFFFF90];
	v4 =	vmul.f32 v4, v0  }
0xb0: {  	v8 =	vld [tilespmem:s25+$0xFFFFFFC0];
	v5 =	vmul.f32 v0, v5;
	[tilespmem:s25+$0xFFFFFFF0] =	vst v3  }
0xb1: {  	v2 =	vmul.f32 v2, v0;
	[tilespmem:s25+$0xFFFFFFB0] =	vst v4  }
0xb2: {  	v3 =	vmul.f32 v6, v0;
	[tilespmem:s25+$0xFFFFFF80] =	vst v5  }
0xb3: {  	[tilespmem:s25+$0xFFFFFFD0] =	vst v2;
	v1 =	vmul.f32 v1, v0  }
0xb4: {  	[tilespmem:s25+$0xFFFFFFA0] =	vst v3;
	v3 =	vmul.f32 v7, v0  }
0xb5: {  	v2 =	vld [tilespmem:s25+$0x0];
	[tilespmem:s25+$0xFFFFFFE0] =	vst v1;
	v1 =	vmul.f32 v8, v0  }
0xb6: {  	v0 =	vld [tilespmem:s25+$0x70];
	[tilespmem:s25+$0xFFFFFF90] =	vst v3  }
0xb7: {  	[tilespmem:s25+$0xFFFFFFC0] =	vst v1;
	v1 =	vld [tilespmem:s25+$0x50]  }
0xb8: {  	v3 =	vld [tilespmem:s26+$0x0]  }
0xb9: {  	s29 =	simm.s32 $0x0;
	s30 =	simm.s32 $0x280;
	v4 =	vld [tilespmem:s28+$0x0]  }
.LBB2_4:
0xba: {  	s29 =	sadd.s32 $0x2, s29;
	v5 =	vld [tilespmem:s25+$0x20];
	s28 =	sadd.s32 $0x20, s28;
	s26 =	sadd.s32 $0x20, s26  }
0xbb: {  	p2 =	slt.u32 s29, $0x7E;
	v6 =	vld [tilespmem:s25+$0x10]  }
0xbc: {  	v7 =	vld [tilespmem:s25+$0x30]  }
0xbd: {  	v8 =	vld [tilespmem:s25+$0x40]  }
0xbe: {  	v3 =	vmul.f32 v4, v3;
	v4 =	vld [tilespmem:s25+$0x60];
	_ =	sdelay $0x1  }
0xbf: {  	v2 =	vmul.f32 v3, v2;
	v6 =	vmul.f32 v6, v3  }
0xc0: {  	v5 =	vmul.f32 v5, v3;
	v7 =	vmul.f32 v7, v3  }
0xc1: {  	v1 =	vmul.f32 v1, v3;
	[tilespmem:s25+$0x0] =	vst v2;
	v2 =	vmul.f32 v8, v3  }
0xc2: {  	v0 =	vmul.f32 v0, v3;
	[tilespmem:s25+$0x20] =	vst v5;
	v4 =	vmul.f32 v4, v3  }
0xc3: {  	[tilespmem:s25+$0x50] =	vst v1  }
0xc4: {  	[tilespmem:s25+$0x70] =	vst v0  }
0xc5: {  	[tilespmem:s25+$0x40] =	vst v2  }
0xc6: {  	v0 =	vld [tilespmem:s30+$0xFFFFFFD0];
	[tilespmem:s25+$0x30] =	vst v7  }
0xc7: {  	v1 =	vld [tilespmem:s30+$0xFFFFFFA0];
	[tilespmem:s25+$0x10] =	vst v6  }
0xc8: {  	v2 =	vld [tilespmem:s30+$0xFFFFFFE0];
	[tilespmem:s25+$0x60] =	vst v4;
	s25 =	smov.u32 s30  }
0xc9: {  	v3 =	vld [tilespmem:s26+$0xFFFFFFF0]  }
0xca: {  	v4 =	vld [tilespmem:s28+$0xFFFFFFF0]  }
0xcb: {  	v5 =	vld [tilespmem:s30+$0xFFFFFFF0]  }
0xcc: {  	v6 =	vld [tilespmem:s30+$0xFFFFFFB0]  }
0xcd: {  	v7 =	vld [tilespmem:s30+$0xFFFFFF80]  }
0xce: {  	v8 =	vld [tilespmem:s30+$0xFFFFFF90]  }
0xcf: {  	v3 =	vmul.f32 v4, v3;
	v4 =	vld [tilespmem:s30+$0xFFFFFFC0];
	_ =	sdelay $0x1  }
0xd0: {  	v6 =	vmul.f32 v6, v3;
	v5 =	vmul.f32 v5, v3  }
0xd1: {  	v2 =	vmul.f32 v2, v3;
	v7 =	vmul.f32 v3, v7  }
0xd2: {  	v1 =	vmul.f32 v1, v3;
	v8 =	vmul.f32 v8, v3;
	[tilespmem:s30+$0xFFFFFFF0] =	vst v5  }
0xd3: {  	[tilespmem:s30+$0xFFFFFFB0] =	vst v6;
	v4 =	vmul.f32 v4, v3;
	v3 =	vmul.f32 v0, v3  }
0xd4: {  	[tilespmem:s30+$0xFFFFFF80] =	vst v7  }
0xd5: {  	[tilespmem:s30+$0xFFFFFFA0] =	vst v1  }
0xd6: {  	[tilespmem:s30+$0xFFFFFF90] =	vst v8  }
.Ltmp6:
0xd7: {  	[tilespmem:s30+$0xFFFFFFE0] =	vst v2;
	v0 =	vld [tilespmem:s30+$0x70];
	(pc) =	sbr.rel @p2 .LBB2_4-.Ltmp6, $4  }
0xd8: {  	[tilespmem:s30+$0xFFFFFFD0] =	vst v3;
	v2 =	vld [tilespmem:s30+$0x0]  }
0xd9: {  	[tilespmem:s30+$0xFFFFFFC0] =	vst v4;
	v1 =	vld [tilespmem:s30+$0x50]  }
0xda: {  	v3 =	vld [tilespmem:s26+$0x0]  }
0xdb: {  	s30 =	sadd.s32 $0x100, s30;
	v4 =	vld [tilespmem:s28+$0x0]  }
0xdc: {  	_ =	sdelay $0x1  }
0xdd: {  	v5 =	vld [tilespmem:s25+$0x20];
	_ =	sdelay $0x1  }
0xde: {  	v3 =	vmul.f32 v4, v3  }
0xdf: {  	v59 =	vld [tilespmem:s25+$0x40]  }
0xe0: {  	v6 =	vld [tilespmem:s25+$0x30];
	v2 =	vmul.f32 v3, v2  }
0xe1: {  	v7 =	vld [tilespmem:s25+$0x10];
	v5 =	vmul.f32 v5, v3  }
0xe2: {  	v8 =	vld [tilespmem:s25+$0x60];
	v1 =	vmul.f32 v1, v3;
	[tilespmem:s25+$0x0] =	vst v2  }
0xe3: {  	v0 =	vmul.f32 v0, v3;
	[tilespmem:s25+$0x20] =	vst v5  }
0xe4: {  	v60 =	vmul.f32 v59, v3;
	[tilespmem:s25+$0x50] =	vst v1  }
0xe5: {  	v61 =	vmul.f32 v6, v3;
	[tilespmem:s25+$0x70] =	vst v0  }
0xe6: {  	v62 =	vmul.f32 v7, v3;
	[tilespmem:s25+$0x40] =	vst v60  }
0xe7: {  	s24 =	sadd.s32 $0x1, s24;
	v63 =	vmul.f32 v8, v3;
	[tilespmem:s25+$0x30] =	vst v61  }
0xe8: {  	p2 =	sne.s32 s24, $0xA2;
	[tilespmem:s25+$0x10] =	vst v62  }
.Ltmp7:
0xe9: {  	[tilespmem:s25+$0x60] =	vst v63;
	(pc) =	sbr.rel @p2 .LBB2_3-.Ltmp7, $4  }
0xea: {  	[spmem:s2] =	stream.indirect.scatter.add.f32 [tilespmem:s16], [sflag:$0x3], $0x80, s15, s15, $0xb8;
	[tilespmem:$0x19100] =	vst v63  }
0xeb: {  	_ =	swait.ge [sflag:s14], $0x4000  }
0xec: {  	[sflag:s14] =	ssyncset.done $0x0  }
0xed: {  	[sflag:s14] =	ssyncadd.s32 $0xFFFFC000  }
.Ltmp8:
0xee: {  	(pc) =	sbr.rel .LBB2_12-.Ltmp8, $3  }
0xef: {  	_ =	sdelay $0x1  }
0xf0: {  	[bflag:$0x0] =	sbarrier.arrive $0xFFFF  }
0xf1: {  	s24 =	smov.u32 s10  }
.LBB2_13:
0xf2: {  	_ =	sfence.sel $0x180000  }
0xf3: {  	[bflag:$0x0] =	sbarrier.arrive $0xFFFF  }
0xf4: {  	_ =	strace $0x9000004D  }
0xf5: {  	s0 =	sadd.s32 @!p0 $0x100000, s0;
	[bflag:$0x2] =	sbarrier.arrive $0xFFFF  }
0xf6: {  	[sflag:s0] =	ssyncadd.tile.s32 @!p0 $0x1;
	_ =	shalt  }
.Lfunc_end2:
_tile_overlayer_lowered:
.L_overlay_start_2:
0xf7: {  	(tag) =	ssettag $0x2  }
0xf8: {  	s0 =	rddreg [dreg:$0x0];
	s2 =	stileid.u32  }
0xf9: {  	s1 =	rddreg [dreg:$0x1];
	p0 =	sne.s32 s2, $0x0  }
0xfa: {  	s3 =	rddreg [dreg:$0x2];
	[bflag:$0x3] =	sbarrier.arrive $0xFFFF;
	s2 =	simm.s32 @!p0 $0x1C03  }
0xfb: {  	[timem:s3], [sflag:s2] =	dma.local @!p0 [hbm:s0], s1  }
0xfc: {  	s0 =	simm.s32 @!p0 $0x3  }
0xfd: {  	_ =	swait.ge @!p0 [sflag:s0], s1  }
0xfe: {  	s1 =	ssub.s32 @!p0 $0x0, s1;
	[sflag:s0] =	ssyncset.done @!p0 $0x0  }
0xff: {  	[sflag:s0] =	ssyncadd.s32 @!p0 s1  }
0x100: {  	[bflag:$0x3] =	sbarrier.arrive $0xFFFF  }
0x101: {  	_ =	shalt  }

// kernel: kernel.20.cloned.1.call-start
scs
__scs_entry_jumppad:
0x0: {  	(pc) =	sbr.rel $0x88, $3  }
0x1: {  	(tag) =	ssettag $0x0;
	lr =	simm.s32 $0x1  }
0x2: {  	[smem:$0x3F91] =	sst lr;
	_ =	strace $0xD0000000  }
0x3: {  	_ = 	snop  }
0x4: {  	_ = 	snop  }
0x5: {  	_ = 	snop  }
0x6: {  	_ = 	snop  }
0x7: {  	_ = 	snop  }
__scs_overlays_trampoline_lowered:
0x8: {  	[smem:$0x3FA0] =	sst s0  }
0x9: {  	[smem:$0x3FA1] =	sst s1  }
0xa: {  	[smem:$0x3FA2] =	sst s2  }
0xb: {  	[smem:$0x3FA3] =	sst s3  }
0xc: {  	[smem:$0x3FA4] =	sst s4  }
0xd: {  	[smem:$0x3FA5] =	sst s5  }
0xe: {  	[smem:$0x3FA6] =	sst s6  }
0xf: {  	[smem:$0x3FA7] =	sst s7  }
0x10: {  	[smem:$0x3FA8] =	sst s8  }
0x11: {  	[smem:$0x3FA9] =	sst s9;
	s0 =	simm.s32 @!p0 $0x0  }
0x12: {  	s1 =	sld [smem:$0x3F8F];
	s0 =	simm.s32 @p0 $0x1  }
0x13: {  	[smem:$0x3FAA] =	sst s0;
	s0 =	simm.s32 @!p1 $0x0  }
0x14: {  	s2 =	sld [smem:$0x3F8E];
	s0 =	simm.s32 @p1 $0x1  }
0x15: {  	[smem:$0x3FAB] =	sst s0;
	s0 =	simm.s32 @!p2 $0x0  }
0x16: {  	s3 =	sld [smem:$0x3FDB];
	s0 =	simm.s32 @p2 $0x1  }
0x17: {  	s4 =	simm.s32 $0x1BF5;
	[smem:$0x3FAD] =	sst s0  }
0x18: {  	s0 =	sld [smem:$0x3F90];
	_ =	swait.ge [sflag:s4], $0x0  }
0x19: {  	s7 =	sld [smem:$0x3F91]  }
0x1a: {  	s8 =	sadd.s32 $0xFFFFE003, lr  }
0x1b: {  	s9 =	sadd.s32 $0xFFFFFEF7, lr;
	s5 =	simm.s32 $0xFFFFFFFF;
	p2 =	slt.u32 s8, $0xFFFFF086  }
0x1c: {  	p1 =	slt.u32 s9, $0xF7A;
	s5 =	simm.s32 @!p2 $0x0  }
0x1d: {  	s5 =	simm.s32 @p1 $0x1;
	p0 =	seq.s32 s7, s2  }
0x1e: {  	s7 =	smul.u32 @!p0 $0xF7A, s2;
	p2 =	seq.s32 @!p0 s5, $0x0  }
0x1f: {  	s9 =	smul.u32 $0xF7A, s1;
	s8 =	simm.s32 @!p0 $0x1BF5;
	p2 =	por !p2, p0  }
0x20: {  	[sflag:s8] =	ssyncset.s32 @!p0 $0xFFFFF086;
	s6 =	sadd.s32 @!p0 s3, s7;
	s7 =	simm.s32 @!p0 $0x108  }
0x21: {  	s3 =	sadd.s32 s3, s9;
	s6 =	sadd.s32 @!p0 $0x88, s6;
	s7 =	simm.s32 @p2 $0x1082  }
0x22: {  	[simem:s7], [sflag:s8] =	dma.local @!p0 [hbm:s6], $0xF7A  }
0x23: {  	s9 =	sor.u32 $0xD0000000, s2;
	s6 =	simm.s32 $0x108;
	_ =	swait.ge @!p0 [sflag:s8], $0x0  }
0x24: {  	s3 =	sadd.s32 $0x88, s3;
	s6 =	simm.s32 @!p1 $0x1082;
	[sflag:s4] =	ssyncset.s32 $0xFFFFF086  }
0x25: {  	[simem:s6], [sflag:s4] =	dma.local [hbm:s3], $0xF7A  }
0x26: {  	[smem:$0x3F91] =	sst s1;
	(tag) =	ssettag s2;
	_ =	strace s9  }
0x27: {  	s1 =	sld [smem:$0x3FA1]  }
0x28: {  	s2 =	sld [smem:$0x3FA2]  }
0x29: {  	s4 =	sld [smem:$0x3FA4]  }
0x2a: {  	p0 =	seq.s32 s5, $0x0;
	s5 =	sld [smem:$0x3FA5]  }
0x2b: {  	s6 =	sld [smem:$0x3FA6]  }
0x2c: {  	s7 =	sld [smem:$0x3FA7]  }
0x2d: {  	s3 =	simm.s32 $0x108;
	s8 =	sld [smem:$0x3FA8]  }
0x2e: {  	s3 =	simm.s32 @!p0 $0x1082;
	s9 =	sld [smem:$0x3FA9]  }
0x2f: {  	lr =	sadd.s32 s0, s3;
	s0 =	sld [smem:$0x3FA0]  }
0x30: {  	s3 =	sld [smem:$0x3FA3]  }
0x31: {  	[smem:$0x3FAC] =	sst s10  }
0x32: {  	s10 =	sld [smem:$0x3FAA];
	_ =	sdelay $0x3  }
0x33: {  	p0 =	seq.s32 s10, $0x1;
	s10 =	sld [smem:$0x3FAC];
	_ =	sdelay $0x3  }
0x34: {  	[smem:$0x3FAC] =	sst s10  }
0x35: {  	s10 =	sld [smem:$0x3FAB];
	_ =	sdelay $0x3  }
0x36: {  	p1 =	seq.s32 s10, $0x1;
	s10 =	sld [smem:$0x3FAC];
	_ =	sdelay $0x3  }
0x37: {  	[smem:$0x3FAC] =	sst s10  }
0x38: {  	s10 =	sld [smem:$0x3FAD]  }
0x39: {  	_ = 	snop;
	(pc) =	sbr.ind lr, $3  }
0x3a: {  	_ = 	snop  }
0x3b: {  	_ = 	snop  }
0x3c: {  	p2 =	seq.s32 s10, $0x1;
	s10 =	sld [smem:$0x3FAC]  }
0x3d: {  	_ =	shalt  }
0x3e: {  	_ =	shalt  }
0x3f: {  	_ =	shalt  }
0x40: {  	_ =	shalt  }
0x41: {  	_ =	shalt  }
0x42: {  	_ =	shalt  }
0x43: {  	_ =	shalt  }
0x44: {  	_ =	shalt  }
0x45: {  	_ =	shalt  }
0x46: {  	_ =	shalt  }
0x47: {  	_ =	shalt  }
0x48: {  	_ =	shalt  }
0x49: {  	_ =	shalt  }
0x4a: {  	_ =	shalt  }
0x4b: {  	_ =	shalt  }
0x4c: {  	_ =	shalt  }
0x4d: {  	_ =	shalt  }
0x4e: {  	_ =	shalt  }
0x4f: {  	_ =	shalt  }
0x50: {  	_ =	shalt  }
0x51: {  	_ =	shalt  }
0x52: {  	_ =	shalt  }
0x53: {  	_ =	shalt  }
0x54: {  	_ =	shalt  }
0x55: {  	_ =	shalt  }
0x56: {  	_ =	shalt  }
0x57: {  	_ =	shalt  }
0x58: {  	_ =	shalt  }
0x59: {  	_ =	shalt  }
0x5a: {  	_ =	shalt  }
0x5b: {  	_ =	shalt  }
0x5c: {  	_ =	shalt  }
0x5d: {  	_ =	shalt  }
0x5e: {  	_ =	shalt  }
0x5f: {  	_ =	shalt  }
0x60: {  	_ =	shalt  }
0x61: {  	_ =	shalt  }
0x62: {  	_ =	shalt  }
0x63: {  	_ =	shalt  }
0x64: {  	_ =	shalt  }
0x65: {  	_ =	shalt  }
0x66: {  	_ =	shalt  }
0x67: {  	_ =	shalt  }
0x68: {  	_ =	shalt  }
0x69: {  	_ =	shalt  }
0x6a: {  	_ =	shalt  }
0x6b: {  	_ =	shalt  }
0x6c: {  	_ =	shalt  }
0x6d: {  	_ =	shalt  }
0x6e: {  	_ =	shalt  }
0x6f: {  	_ =	shalt  }
0x70: {  	_ =	shalt  }
0x71: {  	_ =	shalt  }
0x72: {  	_ =	shalt  }
0x73: {  	_ =	shalt  }
0x74: {  	_ =	shalt  }
0x75: {  	_ =	shalt  }
0x76: {  	_ =	shalt  }
0x77: {  	_ =	shalt  }
0x78: {  	_ =	shalt  }
0x79: {  	_ =	shalt  }
0x7a: {  	_ =	shalt  }
0x7b: {  	_ =	shalt  }
0x7c: {  	_ =	shalt  }
0x7d: {  	_ =	shalt  }
0x7e: {  	_ =	shalt  }
0x7f: {  	_ =	shalt  }
0x80: {  	_ =	shalt  }
0x81: {  	_ =	shalt  }
0x82: {  	_ =	shalt  }
0x83: {  	_ =	shalt  }
0x84: {  	_ =	shalt  }
0x85: {  	_ =	shalt  }
0x86: {  	_ =	shalt  }
0x87: {  	_ =	shalt  }
.Lfunc_end0:
.L_simem_size_0:
called_computation.3_lowered:
.L_overlay_start_0:
0x88: {  	s2 =	sld [smem:$0x3FD9]  }
0x89: {  	s3 =	sld [smem:$0x3FFE];
	_ =	sdelay $0x1  }
0x8a: {  	s1 =	srdreg.scid  }
0x8b: {  	s0 =	sand.u32 $0x1, s1  }
0x8c: {  	s14 =	sshll.u32 s0, $0xA;
	s2 =	sadd.s32 s3, s2  }
0x8d: {  	s2 =	sadd.s32 s2, s14  }
0x8e: {  	[smem:$0x3FB8] =	sst s2  }
0x8f: {  	_ = 	snop  }
0x90: {  	s2 =	sld [smem:$0x3FD0];
	_ =	sdelay $0x2  }
0x91: {  	s15 =	simm.s32 $0xA;
	s4 =	simm.s32 $0x10  }
0x92: {  	[smem:s4], [sflag:s15] =	dma.local [hbm:s2], $0x1  }
0x93: {  	_ =	swait.eq [sflag:s15], $0x1  }
0x94: {  	[sflag:s15] =	ssyncset.done $0x0  }
0x95: {  	[sflag:s15] =	ssyncadd.s32 $0xFFFFFFFF  }
0x96: {  	s16 =	sld [smem:$0x10];
	(tm) =	ssettm $0x1  }
0x97: {  	s17 =	sld [smem:$0x3FFB];
	_ =	sdelay $0x3  }
0x98: {  	_ =	strace s17  }
0x99: {  	s3 =	sld [smem:$0x3FFC];
	_ =	sdelay $0x3  }
0x9a: {  	_ =	strace s3  }
0x9b: {  	s3 =	sld [smem:$0x3FFD];
	_ =	sdelay $0x3  }
0x9c: {  	_ =	strace s3  }
0x9d: {  	_ =	strace $0x8FFFFFFF  }
0x9e: {  	s18 =	sld [smem:$0x3FDB];
	_ =	sdelay $0x1  }
0x9f: {  	s19 =	simm.s32 $_scs_section_size  }
0xa0: {  	s5 =	simm.s32 $_size__tile_overlayer_lowered;
	s6 =	simm.s32 $_tile_overlayer_lowered  }
0xa1: {  	s22 =	simm.s32 $0x1BFF;
	s21 =	sshll.u32 s6, $0x1;
	s3 =	sadd.s32 s19, s18  }
0xa2: {  	s7 =	simm.s32 $0x0;
	s20 =	sshll.u32 s5, $0x1;
	s5 =	sadd.s32 s21, s3  }
0xa3: {  	[timem:s7], [sflag:s22] =	dma.local [hbm:s5], s20  }
0xa4: {  	_ =	swait.ge [sflag:s22], s20  }
0xa5: {  	s4 =	ssub.s32 $0x0, s20;
	[sflag:s22] =	ssyncset.done $0x0  }
0xa6: {  	[sflag:s22] =	ssyncadd.s32 s4;
	_ =	sdelay $0x1  }
0xa7: {  	s23 =	simm.s32 $0x1B8B  }
0xa8: {  	_ =	swait.ge [sflag:s23], $0x1  }
0xa9: {  	[sflag:s23] =	ssyncset.done $0x0  }
0xaa: {  	s25 =	simm.s32 $0x1B8E;
	s24 =	sld [smem:$0x3FFE];
	[sflag:s23] =	ssyncadd.s32 $0xFFFFFFFF  }
0xab: {  	s26 =	simm.s32 $execute0_lowered;
	[smem:$0x3FD2] =	sst s25  }
0xac: {  	s5 =	sshll.u32 s26, $0x1;
	_ =	strace $0x8000004F;
	[dreg:$0x1] =	wrdreg $0xFFFFFFFF  }
0xad: {  	s28 =	simm.s32 $_size_execute0_lowered;
	s3 =	sadd.s32 s3, s5;
	[dreg:$0x0] =	wrdreg $0x0  }
0xae: {  	s5 =	sshll.u32 s28, $0x1;
	[dreg:$0x2] =	wrdreg s3  }
0xaf: {  	[dreg:$0x3] =	wrdreg s5  }
0xb0: {  	[dreg:$0x4] =	wrdreg $0xC0  }
0xb1: {  	_ =	task [dreg:s7], $0x5FFFF  }
0xb2: {  	[dreg:$0x1] =	wrdreg $0xFFFFFFFF  }
0xb3: {  	[dreg:$0x0] =	wrdreg $0x60  }
0xb4: {  	[dreg:$0x2] =	wrdreg s24  }
0xb5: {  	[dreg:$0x3] =	wrdreg s16  }
0xb6: {  	[dreg:$0x4] =	wrdreg $0x51000  }
0xb7: {  	[dreg:$0x5] =	wrdreg $0x9  }
0xb8: {  	_ =	task.clear_ibuf [dreg:s7], $0x6FFFF;
	_ =	strace $0x9000004F  }
0xb9: {  	s29 =	simm.s32 $0x9;
	_ =	strace $0x80000051  }
0xba: {  	_ =	swait.ge [sflag:s29], $0x1  }
0xbb: {  	[sflag:s29] =	ssyncadd.s32 $0xFFFFFFFF  }
0xbc: {  	_ =	strace $0x90000051  }
0xbd: {  	_ =	sfence  }
0xbe: {  	s30 =	sld [smem:$0x0];
	_ =	sdelay $0x2  }
0xbf: {  	s31 =	sshll.u32 s1, $0xD;
	s1 =	sshrl.u32 s1, $0x2  }
0xc0: {  	s3 =	sand.u32 $0x4000, s31;
	s1 =	sadd.s32 s1, s30  }
0xc1: {  	s0 =	sor.u32 s3, s0;
	s1 =	sshll.u32 s1, $0x11  }
0xc2: {  	s0 =	sor.u32 s1, s0  }
0xc3: {  	s0 =	sadd.s32 $0x8F2B, s0  }
0xc4: {  	[sflag:s0] =	ssyncadd.remote.s32 $0x1  }
0xc5: {  	_ =	sfence.sel $0xFFFF  }
0xc6: {  	[dreg:$0x0] =	wrdreg $0xFFFFFFFF;
	(pc) =	sbr.abs _section_cstart, $3  }
0xc7: {  	[dreg:$0x1] =	wrdreg $0xFFFFFFFF  }
0xc8: {  	_ =	task.clear_ibuf [dreg:s7], $0x2FFFF;
	_ =	strace $0x9FFFFFFF  }
0xc9: {  	(tm) =	ssettm $0x7FFFFFFF  }
tec
execute0_lowered:
.L_overlay_start_1:
0x0: {  	(tag) =	ssettag $0x1  }
0x1: {  	s12 =	rddreg [dreg:$0x0]  }
0x2: {  	s1 =	rddreg [dreg:$0x1]  }
0x3: {  	s2 =	rddreg [dreg:$0x2]  }
0x4: {  	s0 =	rddreg [dreg:$0x3]  }
0x5: {  	s3 =	simm.s32 $0x0;
	s4 =	stileid.u32;
	s6 =	srdreg.scid  }
0x6: {  	s15 =	simm.s32 $0x80;
	s16 =	simm.s32 $0x100;
	s17 =	simm.s32 $0x4100  }
0x7: {  	s18 =	simm.s32 $0x1;
	s19 =	simm.s32 $0x2;
	s20 =	simm.s32 $0x4900  }
0x8: {  	[smem:$0x7FF] =	sst s3;
	s5 =	sadd.s32 $0x17C00, s12;
	s11 =	smul.u32 $0x14000, s4  }
0x9: {  	s10 =	sand.u32 $0x1, s6;
	s6 =	sadd.s32 $0xDA00, s12;
	s7 =	sadd.s32 $0x3800, s12  }
0xa: {  	s8 =	sadd.s32 $0x163C00, s12;
	s23 =	sadd.s32 $0x67C00, s12;
	p0 =	sne.s32 s4, $0x0  }
0xb: {  	_ =	strace $0x80000050;
	s9 =	ssub.s32 $0x2, s10;
	p1 =	seq.s32 s10, $0x1  }
.Ltmp0:
0xc: {  	s21 =	sshrl.u32 s11, $0x3;
	s13 =	sshrl.u32 s9, $0x1;
	(pc) =	sbr.rel .LBB2_1-.Ltmp0, $4  }
0xd: {  	s22 =	sadd.s32 s11, s2;
	s14 =	sadd.s32 s21, s12;
	s13 =	ssub.s32 s9, s13  }
0xe: {  	s9 =	smul.u32 $0x2880, s4;
	s21 =	sadd.s32 s21, s23;
	s22 =	sshrl.u32 s22, $0x3  }
0xf: {  	s23 =	simm.s32 $0x0;
	s10 =	sadd.s32 $0x3FC00, s14;
	s12 =	smax.u32 s13, $0x1  }
0x10: {  	s13 =	sshrl.u32 @!p0 s2, $0x3;
	s14 =	simm.s32 $0x3;
	s11 =	sadd.s32 $0x28800, s9  }
.LBB2_12:
0x11: {  	s25 =	sshll.u32 s4, $0x6;
	s23 =	sadd.s32 $0x1, s23  }
0x12: {  	s25 =	sor.u32 $0x1C03, s25;
	p2 =	sne.s32 s23, s12  }
0x13: {  	[hbm:s24], [sflag:s25] =	dma.local [spmem:s22], $0x2800  }
.Ltmp1:
0x14: {  	_ =	swait.ge [sflag:s14], $0x2800;
	(pc) =	sbr.rel @!p2 .LBB2_13-.Ltmp1, $3  }
0x15: {  	[sflag:s14] =	ssyncset.done $0x0  }
0x16: {  	[sflag:s14] =	ssyncadd.s32 $0xFFFFD800  }
0x17: {  	[bflag:$0x0] =	sbarrier.arrive $0xFFFF;
	_ =	sdelay $0x1  }
.LBB2_1:
.Ltmp2:
0x18: {  	(pc) =	sbr.rel @!p1 .LBB2_2-.Ltmp2, $1  }
0x19: {  	_ =	sdelay $0x3  }
0x1a: {  	s24 =	simm.s32 @!p0 $0x1C03  }
0x1b: {  	[spmem:s13], [sflag:s24] =	dma.local @!p0 [hbm:s8], $0x28000  }
0x1c: {  	s24 =	simm.s32 @!p0 $0x3  }
0x1d: {  	_ =	swait.ge @!p0 [sflag:s24], $0x28000  }
0x1e: {  	[sflag:s24] =	ssyncset.done @!p0 $0x0  }
0x1f: {  	[sflag:s24] =	ssyncadd.s32 @!p0 $0xFFFD8000  }
0x20: {  	s24 =	simm.s32 $0x0;
	[bflag:$0x0] =	sbarrier.arrive $0xFFFF  }
.LBB2_8:
0x21: {  	s25 =	sshll.u32 s24, $0x7  }
0x22: {  	s25 =	sadd.s32 s25, s11  }
0x23: {  	s25 =	sshrl.u32 s25, $0x3  }
0x24: {  	s26 =	sadd.s32 s6, s25  }
0x25: {  	[tilespmem:s3], [sflag:$0x3] =	stream.linear.gather [hbm4b:s26+s3], $0x80, $0x38;
	[tilespmem:$0x19100] =	vst v63  }
0x26: {  	_ =	swait.ge [sflag:s14], $0x80  }
0x27: {  	[sflag:s14] =	ssyncset.done $0x0  }
0x28: {  	s25 =	sadd.s32 s7, s25;
	[sflag:s14] =	ssyncadd.s32 $0xFFFFFF80  }
0x29: {  	[tilespmem:s15], [sflag:$0x3] =	stream.linear.gather [hbm4b:s25+s3], $0x80, $0x38;
	[tilespmem:$0x19100] =	vst v63  }
0x2a: {  	_ =	swait.ge [sflag:s14], $0x80  }
0x2b: {  	[sflag:s14] =	ssyncset.done $0x0  }
0x2c: {  	[sflag:s14] =	ssyncadd.s32 $0xFFFFFF80  }
0x2d: {  	[tilespmem:s16], [sflag:$0x1] =	stream.indirect.gather [hbm4b:s5+s15], $0x80, s3, s15, $0xb8;
	[tilespmem:$0x19100] =	vst v63  }
0x2e: {  	_ = 	snop  }
0x2f: {  	[tilespmem:s17], [sflag:$0x2] =	stream.indirect.gather [hbm4b:s1+s15], $0x10, s3, s15, $0xb8;
	[tilespmem:$0x19100] =	vst v63  }
0x30: {  	_ =	swait.ge [sflag:s18], $0x4000  }
0x31: {  	[sflag:s18] =	ssyncset.done $0x0  }
0x32: {  	[sflag:s18] =	ssyncadd.s32 $0xFFFFC000  }
0x33: {  	_ =	swait.ge [sflag:s19], $0x800  }
0x34: {  	[sflag:s19] =	ssyncset.done $0x0  }
0x35: {  	[sflag:s19] =	ssyncadd.s32 $0xFFFFF800  }
0x36: {  	[tilespmem:s20], [sflag:$0x2] =	stream.indirect.gather [hbm4b:s1+s15], $0x10, s15, s15, $0xb8;
	[tilespmem:$0x19100] =	vst v63  }
0x37: {  	_ =	swait.ge [sflag:s19], $0x800  }
0x38: {  	[sflag:s19] =	ssyncset.done $0x0  }
0x39: {  	s26 =	simm.s32 $0x4110;
	[sflag:s19] =	ssyncadd.s32 $0xFFFFF800  }
0x3a: {  	s28 =	simm.s32 $0x4910;
	v0 =	vld [tilespmem:s26+$0xFFFFFFF0]  }
0x3b: {  	v1 =	vld [tilespmem:s28+$0xFFFFFFF0]  }
0x3c: {  	s25 =	simm.s32 $0x180  }
0x3d: {  	v3 =	vld [tilespmem:s25+$0xFFFFFFF0]  }
0x3e: {  	v4 =	vld [tilespmem:s25+$0xFFFFFFB0]  }
0x3f: {  	v5 =	vld [tilespmem:s25+$0xFFFFFF80]  }
0x40: {  	v2 =	vld [tilespmem:s25+$0xFFFFFFD0];
	v0 =	vmul.f32 v1, v0  }
0x41: {  	v6 =	vld [tilespmem:s25+$0xFFFFFFA0]  }
0x42: {  	v1 =	vld [tilespmem:s25+$0xFFFFFFE0];
	v3 =	vmul.f32 v3, v0  }
0x43: {  	v7 =	vld [tilespmem:s25+$0xFFFFFF90];
	v4 =	vmul.f32 v4, v0  }
0x44: {  	v8 =	vld [tilespmem:s25+$0xFFFFFFC0];
	v5 =	vmul.f32 v0, v5;
	[tilespmem:s25+$0xFFFFFFF0] =	vst v3  }
0x45: {  	v2 =	vmul.f32 v2, v0;
	[tilespmem:s25+$0xFFFFFFB0] =	vst v4  }
0x46: {  	v3 =	vmul.f32 v6, v0;
	[tilespmem:s25+$0xFFFFFF80] =	vst v5  }
0x47: {  	[tilespmem:s25+$0xFFFFFFD0] =	vst v2;
	v1 =	vmul.f32 v1, v0  }
0x48: {  	[tilespmem:s25+$0xFFFFFFA0] =	vst v3;
	v3 =	vmul.f32 v7, v0  }
0x49: {  	v2 =	vld [tilespmem:s25+$0x0];
	[tilespmem:s25+$0xFFFFFFE0] =	vst v1;
	v1 =	vmul.f32 v8, v0  }
0x4a: {  	v0 =	vld [tilespmem:s25+$0x70];
	[tilespmem:s25+$0xFFFFFF90] =	vst v3  }
0x4b: {  	[tilespmem:s25+$0xFFFFFFC0] =	vst v1;
	v1 =	vld [tilespmem:s25+$0x50]  }
0x4c: {  	v3 =	vld [tilespmem:s26+$0x0]  }
0x4d: {  	s29 =	simm.s32 $0x0;
	s30 =	simm.s32 $0x280;
	v4 =	vld [tilespmem:s28+$0x0]  }
.LBB2_9:
0x4e: {  	s29 =	sadd.s32 $0x2, s29;
	v5 =	vld [tilespmem:s25+$0x20];
	s28 =	sadd.s32 $0x20, s28;
	s26 =	sadd.s32 $0x20, s26  }
0x4f: {  	p2 =	slt.u32 s29, $0x7E;
	v6 =	vld [tilespmem:s25+$0x10]  }
0x50: {  	v7 =	vld [tilespmem:s25+$0x30]  }
0x51: {  	v8 =	vld [tilespmem:s25+$0x40]  }
0x52: {  	v3 =	vmul.f32 v4, v3;
	v4 =	vld [tilespmem:s25+$0x60];
	_ =	sdelay $0x1  }
0x53: {  	v2 =	vmul.f32 v3, v2;
	v6 =	vmul.f32 v6, v3  }
0x54: {  	v5 =	vmul.f32 v5, v3;
	v7 =	vmul.f32 v7, v3  }
0x55: {  	v1 =	vmul.f32 v1, v3;
	[tilespmem:s25+$0x0] =	vst v2;
	v2 =	vmul.f32 v8, v3  }
0x56: {  	v0 =	vmul.f32 v0, v3;
	[tilespmem:s25+$0x20] =	vst v5;
	v4 =	vmul.f32 v4, v3  }
0x57: {  	[tilespmem:s25+$0x50] =	vst v1  }
0x58: {  	[tilespmem:s25+$0x70] =	vst v0  }
0x59: {  	[tilespmem:s25+$0x40] =	vst v2  }
0x5a: {  	v0 =	vld [tilespmem:s30+$0xFFFFFFD0];
	[tilespmem:s25+$0x30] =	vst v7  }
0x5b: {  	v1 =	vld [tilespmem:s30+$0xFFFFFFA0];
	[tilespmem:s25+$0x10] =	vst v6  }
0x5c: {  	v2 =	vld [tilespmem:s30+$0xFFFFFFE0];
	[tilespmem:s25+$0x60] =	vst v4;
	s25 =	smov.u32 s30  }
0x5d: {  	v3 =	vld [tilespmem:s26+$0xFFFFFFF0]  }
0x5e: {  	v4 =	vld [tilespmem:s28+$0xFFFFFFF0]  }
0x5f: {  	v5 =	vld [tilespmem:s30+$0xFFFFFFF0]  }
0x60: {  	v6 =	vld [tilespmem:s30+$0xFFFFFFB0]  }
0x61: {  	v7 =	vld [tilespmem:s30+$0xFFFFFF80]  }
0x62: {  	v8 =	vld [tilespmem:s30+$0xFFFFFF90]  }
0x63: {  	v3 =	vmul.f32 v4, v3;
	v4 =	vld [tilespmem:s30+$0xFFFFFFC0];
	_ =	sdelay $0x1  }
0x64: {  	v6 =	vmul.f32 v6, v3;
	v5 =	vmul.f32 v5, v3  }
0x65: {  	v2 =	vmul.f32 v2, v3;
	v7 =	vmul.f32 v3, v7  }
0x66: {  	v1 =	vmul.f32 v1, v3;
	v8 =	vmul.f32 v8, v3;
	[tilespmem:s30+$0xFFFFFFF0] =	vst v5  }
0x67: {  	[tilespmem:s30+$0xFFFFFFB0] =	vst v6;
	v4 =	vmul.f32 v4, v3;
	v3 =	vmul.f32 v0, v3  }
0x68: {  	[tilespmem:s30+$0xFFFFFF80] =	vst v7  }
0x69: {  	[tilespmem:s30+$0xFFFFFFA0] =	vst v1  }
0x6a: {  	[tilespmem:s30+$0xFFFFFF90] =	vst v8  }
.Ltmp3:
0x6b: {  	[tilespmem:s30+$0xFFFFFFE0] =	vst v2;
	v0 =	vld [tilespmem:s30+$0x70];
	(pc) =	sbr.rel @p2 .LBB2_9-.Ltmp3, $4  }
0x6c: {  	[tilespmem:s30+$0xFFFFFFD0] =	vst v3;
	v2 =	vld [tilespmem:s30+$0x0]  }
0x6d: {  	[tilespmem:s30+$0xFFFFFFC0] =	vst v4;
	v1 =	vld [tilespmem:s30+$0x50]  }
0x6e: {  	v3 =	vld [tilespmem:s26+$0x0]  }
0x6f: {  	s30 =	sadd.s32 $0x100, s30;
	v4 =	vld [tilespmem:s28+$0x0]  }
0x70: {  	_ =	sdelay $0x1  }
0x71: {  	v5 =	vld [tilespmem:s25+$0x20];
	_ =	sdelay $0x1  }
0x72: {  	v3 =	vmul.f32 v4, v3  }
0x73: {  	v59 =	vld [tilespmem:s25+$0x40]  }
0x74: {  	v6 =	vld [tilespmem:s25+$0x30];
	v2 =	vmul.f32 v3, v2  }
0x75: {  	v7 =	vld [tilespmem:s25+$0x10];
	v5 =	vmul.f32 v5, v3  }
0x76: {  	v8 =	vld [tilespmem:s25+$0x60];
	v1 =	vmul.f32 v1, v3;
	[tilespmem:s25+$0x0] =	vst v2  }
0x77: {  	v0 =	vmul.f32 v0, v3;
	[tilespmem:s25+$0x20] =	vst v5  }
0x78: {  	v60 =	vmul.f32 v59, v3;
	[tilespmem:s25+$0x50] =	vst v1  }
0x79: {  	v61 =	vmul.f32 v6, v3;
	[tilespmem:s25+$0x70] =	vst v0  }
0x7a: {  	v62 =	vmul.f32 v7, v3;
	[tilespmem:s25+$0x40] =	vst v60  }
0x7b: {  	s24 =	sadd.s32 $0x1, s24;
	v63 =	vmul.f32 v8, v3;
	[tilespmem:s25+$0x30] =	vst v61  }
0x7c: {  	p2 =	sne.s32 s24, $0x51;
	[tilespmem:s25+$0x10] =	vst v62  }
.Ltmp4:
0x7d: {  	[tilespmem:s25+$0x60] =	vst v63;
	(pc) =	sbr.rel @p2 .LBB2_8-.Ltmp4, $4  }
0x7e: {  	[spmem:s2] =	stream.indirect.scatter.add.f32 [tilespmem:s16], [sflag:$0x3], $0x80, s15, s15, $0xb8;
	[tilespmem:$0x19100] =	vst v63  }
0x7f: {  	_ =	swait.ge [sflag:s14], $0x4000  }
0x80: {  	[sflag:s14] =	ssyncset.done $0x0  }
0x81: {  	[sflag:s14] =	ssyncadd.s32 $0xFFFFC000  }
.Ltmp5:
0x82: {  	(pc) =	sbr.rel .LBB2_12-.Ltmp5, $3  }
0x83: {  	_ =	sdelay $0x1  }
0x84: {  	[bflag:$0x0] =	sbarrier.arrive $0xFFFF  }
0x85: {  	s24 =	smov.u32 s21  }
.LBB2_2:
0x86: {  	s24 =	simm.s32 @!p0 $0x1C03  }
0x87: {  	[spmem:s13], [sflag:s24] =	dma.local @!p0 [hbm:s8], $0x28000  }
0x88: {  	s24 =	simm.s32 @!p0 $0x3  }
0x89: {  	_ =	swait.ge @!p0 [sflag:s24], $0x28000  }
0x8a: {  	[sflag:s24] =	ssyncset.done @!p0 $0x0  }
0x8b: {  	[sflag:s24] =	ssyncadd.s32 @!p0 $0xFFFD8000  }
0x8c: {  	s24 =	simm.s32 $0x0;
	[bflag:$0x0] =	sbarrier.arrive $0xFFFF  }
.LBB2_3:
0x8d: {  	s25 =	sshll.u32 s24, $0x7  }
0x8e: {  	s25 =	sadd.s32 s9, s25  }
0x8f: {  	s25 =	sshrl.u32 s25, $0x3  }
0x90: {  	s26 =	sadd.s32 s6, s25  }
0x91: {  	[tilespmem:s3], [sflag:$0x3] =	stream.linear.gather [hbm4b:s26+s3], $0x80, $0x38;
	[tilespmem:$0x19100] =	vst v63  }
0x92: {  	_ =	swait.ge [sflag:s14], $0x80  }
0x93: {  	[sflag:s14] =	ssyncset.done $0x0  }
0x94: {  	s25 =	sadd.s32 s7, s25;
	[sflag:s14] =	ssyncadd.s32 $0xFFFFFF80  }
0x95: {  	[tilespmem:s15], [sflag:$0x3] =	stream.linear.gather [hbm4b:s25+s3], $0x80, $0x38;
	[tilespmem:$0x19100] =	vst v63  }
0x96: {  	_ =	swait.ge [sflag:s14], $0x80  }
0x97: {  	[sflag:s14] =	ssyncset.done $0x0  }
0x98: {  	[sflag:s14] =	ssyncadd.s32 $0xFFFFFF80  }
0x99: {  	[tilespmem:s16], [sflag:$0x1] =	stream.indirect.gather [hbm4b:s5+s15], $0x80, s3, s15, $0xb8;
	[tilespmem:$0x19100] =	vst v63  }
0x9a: {  	_ = 	snop  }
0x9b: {  	[tilespmem:s17], [sflag:$0x2] =	stream.indirect.gather [hbm4b:s1+s15], $0x10, s3, s15, $0xb8;
	[tilespmem:$0x19100] =	vst v63  }
0x9c: {  	_ =	swait.ge [sflag:s18], $0x4000  }
0x9d: {  	[sflag:s18] =	ssyncset.done $0x0  }
0x9e: {  	[sflag:s18] =	ssyncadd.s32 $0xFFFFC000  }
0x9f: {  	_ =	swait.ge [sflag:s19], $0x800  }
0xa0: {  	[sflag:s19] =	ssyncset.done $0x0  }
0xa1: {  	[sflag:s19] =	ssyncadd.s32 $0xFFFFF800  }
0xa2: {  	[tilespmem:s20], [sflag:$0x2] =	stream.indirect.gather [hbm4b:s1+s15], $0x10, s15, s15, $0xb8;
	[tilespmem:$0x19100] =	vst v63  }
0xa3: {  	_ =	swait.ge [sflag:s19], $0x800  }
0xa4: {  	[sflag:s19] =	ssyncset.done $0x0  }
0xa5: {  	s26 =	simm.s32 $0x4110;
	[sflag:s19] =	ssyncadd.s32 $0xFFFFF800  }
0xa6: {  	s28 =	simm.s32 $0x4910;
	v0 =	vld [tilespmem:s26+$0xFFFFFFF0]  }
0xa7: {  	v1 =	vld [tilespmem:s28+$0xFFFFFFF0]  }
0xa8: {  	s25 =	simm.s32 $0x180  }
0xa9: {  	v3 =	vld [tilespmem:s25+$0xFFFFFFF0]  }
0xaa: {  	v4 =	vld [tilespmem:s25+$0xFFFFFFB0]  }
0xab: {  	v5 =	vld [tilespmem:s25+$0xFFFFFF80]  }
0xac: {  	v2 =	vld [tilespmem:s25+$0xFFFFFFD0];
	v0 =	vmul.f32 v1, v0  }
0xad: {  	v6 =	vld [tilespmem:s25+$0xFFFFFFA0]  }
0xae: {  	v1 =	vld [tilespmem:s25+$0xFFFFFFE0];
	v3 =	vmul.f32 v3, v0  }
0xaf: {  	v7 =	vld [tilespmem:s25+$0xFFFFFF90];
	v4 =	vmul.f32 v4, v0  }
0xb0: {  	v8 =	vld [tilespmem:s25+$0xFFFFFFC0];
	v5 =	vmul.f32 v0, v5;
	[tilespmem:s25+$0xFFFFFFF0] =	vst v3  }
0xb1: {  	v2 =	vmul.f32 v2, v0;
	[tilespmem:s25+$0xFFFFFFB0] =	vst v4  }
0xb2: {  	v3 =	vmul.f32 v6, v0;
	[tilespmem:s25+$0xFFFFFF80] =	vst v5  }
0xb3: {  	[tilespmem:s25+$0xFFFFFFD0] =	vst v2;
	v1 =	vmul.f32 v1, v0  }
0xb4: {  	[tilespmem:s25+$0xFFFFFFA0] =	vst v3;
	v3 =	vmul.f32 v7, v0  }
0xb5: {  	v2 =	vld [tilespmem:s25+$0x0];
	[tilespmem:s25+$0xFFFFFFE0] =	vst v1;
	v1 =	vmul.f32 v8, v0  }
0xb6: {  	v0 =	vld [tilespmem:s25+$0x70];
	[tilespmem:s25+$0xFFFFFF90] =	vst v3  }
0xb7: {  	[tilespmem:s25+$0xFFFFFFC0] =	vst v1;
	v1 =	vld [tilespmem:s25+$0x50]  }
0xb8: {  	v3 =	vld [tilespmem:s26+$0x0]  }
0xb9: {  	s29 =	simm.s32 $0x0;
	s30 =	simm.s32 $0x280;
	v4 =	vld [tilespmem:s28+$0x0]  }
.LBB2_4:
0xba: {  	s29 =	sadd.s32 $0x2, s29;
	v5 =	vld [tilespmem:s25+$0x20];
	s28 =	sadd.s32 $0x20, s28;
	s26 =	sadd.s32 $0x20, s26  }
0xbb: {  	p2 =	slt.u32 s29, $0x7E;
	v6 =	vld [tilespmem:s25+$0x10]  }
0xbc: {  	v7 =	vld [tilespmem:s25+$0x30]  }
0xbd: {  	v8 =	vld [tilespmem:s25+$0x40]  }
0xbe: {  	v3 =	vmul.f32 v4, v3;
	v4 =	vld [tilespmem:s25+$0x60];
	_ =	sdelay $0x1  }
0xbf: {  	v2 =	vmul.f32 v3, v2;
	v6 =	vmul.f32 v6, v3  }
0xc0: {  	v5 =	vmul.f32 v5, v3;
	v7 =	vmul.f32 v7, v3  }
0xc1: {  	v1 =	vmul.f32 v1, v3;
	[tilespmem:s25+$0x0] =	vst v2;
	v2 =	vmul.f32 v8, v3  }
0xc2: {  	v0 =	vmul.f32 v0, v3;
	[tilespmem:s25+$0x20] =	vst v5;
	v4 =	vmul.f32 v4, v3  }
0xc3: {  	[tilespmem:s25+$0x50] =	vst v1  }
0xc4: {  	[tilespmem:s25+$0x70] =	vst v0  }
0xc5: {  	[tilespmem:s25+$0x40] =	vst v2  }
0xc6: {  	v0 =	vld [tilespmem:s30+$0xFFFFFFD0];
	[tilespmem:s25+$0x30] =	vst v7  }
0xc7: {  	v1 =	vld [tilespmem:s30+$0xFFFFFFA0];
	[tilespmem:s25+$0x10] =	vst v6  }
0xc8: {  	v2 =	vld [tilespmem:s30+$0xFFFFFFE0];
	[tilespmem:s25+$0x60] =	vst v4;
	s25 =	smov.u32 s30  }
0xc9: {  	v3 =	vld [tilespmem:s26+$0xFFFFFFF0]  }
0xca: {  	v4 =	vld [tilespmem:s28+$0xFFFFFFF0]  }
0xcb: {  	v5 =	vld [tilespmem:s30+$0xFFFFFFF0]  }
0xcc: {  	v6 =	vld [tilespmem:s30+$0xFFFFFFB0]  }
0xcd: {  	v7 =	vld [tilespmem:s30+$0xFFFFFF80]  }
0xce: {  	v8 =	vld [tilespmem:s30+$0xFFFFFF90]  }
0xcf: {  	v3 =	vmul.f32 v4, v3;
	v4 =	vld [tilespmem:s30+$0xFFFFFFC0];
	_ =	sdelay $0x1  }
0xd0: {  	v6 =	vmul.f32 v6, v3;
	v5 =	vmul.f32 v5, v3  }
0xd1: {  	v2 =	vmul.f32 v2, v3;
	v7 =	vmul.f32 v3, v7  }
0xd2: {  	v1 =	vmul.f32 v1, v3;
	v8 =	vmul.f32 v8, v3;
	[tilespmem:s30+$0xFFFFFFF0] =	vst v5  }
0xd3: {  	[tilespmem:s30+$0xFFFFFFB0] =	vst v6;
	v4 =	vmul.f32 v4, v3;
	v3 =	vmul.f32 v0, v3  }
0xd4: {  	[tilespmem:s30+$0xFFFFFF80] =	vst v7  }
0xd5: {  	[tilespmem:s30+$0xFFFFFFA0] =	vst v1  }
0xd6: {  	[tilespmem:s30+$0xFFFFFF90] =	vst v8  }
.Ltmp6:
0xd7: {  	[tilespmem:s30+$0xFFFFFFE0] =	vst v2;
	v0 =	vld [tilespmem:s30+$0x70];
	(pc) =	sbr.rel @p2 .LBB2_4-.Ltmp6, $4  }
0xd8: {  	[tilespmem:s30+$0xFFFFFFD0] =	vst v3;
	v2 =	vld [tilespmem:s30+$0x0]  }
0xd9: {  	[tilespmem:s30+$0xFFFFFFC0] =	vst v4;
	v1 =	vld [tilespmem:s30+$0x50]  }
0xda: {  	v3 =	vld [tilespmem:s26+$0x0]  }
0xdb: {  	s30 =	sadd.s32 $0x100, s30;
	v4 =	vld [tilespmem:s28+$0x0]  }
0xdc: {  	_ =	sdelay $0x1  }
0xdd: {  	v5 =	vld [tilespmem:s25+$0x20];
	_ =	sdelay $0x1  }
0xde: {  	v3 =	vmul.f32 v4, v3  }
0xdf: {  	v59 =	vld [tilespmem:s25+$0x40]  }
0xe0: {  	v6 =	vld [tilespmem:s25+$0x30];
	v2 =	vmul.f32 v3, v2  }
0xe1: {  	v7 =	vld [tilespmem:s25+$0x10];
	v5 =	vmul.f32 v5, v3  }
0xe2: {  	v8 =	vld [tilespmem:s25+$0x60];
	v1 =	vmul.f32 v1, v3;
	[tilespmem:s25+$0x0] =	vst v2  }
0xe3: {  	v0 =	vmul.f32 v0, v3;
	[tilespmem:s25+$0x20] =	vst v5  }
0xe4: {  	v60 =	vmul.f32 v59, v3;
	[tilespmem:s25+$0x50] =	vst v1  }
0xe5: {  	v61 =	vmul.f32 v6, v3;
	[tilespmem:s25+$0x70] =	vst v0  }
0xe6: {  	v62 =	vmul.f32 v7, v3;
	[tilespmem:s25+$0x40] =	vst v60  }
0xe7: {  	s24 =	sadd.s32 $0x1, s24;
	v63 =	vmul.f32 v8, v3;
	[tilespmem:s25+$0x30] =	vst v61  }
0xe8: {  	p2 =	sne.s32 s24, $0x51;
	[tilespmem:s25+$0x10] =	vst v62  }
.Ltmp7:
0xe9: {  	[tilespmem:s25+$0x60] =	vst v63;
	(pc) =	sbr.rel @p2 .LBB2_3-.Ltmp7, $4  }
0xea: {  	[spmem:s2] =	stream.indirect.scatter.add.f32 [tilespmem:s16], [sflag:$0x3], $0x80, s15, s15, $0xb8;
	[tilespmem:$0x19100] =	vst v63  }
0xeb: {  	_ =	swait.ge [sflag:s14], $0x4000  }
0xec: {  	[sflag:s14] =	ssyncset.done $0x0  }
0xed: {  	[sflag:s14] =	ssyncadd.s32 $0xFFFFC000  }
.Ltmp8:
0xee: {  	(pc) =	sbr.rel .LBB2_12-.Ltmp8, $3  }
0xef: {  	_ =	sdelay $0x1  }
0xf0: {  	[bflag:$0x0] =	sbarrier.arrive $0xFFFF  }
0xf1: {  	s24 =	smov.u32 s10  }
.LBB2_13:
0xf2: {  	_ =	sfence.sel $0x180000  }
0xf3: {  	[bflag:$0x0] =	sbarrier.arrive $0xFFFF  }
0xf4: {  	_ =	strace $0x90000050  }
0xf5: {  	s0 =	sadd.s32 @!p0 $0x100000, s0;
	[bflag:$0x2] =	sbarrier.arrive $0xFFFF  }
0xf6: {  	[sflag:s0] =	ssyncadd.tile.s32 @!p0 $0x1;
	_ =	shalt  }
.Lfunc_end2:
_tile_overlayer_lowered:
.L_overlay_start_2:
0xf7: {  	(tag) =	ssettag $0x2  }
0xf8: {  	s0 =	rddreg [dreg:$0x0];
	s2 =	stileid.u32  }
0xf9: {  	s1 =	rddreg [dreg:$0x1];
	p0 =	sne.s32 s2, $0x0  }
0xfa: {  	s3 =	rddreg [dreg:$0x2];
	[bflag:$0x3] =	sbarrier.arrive $0xFFFF;
	s2 =	simm.s32 @!p0 $0x1C03  }
0xfb: {  	[timem:s3], [sflag:s2] =	dma.local @!p0 [hbm:s0], s1  }
0xfc: {  	s0 =	simm.s32 @!p0 $0x3  }
0xfd: {  	_ =	swait.ge @!p0 [sflag:s0], s1  }
0xfe: {  	s1 =	ssub.s32 @!p0 $0x0, s1;
	[sflag:s0] =	ssyncset.done @!p0 $0x0  }
0xff: {  	[sflag:s0] =	ssyncadd.s32 @!p0 s1  }
0x100: {  	[bflag:$0x3] =	sbarrier.arrive $0xFFFF  }
0x101: {  	_ =	shalt  }

</sc_bundles>
